<compile_context>
chip_gen: v7x
topology: tpu7x:2x2x1
jax: 0.10.2.dev20260603
libtpu: 0.0.44.dev20260713+nightly
codegen_flags: <defaults>
</compile_context>

<pallas_src>
import functools

import jax
import jax.numpy as jnp
from jax import lax
from jax.experimental import pallas as pl
from jax.experimental.pallas import tpu as pltpu
from jax.experimental.pallas import tpu_sc as plsc

N_NODES = 10000
DIM = 128
N_EDGES = 320000
N_REL = 964

NC = 2
NS = 16
NW = NC * NS
L = 16

CH = N_EDGES // NW
TPAD = 976
NV = TPAD // L
B = 80
NB = CH // B

_mesh = plsc.VectorSubcoreMesh(core_axis_name="c", subcore_axis_name="s")


def _wid():
    return lax.axis_index("c") * NS + lax.axis_index("s")


@functools.partial(
    pl.kernel,
    out_type=jax.ShapeDtypeStruct((NW, TPAD), jnp.int32),
    mesh=_mesh,
    compiler_params=pltpu.CompilerParams(use_tc_tiling_on_sc=False,
                                         needs_layout_passes=False),
    scratch_types=[
        pltpu.VMEM((CH,), jnp.int32),
        pltpu.VMEM((TPAD,), jnp.int32),
    ],
)
def _hist_kernel(et_hbm, hist_hbm, et_v, h1d):
    wid = _wid()
    pltpu.sync_copy(et_hbm.at[pl.ds(wid * CH, CH)], et_v)

    zero16 = jnp.zeros((L,), jnp.int32)

    def zero_body(j, _):
        h1d[pl.ds(j * L, L)] = zero16
        return 0

    lax.fori_loop(0, NV, zero_body, 0)

    ones = jnp.ones((L,), jnp.int32)

    def hist_body(g, _):
        tv = et_v[pl.ds(g * L, L)]
        plsc.addupdate_scatter(h1d, [tv], ones)
        return 0

    lax.fori_loop(0, CH // L, hist_body, 0)
    pltpu.sync_copy(h1d, hist_hbm.at[wid])


@functools.partial(
    pl.kernel,
    out_type=jax.ShapeDtypeStruct((N_EDGES,), jnp.float32),
    mesh=_mesh,
    compiler_params=pltpu.CompilerParams(use_tc_tiling_on_sc=False,
                                         needs_layout_passes=False),
    scratch_types=[
        pltpu.VMEM((NW, TPAD), jnp.int32),
        pltpu.VMEM((TPAD,), jnp.int32),
        pltpu.VMEM((CH,), jnp.int32),
        pltpu.VMEM((CH,), jnp.int32),
        pltpu.VMEM((CH,), jnp.int32),
        pltpu.VMEM((2, B, DIM), jnp.bfloat16),
        pltpu.VMEM((2, B, DIM), jnp.bfloat16),
        pltpu.VMEM((2, B, DIM), jnp.bfloat16),
        pltpu.VMEM((2, B), jnp.int32),
        pltpu.VMEM((2, B), jnp.float32),
        pltpu.VMEM((B, L), jnp.float32),
        pltpu.VMEM((3 * L,), jnp.int32),
        pltpu.SemaphoreType.DMA,
        pltpu.SemaphoreType.DMA,
        pltpu.SemaphoreType.DMA,
        pltpu.SemaphoreType.DMA,
        pltpu.SemaphoreType.DMA,
        pltpu.SemaphoreType.DMA,
        pltpu.SemaphoreType.DMA,
        pltpu.SemaphoreType.DMA,
    ],
)
def _main_kernel(x_hbm, left_hbm, right_hbm, et_hbm, r_hbm, hist_hbm, out_hbm,
                 hist_v, base_v, lid_all, rid_all, tid_all, xl2, xr2, rel2,
                 pos2, sc2, part_v, tbuf,
                 gsem0, gsem1, gsem2, gsem3, gsem4, gsem5, ssem0, ssem1):
    wid = _wid()
    pltpu.sync_copy(hist_hbm, hist_v)
    chunk0 = wid * CH
    pltpu.sync_copy(left_hbm.at[pl.ds(chunk0, CH)], lid_all)
    pltpu.sync_copy(right_hbm.at[pl.ds(chunk0, CH)], rid_all)
    pltpu.sync_copy(et_hbm.at[pl.ds(chunk0, CH)], tid_all)
    wid_v = jnp.zeros((L,), jnp.int32) + wid

    def off_body(j, carry):
        tot = hist_v[0, pl.ds(j * L, L)]
        prior = jnp.where(jnp.zeros((L,), jnp.int32) < wid_v, tot,
                          jnp.zeros((L,), jnp.int32))
        for c in range(1, NW):
            v = hist_v[c, pl.ds(j * L, L)]
            tot = tot + v
            prior = jnp.where(jnp.full((L,), c, jnp.int32) < wid_v,
                              prior + v, prior)
        inc = plsc.cumsum(tot)
        base_v[pl.ds(j * L, L)] = (inc - tot) + prior + carry
        return carry + jnp.sum(tot)

    lax.fori_loop(0, NV, off_body, jnp.int32(0))

    tbuf[pl.ds(0, L)] = jnp.full((L,), -1, jnp.int32)
    tbuf[pl.ds(2 * L, L)] = jnp.full((L,), -2, jnp.int32)
    lanes = lax.iota(jnp.int32, L)
    ones = jnp.ones((L,), jnp.int32)
    zeros = jnp.zeros((L,), jnp.int32)
    fifteen = jnp.full((L,), L - 1, jnp.int32)

    gsems = ((gsem0, gsem1, gsem2), (gsem3, gsem4, gsem5))
    ssems = (ssem0, ssem1)

    def g_start(b, s):
        i0 = pl.ds(b * B, B)
        pltpu.async_copy(x_hbm.at[lid_all.at[i0]], xl2.at[s], gsems[s][0])
        pltpu.async_copy(x_hbm.at[rid_all.at[i0]], xr2.at[s], gsems[s][1])
        pltpu.async_copy(r_hbm.at[tid_all.at[i0]], rel2.at[s], gsems[s][2])

    def g_wait(s):
        i0 = pl.ds(0, B)
        pltpu.make_async_copy(x_hbm.at[lid_all.at[i0]], xl2.at[s],
                              gsems[s][0]).wait()
        pltpu.make_async_copy(x_hbm.at[rid_all.at[i0]], xr2.at[s],
                              gsems[s][1]).wait()
        pltpu.make_async_copy(r_hbm.at[tid_all.at[i0]], rel2.at[s],
                              gsems[s][2]).wait()

    def s_drain(s):
        pltpu.make_async_copy(sc2.at[s], out_hbm.at[pos2.at[s]],
                              ssems[s]).wait()

    def compute(b, s):
        for g in range(B // L):
            tv = tid_all[pl.ds(b * B + g * L, L)]
            tbuf[pl.ds(L, L)] = tv
            rank = zeros
            for k in range(1, L):
                shm = tbuf[pl.ds(L - k, L)]
                rank = rank + jnp.where(shm == tv, ones, zeros)
            gb = plsc.load_gather(base_v, [tv])
            pos2[s, pl.ds(g * L, L)] = gb + rank
            plsc.addupdate_scatter(base_v, [tv], ones)

        @plsc.parallel_loop(0, B, unroll=2)
        def _(i):
            acc = None
            for j in range(DIM // (2 * L)):
                sl = pl.ds(j * 2 * L, 2 * L)
                la, lb = plsc.unpack(xl2[s, i, sl],
                                     format=plsc.PackFormat.INTERLEAVED)
                ra, rb = plsc.unpack(rel2[s, i, sl],
                                     format=plsc.PackFormat.INTERLEAVED)
                xa, xb = plsc.unpack(xr2[s, i, sl],
                                     format=plsc.PackFormat.INTERLEAVED)
                term = la * ra * xa + lb * rb * xb
                acc = term if acc is None else acc + term
            part_v[i] = plsc.cumsum(acc)

        for g in range(B // L):
            eids = lanes + (g * L)
            tot = plsc.load_gather(part_v, [eids, fifteen])
            sc2[s, pl.ds(g * L, L)] = 1.0 / (1.0 + jnp.exp(-tot))

        pltpu.async_copy(sc2.at[s], out_hbm.at[pos2.at[s]], ssems[s])

    g_start(0, 0)

    def body(h, _):
        b0 = 2 * h

        @pl.when(h > 0)
        def _():
            s_drain(0)
            s_drain(1)

        g_start(b0 + 1, 1)
        g_wait(0)
        compute(b0, 0)
        g_start(b0 + 2, 0)
        g_wait(1)
        compute(b0 + 1, 1)
        return 0

    lax.fori_loop(0, (NB - 1) // 2, body, 0)
    s_drain(0)
    s_drain(1)
    g_wait(0)
    compute(NB - 1, 0)
    s_drain(0)


def kernel(x, edge_index, edge_type, R):
    left = edge_index[0]
    right = edge_index[1]
    hist = _hist_kernel(edge_type)
    return _main_kernel(x.astype(jnp.bfloat16), left, right, edge_type,
                        R.astype(jnp.bfloat16), hist)

# --- scband reference (transcript-rebuilt; emitter-appended) ---
"""Pipeline reference for scband-dist-mult-decoder-90091234000907 (READ-ONLY COPY).

The authoritative reference and input builder live on the scoring server;
editing this copy changes nothing except your own understanding.
"""

import jax, jax.numpy as jnp
import numpy as np

NUM_RELATIONS = 964
INPUT_DIM = 128
N_NODES = 10000
N_EDGES = 320000


def setup_inputs(seed: int = 0) -> dict:
    key = jax.random.key(seed)
    k1, k2, k3, k4 = jax.random.split(key, 4)
    x = jax.random.normal(k1, (N_NODES, INPUT_DIM), dtype=jnp.float32)
    edge_index = jax.random.randint(k2, (2, N_EDGES), 0, N_NODES, dtype=jnp.int32)
    edge_type = jax.random.randint(k3, (N_EDGES,), 0, NUM_RELATIONS, dtype=jnp.int32)
    # Glorot init for each relation's diagonal vector: init_glorot(input_dim, 1) flattened
    init_range = np.sqrt(6.0 / (INPUT_DIM + 1))
    R = -init_range + 2.0 * init_range * jax.random.uniform(k4, (NUM_RELATIONS, INPUT_DIM), dtype=jnp.float32)
    return {"x": x, "edge_index": edge_index, "edge_type": edge_type, "R": R}


def reference(x, edge_index, edge_type, R):
    # Original loops over relations i, selecting edges with edge_type == i
    # (in original edge order within each relation, since torch.where preserves order),
    # computes sigmoid(sum(x[left] * diag(r_i) @ ... * x[right])) and concatenates.
    # Equivalent vectorized form: per-edge trilinear score, then stable sort by edge_type.
    left = edge_index[0]
    right = edge_index[1]
    inputs_left = jnp.take(x, left, axis=0)      # [E, D] gather
    inputs_right = jnp.take(x, right, axis=0)    # [E, D] gather
    rel = jnp.take(R, edge_type, axis=0)         # [E, D] gather (diag(r) matmul == elementwise scale)
    scores = jnp.sum(inputs_left * rel * inputs_right, axis=1)  # [E]
    out = jax.nn.sigmoid(scores)
    # Reproduce the concatenation-by-relation ordering of the original output.
    order = jnp.argsort(edge_type, stable=True)
    return out[order]

if __name__ == "__main__":
    import jax
    _d = setup_inputs()
    print(jax.jit(kernel)(*tuple(_d.values())))

</pallas_src>

<mosaic_0001>
#map = affine_map<(d0, d1) -> (0, 0)>
#map1 = affine_map<(d0, d1) -> (0)>
module attributes {stable_mosaic.version = 14 : i64} {
  func.func @_main_kernel(%arg0: i32, %arg1: i32, %arg2: memref<10000x128xbf16, #tpu.memory_space<hbm>>, %arg3: memref<320000xi32, #tpu.memory_space<hbm>>, %arg4: memref<320000xi32, #tpu.memory_space<hbm>>, %arg5: memref<320000xi32, #tpu.memory_space<hbm>>, %arg6: memref<964x128xbf16, #tpu.memory_space<hbm>>, %arg7: memref<32x976xi32, #tpu.memory_space<hbm>>, %arg8: memref<320000xf32, #tpu.memory_space<hbm>>, %arg9: memref<32x976xi32, #tpu.memory_space<vmem>>, %arg10: memref<976xi32, #tpu.memory_space<vmem>>, %arg11: memref<10000xi32, #tpu.memory_space<vmem>>, %arg12: memref<10000xi32, #tpu.memory_space<vmem>>, %arg13: memref<10000xi32, #tpu.memory_space<vmem>>, %arg14: memref<2x80x128xbf16, #tpu.memory_space<vmem>>, %arg15: memref<2x80x128xbf16, #tpu.memory_space<vmem>>, %arg16: memref<2x80x128xbf16, #tpu.memory_space<vmem>>, %arg17: memref<2x80xi32, #tpu.memory_space<vmem>>, %arg18: memref<2x80xf32, #tpu.memory_space<vmem>>, %arg19: memref<80x16xf32, #tpu.memory_space<vmem>>, %arg20: memref<48xi32, #tpu.memory_space<vmem>>, %arg21: memref<!tpu.dma_semaphore, #tpu.memory_space<semaphore_mem>>, %arg22: memref<!tpu.dma_semaphore, #tpu.memory_space<semaphore_mem>>, %arg23: memref<!tpu.dma_semaphore, #tpu.memory_space<semaphore_mem>>, %arg24: memref<!tpu.dma_semaphore, #tpu.memory_space<semaphore_mem>>, %arg25: memref<!tpu.dma_semaphore, #tpu.memory_space<semaphore_mem>>, %arg26: memref<!tpu.dma_semaphore, #tpu.memory_space<semaphore_mem>>, %arg27: memref<!tpu.dma_semaphore, #tpu.memory_space<semaphore_mem>>, %arg28: memref<!tpu.dma_semaphore, #tpu.memory_space<semaphore_mem>>) attributes {dimension_semantics = [#tpu.dimension_semantics<core_parallel>, #tpu.dimension_semantics<subcore_parallel>], iteration_bounds = array<i64: 2, 16>, scalar_prefetch = 0 : i64, scratch_operands = 20 : i64, tpu.core_type = #tpu.core_type<sc_vector_subcore>, window_params = [{transform_indices = #map}, {transform_indices = #map1}, {transform_indices = #map1}, {transform_indices = #map1}, {transform_indices = #map}, {transform_indices = #map}, {transform_indices = #map1}]} {
    %mul3A = arith.constant 16 : i32
    %mul3A_0 = arith.muli %arg0, %mul3A : i32
    %add3A = arith.addi %mul3A_0, %arg1 : i32
    "tpu.region"() ({
      %run_scoped3A = tpu.sem_alloc : memref<!tpu.dma_semaphore, #tpu.memory_space<semaphore_mem>>
      tpu.enqueue_dma source(%arg7 : memref<32x976xi32, #tpu.memory_space<hbm>>) target(%arg9 : memref<32x976xi32, #tpu.memory_space<vmem>>) target_semaphore(%run_scoped3A : memref<!tpu.dma_semaphore, #tpu.memory_space<semaphore_mem>>)
      tpu.wait_dma2 semaphore(%run_scoped3A : memref<!tpu.dma_semaphore, #tpu.memory_space<semaphore_mem>>) src(%arg7 : memref<32x976xi32, #tpu.memory_space<hbm>>) dst(%arg9 : memref<32x976xi32, #tpu.memory_space<vmem>>)
      tpu.yield
    }) : () -> ()
    %mul3A_1 = arith.constant 10000 : i32
    %mul3A_2 = arith.muli %add3A, %mul3A_1 : i32
    "tpu.region"() ({
      %run_scoped3A = tpu.sem_alloc : memref<!tpu.dma_semaphore, #tpu.memory_space<semaphore_mem>>
      %dma_start3A_640 = tpu.memref_slice %arg3[%mul3A_2] : memref<320000xi32, #tpu.memory_space<hbm>> -> memref<10000xi32, #tpu.memory_space<hbm>>
      %dma_start3A_641 = tpu.memref_slice %arg3[%mul3A_2] : memref<320000xi32, #tpu.memory_space<hbm>> -> memref<10000xi32, #tpu.memory_space<hbm>>
      tpu.enqueue_dma source(%dma_start3A_641 : memref<10000xi32, #tpu.memory_space<hbm>>) target(%arg11 : memref<10000xi32, #tpu.memory_space<vmem>>) target_semaphore(%run_scoped3A : memref<!tpu.dma_semaphore, #tpu.memory_space<semaphore_mem>>)
      %dma_wait3A_642 = tpu.memref_slice %arg3[%mul3A_2] : memref<320000xi32, #tpu.memory_space<hbm>> -> memref<10000xi32, #tpu.memory_space<hbm>>
      %dma_wait3A_643 = tpu.memref_slice %arg3[%mul3A_2] : memref<320000xi32, #tpu.memory_space<hbm>> -> memref<10000xi32, #tpu.memory_space<hbm>>
      tpu.wait_dma2 semaphore(%run_scoped3A : memref<!tpu.dma_semaphore, #tpu.memory_space<semaphore_mem>>) src(%dma_wait3A_643 : memref<10000xi32, #tpu.memory_space<hbm>>) dst(%arg11 : memref<10000xi32, #tpu.memory_space<vmem>>)
      tpu.yield
    }) : () -> ()
    "tpu.region"() ({
      %run_scoped3A = tpu.sem_alloc : memref<!tpu.dma_semaphore, #tpu.memory_space<semaphore_mem>>
      %dma_start3A_640 = tpu.memref_slice %arg4[%mul3A_2] : memref<320000xi32, #tpu.memory_space<hbm>> -> memref<10000xi32, #tpu.memory_space<hbm>>
      %dma_start3A_641 = tpu.memref_slice %arg4[%mul3A_2] : memref<320000xi32, #tpu.memory_space<hbm>> -> memref<10000xi32, #tpu.memory_space<hbm>>
      tpu.enqueue_dma source(%dma_start3A_641 : memref<10000xi32, #tpu.memory_space<hbm>>) target(%arg12 : memref<10000xi32, #tpu.memory_space<vmem>>) target_semaphore(%run_scoped3A : memref<!tpu.dma_semaphore, #tpu.memory_space<semaphore_mem>>)
      %dma_wait3A_642 = tpu.memref_slice %arg4[%mul3A_2] : memref<320000xi32, #tpu.memory_space<hbm>> -> memref<10000xi32, #tpu.memory_space<hbm>>
      %dma_wait3A_643 = tpu.memref_slice %arg4[%mul3A_2] : memref<320000xi32, #tpu.memory_space<hbm>> -> memref<10000xi32, #tpu.memory_space<hbm>>
      tpu.wait_dma2 semaphore(%run_scoped3A : memref<!tpu.dma_semaphore, #tpu.memory_space<semaphore_mem>>) src(%dma_wait3A_643 : memref<10000xi32, #tpu.memory_space<hbm>>) dst(%arg12 : memref<10000xi32, #tpu.memory_space<vmem>>)
      tpu.yield
    }) : () -> ()
    "tpu.region"() ({
      %run_scoped3A = tpu.sem_alloc : memref<!tpu.dma_semaphore, #tpu.memory_space<semaphore_mem>>
      %dma_start3A_640 = tpu.memref_slice %arg5[%mul3A_2] : memref<320000xi32, #tpu.memory_space<hbm>> -> memref<10000xi32, #tpu.memory_space<hbm>>
      %dma_start3A_641 = tpu.memref_slice %arg5[%mul3A_2] : memref<320000xi32, #tpu.memory_space<hbm>> -> memref<10000xi32, #tpu.memory_space<hbm>>
      tpu.enqueue_dma source(%dma_start3A_641 : memref<10000xi32, #tpu.memory_space<hbm>>) target(%arg13 : memref<10000xi32, #tpu.memory_space<vmem>>) target_semaphore(%run_scoped3A : memref<!tpu.dma_semaphore, #tpu.memory_space<semaphore_mem>>)
      %dma_wait3A_642 = tpu.memref_slice %arg5[%mul3A_2] : memref<320000xi32, #tpu.memory_space<hbm>> -> memref<10000xi32, #tpu.memory_space<hbm>>
      %dma_wait3A_643 = tpu.memref_slice %arg5[%mul3A_2] : memref<320000xi32, #tpu.memory_space<hbm>> -> memref<10000xi32, #tpu.memory_space<hbm>>
      tpu.wait_dma2 semaphore(%run_scoped3A : memref<!tpu.dma_semaphore, #tpu.memory_space<semaphore_mem>>) src(%dma_wait3A_643 : memref<10000xi32, #tpu.memory_space<hbm>>) dst(%arg13 : memref<10000xi32, #tpu.memory_space<vmem>>)
      tpu.yield
    }) : () -> ()
    %broadcast_in_dim3A = arith.constant 0 : i32
    %broadcast_in_dim3A_3 = vector.broadcast %broadcast_in_dim3A : i32 to vector<16xi32>
    %add3A_4 = vector.broadcast %add3A : i32 to vector<16xi32>
    %add3A_5 = arith.addi %broadcast_in_dim3A_3, %add3A_4 : vector<16xi32>
    %scan3A = arith.constant 0 : i32
    %scan3A_6 = arith.constant 0 : i32
    %scan3A_7 = arith.constant 61 : i32
    %scan3A_8 = arith.addi %scan3A_6, %scan3A_7 : i32
    %scan3A_9 = arith.constant 1 : i32
    %scan3A_10 = scf.for %scan3A_640 = %scan3A_6 to %scan3A_8 step %scan3A_9 iter_args(%scan3A_641 = %scan3A) -> (i32)  : i32 {
      %mul3A_642 = arith.constant 16 : i32
      %mul3A_643 = arith.muli %scan3A_640, %mul3A_642 : i32
      %get3A_644 = arith.constant 0 : i32
      %get3A_645 = arith.index_cast %get3A_644 : i32 to index
      %get3A_646 = arith.index_cast %mul3A_643 : i32 to index
      %get3A_647 = tpu.vector_load %arg9[%get3A_645, %get3A_646] {strides = array<i32>} : memref<32x976xi32, #tpu.memory_space<vmem>>, vector<16xi32>,
      %broadcast_in_dim3A_648 = arith.constant 0 : i32
      %broadcast_in_dim3A_649 = vector.broadcast %broadcast_in_dim3A_648 : i32 to vector<16xi32>
      %lt3A = arith.cmpi slt, %broadcast_in_dim3A_649, %add3A_5 : vector<16xi32>
      %broadcast_in_dim3A_650 = arith.constant 0 : i32
      %broadcast_in_dim3A_651 = vector.broadcast %broadcast_in_dim3A_650 : i32 to vector<16xi32>
      %select_n3A_652 = arith.select %lt3A, %get3A_647, %broadcast_in_dim3A_651 : vector<16xi1>, vector<16xi32>
      %mul3A_653 = arith.constant 16 : i32
      %mul3A_654 = arith.muli %scan3A_640, %mul3A_653 : i32
      %get3A_655 = arith.constant 1 : i32
      %get3A_656 = arith.index_cast %get3A_655 : i32 to index
      %get3A_657 = arith.index_cast %mul3A_654 : i32 to index
      %get3A_658 = tpu.vector_load %arg9[%get3A_656, %get3A_657] {strides = array<i32>} : memref<32x976xi32, #tpu.memory_space<vmem>>, vector<16xi32>,
      %add3A_659 = arith.addi %get3A_647, %get3A_658 : vector<16xi32>
      %broadcast_in_dim3A_660 = arith.constant 1 : i32
      %broadcast_in_dim3A_661 = vector.broadcast %broadcast_in_dim3A_660 : i32 to vector<16xi32>
      %lt3A_662 = arith.cmpi slt, %broadcast_in_dim3A_661, %add3A_5 : vector<16xi32>
      %add3A_663 = arith.addi %select_n3A_652, %get3A_658 : vector<16xi32>
      %select_n3A_664 = arith.select %lt3A_662, %add3A_663, %select_n3A_652 : vector<16xi1>, vector<16xi32>
      %mul3A_665 = arith.constant 16 : i32
      %mul3A_666 = arith.muli %scan3A_640, %mul3A_665 : i32
      %get3A_667 = arith.constant 2 : i32
      %get3A_668 = arith.index_cast %get3A_667 : i32 to index
      %get3A_669 = arith.index_cast %mul3A_666 : i32 to index
      %get3A_670 = tpu.vector_load %arg9[%get3A_668, %get3A_669] {strides = array<i32>} : memref<32x976xi32, #tpu.memory_space<vmem>>, vector<16xi32>,
      %add3A_671 = arith.addi %add3A_659, %get3A_670 : vector<16xi32>
      %broadcast_in_dim3A_672 = arith.constant 2 : i32
      %broadcast_in_dim3A_673 = vector.broadcast %broadcast_in_dim3A_672 : i32 to vector<16xi32>
      %lt3A_674 = arith.cmpi slt, %broadcast_in_dim3A_673, %add3A_5 : vector<16xi32>
      %add3A_675 = arith.addi %select_n3A_664, %get3A_670 : vector<16xi32>
      %select_n3A_676 = arith.select %lt3A_674, %add3A_675, %select_n3A_664 : vector<16xi1>, vector<16xi32>
      %mul3A_677 = arith.constant 16 : i32
      %mul3A_678 = arith.muli %scan3A_640, %mul3A_677 : i32
      %get3A_679 = arith.constant 3 : i32
      %get3A_680 = arith.index_cast %get3A_679 : i32 to index
      %get3A_681 = arith.index_cast %mul3A_678 : i32 to index
      %get3A_682 = tpu.vector_load %arg9[%get3A_680, %get3A_681] {strides = array<i32>} : memref<32x976xi32, #tpu.memory_space<vmem>>, vector<16xi32>,
      %add3A_683 = arith.addi %add3A_671, %get3A_682 : vector<16xi32>
      %broadcast_in_dim3A_684 = arith.constant 3 : i32
      %broadcast_in_dim3A_685 = vector.broadcast %broadcast_in_dim3A_684 : i32 to vector<16xi32>
      %lt3A_686 = arith.cmpi slt, %broadcast_in_dim3A_685, %add3A_5 : vector<16xi32>
      %add3A_687 = arith.addi %select_n3A_676, %get3A_682 : vector<16xi32>
      %select_n3A_688 = arith.select %lt3A_686, %add3A_687, %select_n3A_676 : vector<16xi1>, vector<16xi32>
      %mul3A_689 = arith.constant 16 : i32
      %mul3A_690 = arith.muli %scan3A_640, %mul3A_689 : i32
      %get3A_691 = arith.constant 4 : i32
      %get3A_692 = arith.index_cast %get3A_691 : i32 to index
      %get3A_693 = arith.index_cast %mul3A_690 : i32 to index
      %get3A_694 = tpu.vector_load %arg9[%get3A_692, %get3A_693] {strides = array<i32>} : memref<32x976xi32, #tpu.memory_space<vmem>>, vector<16xi32>,
      %add3A_695 = arith.addi %add3A_683, %get3A_694 : vector<16xi32>
      %broadcast_in_dim3A_696 = arith.constant 4 : i32
      %broadcast_in_dim3A_697 = vector.broadcast %broadcast_in_dim3A_696 : i32 to vector<16xi32>
      %lt3A_698 = arith.cmpi slt, %broadcast_in_dim3A_697, %add3A_5 : vector<16xi32>
      %add3A_699 = arith.addi %select_n3A_688, %get3A_694 : vector<16xi32>
      %select_n3A_700 = arith.select %lt3A_698, %add3A_699, %select_n3A_688 : vector<16xi1>, vector<16xi32>
      %mul3A_701 = arith.constant 16 : i32
      %mul3A_702 = arith.muli %scan3A_640, %mul3A_701 : i32
      %get3A_703 = arith.constant 5 : i32
      %get3A_704 = arith.index_cast %get3A_703 : i32 to index
      %get3A_705 = arith.index_cast %mul3A_702 : i32 to index
      %get3A_706 = tpu.vector_load %arg9[%get3A_704, %get3A_705] {strides = array<i32>} : memref<32x976xi32, #tpu.memory_space<vmem>>, vector<16xi32>,
      %add3A_707 = arith.addi %add3A_695, %get3A_706 : vector<16xi32>
      %broadcast_in_dim3A_708 = arith.constant 5 : i32
      %broadcast_in_dim3A_709 = vector.broadcast %broadcast_in_dim3A_708 : i32 to vector<16xi32>
      %lt3A_710 = arith.cmpi slt, %broadcast_in_dim3A_709, %add3A_5 : vector<16xi32>
      %add3A_711 = arith.addi %select_n3A_700, %get3A_706 : vector<16xi32>
      %select_n3A_712 = arith.select %lt3A_710, %add3A_711, %select_n3A_700 : vector<16xi1>, vector<16xi32>
      %mul3A_713 = arith.constant 16 : i32
      %mul3A_714 = arith.muli %scan3A_640, %mul3A_713 : i32
      %get3A_715 = arith.constant 6 : i32
      %get3A_716 = arith.index_cast %get3A_715 : i32 to index
      %get3A_717 = arith.index_cast %mul3A_714 : i32 to index
      %get3A_718 = tpu.vector_load %arg9[%get3A_716, %get3A_717] {strides = array<i32>} : memref<32x976xi32, #tpu.memory_space<vmem>>, vector<16xi32>,
      %add3A_719 = arith.addi %add3A_707, %get3A_718 : vector<16xi32>
      %broadcast_in_dim3A_720 = arith.constant 6 : i32
      %broadcast_in_dim3A_721 = vector.broadcast %broadcast_in_dim3A_720 : i32 to vector<16xi32>
      %lt3A_722 = arith.cmpi slt, %broadcast_in_dim3A_721, %add3A_5 : vector<16xi32>
      %add3A_723 = arith.addi %select_n3A_712, %get3A_718 : vector<16xi32>
      %select_n3A_724 = arith.select %lt3A_722, %add3A_723, %select_n3A_712 : vector<16xi1>, vector<16xi32>
      %mul3A_725 = arith.constant 16 : i32
      %mul3A_726 = arith.muli %scan3A_640, %mul3A_725 : i32
      %get3A_727 = arith.constant 7 : i32
      %get3A_728 = arith.index_cast %get3A_727 : i32 to index
      %get3A_729 = arith.index_cast %mul3A_726 : i32 to index
      %get3A_730 = tpu.vector_load %arg9[%get3A_728, %get3A_729] {strides = array<i32>} : memref<32x976xi32, #tpu.memory_space<vmem>>, vector<16xi32>,
      %add3A_731 = arith.addi %add3A_719, %get3A_730 : vector<16xi32>
      %broadcast_in_dim3A_732 = arith.constant 7 : i32
      %broadcast_in_dim3A_733 = vector.broadcast %broadcast_in_dim3A_732 : i32 to vector<16xi32>
      %lt3A_734 = arith.cmpi slt, %broadcast_in_dim3A_733, %add3A_5 : vector<16xi32>
      %add3A_735 = arith.addi %select_n3A_724, %get3A_730 : vector<16xi32>
      %select_n3A_736 = arith.select %lt3A_734, %add3A_735, %select_n3A_724 : vector<16xi1>, vector<16xi32>
      %mul3A_737 = arith.constant 16 : i32
      %mul3A_738 = arith.muli %scan3A_640, %mul3A_737 : i32
      %get3A_739 = arith.constant 8 : i32
      %get3A_740 = arith.index_cast %get3A_739 : i32 to index
      %get3A_741 = arith.index_cast %mul3A_738 : i32 to index
      %get3A_742 = tpu.vector_load %arg9[%get3A_740, %get3A_741] {strides = array<i32>} : memref<32x976xi32, #tpu.memory_space<vmem>>, vector<16xi32>,
      %add3A_743 = arith.addi %add3A_731, %get3A_742 : vector<16xi32>
      %broadcast_in_dim3A_744 = arith.constant 8 : i32
      %broadcast_in_dim3A_745 = vector.broadcast %broadcast_in_dim3A_744 : i32 to vector<16xi32>
      %lt3A_746 = arith.cmpi slt, %broadcast_in_dim3A_745, %add3A_5 : vector<16xi32>
      %add3A_747 = arith.addi %select_n3A_736, %get3A_742 : vector<16xi32>
      %select_n3A_748 = arith.select %lt3A_746, %add3A_747, %select_n3A_736 : vector<16xi1>, vector<16xi32>
      %mul3A_749 = arith.constant 16 : i32
      %mul3A_750 = arith.muli %scan3A_640, %mul3A_749 : i32
      %get3A_751 = arith.constant 9 : i32
      %get3A_752 = arith.index_cast %get3A_751 : i32 to index
      %get3A_753 = arith.index_cast %mul3A_750 : i32 to index
      %get3A_754 = tpu.vector_load %arg9[%get3A_752, %get3A_753] {strides = array<i32>} : memref<32x976xi32, #tpu.memory_space<vmem>>, vector<16xi32>,
      %add3A_755 = arith.addi %add3A_743, %get3A_754 : vector<16xi32>
      %broadcast_in_dim3A_756 = arith.constant 9 : i32
      %broadcast_in_dim3A_757 = vector.broadcast %broadcast_in_dim3A_756 : i32 to vector<16xi32>
      %lt3A_758 = arith.cmpi slt, %broadcast_in_dim3A_757, %add3A_5 : vector<16xi32>
      %add3A_759 = arith.addi %select_n3A_748, %get3A_754 : vector<16xi32>
      %select_n3A_760 = arith.select %lt3A_758, %add3A_759, %select_n3A_748 : vector<16xi1>, vector<16xi32>
      %mul3A_761 = arith.constant 16 : i32
      %mul3A_762 = arith.muli %scan3A_640, %mul3A_761 : i32
      %get3A_763 = arith.constant 10 : i32
      %get3A_764 = arith.index_cast %get3A_763 : i32 to index
      %get3A_765 = arith.index_cast %mul3A_762 : i32 to index
      %get3A_766 = tpu.vector_load %arg9[%get3A_764, %get3A_765] {strides = array<i32>} : memref<32x976xi32, #tpu.memory_space<vmem>>, vector<16xi32>,
      %add3A_767 = arith.addi %add3A_755, %get3A_766 : vector<16xi32>
      %broadcast_in_dim3A_768 = arith.constant 10 : i32
      %broadcast_in_dim3A_769 = vector.broadcast %broadcast_in_dim3A_768 : i32 to vector<16xi32>
      %lt3A_770 = arith.cmpi slt, %broadcast_in_dim3A_769, %add3A_5 : vector<16xi32>
      %add3A_771 = arith.addi %select_n3A_760, %get3A_766 : vector<16xi32>
      %select_n3A_772 = arith.select %lt3A_770, %add3A_771, %select_n3A_760 : vector<16xi1>, vector<16xi32>
      %mul3A_773 = arith.constant 16 : i32
      %mul3A_774 = arith.muli %scan3A_640, %mul3A_773 : i32
      %get3A_775 = arith.constant 11 : i32
      %get3A_776 = arith.index_cast %get3A_775 : i32 to index
      %get3A_777 = arith.index_cast %mul3A_774 : i32 to index
      %get3A_778 = tpu.vector_load %arg9[%get3A_776, %get3A_777] {strides = array<i32>} : memref<32x976xi32, #tpu.memory_space<vmem>>, vector<16xi32>,
      %add3A_779 = arith.addi %add3A_767, %get3A_778 : vector<16xi32>
      %broadcast_in_dim3A_780 = arith.constant 11 : i32
      %broadcast_in_dim3A_781 = vector.broadcast %broadcast_in_dim3A_780 : i32 to vector<16xi32>
      %lt3A_782 = arith.cmpi slt, %broadcast_in_dim3A_781, %add3A_5 : vector<16xi32>
      %add3A_783 = arith.addi %select_n3A_772, %get3A_778 : vector<16xi32>
      %select_n3A_784 = arith.select %lt3A_782, %add3A_783, %select_n3A_772 : vector<16xi1>, vector<16xi32>
      %mul3A_785 = arith.constant 16 : i32
      %mul3A_786 = arith.muli %scan3A_640, %mul3A_785 : i32
      %get3A_787 = arith.constant 12 : i32
      %get3A_788 = arith.index_cast %get3A_787 : i32 to index
      %get3A_789 = arith.index_cast %mul3A_786 : i32 to index
      %get3A_790 = tpu.vector_load %arg9[%get3A_788, %get3A_789] {strides = array<i32>} : memref<32x976xi32, #tpu.memory_space<vmem>>, vector<16xi32>,
      %add3A_791 = arith.addi %add3A_779, %get3A_790 : vector<16xi32>
      %broadcast_in_dim3A_792 = arith.constant 12 : i32
      %broadcast_in_dim3A_793 = vector.broadcast %broadcast_in_dim3A_792 : i32 to vector<16xi32>
      %lt3A_794 = arith.cmpi slt, %broadcast_in_dim3A_793, %add3A_5 : vector<16xi32>
      %add3A_795 = arith.addi %select_n3A_784, %get3A_790 : vector<16xi32>
      %select_n3A_796 = arith.select %lt3A_794, %add3A_795, %select_n3A_784 : vector<16xi1>, vector<16xi32>
      %mul3A_797 = arith.constant 16 : i32
      %mul3A_798 = arith.muli %scan3A_640, %mul3A_797 : i32
      %get3A_799 = arith.constant 13 : i32
      %get3A_800 = arith.index_cast %get3A_799 : i32 to index
      %get3A_801 = arith.index_cast %mul3A_798 : i32 to index
      %get3A_802 = tpu.vector_load %arg9[%get3A_800, %get3A_801] {strides = array<i32>} : memref<32x976xi32, #tpu.memory_space<vmem>>, vector<16xi32>,
      %add3A_803 = arith.addi %add3A_791, %get3A_802 : vector<16xi32>
      %broadcast_in_dim3A_804 = arith.constant 13 : i32
      %broadcast_in_dim3A_805 = vector.broadcast %broadcast_in_dim3A_804 : i32 to vector<16xi32>
      %lt3A_806 = arith.cmpi slt, %broadcast_in_dim3A_805, %add3A_5 : vector<16xi32>
      %add3A_807 = arith.addi %select_n3A_796, %get3A_802 : vector<16xi32>
      %select_n3A_808 = arith.select %lt3A_806, %add3A_807, %select_n3A_796 : vector<16xi1>, vector<16xi32>
      %mul3A_809 = arith.constant 16 : i32
      %mul3A_810 = arith.muli %scan3A_640, %mul3A_809 : i32
      %get3A_811 = arith.constant 14 : i32
      %get3A_812 = arith.index_cast %get3A_811 : i32 to index
      %get3A_813 = arith.index_cast %mul3A_810 : i32 to index
      %get3A_814 = tpu.vector_load %arg9[%get3A_812, %get3A_813] {strides = array<i32>} : memref<32x976xi32, #tpu.memory_space<vmem>>, vector<16xi32>,
      %add3A_815 = arith.addi %add3A_803, %get3A_814 : vector<16xi32>
      %broadcast_in_dim3A_816 = arith.constant 14 : i32
      %broadcast_in_dim3A_817 = vector.broadcast %broadcast_in_dim3A_816 : i32 to vector<16xi32>
      %lt3A_818 = arith.cmpi slt, %broadcast_in_dim3A_817, %add3A_5 : vector<16xi32>
      %add3A_819 = arith.addi %select_n3A_808, %get3A_814 : vector<16xi32>
      %select_n3A_820 = arith.select %lt3A_818, %add3A_819, %select_n3A_808 : vector<16xi1>, vector<16xi32>
      %mul3A_821 = arith.constant 16 : i32
      %mul3A_822 = arith.muli %scan3A_640, %mul3A_821 : i32
      %get3A_823 = arith.constant 15 : i32
      %get3A_824 = arith.index_cast %get3A_823 : i32 to index
      %get3A_825 = arith.index_cast %mul3A_822 : i32 to index
      %get3A_826 = tpu.vector_load %arg9[%get3A_824, %get3A_825] {strides = array<i32>} : memref<32x976xi32, #tpu.memory_space<vmem>>, vector<16xi32>,
      %add3A_827 = arith.addi %add3A_815, %get3A_826 : vector<16xi32>
      %broadcast_in_dim3A_828 = arith.constant 15 : i32
      %broadcast_in_dim3A_829 = vector.broadcast %broadcast_in_dim3A_828 : i32 to vector<16xi32>
      %lt3A_830 = arith.cmpi slt, %broadcast_in_dim3A_829, %add3A_5 : vector<16xi32>
      %add3A_831 = arith.addi %select_n3A_820, %get3A_826 : vector<16xi32>
      %select_n3A_832 = arith.select %lt3A_830, %add3A_831, %select_n3A_820 : vector<16xi1>, vector<16xi32>
      %mul3A_833 = arith.constant 16 : i32
      %mul3A_834 = arith.muli %scan3A_640, %mul3A_833 : i32
      %get3A_835 = arith.constant 16 : i32
      %get3A_836 = arith.index_cast %get3A_835 : i32 to index
      %get3A_837 = arith.index_cast %mul3A_834 : i32 to index
      %get3A_838 = tpu.vector_load %arg9[%get3A_836, %get3A_837] {strides = array<i32>} : memref<32x976xi32, #tpu.memory_space<vmem>>, vector<16xi32>,
      %add3A_839 = arith.addi %add3A_827, %get3A_838 : vector<16xi32>
      %broadcast_in_dim3A_840 = arith.constant 16 : i32
      %broadcast_in_dim3A_841 = vector.broadcast %broadcast_in_dim3A_840 : i32 to vector<16xi32>
      %lt3A_842 = arith.cmpi slt, %broadcast_in_dim3A_841, %add3A_5 : vector<16xi32>
      %add3A_843 = arith.addi %select_n3A_832, %get3A_838 : vector<16xi32>
      %select_n3A_844 = arith.select %lt3A_842, %add3A_843, %select_n3A_832 : vector<16xi1>, vector<16xi32>
      %mul3A_845 = arith.constant 16 : i32
      %mul3A_846 = arith.muli %scan3A_640, %mul3A_845 : i32
      %get3A_847 = arith.constant 17 : i32
      %get3A_848 = arith.index_cast %get3A_847 : i32 to index
      %get3A_849 = arith.index_cast %mul3A_846 : i32 to index
      %get3A_850 = tpu.vector_load %arg9[%get3A_848, %get3A_849] {strides = array<i32>} : memref<32x976xi32, #tpu.memory_space<vmem>>, vector<16xi32>,
      %add3A_851 = arith.addi %add3A_839, %get3A_850 : vector<16xi32>
      %broadcast_in_dim3A_852 = arith.constant 17 : i32
      %broadcast_in_dim3A_853 = vector.broadcast %broadcast_in_dim3A_852 : i32 to vector<16xi32>
      %lt3A_854 = arith.cmpi slt, %broadcast_in_dim3A_853, %add3A_5 : vector<16xi32>
      %add3A_855 = arith.addi %select_n3A_844, %get3A_850 : vector<16xi32>
      %select_n3A_856 = arith.select %lt3A_854, %add3A_855, %select_n3A_844 : vector<16xi1>, vector<16xi32>
      %mul3A_857 = arith.constant 16 : i32
      %mul3A_858 = arith.muli %scan3A_640, %mul3A_857 : i32
      %get3A_859 = arith.constant 18 : i32
      %get3A_860 = arith.index_cast %get3A_859 : i32 to index
      %get3A_861 = arith.index_cast %mul3A_858 : i32 to index
      %get3A_862 = tpu.vector_load %arg9[%get3A_860, %get3A_861] {strides = array<i32>} : memref<32x976xi32, #tpu.memory_space<vmem>>, vector<16xi32>,
      %add3A_863 = arith.addi %add3A_851, %get3A_862 : vector<16xi32>
      %broadcast_in_dim3A_864 = arith.constant 18 : i32
      %broadcast_in_dim3A_865 = vector.broadcast %broadcast_in_dim3A_864 : i32 to vector<16xi32>
      %lt3A_866 = arith.cmpi slt, %broadcast_in_dim3A_865, %add3A_5 : vector<16xi32>
      %add3A_867 = arith.addi %select_n3A_856, %get3A_862 : vector<16xi32>
      %select_n3A_868 = arith.select %lt3A_866, %add3A_867, %select_n3A_856 : vector<16xi1>, vector<16xi32>
      %mul3A_869 = arith.constant 16 : i32
      %mul3A_870 = arith.muli %scan3A_640, %mul3A_869 : i32
      %get3A_871 = arith.constant 19 : i32
      %get3A_872 = arith.index_cast %get3A_871 : i32 to index
      %get3A_873 = arith.index_cast %mul3A_870 : i32 to index
      %get3A_874 = tpu.vector_load %arg9[%get3A_872, %get3A_873] {strides = array<i32>} : memref<32x976xi32, #tpu.memory_space<vmem>>, vector<16xi32>,
      %add3A_875 = arith.addi %add3A_863, %get3A_874 : vector<16xi32>
      %broadcast_in_dim3A_876 = arith.constant 19 : i32
      %broadcast_in_dim3A_877 = vector.broadcast %broadcast_in_dim3A_876 : i32 to vector<16xi32>
      %lt3A_878 = arith.cmpi slt, %broadcast_in_dim3A_877, %add3A_5 : vector<16xi32>
      %add3A_879 = arith.addi %select_n3A_868, %get3A_874 : vector<16xi32>
      %select_n3A_880 = arith.select %lt3A_878, %add3A_879, %select_n3A_868 : vector<16xi1>, vector<16xi32>
      %mul3A_881 = arith.constant 16 : i32
      %mul3A_882 = arith.muli %scan3A_640, %mul3A_881 : i32
      %get3A_883 = arith.constant 20 : i32
      %get3A_884 = arith.index_cast %get3A_883 : i32 to index
      %get3A_885 = arith.index_cast %mul3A_882 : i32 to index
      %get3A_886 = tpu.vector_load %arg9[%get3A_884, %get3A_885] {strides = array<i32>} : memref<32x976xi32, #tpu.memory_space<vmem>>, vector<16xi32>,
      %add3A_887 = arith.addi %add3A_875, %get3A_886 : vector<16xi32>
      %broadcast_in_dim3A_888 = arith.constant 20 : i32
      %broadcast_in_dim3A_889 = vector.broadcast %broadcast_in_dim3A_888 : i32 to vector<16xi32>
      %lt3A_890 = arith.cmpi slt, %broadcast_in_dim3A_889, %add3A_5 : vector<16xi32>
      %add3A_891 = arith.addi %select_n3A_880, %get3A_886 : vector<16xi32>
      %select_n3A_892 = arith.select %lt3A_890, %add3A_891, %select_n3A_880 : vector<16xi1>, vector<16xi32>
      %mul3A_893 = arith.constant 16 : i32
      %mul3A_894 = arith.muli %scan3A_640, %mul3A_893 : i32
      %get3A_895 = arith.constant 21 : i32
      %get3A_896 = arith.index_cast %get3A_895 : i32 to index
      %get3A_897 = arith.index_cast %mul3A_894 : i32 to index
      %get3A_898 = tpu.vector_load %arg9[%get3A_896, %get3A_897] {strides = array<i32>} : memref<32x976xi32, #tpu.memory_space<vmem>>, vector<16xi32>,
      %add3A_899 = arith.addi %add3A_887, %get3A_898 : vector<16xi32>
      %broadcast_in_dim3A_900 = arith.constant 21 : i32
      %broadcast_in_dim3A_901 = vector.broadcast %broadcast_in_dim3A_900 : i32 to vector<16xi32>
      %lt3A_902 = arith.cmpi slt, %broadcast_in_dim3A_901, %add3A_5 : vector<16xi32>
      %add3A_903 = arith.addi %select_n3A_892, %get3A_898 : vector<16xi32>
      %select_n3A_904 = arith.select %lt3A_902, %add3A_903, %select_n3A_892 : vector<16xi1>, vector<16xi32>
      %mul3A_905 = arith.constant 16 : i32
      %mul3A_906 = arith.muli %scan3A_640, %mul3A_905 : i32
      %get3A_907 = arith.constant 22 : i32
      %get3A_908 = arith.index_cast %get3A_907 : i32 to index
      %get3A_909 = arith.index_cast %mul3A_906 : i32 to index
      %get3A_910 = tpu.vector_load %arg9[%get3A_908, %get3A_909] {strides = array<i32>} : memref<32x976xi32, #tpu.memory_space<vmem>>, vector<16xi32>,
      %add3A_911 = arith.addi %add3A_899, %get3A_910 : vector<16xi32>
      %broadcast_in_dim3A_912 = arith.constant 22 : i32
      %broadcast_in_dim3A_913 = vector.broadcast %broadcast_in_dim3A_912 : i32 to vector<16xi32>
      %lt3A_914 = arith.cmpi slt, %broadcast_in_dim3A_913, %add3A_5 : vector<16xi32>
      %add3A_915 = arith.addi %select_n3A_904, %get3A_910 : vector<16xi32>
      %select_n3A_916 = arith.select %lt3A_914, %add3A_915, %select_n3A_904 : vector<16xi1>, vector<16xi32>
      %mul3A_917 = arith.constant 16 : i32
      %mul3A_918 = arith.muli %scan3A_640, %mul3A_917 : i32
      %get3A_919 = arith.constant 23 : i32
      %get3A_920 = arith.index_cast %get3A_919 : i32 to index
      %get3A_921 = arith.index_cast %mul3A_918 : i32 to index
      %get3A_922 = tpu.vector_load %arg9[%get3A_920, %get3A_921] {strides = array<i32>} : memref<32x976xi32, #tpu.memory_space<vmem>>, vector<16xi32>,
      %add3A_923 = arith.addi %add3A_911, %get3A_922 : vector<16xi32>
      %broadcast_in_dim3A_924 = arith.constant 23 : i32
      %broadcast_in_dim3A_925 = vector.broadcast %broadcast_in_dim3A_924 : i32 to vector<16xi32>
      %lt3A_926 = arith.cmpi slt, %broadcast_in_dim3A_925, %add3A_5 : vector<16xi32>
      %add3A_927 = arith.addi %select_n3A_916, %get3A_922 : vector<16xi32>
      %select_n3A_928 = arith.select %lt3A_926, %add3A_927, %select_n3A_916 : vector<16xi1>, vector<16xi32>
      %mul3A_929 = arith.constant 16 : i32
      %mul3A_930 = arith.muli %scan3A_640, %mul3A_929 : i32
      %get3A_931 = arith.constant 24 : i32
      %get3A_932 = arith.index_cast %get3A_931 : i32 to index
      %get3A_933 = arith.index_cast %mul3A_930 : i32 to index
      %get3A_934 = tpu.vector_load %arg9[%get3A_932, %get3A_933] {strides = array<i32>} : memref<32x976xi32, #tpu.memory_space<vmem>>, vector<16xi32>,
      %add3A_935 = arith.addi %add3A_923, %get3A_934 : vector<16xi32>
      %broadcast_in_dim3A_936 = arith.constant 24 : i32
      %broadcast_in_dim3A_937 = vector.broadcast %broadcast_in_dim3A_936 : i32 to vector<16xi32>
      %lt3A_938 = arith.cmpi slt, %broadcast_in_dim3A_937, %add3A_5 : vector<16xi32>
      %add3A_939 = arith.addi %select_n3A_928, %get3A_934 : vector<16xi32>
      %select_n3A_940 = arith.select %lt3A_938, %add3A_939, %select_n3A_928 : vector<16xi1>, vector<16xi32>
      %mul3A_941 = arith.constant 16 : i32
      %mul3A_942 = arith.muli %scan3A_640, %mul3A_941 : i32
      %get3A_943 = arith.constant 25 : i32
      %get3A_944 = arith.index_cast %get3A_943 : i32 to index
      %get3A_945 = arith.index_cast %mul3A_942 : i32 to index
      %get3A_946 = tpu.vector_load %arg9[%get3A_944, %get3A_945] {strides = array<i32>} : memref<32x976xi32, #tpu.memory_space<vmem>>, vector<16xi32>,
      %add3A_947 = arith.addi %add3A_935, %get3A_946 : vector<16xi32>
      %broadcast_in_dim3A_948 = arith.constant 25 : i32
      %broadcast_in_dim3A_949 = vector.broadcast %broadcast_in_dim3A_948 : i32 to vector<16xi32>
      %lt3A_950 = arith.cmpi slt, %broadcast_in_dim3A_949, %add3A_5 : vector<16xi32>
      %add3A_951 = arith.addi %select_n3A_940, %get3A_946 : vector<16xi32>
      %select_n3A_952 = arith.select %lt3A_950, %add3A_951, %select_n3A_940 : vector<16xi1>, vector<16xi32>
      %mul3A_953 = arith.constant 16 : i32
      %mul3A_954 = arith.muli %scan3A_640, %mul3A_953 : i32
      %get3A_955 = arith.constant 26 : i32
      %get3A_956 = arith.index_cast %get3A_955 : i32 to index
      %get3A_957 = arith.index_cast %mul3A_954 : i32 to index
      %get3A_958 = tpu.vector_load %arg9[%get3A_956, %get3A_957] {strides = array<i32>} : memref<32x976xi32, #tpu.memory_space<vmem>>, vector<16xi32>,
      %add3A_959 = arith.addi %add3A_947, %get3A_958 : vector<16xi32>
      %broadcast_in_dim3A_960 = arith.constant 26 : i32
      %broadcast_in_dim3A_961 = vector.broadcast %broadcast_in_dim3A_960 : i32 to vector<16xi32>
      %lt3A_962 = arith.cmpi slt, %broadcast_in_dim3A_961, %add3A_5 : vector<16xi32>
      %add3A_963 = arith.addi %select_n3A_952, %get3A_958 : vector<16xi32>
      %select_n3A_964 = arith.select %lt3A_962, %add3A_963, %select_n3A_952 : vector<16xi1>, vector<16xi32>
      %mul3A_965 = arith.constant 16 : i32
      %mul3A_966 = arith.muli %scan3A_640, %mul3A_965 : i32
      %get3A_967 = arith.constant 27 : i32
      %get3A_968 = arith.index_cast %get3A_967 : i32 to index
      %get3A_969 = arith.index_cast %mul3A_966 : i32 to index
      %get3A_970 = tpu.vector_load %arg9[%get3A_968, %get3A_969] {strides = array<i32>} : memref<32x976xi32, #tpu.memory_space<vmem>>, vector<16xi32>,
      %add3A_971 = arith.addi %add3A_959, %get3A_970 : vector<16xi32>
      %broadcast_in_dim3A_972 = arith.constant 27 : i32
      %broadcast_in_dim3A_973 = vector.broadcast %broadcast_in_dim3A_972 : i32 to vector<16xi32>
      %lt3A_974 = arith.cmpi slt, %broadcast_in_dim3A_973, %add3A_5 : vector<16xi32>
      %add3A_975 = arith.addi %select_n3A_964, %get3A_970 : vector<16xi32>
      %select_n3A_976 = arith.select %lt3A_974, %add3A_975, %select_n3A_964 : vector<16xi1>, vector<16xi32>
      %mul3A_977 = arith.constant 16 : i32
      %mul3A_978 = arith.muli %scan3A_640, %mul3A_977 : i32
      %get3A_979 = arith.constant 28 : i32
      %get3A_980 = arith.index_cast %get3A_979 : i32 to index
      %get3A_981 = arith.index_cast %mul3A_978 : i32 to index
      %get3A_982 = tpu.vector_load %arg9[%get3A_980, %get3A_981] {strides = array<i32>} : memref<32x976xi32, #tpu.memory_space<vmem>>, vector<16xi32>,
      %add3A_983 = arith.addi %add3A_971, %get3A_982 : vector<16xi32>
      %broadcast_in_dim3A_984 = arith.constant 28 : i32
      %broadcast_in_dim3A_985 = vector.broadcast %broadcast_in_dim3A_984 : i32 to vector<16xi32>
      %lt3A_986 = arith.cmpi slt, %broadcast_in_dim3A_985, %add3A_5 : vector<16xi32>
      %add3A_987 = arith.addi %select_n3A_976, %get3A_982 : vector<16xi32>
      %select_n3A_988 = arith.select %lt3A_986, %add3A_987, %select_n3A_976 : vector<16xi1>, vector<16xi32>
      %mul3A_989 = arith.constant 16 : i32
      %mul3A_990 = arith.muli %scan3A_640, %mul3A_989 : i32
      %get3A_991 = arith.constant 29 : i32
      %get3A_992 = arith.index_cast %get3A_991 : i32 to index
      %get3A_993 = arith.index_cast %mul3A_990 : i32 to index
      %get3A_994 = tpu.vector_load %arg9[%get3A_992, %get3A_993] {strides = array<i32>} : memref<32x976xi32, #tpu.memory_space<vmem>>, vector<16xi32>,
      %add3A_995 = arith.addi %add3A_983, %get3A_994 : vector<16xi32>
      %broadcast_in_dim3A_996 = arith.constant 29 : i32
      %broadcast_in_dim3A_997 = vector.broadcast %broadcast_in_dim3A_996 : i32 to vector<16xi32>
      %lt3A_998 = arith.cmpi slt, %broadcast_in_dim3A_997, %add3A_5 : vector<16xi32>
      %add3A_999 = arith.addi %select_n3A_988, %get3A_994 : vector<16xi32>
      %select_n3A_1000 = arith.select %lt3A_998, %add3A_999, %select_n3A_988 : vector<16xi1>, vector<16xi32>
      %mul3A_1001 = arith.constant 16 : i32
      %mul3A_1002 = arith.muli %scan3A_640, %mul3A_1001 : i32
      %get3A_1003 = arith.constant 30 : i32
      %get3A_1004 = arith.index_cast %get3A_1003 : i32 to index
      %get3A_1005 = arith.index_cast %mul3A_1002 : i32 to index
      %get3A_1006 = tpu.vector_load %arg9[%get3A_1004, %get3A_1005] {strides = array<i32>} : memref<32x976xi32, #tpu.memory_space<vmem>>, vector<16xi32>,
      %add3A_1007 = arith.addi %add3A_995, %get3A_1006 : vector<16xi32>
      %broadcast_in_dim3A_1008 = arith.constant 30 : i32
      %broadcast_in_dim3A_1009 = vector.broadcast %broadcast_in_dim3A_1008 : i32 to vector<16xi32>
      %lt3A_1010 = arith.cmpi slt, %broadcast_in_dim3A_1009, %add3A_5 : vector<16xi32>
      %add3A_1011 = arith.addi %select_n3A_1000, %get3A_1006 : vector<16xi32>
      %select_n3A_1012 = arith.select %lt3A_1010, %add3A_1011, %select_n3A_1000 : vector<16xi1>, vector<16xi32>
      %mul3A_1013 = arith.constant 16 : i32
      %mul3A_1014 = arith.muli %scan3A_640, %mul3A_1013 : i32
      %get3A_1015 = arith.constant 31 : i32
      %get3A_1016 = arith.index_cast %get3A_1015 : i32 to index
      %get3A_1017 = arith.index_cast %mul3A_1014 : i32 to index
      %get3A_1018 = tpu.vector_load %arg9[%get3A_1016, %get3A_1017] {strides = array<i32>} : memref<32x976xi32, #tpu.memory_space<vmem>>, vector<16xi32>,
      %add3A_1019 = arith.addi %add3A_1007, %get3A_1018 : vector<16xi32>
      %broadcast_in_dim3A_1020 = arith.constant 31 : i32
      %broadcast_in_dim3A_1021 = vector.broadcast %broadcast_in_dim3A_1020 : i32 to vector<16xi32>
      %lt3A_1022 = arith.cmpi slt, %broadcast_in_dim3A_1021, %add3A_5 : vector<16xi32>
      %add3A_1023 = arith.addi %select_n3A_1012, %get3A_1018 : vector<16xi32>
      %select_n3A_1024 = arith.select %lt3A_1022, %add3A_1023, %select_n3A_1012 : vector<16xi1>, vector<16xi32>
      %broadcast_in_dim3A_1025 = arith.constant true
      %broadcast_in_dim3A_1026 = vector.broadcast %broadcast_in_dim3A_1025 : i1 to vector<16xi1>
      %masked_cumsum3A = tpu.scan <sum>, %add3A_1019 masked %broadcast_in_dim3A_1026 : vector<16xi32>, vector<16xi1> -> vector<16xi32>
      %sub3A = arith.subi %masked_cumsum3A, %add3A_1019 : vector<16xi32>
      %add3A_1027 = arith.addi %sub3A, %select_n3A_1024 : vector<16xi32>
      %add3A_1028 = vector.broadcast %scan3A_641 : i32 to vector<16xi32>
      %add3A_1029 = arith.addi %add3A_1027, %add3A_1028 : vector<16xi32>
      %mul3A_1030 = arith.constant 16 : i32
      %mul3A_1031 = arith.muli %scan3A_640, %mul3A_1030 : i32
      %swap3A_1032 = arith.index_cast %mul3A_1031 : i32 to index
      %swap3A_1033 = tpu.vector_load %arg10[%swap3A_1032] {strides = array<i32>} : memref<976xi32, #tpu.memory_space<vmem>>, vector<16xi32>,
      tpu.vector_store %arg10[%swap3A_1032], %add3A_1029 {strides = array<i32>} : memref<976xi32, #tpu.memory_space<vmem>>, vector<16xi32>,
      %reduce_sum3A = arith.constant true
      %reduce_sum3A_1034 = vector.broadcast %reduce_sum3A : i1 to vector<16xi1>
      %reduce_sum3A_1035 = tpu.scan <sum>, %add3A_1019 masked %reduce_sum3A_1034 : vector<16xi32>, vector<16xi1> -> vector<16xi32>
      %reduce_sum3A_1036 = vector.extract %reduce_sum3A_1035[15] : i32 from vector<16xi32>
      %add3A_1037 = arith.addi %scan3A_641, %reduce_sum3A_1036 : i32
      scf.yield %add3A_1037 : i32
    }
    %scan3A_11 = arith.constant 61 : i32
    %broadcast_in_dim3A_12 = arith.constant -1 : i32
    %broadcast_in_dim3A_13 = vector.broadcast %broadcast_in_dim3A_12 : i32 to vector<16xi32>
    %swap3A = arith.constant 0 : index
    %swap3A_14 = tpu.vector_load %arg20[%swap3A] {strides = array<i32>} : memref<48xi32, #tpu.memory_space<vmem>>, vector<16xi32>,
    tpu.vector_store %arg20[%swap3A], %broadcast_in_dim3A_13 {strides = array<i32>} : memref<48xi32, #tpu.memory_space<vmem>>, vector<16xi32>,
    %broadcast_in_dim3A_15 = arith.constant -2 : i32
    %broadcast_in_dim3A_16 = vector.broadcast %broadcast_in_dim3A_15 : i32 to vector<16xi32>
    %swap3A_17 = arith.constant 32 : index
    %swap3A_18 = tpu.vector_load %arg20[%swap3A_17] {strides = array<i32>} : memref<48xi32, #tpu.memory_space<vmem>>, vector<16xi32>,
    tpu.vector_store %arg20[%swap3A_17], %broadcast_in_dim3A_16 {strides = array<i32>} : memref<48xi32, #tpu.memory_space<vmem>>, vector<16xi32>,
    %iota3A = tpu.iota {dimensions = array<i32: 0>} : vector<16xi32>
    %broadcast_in_dim3A_19 = arith.constant 1 : i32
    %broadcast_in_dim3A_20 = vector.broadcast %broadcast_in_dim3A_19 : i32 to vector<16xi32>
    %broadcast_in_dim3A_21 = arith.constant 0 : i32
    %broadcast_in_dim3A_22 = vector.broadcast %broadcast_in_dim3A_21 : i32 to vector<16xi32>
    %broadcast_in_dim3A_23 = arith.constant 15 : i32
    %broadcast_in_dim3A_24 = vector.broadcast %broadcast_in_dim3A_23 : i32 to vector<16xi32>
    %dma_start3A = arith.constant 0 : i32
    %dma_start3A_25 = arith.constant 0 : i32
    %dma_start3A_26 = arith.constant 0 : i32
    %dma_start3A_27 = tpu.memref_slice %arg14[%dma_start3A, %dma_start3A_25, %dma_start3A_26] : memref<2x80x128xbf16, #tpu.memory_space<vmem>> -> memref<1x80x128xbf16, #tpu.memory_space<vmem>>
    %dma_start3A_28 = tpu.memref_squeeze %dma_start3A_27 : memref<1x80x128xbf16, #tpu.memory_space<vmem>> -> memref<80x128xbf16, #tpu.memory_space<vmem>>
    %dma_start3A_29 = arith.constant 0 : i32
    %dma_start3A_30 = tpu.memref_slice %arg11[%dma_start3A_29] : memref<10000xi32, #tpu.memory_space<vmem>> -> memref<80xi32, #tpu.memory_space<vmem>>
    %dma_start3A_31 = arith.constant 0 : i32
    %dma_start3A_32 = arith.constant 0 : i32
    %dma_start3A_33 = tpu.memref_slice %arg2[%dma_start3A_31, %dma_start3A_32] : memref<10000x128xbf16, #tpu.memory_space<hbm>> -> memref<10000x128xbf16, #tpu.memory_space<hbm>>
    tpu.enqueue_indirect_dma source(%dma_start3A_33 : memref<10000x128xbf16, #tpu.memory_space<hbm>>) target(%dma_start3A_28 : memref<80x128xbf16, #tpu.memory_space<vmem>>) offsets(%dma_start3A_30 : memref<80xi32, #tpu.memory_space<vmem>>) semaphore(%arg21 : memref<!tpu.dma_semaphore, #tpu.memory_space<semaphore_mem>>)
    %dma_start3A_34 = arith.constant 0 : i32
    %dma_start3A_35 = arith.constant 0 : i32
    %dma_start3A_36 = arith.constant 0 : i32
    %dma_start3A_37 = tpu.memref_slice %arg15[%dma_start3A_34, %dma_start3A_35, %dma_start3A_36] : memref<2x80x128xbf16, #tpu.memory_space<vmem>> -> memref<1x80x128xbf16, #tpu.memory_space<vmem>>
    %dma_start3A_38 = tpu.memref_squeeze %dma_start3A_37 : memref<1x80x128xbf16, #tpu.memory_space<vmem>> -> memref<80x128xbf16, #tpu.memory_space<vmem>>
    %dma_start3A_39 = arith.constant 0 : i32
    %dma_start3A_40 = tpu.memref_slice %arg12[%dma_start3A_39] : memref<10000xi32, #tpu.memory_space<vmem>> -> memref<80xi32, #tpu.memory_space<vmem>>
    %dma_start3A_41 = arith.constant 0 : i32
    %dma_start3A_42 = arith.constant 0 : i32
    %dma_start3A_43 = tpu.memref_slice %arg2[%dma_start3A_41, %dma_start3A_42] : memref<10000x128xbf16, #tpu.memory_space<hbm>> -> memref<10000x128xbf16, #tpu.memory_space<hbm>>
    tpu.enqueue_indirect_dma source(%dma_start3A_43 : memref<10000x128xbf16, #tpu.memory_space<hbm>>) target(%dma_start3A_38 : memref<80x128xbf16, #tpu.memory_space<vmem>>) offsets(%dma_start3A_40 : memref<80xi32, #tpu.memory_space<vmem>>) semaphore(%arg22 : memref<!tpu.dma_semaphore, #tpu.memory_space<semaphore_mem>>)
    %dma_start3A_44 = arith.constant 0 : i32
    %dma_start3A_45 = arith.constant 0 : i32
    %dma_start3A_46 = arith.constant 0 : i32
    %dma_start3A_47 = tpu.memref_slice %arg16[%dma_start3A_44, %dma_start3A_45, %dma_start3A_46] : memref<2x80x128xbf16, #tpu.memory_space<vmem>> -> memref<1x80x128xbf16, #tpu.memory_space<vmem>>
    %dma_start3A_48 = tpu.memref_squeeze %dma_start3A_47 : memref<1x80x128xbf16, #tpu.memory_space<vmem>> -> memref<80x128xbf16, #tpu.memory_space<vmem>>
    %dma_start3A_49 = arith.constant 0 : i32
    %dma_start3A_50 = tpu.memref_slice %arg13[%dma_start3A_49] : memref<10000xi32, #tpu.memory_space<vmem>> -> memref<80xi32, #tpu.memory_space<vmem>>
    %dma_start3A_51 = arith.constant 0 : i32
    %dma_start3A_52 = arith.constant 0 : i32
    %dma_start3A_53 = tpu.memref_slice %arg6[%dma_start3A_51, %dma_start3A_52] : memref<964x128xbf16, #tpu.memory_space<hbm>> -> memref<964x128xbf16, #tpu.memory_space<hbm>>
    tpu.enqueue_indirect_dma source(%dma_start3A_53 : memref<964x128xbf16, #tpu.memory_space<hbm>>) target(%dma_start3A_48 : memref<80x128xbf16, #tpu.memory_space<vmem>>) offsets(%dma_start3A_50 : memref<80xi32, #tpu.memory_space<vmem>>) semaphore(%arg23 : memref<!tpu.dma_semaphore, #tpu.memory_space<semaphore_mem>>)
    %scan3A_54 = arith.constant 0 : i32
    %scan3A_55 = arith.constant 0 : i32
    %scan3A_56 = arith.constant 62 : i32
    %scan3A_57 = arith.addi %scan3A_55, %scan3A_56 : i32
    %scan3A_58 = arith.constant 1 : i32
    %scan3A_59 = scf.for %scan3A_640 = %scan3A_55 to %scan3A_57 step %scan3A_58 iter_args(%scan3A_641 = %scan3A_54) -> (i32)  : i32 {
      %mul3A_642 = arith.constant 2 : i32
      %mul3A_643 = arith.muli %mul3A_642, %scan3A_640 : i32
      %gt3A = arith.constant 0 : i32
      %gt3A_644 = arith.cmpi sgt, %scan3A_640, %gt3A : i32
      %convert_element_type3A = arith.extui %gt3A_644 : i1 to i32
      %cond3A = arith.constant 0 : i32
      %cond3A_645 = arith.cmpi ne, %convert_element_type3A, %cond3A : i32
      scf.if %cond3A_645 {
        %dma_wait3A_1867 = arith.constant 0 : i32
        %dma_wait3A_1868 = arith.constant 0 : i32
        %dma_wait3A_1869 = arith.constant 0 : i32
        %dma_wait3A_1870 = tpu.memref_slice %arg18[%dma_wait3A_1867, %dma_wait3A_1869] : memref<2x80xf32, #tpu.memory_space<vmem>> -> memref<1x80xf32, #tpu.memory_space<vmem>>
        %dma_wait3A_1871 = tpu.memref_squeeze %dma_wait3A_1870 : memref<1x80xf32, #tpu.memory_space<vmem>> -> memref<80xf32, #tpu.memory_space<vmem>>
        %dma_wait3A_1872 = arith.constant 0 : i32
        %dma_wait3A_1873 = tpu.memref_slice %arg17[%dma_wait3A_1868, %dma_wait3A_1872] : memref<2x80xi32, #tpu.memory_space<vmem>> -> memref<1x80xi32, #tpu.memory_space<vmem>>
        %dma_wait3A_1874 = tpu.memref_squeeze %dma_wait3A_1873 : memref<1x80xi32, #tpu.memory_space<vmem>> -> memref<80xi32, #tpu.memory_space<vmem>>
        %dma_wait3A_1875 = arith.constant 0 : i32
        %dma_wait3A_1876 = tpu.memref_slice %arg8[%dma_wait3A_1875] : memref<320000xf32, #tpu.memory_space<hbm>> -> memref<320000xf32, #tpu.memory_space<hbm>>
        tpu.wait_indirect_dma semaphore(%arg27 : memref<!tpu.dma_semaphore, #tpu.memory_space<semaphore_mem>>) src(%dma_wait3A_1871 : memref<80xf32, #tpu.memory_space<vmem>>) dst(%dma_wait3A_1876 : memref<320000xf32, #tpu.memory_space<hbm>>)
        %dma_wait3A_1877 = arith.constant 1 : i32
        %dma_wait3A_1878 = arith.constant 1 : i32
        %dma_wait3A_1879 = arith.constant 0 : i32
        %dma_wait3A_1880 = tpu.memref_slice %arg18[%dma_wait3A_1877, %dma_wait3A_1879] : memref<2x80xf32, #tpu.memory_space<vmem>> -> memref<1x80xf32, #tpu.memory_space<vmem>>
        %dma_wait3A_1881 = tpu.memref_squeeze %dma_wait3A_1880 : memref<1x80xf32, #tpu.memory_space<vmem>> -> memref<80xf32, #tpu.memory_space<vmem>>
        %dma_wait3A_1882 = arith.constant 0 : i32
        %dma_wait3A_1883 = tpu.memref_slice %arg17[%dma_wait3A_1878, %dma_wait3A_1882] : memref<2x80xi32, #tpu.memory_space<vmem>> -> memref<1x80xi32, #tpu.memory_space<vmem>>
        %dma_wait3A_1884 = tpu.memref_squeeze %dma_wait3A_1883 : memref<1x80xi32, #tpu.memory_space<vmem>> -> memref<80xi32, #tpu.memory_space<vmem>>
        %dma_wait3A_1885 = arith.constant 0 : i32
        %dma_wait3A_1886 = tpu.memref_slice %arg8[%dma_wait3A_1885] : memref<320000xf32, #tpu.memory_space<hbm>> -> memref<320000xf32, #tpu.memory_space<hbm>>
        tpu.wait_indirect_dma semaphore(%arg28 : memref<!tpu.dma_semaphore, #tpu.memory_space<semaphore_mem>>) src(%dma_wait3A_1881 : memref<80xf32, #tpu.memory_space<vmem>>) dst(%dma_wait3A_1886 : memref<320000xf32, #tpu.memory_space<hbm>>)
      } else {
      }
      %add3A_646 = arith.constant 1 : i32
      %add3A_647 = arith.addi %mul3A_643, %add3A_646 : i32
      %mul3A_648 = arith.constant 80 : i32
      %mul3A_649 = arith.muli %add3A_647, %mul3A_648 : i32
      %dma_start3A_650 = arith.constant 1 : i32
      %dma_start3A_651 = arith.constant 0 : i32
      %dma_start3A_652 = arith.constant 0 : i32
      %dma_start3A_653 = tpu.memref_slice %arg14[%dma_start3A_650, %dma_start3A_651, %dma_start3A_652] : memref<2x80x128xbf16, #tpu.memory_space<vmem>> -> memref<1x80x128xbf16, #tpu.memory_space<vmem>>
      %dma_start3A_654 = tpu.memref_squeeze %dma_start3A_653 : memref<1x80x128xbf16, #tpu.memory_space<vmem>> -> memref<80x128xbf16, #tpu.memory_space<vmem>>
      %dma_start3A_655 = tpu.memref_slice %arg11[%mul3A_649] : memref<10000xi32, #tpu.memory_space<vmem>> -> memref<80xi32, #tpu.memory_space<vmem>>
      %dma_start3A_656 = arith.constant 0 : i32
      %dma_start3A_657 = arith.constant 0 : i32
      %dma_start3A_658 = tpu.memref_slice %arg2[%dma_start3A_656, %dma_start3A_657] : memref<10000x128xbf16, #tpu.memory_space<hbm>> -> memref<10000x128xbf16, #tpu.memory_space<hbm>>
      tpu.enqueue_indirect_dma source(%dma_start3A_658 : memref<10000x128xbf16, #tpu.memory_space<hbm>>) target(%dma_start3A_654 : memref<80x128xbf16, #tpu.memory_space<vmem>>) offsets(%dma_start3A_655 : memref<80xi32, #tpu.memory_space<vmem>>) semaphore(%arg24 : memref<!tpu.dma_semaphore, #tpu.memory_space<semaphore_mem>>)
      %dma_start3A_659 = arith.constant 1 : i32
      %dma_start3A_660 = arith.constant 0 : i32
      %dma_start3A_661 = arith.constant 0 : i32
      %dma_start3A_662 = tpu.memref_slice %arg15[%dma_start3A_659, %dma_start3A_660, %dma_start3A_661] : memref<2x80x128xbf16, #tpu.memory_space<vmem>> -> memref<1x80x128xbf16, #tpu.memory_space<vmem>>
      %dma_start3A_663 = tpu.memref_squeeze %dma_start3A_662 : memref<1x80x128xbf16, #tpu.memory_space<vmem>> -> memref<80x128xbf16, #tpu.memory_space<vmem>>
      %dma_start3A_664 = tpu.memref_slice %arg12[%mul3A_649] : memref<10000xi32, #tpu.memory_space<vmem>> -> memref<80xi32, #tpu.memory_space<vmem>>
      %dma_start3A_665 = arith.constant 0 : i32
      %dma_start3A_666 = arith.constant 0 : i32
      %dma_start3A_667 = tpu.memref_slice %arg2[%dma_start3A_665, %dma_start3A_666] : memref<10000x128xbf16, #tpu.memory_space<hbm>> -> memref<10000x128xbf16, #tpu.memory_space<hbm>>
      tpu.enqueue_indirect_dma source(%dma_start3A_667 : memref<10000x128xbf16, #tpu.memory_space<hbm>>) target(%dma_start3A_663 : memref<80x128xbf16, #tpu.memory_space<vmem>>) offsets(%dma_start3A_664 : memref<80xi32, #tpu.memory_space<vmem>>) semaphore(%arg25 : memref<!tpu.dma_semaphore, #tpu.memory_space<semaphore_mem>>)
      %dma_start3A_668 = arith.constant 1 : i32
      %dma_start3A_669 = arith.constant 0 : i32
      %dma_start3A_670 = arith.constant 0 : i32
      %dma_start3A_671 = tpu.memref_slice %arg16[%dma_start3A_668, %dma_start3A_669, %dma_start3A_670] : memref<2x80x128xbf16, #tpu.memory_space<vmem>> -> memref<1x80x128xbf16, #tpu.memory_space<vmem>>
      %dma_start3A_672 = tpu.memref_squeeze %dma_start3A_671 : memref<1x80x128xbf16, #tpu.memory_space<vmem>> -> memref<80x128xbf16, #tpu.memory_space<vmem>>
      %dma_start3A_673 = tpu.memref_slice %arg13[%mul3A_649] : memref<10000xi32, #tpu.memory_space<vmem>> -> memref<80xi32, #tpu.memory_space<vmem>>
      %dma_start3A_674 = arith.constant 0 : i32
      %dma_start3A_675 = arith.constant 0 : i32
      %dma_start3A_676 = tpu.memref_slice %arg6[%dma_start3A_674, %dma_start3A_675] : memref<964x128xbf16, #tpu.memory_space<hbm>> -> memref<964x128xbf16, #tpu.memory_space<hbm>>
      tpu.enqueue_indirect_dma source(%dma_start3A_676 : memref<964x128xbf16, #tpu.memory_space<hbm>>) target(%dma_start3A_672 : memref<80x128xbf16, #tpu.memory_space<vmem>>) offsets(%dma_start3A_673 : memref<80xi32, #tpu.memory_space<vmem>>) semaphore(%arg26 : memref<!tpu.dma_semaphore, #tpu.memory_space<semaphore_mem>>)
      %dma_wait3A_677 = arith.constant 0 : i32
      %dma_wait3A_678 = arith.constant 0 : i32
      %dma_wait3A_679 = arith.constant 0 : i32
      %dma_wait3A_680 = tpu.memref_slice %arg14[%dma_wait3A_677, %dma_wait3A_678, %dma_wait3A_679] : memref<2x80x128xbf16, #tpu.memory_space<vmem>> -> memref<1x80x128xbf16, #tpu.memory_space<vmem>>
      %dma_wait3A_681 = tpu.memref_squeeze %dma_wait3A_680 : memref<1x80x128xbf16, #tpu.memory_space<vmem>> -> memref<80x128xbf16, #tpu.memory_space<vmem>>
      %dma_wait3A_682 = arith.constant 0 : i32
      %dma_wait3A_683 = tpu.memref_slice %arg11[%dma_wait3A_682] : memref<10000xi32, #tpu.memory_space<vmem>> -> memref<80xi32, #tpu.memory_space<vmem>>
      %dma_wait3A_684 = arith.constant 0 : i32
      %dma_wait3A_685 = arith.constant 0 : i32
      %dma_wait3A_686 = tpu.memref_slice %arg2[%dma_wait3A_684, %dma_wait3A_685] : memref<10000x128xbf16, #tpu.memory_space<hbm>> -> memref<10000x128xbf16, #tpu.memory_space<hbm>>
      tpu.wait_indirect_dma semaphore(%arg21 : memref<!tpu.dma_semaphore, #tpu.memory_space<semaphore_mem>>) src(%dma_wait3A_686 : memref<10000x128xbf16, #tpu.memory_space<hbm>>) dst(%dma_wait3A_681 : memref<80x128xbf16, #tpu.memory_space<vmem>>)
      %dma_wait3A_687 = arith.constant 0 : i32
      %dma_wait3A_688 = arith.constant 0 : i32
      %dma_wait3A_689 = arith.constant 0 : i32
      %dma_wait3A_690 = tpu.memref_slice %arg15[%dma_wait3A_687, %dma_wait3A_688, %dma_wait3A_689] : memref<2x80x128xbf16, #tpu.memory_space<vmem>> -> memref<1x80x128xbf16, #tpu.memory_space<vmem>>
      %dma_wait3A_691 = tpu.memref_squeeze %dma_wait3A_690 : memref<1x80x128xbf16, #tpu.memory_space<vmem>> -> memref<80x128xbf16, #tpu.memory_space<vmem>>
      %dma_wait3A_692 = arith.constant 0 : i32
      %dma_wait3A_693 = tpu.memref_slice %arg12[%dma_wait3A_692] : memref<10000xi32, #tpu.memory_space<vmem>> -> memref<80xi32, #tpu.memory_space<vmem>>
      %dma_wait3A_694 = arith.constant 0 : i32
      %dma_wait3A_695 = arith.constant 0 : i32
      %dma_wait3A_696 = tpu.memref_slice %arg2[%dma_wait3A_694, %dma_wait3A_695] : memref<10000x128xbf16, #tpu.memory_space<hbm>> -> memref<10000x128xbf16, #tpu.memory_space<hbm>>
      tpu.wait_indirect_dma semaphore(%arg22 : memref<!tpu.dma_semaphore, #tpu.memory_space<semaphore_mem>>) src(%dma_wait3A_696 : memref<10000x128xbf16, #tpu.memory_space<hbm>>) dst(%dma_wait3A_691 : memref<80x128xbf16, #tpu.memory_space<vmem>>)
      %dma_wait3A_697 = arith.constant 0 : i32
      %dma_wait3A_698 = arith.constant 0 : i32
      %dma_wait3A_699 = arith.constant 0 : i32
      %dma_wait3A_700 = tpu.memref_slice %arg16[%dma_wait3A_697, %dma_wait3A_698, %dma_wait3A_699] : memref<2x80x128xbf16, #tpu.memory_space<vmem>> -> memref<1x80x128xbf16, #tpu.memory_space<vmem>>
      %dma_wait3A_701 = tpu.memref_squeeze %dma_wait3A_700 : memref<1x80x128xbf16, #tpu.memory_space<vmem>> -> memref<80x128xbf16, #tpu.memory_space<vmem>>
      %dma_wait3A_702 = arith.constant 0 : i32
      %dma_wait3A_703 = tpu.memref_slice %arg13[%dma_wait3A_702] : memref<10000xi32, #tpu.memory_space<vmem>> -> memref<80xi32, #tpu.memory_space<vmem>>
      %dma_wait3A_704 = arith.constant 0 : i32
      %dma_wait3A_705 = arith.constant 0 : i32
      %dma_wait3A_706 = tpu.memref_slice %arg6[%dma_wait3A_704, %dma_wait3A_705] : memref<964x128xbf16, #tpu.memory_space<hbm>> -> memref<964x128xbf16, #tpu.memory_space<hbm>>
      tpu.wait_indirect_dma semaphore(%arg23 : memref<!tpu.dma_semaphore, #tpu.memory_space<semaphore_mem>>) src(%dma_wait3A_706 : memref<964x128xbf16, #tpu.memory_space<hbm>>) dst(%dma_wait3A_701 : memref<80x128xbf16, #tpu.memory_space<vmem>>)
      %mul3A_707 = arith.constant 80 : i32
      %mul3A_708 = arith.muli %mul3A_643, %mul3A_707 : i32
      %add3A_709 = arith.constant 0 : i32
      %add3A_710 = arith.addi %mul3A_708, %add3A_709 : i32
      %get3A_711 = arith.index_cast %add3A_710 : i32 to index
      %get3A_712 = tpu.vector_load %arg13[%get3A_711] {strides = array<i32>} : memref<10000xi32, #tpu.memory_space<vmem>>, vector<16xi32>,
      %swap3A_713 = arith.constant 16 : index
      %swap3A_714 = tpu.vector_load %arg20[%swap3A_713] {strides = array<i32>} : memref<48xi32, #tpu.memory_space<vmem>>, vector<16xi32>,
      tpu.vector_store %arg20[%swap3A_713], %get3A_712 {strides = array<i32>} : memref<48xi32, #tpu.memory_space<vmem>>, vector<16xi32>,
      %get3A_715 = arith.constant 15 : index
      %get3A_716 = tpu.vector_load %arg20[%get3A_715] {strides = array<i32>} : memref<48xi32, #tpu.memory_space<vmem>>, vector<16xi32>,
      %eq3A_717 = arith.cmpi eq, %get3A_716, %get3A_712 : vector<16xi32>
      %select_n3A_718 = arith.select %eq3A_717, %broadcast_in_dim3A_20, %broadcast_in_dim3A_22 : vector<16xi1>, vector<16xi32>
      %add3A_719 = arith.addi %broadcast_in_dim3A_22, %select_n3A_718 : vector<16xi32>
      %get3A_720 = arith.constant 14 : index
      %get3A_721 = tpu.vector_load %arg20[%get3A_720] {strides = array<i32>} : memref<48xi32, #tpu.memory_space<vmem>>, vector<16xi32>,
      %eq3A_722 = arith.cmpi eq, %get3A_721, %get3A_712 : vector<16xi32>
      %select_n3A_723 = arith.select %eq3A_722, %broadcast_in_dim3A_20, %broadcast_in_dim3A_22 : vector<16xi1>, vector<16xi32>
      %add3A_724 = arith.addi %add3A_719, %select_n3A_723 : vector<16xi32>
      %get3A_725 = arith.constant 13 : index
      %get3A_726 = tpu.vector_load %arg20[%get3A_725] {strides = array<i32>} : memref<48xi32, #tpu.memory_space<vmem>>, vector<16xi32>,
      %eq3A_727 = arith.cmpi eq, %get3A_726, %get3A_712 : vector<16xi32>
      %select_n3A_728 = arith.select %eq3A_727, %broadcast_in_dim3A_20, %broadcast_in_dim3A_22 : vector<16xi1>, vector<16xi32>
      %add3A_729 = arith.addi %add3A_724, %select_n3A_728 : vector<16xi32>
      %get3A_730 = arith.constant 12 : index
      %get3A_731 = tpu.vector_load %arg20[%get3A_730] {strides = array<i32>} : memref<48xi32, #tpu.memory_space<vmem>>, vector<16xi32>,
      %eq3A_732 = arith.cmpi eq, %get3A_731, %get3A_712 : vector<16xi32>
      %select_n3A_733 = arith.select %eq3A_732, %broadcast_in_dim3A_20, %broadcast_in_dim3A_22 : vector<16xi1>, vector<16xi32>
      %add3A_734 = arith.addi %add3A_729, %select_n3A_733 : vector<16xi32>
      %get3A_735 = arith.constant 11 : index
      %get3A_736 = tpu.vector_load %arg20[%get3A_735] {strides = array<i32>} : memref<48xi32, #tpu.memory_space<vmem>>, vector<16xi32>,
      %eq3A_737 = arith.cmpi eq, %get3A_736, %get3A_712 : vector<16xi32>
      %select_n3A_738 = arith.select %eq3A_737, %broadcast_in_dim3A_20, %broadcast_in_dim3A_22 : vector<16xi1>, vector<16xi32>
      %add3A_739 = arith.addi %add3A_734, %select_n3A_738 : vector<16xi32>
      %get3A_740 = arith.constant 10 : index
      %get3A_741 = tpu.vector_load %arg20[%get3A_740] {strides = array<i32>} : memref<48xi32, #tpu.memory_space<vmem>>, vector<16xi32>,
      %eq3A_742 = arith.cmpi eq, %get3A_741, %get3A_712 : vector<16xi32>
      %select_n3A_743 = arith.select %eq3A_742, %broadcast_in_dim3A_20, %broadcast_in_dim3A_22 : vector<16xi1>, vector<16xi32>
      %add3A_744 = arith.addi %add3A_739, %select_n3A_743 : vector<16xi32>
      %get3A_745 = arith.constant 9 : index
      %get3A_746 = tpu.vector_load %arg20[%get3A_745] {strides = array<i32>} : memref<48xi32, #tpu.memory_space<vmem>>, vector<16xi32>,
      %eq3A_747 = arith.cmpi eq, %get3A_746, %get3A_712 : vector<16xi32>
      %select_n3A_748 = arith.select %eq3A_747, %broadcast_in_dim3A_20, %broadcast_in_dim3A_22 : vector<16xi1>, vector<16xi32>
      %add3A_749 = arith.addi %add3A_744, %select_n3A_748 : vector<16xi32>
      %get3A_750 = arith.constant 8 : index
      %get3A_751 = tpu.vector_load %arg20[%get3A_750] {strides = array<i32>} : memref<48xi32, #tpu.memory_space<vmem>>, vector<16xi32>,
      %eq3A_752 = arith.cmpi eq, %get3A_751, %get3A_712 : vector<16xi32>
      %select_n3A_753 = arith.select %eq3A_752, %broadcast_in_dim3A_20, %broadcast_in_dim3A_22 : vector<16xi1>, vector<16xi32>
      %add3A_754 = arith.addi %add3A_749, %select_n3A_753 : vector<16xi32>
      %get3A_755 = arith.constant 7 : index
      %get3A_756 = tpu.vector_load %arg20[%get3A_755] {strides = array<i32>} : memref<48xi32, #tpu.memory_space<vmem>>, vector<16xi32>,
      %eq3A_757 = arith.cmpi eq, %get3A_756, %get3A_712 : vector<16xi32>
      %select_n3A_758 = arith.select %eq3A_757, %broadcast_in_dim3A_20, %broadcast_in_dim3A_22 : vector<16xi1>, vector<16xi32>
      %add3A_759 = arith.addi %add3A_754, %select_n3A_758 : vector<16xi32>
      %get3A_760 = arith.constant 6 : index
      %get3A_761 = tpu.vector_load %arg20[%get3A_760] {strides = array<i32>} : memref<48xi32, #tpu.memory_space<vmem>>, vector<16xi32>,
      %eq3A_762 = arith.cmpi eq, %get3A_761, %get3A_712 : vector<16xi32>
      %select_n3A_763 = arith.select %eq3A_762, %broadcast_in_dim3A_20, %broadcast_in_dim3A_22 : vector<16xi1>, vector<16xi32>
      %add3A_764 = arith.addi %add3A_759, %select_n3A_763 : vector<16xi32>
      %get3A_765 = arith.constant 5 : index
      %get3A_766 = tpu.vector_load %arg20[%get3A_765] {strides = array<i32>} : memref<48xi32, #tpu.memory_space<vmem>>, vector<16xi32>,
      %eq3A_767 = arith.cmpi eq, %get3A_766, %get3A_712 : vector<16xi32>
      %select_n3A_768 = arith.select %eq3A_767, %broadcast_in_dim3A_20, %broadcast_in_dim3A_22 : vector<16xi1>, vector<16xi32>
      %add3A_769 = arith.addi %add3A_764, %select_n3A_768 : vector<16xi32>
      %get3A_770 = arith.constant 4 : index
      %get3A_771 = tpu.vector_load %arg20[%get3A_770] {strides = array<i32>} : memref<48xi32, #tpu.memory_space<vmem>>, vector<16xi32>,
      %eq3A_772 = arith.cmpi eq, %get3A_771, %get3A_712 : vector<16xi32>
      %select_n3A_773 = arith.select %eq3A_772, %broadcast_in_dim3A_20, %broadcast_in_dim3A_22 : vector<16xi1>, vector<16xi32>
      %add3A_774 = arith.addi %add3A_769, %select_n3A_773 : vector<16xi32>
      %get3A_775 = arith.constant 3 : index
      %get3A_776 = tpu.vector_load %arg20[%get3A_775] {strides = array<i32>} : memref<48xi32, #tpu.memory_space<vmem>>, vector<16xi32>,
      %eq3A_777 = arith.cmpi eq, %get3A_776, %get3A_712 : vector<16xi32>
      %select_n3A_778 = arith.select %eq3A_777, %broadcast_in_dim3A_20, %broadcast_in_dim3A_22 : vector<16xi1>, vector<16xi32>
      %add3A_779 = arith.addi %add3A_774, %select_n3A_778 : vector<16xi32>
      %get3A_780 = arith.constant 2 : index
      %get3A_781 = tpu.vector_load %arg20[%get3A_780] {strides = array<i32>} : memref<48xi32, #tpu.memory_space<vmem>>, vector<16xi32>,
      %eq3A_782 = arith.cmpi eq, %get3A_781, %get3A_712 : vector<16xi32>
      %select_n3A_783 = arith.select %eq3A_782, %broadcast_in_dim3A_20, %broadcast_in_dim3A_22 : vector<16xi1>, vector<16xi32>
      %add3A_784 = arith.addi %add3A_779, %select_n3A_783 : vector<16xi32>
      %get3A_785 = arith.constant 1 : index
      %get3A_786 = tpu.vector_load %arg20[%get3A_785] {strides = array<i32>} : memref<48xi32, #tpu.memory_space<vmem>>, vector<16xi32>,
      %eq3A_787 = arith.cmpi eq, %get3A_786, %get3A_712 : vector<16xi32>
      %select_n3A_788 = arith.select %eq3A_787, %broadcast_in_dim3A_20, %broadcast_in_dim3A_22 : vector<16xi1>, vector<16xi32>
      %add3A_789 = arith.addi %add3A_784, %select_n3A_788 : vector<16xi32>
      %gather3A_790 = tpu.vector_load_idx %arg10[%get3A_712] : memref<976xi32, #tpu.memory_space<vmem>>[vector<16xi32>], vector<16xi32>,
      %add3A_791 = arith.addi %gather3A_790, %add3A_789 : vector<16xi32>
      %swap3A_792 = arith.constant 0 : i32
      %swap3A_793 = arith.index_cast %swap3A_792 : i32 to index
      %swap3A_794 = arith.constant 0 : index
      %swap3A_795 = tpu.vector_load %arg17[%swap3A_793, %swap3A_794] {strides = array<i32>} : memref<2x80xi32, #tpu.memory_space<vmem>>, vector<16xi32>,
      tpu.vector_store %arg17[%swap3A_793, %swap3A_794], %add3A_791 {strides = array<i32>} : memref<2x80xi32, #tpu.memory_space<vmem>>, vector<16xi32>,
      tpu.vector_store_idx %arg10[%get3A_712], %broadcast_in_dim3A_20 {add = true} : memref<976xi32, #tpu.memory_space<vmem>>[vector<16xi32>], vector<16xi32>,
      %mul3A_796 = arith.constant 80 : i32
      %mul3A_797 = arith.muli %mul3A_643, %mul3A_796 : i32
      %add3A_798 = arith.constant 16 : i32
      %add3A_799 = arith.addi %mul3A_797, %add3A_798 : i32
      %get3A_800 = arith.index_cast %add3A_799 : i32 to index
      %get3A_801 = tpu.vector_load %arg13[%get3A_800] {strides = array<i32>} : memref<10000xi32, #tpu.memory_space<vmem>>, vector<16xi32>,
      %swap3A_802 = arith.constant 16 : index
      %swap3A_803 = tpu.vector_load %arg20[%swap3A_802] {strides = array<i32>} : memref<48xi32, #tpu.memory_space<vmem>>, vector<16xi32>,
      tpu.vector_store %arg20[%swap3A_802], %get3A_801 {strides = array<i32>} : memref<48xi32, #tpu.memory_space<vmem>>, vector<16xi32>,
      %get3A_804 = arith.constant 15 : index
      %get3A_805 = tpu.vector_load %arg20[%get3A_804] {strides = array<i32>} : memref<48xi32, #tpu.memory_space<vmem>>, vector<16xi32>,
      %eq3A_806 = arith.cmpi eq, %get3A_805, %get3A_801 : vector<16xi32>
      %select_n3A_807 = arith.select %eq3A_806, %broadcast_in_dim3A_20, %broadcast_in_dim3A_22 : vector<16xi1>, vector<16xi32>
      %add3A_808 = arith.addi %broadcast_in_dim3A_22, %select_n3A_807 : vector<16xi32>
      %get3A_809 = arith.constant 14 : index
      %get3A_810 = tpu.vector_load %arg20[%get3A_809] {strides = array<i32>} : memref<48xi32, #tpu.memory_space<vmem>>, vector<16xi32>,
      %eq3A_811 = arith.cmpi eq, %get3A_810, %get3A_801 : vector<16xi32>
      %select_n3A_812 = arith.select %eq3A_811, %broadcast_in_dim3A_20, %broadcast_in_dim3A_22 : vector<16xi1>, vector<16xi32>
      %add3A_813 = arith.addi %add3A_808, %select_n3A_812 : vector<16xi32>
      %get3A_814 = arith.constant 13 : index
      %get3A_815 = tpu.vector_load %arg20[%get3A_814] {strides = array<i32>} : memref<48xi32, #tpu.memory_space<vmem>>, vector<16xi32>,
      %eq3A_816 = arith.cmpi eq, %get3A_815, %get3A_801 : vector<16xi32>
      %select_n3A_817 = arith.select %eq3A_816, %broadcast_in_dim3A_20, %broadcast_in_dim3A_22 : vector<16xi1>, vector<16xi32>
      %add3A_818 = arith.addi %add3A_813, %select_n3A_817 : vector<16xi32>
      %get3A_819 = arith.constant 12 : index
      %get3A_820 = tpu.vector_load %arg20[%get3A_819] {strides = array<i32>} : memref<48xi32, #tpu.memory_space<vmem>>, vector<16xi32>,
      %eq3A_821 = arith.cmpi eq, %get3A_820, %get3A_801 : vector<16xi32>
      %select_n3A_822 = arith.select %eq3A_821, %broadcast_in_dim3A_20, %broadcast_in_dim3A_22 : vector<16xi1>, vector<16xi32>
      %add3A_823 = arith.addi %add3A_818, %select_n3A_822 : vector<16xi32>
      %get3A_824 = arith.constant 11 : index
      %get3A_825 = tpu.vector_load %arg20[%get3A_824] {strides = array<i32>} : memref<48xi32, #tpu.memory_space<vmem>>, vector<16xi32>,
      %eq3A_826 = arith.cmpi eq, %get3A_825, %get3A_801 : vector<16xi32>
      %select_n3A_827 = arith.select %eq3A_826, %broadcast_in_dim3A_20, %broadcast_in_dim3A_22 : vector<16xi1>, vector<16xi32>
      %add3A_828 = arith.addi %add3A_823, %select_n3A_827 : vector<16xi32>
      %get3A_829 = arith.constant 10 : index
      %get3A_830 = tpu.vector_load %arg20[%get3A_829] {strides = array<i32>} : memref<48xi32, #tpu.memory_space<vmem>>, vector<16xi32>,
      %eq3A_831 = arith.cmpi eq, %get3A_830, %get3A_801 : vector<16xi32>
      %select_n3A_832 = arith.select %eq3A_831, %broadcast_in_dim3A_20, %broadcast_in_dim3A_22 : vector<16xi1>, vector<16xi32>
      %add3A_833 = arith.addi %add3A_828, %select_n3A_832 : vector<16xi32>
      %get3A_834 = arith.constant 9 : index
      %get3A_835 = tpu.vector_load %arg20[%get3A_834] {strides = array<i32>} : memref<48xi32, #tpu.memory_space<vmem>>, vector<16xi32>,
      %eq3A_836 = arith.cmpi eq, %get3A_835, %get3A_801 : vector<16xi32>
      %select_n3A_837 = arith.select %eq3A_836, %broadcast_in_dim3A_20, %broadcast_in_dim3A_22 : vector<16xi1>, vector<16xi32>
      %add3A_838 = arith.addi %add3A_833, %select_n3A_837 : vector<16xi32>
      %get3A_839 = arith.constant 8 : index
      %get3A_840 = tpu.vector_load %arg20[%get3A_839] {strides = array<i32>} : memref<48xi32, #tpu.memory_space<vmem>>, vector<16xi32>,
      %eq3A_841 = arith.cmpi eq, %get3A_840, %get3A_801 : vector<16xi32>
      %select_n3A_842 = arith.select %eq3A_841, %broadcast_in_dim3A_20, %broadcast_in_dim3A_22 : vector<16xi1>, vector<16xi32>
      %add3A_843 = arith.addi %add3A_838, %select_n3A_842 : vector<16xi32>
      %get3A_844 = arith.constant 7 : index
      %get3A_845 = tpu.vector_load %arg20[%get3A_844] {strides = array<i32>} : memref<48xi32, #tpu.memory_space<vmem>>, vector<16xi32>,
      %eq3A_846 = arith.cmpi eq, %get3A_845, %get3A_801 : vector<16xi32>
      %select_n3A_847 = arith.select %eq3A_846, %broadcast_in_dim3A_20, %broadcast_in_dim3A_22 : vector<16xi1>, vector<16xi32>
      %add3A_848 = arith.addi %add3A_843, %select_n3A_847 : vector<16xi32>
      %get3A_849 = arith.constant 6 : index
      %get3A_850 = tpu.vector_load %arg20[%get3A_849] {strides = array<i32>} : memref<48xi32, #tpu.memory_space<vmem>>, vector<16xi32>,
      %eq3A_851 = arith.cmpi eq, %get3A_850, %get3A_801 : vector<16xi32>
      %select_n3A_852 = arith.select %eq3A_851, %broadcast_in_dim3A_20, %broadcast_in_dim3A_22 : vector<16xi1>, vector<16xi32>
      %add3A_853 = arith.addi %add3A_848, %select_n3A_852 : vector<16xi32>
      %get3A_854 = arith.constant 5 : index
      %get3A_855 = tpu.vector_load %arg20[%get3A_854] {strides = array<i32>} : memref<48xi32, #tpu.memory_space<vmem>>, vector<16xi32>,
      %eq3A_856 = arith.cmpi eq, %get3A_855, %get3A_801 : vector<16xi32>
      %select_n3A_857 = arith.select %eq3A_856, %broadcast_in_dim3A_20, %broadcast_in_dim3A_22 : vector<16xi1>, vector<16xi32>
      %add3A_858 = arith.addi %add3A_853, %select_n3A_857 : vector<16xi32>
      %get3A_859 = arith.constant 4 : index
      %get3A_860 = tpu.vector_load %arg20[%get3A_859] {strides = array<i32>} : memref<48xi32, #tpu.memory_space<vmem>>, vector<16xi32>,
      %eq3A_861 = arith.cmpi eq, %get3A_860, %get3A_801 : vector<16xi32>
      %select_n3A_862 = arith.select %eq3A_861, %broadcast_in_dim3A_20, %broadcast_in_dim3A_22 : vector<16xi1>, vector<16xi32>
      %add3A_863 = arith.addi %add3A_858, %select_n3A_862 : vector<16xi32>
      %get3A_864 = arith.constant 3 : index
      %get3A_865 = tpu.vector_load %arg20[%get3A_864] {strides = array<i32>} : memref<48xi32, #tpu.memory_space<vmem>>, vector<16xi32>,
      %eq3A_866 = arith.cmpi eq, %get3A_865, %get3A_801 : vector<16xi32>
      %select_n3A_867 = arith.select %eq3A_866, %broadcast_in_dim3A_20, %broadcast_in_dim3A_22 : vector<16xi1>, vector<16xi32>
      %add3A_868 = arith.addi %add3A_863, %select_n3A_867 : vector<16xi32>
      %get3A_869 = arith.constant 2 : index
      %get3A_870 = tpu.vector_load %arg20[%get3A_869] {strides = array<i32>} : memref<48xi32, #tpu.memory_space<vmem>>, vector<16xi32>,
      %eq3A_871 = arith.cmpi eq, %get3A_870, %get3A_801 : vector<16xi32>
      %select_n3A_872 = arith.select %eq3A_871, %broadcast_in_dim3A_20, %broadcast_in_dim3A_22 : vector<16xi1>, vector<16xi32>
      %add3A_873 = arith.addi %add3A_868, %select_n3A_872 : vector<16xi32>
      %get3A_874 = arith.constant 1 : index
      %get3A_875 = tpu.vector_load %arg20[%get3A_874] {strides = array<i32>} : memref<48xi32, #tpu.memory_space<vmem>>, vector<16xi32>,
      %eq3A_876 = arith.cmpi eq, %get3A_875, %get3A_801 : vector<16xi32>
      %select_n3A_877 = arith.select %eq3A_876, %broadcast_in_dim3A_20, %broadcast_in_dim3A_22 : vector<16xi1>, vector<16xi32>
      %add3A_878 = arith.addi %add3A_873, %select_n3A_877 : vector<16xi32>
      %gather3A_879 = tpu.vector_load_idx %arg10[%get3A_801] : memref<976xi32, #tpu.memory_space<vmem>>[vector<16xi32>], vector<16xi32>,
      %add3A_880 = arith.addi %gather3A_879, %add3A_878 : vector<16xi32>
      %swap3A_881 = arith.constant 0 : i32
      %swap3A_882 = arith.index_cast %swap3A_881 : i32 to index
      %swap3A_883 = arith.constant 16 : index
      %swap3A_884 = tpu.vector_load %arg17[%swap3A_882, %swap3A_883] {strides = array<i32>} : memref<2x80xi32, #tpu.memory_space<vmem>>, vector<16xi32>,
      tpu.vector_store %arg17[%swap3A_882, %swap3A_883], %add3A_880 {strides = array<i32>} : memref<2x80xi32, #tpu.memory_space<vmem>>, vector<16xi32>,
      tpu.vector_store_idx %arg10[%get3A_801], %broadcast_in_dim3A_20 {add = true} : memref<976xi32, #tpu.memory_space<vmem>>[vector<16xi32>], vector<16xi32>,
      %mul3A_885 = arith.constant 80 : i32
      %mul3A_886 = arith.muli %mul3A_643, %mul3A_885 : i32
      %add3A_887 = arith.constant 32 : i32
      %add3A_888 = arith.addi %mul3A_886, %add3A_887 : i32
      %get3A_889 = arith.index_cast %add3A_888 : i32 to index
      %get3A_890 = tpu.vector_load %arg13[%get3A_889] {strides = array<i32>} : memref<10000xi32, #tpu.memory_space<vmem>>, vector<16xi32>,
      %swap3A_891 = arith.constant 16 : index
      %swap3A_892 = tpu.vector_load %arg20[%swap3A_891] {strides = array<i32>} : memref<48xi32, #tpu.memory_space<vmem>>, vector<16xi32>,
      tpu.vector_store %arg20[%swap3A_891], %get3A_890 {strides = array<i32>} : memref<48xi32, #tpu.memory_space<vmem>>, vector<16xi32>,
      %get3A_893 = arith.constant 15 : index
      %get3A_894 = tpu.vector_load %arg20[%get3A_893] {strides = array<i32>} : memref<48xi32, #tpu.memory_space<vmem>>, vector<16xi32>,
      %eq3A_895 = arith.cmpi eq, %get3A_894, %get3A_890 : vector<16xi32>
      %select_n3A_896 = arith.select %eq3A_895, %broadcast_in_dim3A_20, %broadcast_in_dim3A_22 : vector<16xi1>, vector<16xi32>
      %add3A_897 = arith.addi %broadcast_in_dim3A_22, %select_n3A_896 : vector<16xi32>
      %get3A_898 = arith.constant 14 : index
      %get3A_899 = tpu.vector_load %arg20[%get3A_898] {strides = array<i32>} : memref<48xi32, #tpu.memory_space<vmem>>, vector<16xi32>,
      %eq3A_900 = arith.cmpi eq, %get3A_899, %get3A_890 : vector<16xi32>
      %select_n3A_901 = arith.select %eq3A_900, %broadcast_in_dim3A_20, %broadcast_in_dim3A_22 : vector<16xi1>, vector<16xi32>
      %add3A_902 = arith.addi %add3A_897, %select_n3A_901 : vector<16xi32>
      %get3A_903 = arith.constant 13 : index
      %get3A_904 = tpu.vector_load %arg20[%get3A_903] {strides = array<i32>} : memref<48xi32, #tpu.memory_space<vmem>>, vector<16xi32>,
      %eq3A_905 = arith.cmpi eq, %get3A_904, %get3A_890 : vector<16xi32>
      %select_n3A_906 = arith.select %eq3A_905, %broadcast_in_dim3A_20, %broadcast_in_dim3A_22 : vector<16xi1>, vector<16xi32>
      %add3A_907 = arith.addi %add3A_902, %select_n3A_906 : vector<16xi32>
      %get3A_908 = arith.constant 12 : index
      %get3A_909 = tpu.vector_load %arg20[%get3A_908] {strides = array<i32>} : memref<48xi32, #tpu.memory_space<vmem>>, vector<16xi32>,
      %eq3A_910 = arith.cmpi eq, %get3A_909, %get3A_890 : vector<16xi32>
      %select_n3A_911 = arith.select %eq3A_910, %broadcast_in_dim3A_20, %broadcast_in_dim3A_22 : vector<16xi1>, vector<16xi32>
      %add3A_912 = arith.addi %add3A_907, %select_n3A_911 : vector<16xi32>
      %get3A_913 = arith.constant 11 : index
      %get3A_914 = tpu.vector_load %arg20[%get3A_913] {strides = array<i32>} : memref<48xi32, #tpu.memory_space<vmem>>, vector<16xi32>,
      %eq3A_915 = arith.cmpi eq, %get3A_914, %get3A_890 : vector<16xi32>
      %select_n3A_916 = arith.select %eq3A_915, %broadcast_in_dim3A_20, %broadcast_in_dim3A_22 : vector<16xi1>, vector<16xi32>
      %add3A_917 = arith.addi %add3A_912, %select_n3A_916 : vector<16xi32>
      %get3A_918 = arith.constant 10 : index
      %get3A_919 = tpu.vector_load %arg20[%get3A_918] {strides = array<i32>} : memref<48xi32, #tpu.memory_space<vmem>>, vector<16xi32>,
      %eq3A_920 = arith.cmpi eq, %get3A_919, %get3A_890 : vector<16xi32>
      %select_n3A_921 = arith.select %eq3A_920, %broadcast_in_dim3A_20, %broadcast_in_dim3A_22 : vector<16xi1>, vector<16xi32>
      %add3A_922 = arith.addi %add3A_917, %select_n3A_921 : vector<16xi32>
      %get3A_923 = arith.constant 9 : index
      %get3A_924 = tpu.vector_load %arg20[%get3A_923] {strides = array<i32>} : memref<48xi32, #tpu.memory_space<vmem>>, vector<16xi32>,
      %eq3A_925 = arith.cmpi eq, %get3A_924, %get3A_890 : vector<16xi32>
      %select_n3A_926 = arith.select %eq3A_925, %broadcast_in_dim3A_20, %broadcast_in_dim3A_22 : vector<16xi1>, vector<16xi32>
      %add3A_927 = arith.addi %add3A_922, %select_n3A_926 : vector<16xi32>
      %get3A_928 = arith.constant 8 : index
      %get3A_929 = tpu.vector_load %arg20[%get3A_928] {strides = array<i32>} : memref<48xi32, #tpu.memory_space<vmem>>, vector<16xi32>,
      %eq3A_930 = arith.cmpi eq, %get3A_929, %get3A_890 : vector<16xi32>
      %select_n3A_931 = arith.select %eq3A_930, %broadcast_in_dim3A_20, %broadcast_in_dim3A_22 : vector<16xi1>, vector<16xi32>
      %add3A_932 = arith.addi %add3A_927, %select_n3A_931 : vector<16xi32>
      %get3A_933 = arith.constant 7 : index
      %get3A_934 = tpu.vector_load %arg20[%get3A_933] {strides = array<i32>} : memref<48xi32, #tpu.memory_space<vmem>>, vector<16xi32>,
      %eq3A_935 = arith.cmpi eq, %get3A_934, %get3A_890 : vector<16xi32>
      %select_n3A_936 = arith.select %eq3A_935, %broadcast_in_dim3A_20, %broadcast_in_dim3A_22 : vector<16xi1>, vector<16xi32>
      %add3A_937 = arith.addi %add3A_932, %select_n3A_936 : vector<16xi32>
      %get3A_938 = arith.constant 6 : index
      %get3A_939 = tpu.vector_load %arg20[%get3A_938] {strides = array<i32>} : memref<48xi32, #tpu.memory_space<vmem>>, vector<16xi32>,
      %eq3A_940 = arith.cmpi eq, %get3A_939, %get3A_890 : vector<16xi32>
      %select_n3A_941 = arith.select %eq3A_940, %broadcast_in_dim3A_20, %broadcast_in_dim3A_22 : vector<16xi1>, vector<16xi32>
      %add3A_942 = arith.addi %add3A_937, %select_n3A_941 : vector<16xi32>
      %get3A_943 = arith.constant 5 : index
      %get3A_944 = tpu.vector_load %arg20[%get3A_943] {strides = array<i32>} : memref<48xi32, #tpu.memory_space<vmem>>, vector<16xi32>,
      %eq3A_945 = arith.cmpi eq, %get3A_944, %get3A_890 : vector<16xi32>
      %select_n3A_946 = arith.select %eq3A_945, %broadcast_in_dim3A_20, %broadcast_in_dim3A_22 : vector<16xi1>, vector<16xi32>
      %add3A_947 = arith.addi %add3A_942, %select_n3A_946 : vector<16xi32>
      %get3A_948 = arith.constant 4 : index
      %get3A_949 = tpu.vector_load %arg20[%get3A_948] {strides = array<i32>} : memref<48xi32, #tpu.memory_space<vmem>>, vector<16xi32>,
      %eq3A_950 = arith.cmpi eq, %get3A_949, %get3A_890 : vector<16xi32>
      %select_n3A_951 = arith.select %eq3A_950, %broadcast_in_dim3A_20, %broadcast_in_dim3A_22 : vector<16xi1>, vector<16xi32>
      %add3A_952 = arith.addi %add3A_947, %select_n3A_951 : vector<16xi32>
      %get3A_953 = arith.constant 3 : index
      %get3A_954 = tpu.vector_load %arg20[%get3A_953] {strides = array<i32>} : memref<48xi32, #tpu.memory_space<vmem>>, vector<16xi32>,
      %eq3A_955 = arith.cmpi eq, %get3A_954, %get3A_890 : vector<16xi32>
      %select_n3A_956 = arith.select %eq3A_955, %broadcast_in_dim3A_20, %broadcast_in_dim3A_22 : vector<16xi1>, vector<16xi32>
      %add3A_957 = arith.addi %add3A_952, %select_n3A_956 : vector<16xi32>
      %get3A_958 = arith.constant 2 : index
      %get3A_959 = tpu.vector_load %arg20[%get3A_958] {strides = array<i32>} : memref<48xi32, #tpu.memory_space<vmem>>, vector<16xi32>,
      %eq3A_960 = arith.cmpi eq, %get3A_959, %get3A_890 : vector<16xi32>
      %select_n3A_961 = arith.select %eq3A_960, %broadcast_in_dim3A_20, %broadcast_in_dim3A_22 : vector<16xi1>, vector<16xi32>
      %add3A_962 = arith.addi %add3A_957, %select_n3A_961 : vector<16xi32>
      %get3A_963 = arith.constant 1 : index
      %get3A_964 = tpu.vector_load %arg20[%get3A_963] {strides = array<i32>} : memref<48xi32, #tpu.memory_space<vmem>>, vector<16xi32>,
      %eq3A_965 = arith.cmpi eq, %get3A_964, %get3A_890 : vector<16xi32>
      %select_n3A_966 = arith.select %eq3A_965, %broadcast_in_dim3A_20, %broadcast_in_dim3A_22 : vector<16xi1>, vector<16xi32>
      %add3A_967 = arith.addi %add3A_962, %select_n3A_966 : vector<16xi32>
      %gather3A_968 = tpu.vector_load_idx %arg10[%get3A_890] : memref<976xi32, #tpu.memory_space<vmem>>[vector<16xi32>], vector<16xi32>,
      %add3A_969 = arith.addi %gather3A_968, %add3A_967 : vector<16xi32>
      %swap3A_970 = arith.constant 0 : i32
      %swap3A_971 = arith.index_cast %swap3A_970 : i32 to index
      %swap3A_972 = arith.constant 32 : index
      %swap3A_973 = tpu.vector_load %arg17[%swap3A_971, %swap3A_972] {strides = array<i32>} : memref<2x80xi32, #tpu.memory_space<vmem>>, vector<16xi32>,
      tpu.vector_store %arg17[%swap3A_971, %swap3A_972], %add3A_969 {strides = array<i32>} : memref<2x80xi32, #tpu.memory_space<vmem>>, vector<16xi32>,
      tpu.vector_store_idx %arg10[%get3A_890], %broadcast_in_dim3A_20 {add = true} : memref<976xi32, #tpu.memory_space<vmem>>[vector<16xi32>], vector<16xi32>,
      %mul3A_974 = arith.constant 80 : i32
      %mul3A_975 = arith.muli %mul3A_643, %mul3A_974 : i32
      %add3A_976 = arith.constant 48 : i32
      %add3A_977 = arith.addi %mul3A_975, %add3A_976 : i32
      %get3A_978 = arith.index_cast %add3A_977 : i32 to index
      %get3A_979 = tpu.vector_load %arg13[%get3A_978] {strides = array<i32>} : memref<10000xi32, #tpu.memory_space<vmem>>, vector<16xi32>,
      %swap3A_980 = arith.constant 16 : index
      %swap3A_981 = tpu.vector_load %arg20[%swap3A_980] {strides = array<i32>} : memref<48xi32, #tpu.memory_space<vmem>>, vector<16xi32>,
      tpu.vector_store %arg20[%swap3A_980], %get3A_979 {strides = array<i32>} : memref<48xi32, #tpu.memory_space<vmem>>, vector<16xi32>,
      %get3A_982 = arith.constant 15 : index
      %get3A_983 = tpu.vector_load %arg20[%get3A_982] {strides = array<i32>} : memref<48xi32, #tpu.memory_space<vmem>>, vector<16xi32>,
      %eq3A_984 = arith.cmpi eq, %get3A_983, %get3A_979 : vector<16xi32>
      %select_n3A_985 = arith.select %eq3A_984, %broadcast_in_dim3A_20, %broadcast_in_dim3A_22 : vector<16xi1>, vector<16xi32>
      %add3A_986 = arith.addi %broadcast_in_dim3A_22, %select_n3A_985 : vector<16xi32>
      %get3A_987 = arith.constant 14 : index
      %get3A_988 = tpu.vector_load %arg20[%get3A_987] {strides = array<i32>} : memref<48xi32, #tpu.memory_space<vmem>>, vector<16xi32>,
      %eq3A_989 = arith.cmpi eq, %get3A_988, %get3A_979 : vector<16xi32>
      %select_n3A_990 = arith.select %eq3A_989, %broadcast_in_dim3A_20, %broadcast_in_dim3A_22 : vector<16xi1>, vector<16xi32>
      %add3A_991 = arith.addi %add3A_986, %select_n3A_990 : vector<16xi32>
      %get3A_992 = arith.constant 13 : index
      %get3A_993 = tpu.vector_load %arg20[%get3A_992] {strides = array<i32>} : memref<48xi32, #tpu.memory_space<vmem>>, vector<16xi32>,
      %eq3A_994 = arith.cmpi eq, %get3A_993, %get3A_979 : vector<16xi32>
      %select_n3A_995 = arith.select %eq3A_994, %broadcast_in_dim3A_20, %broadcast_in_dim3A_22 : vector<16xi1>, vector<16xi32>
      %add3A_996 = arith.addi %add3A_991, %select_n3A_995 : vector<16xi32>
      %get3A_997 = arith.constant 12 : index
      %get3A_998 = tpu.vector_load %arg20[%get3A_997] {strides = array<i32>} : memref<48xi32, #tpu.memory_space<vmem>>, vector<16xi32>,
      %eq3A_999 = arith.cmpi eq, %get3A_998, %get3A_979 : vector<16xi32>
      %select_n3A_1000 = arith.select %eq3A_999, %broadcast_in_dim3A_20, %broadcast_in_dim3A_22 : vector<16xi1>, vector<16xi32>
      %add3A_1001 = arith.addi %add3A_996, %select_n3A_1000 : vector<16xi32>
      %get3A_1002 = arith.constant 11 : index
      %get3A_1003 = tpu.vector_load %arg20[%get3A_1002] {strides = array<i32>} : memref<48xi32, #tpu.memory_space<vmem>>, vector<16xi32>,
      %eq3A_1004 = arith.cmpi eq, %get3A_1003, %get3A_979 : vector<16xi32>
      %select_n3A_1005 = arith.select %eq3A_1004, %broadcast_in_dim3A_20, %broadcast_in_dim3A_22 : vector<16xi1>, vector<16xi32>
      %add3A_1006 = arith.addi %add3A_1001, %select_n3A_1005 : vector<16xi32>
      %get3A_1007 = arith.constant 10 : index
      %get3A_1008 = tpu.vector_load %arg20[%get3A_1007] {strides = array<i32>} : memref<48xi32, #tpu.memory_space<vmem>>, vector<16xi32>,
      %eq3A_1009 = arith.cmpi eq, %get3A_1008, %get3A_979 : vector<16xi32>
      %select_n3A_1010 = arith.select %eq3A_1009, %broadcast_in_dim3A_20, %broadcast_in_dim3A_22 : vector<16xi1>, vector<16xi32>
      %add3A_1011 = arith.addi %add3A_1006, %select_n3A_1010 : vector<16xi32>
      %get3A_1012 = arith.constant 9 : index
      %get3A_1013 = tpu.vector_load %arg20[%get3A_1012] {strides = array<i32>} : memref<48xi32, #tpu.memory_space<vmem>>, vector<16xi32>,
      %eq3A_1014 = arith.cmpi eq, %get3A_1013, %get3A_979 : vector<16xi32>
      %select_n3A_1015 = arith.select %eq3A_1014, %broadcast_in_dim3A_20, %broadcast_in_dim3A_22 : vector<16xi1>, vector<16xi32>
      %add3A_1016 = arith.addi %add3A_1011, %select_n3A_1015 : vector<16xi32>
      %get3A_1017 = arith.constant 8 : index
      %get3A_1018 = tpu.vector_load %arg20[%get3A_1017] {strides = array<i32>} : memref<48xi32, #tpu.memory_space<vmem>>, vector<16xi32>,
      %eq3A_1019 = arith.cmpi eq, %get3A_1018, %get3A_979 : vector<16xi32>
      %select_n3A_1020 = arith.select %eq3A_1019, %broadcast_in_dim3A_20, %broadcast_in_dim3A_22 : vector<16xi1>, vector<16xi32>
      %add3A_1021 = arith.addi %add3A_1016, %select_n3A_1020 : vector<16xi32>
      %get3A_1022 = arith.constant 7 : index
      %get3A_1023 = tpu.vector_load %arg20[%get3A_1022] {strides = array<i32>} : memref<48xi32, #tpu.memory_space<vmem>>, vector<16xi32>,
      %eq3A_1024 = arith.cmpi eq, %get3A_1023, %get3A_979 : vector<16xi32>
      %select_n3A_1025 = arith.select %eq3A_1024, %broadcast_in_dim3A_20, %broadcast_in_dim3A_22 : vector<16xi1>, vector<16xi32>
      %add3A_1026 = arith.addi %add3A_1021, %select_n3A_1025 : vector<16xi32>
      %get3A_1027 = arith.constant 6 : index
      %get3A_1028 = tpu.vector_load %arg20[%get3A_1027] {strides = array<i32>} : memref<48xi32, #tpu.memory_space<vmem>>, vector<16xi32>,
      %eq3A_1029 = arith.cmpi eq, %get3A_1028, %get3A_979 : vector<16xi32>
      %select_n3A_1030 = arith.select %eq3A_1029, %broadcast_in_dim3A_20, %broadcast_in_dim3A_22 : vector<16xi1>, vector<16xi32>
      %add3A_1031 = arith.addi %add3A_1026, %select_n3A_1030 : vector<16xi32>
      %get3A_1032 = arith.constant 5 : index
      %get3A_1033 = tpu.vector_load %arg20[%get3A_1032] {strides = array<i32>} : memref<48xi32, #tpu.memory_space<vmem>>, vector<16xi32>,
      %eq3A_1034 = arith.cmpi eq, %get3A_1033, %get3A_979 : vector<16xi32>
      %select_n3A_1035 = arith.select %eq3A_1034, %broadcast_in_dim3A_20, %broadcast_in_dim3A_22 : vector<16xi1>, vector<16xi32>
      %add3A_1036 = arith.addi %add3A_1031, %select_n3A_1035 : vector<16xi32>
      %get3A_1037 = arith.constant 4 : index
      %get3A_1038 = tpu.vector_load %arg20[%get3A_1037] {strides = array<i32>} : memref<48xi32, #tpu.memory_space<vmem>>, vector<16xi32>,
      %eq3A_1039 = arith.cmpi eq, %get3A_1038, %get3A_979 : vector<16xi32>
      %select_n3A_1040 = arith.select %eq3A_1039, %broadcast_in_dim3A_20, %broadcast_in_dim3A_22 : vector<16xi1>, vector<16xi32>
      %add3A_1041 = arith.addi %add3A_1036, %select_n3A_1040 : vector<16xi32>
      %get3A_1042 = arith.constant 3 : index
      %get3A_1043 = tpu.vector_load %arg20[%get3A_1042] {strides = array<i32>} : memref<48xi32, #tpu.memory_space<vmem>>, vector<16xi32>,
      %eq3A_1044 = arith.cmpi eq, %get3A_1043, %get3A_979 : vector<16xi32>
      %select_n3A_1045 = arith.select %eq3A_1044, %broadcast_in_dim3A_20, %broadcast_in_dim3A_22 : vector<16xi1>, vector<16xi32>
      %add3A_1046 = arith.addi %add3A_1041, %select_n3A_1045 : vector<16xi32>
      %get3A_1047 = arith.constant 2 : index
      %get3A_1048 = tpu.vector_load %arg20[%get3A_1047] {strides = array<i32>} : memref<48xi32, #tpu.memory_space<vmem>>, vector<16xi32>,
      %eq3A_1049 = arith.cmpi eq, %get3A_1048, %get3A_979 : vector<16xi32>
      %select_n3A_1050 = arith.select %eq3A_1049, %broadcast_in_dim3A_20, %broadcast_in_dim3A_22 : vector<16xi1>, vector<16xi32>
      %add3A_1051 = arith.addi %add3A_1046, %select_n3A_1050 : vector<16xi32>
      %get3A_1052 = arith.constant 1 : index
      %get3A_1053 = tpu.vector_load %arg20[%get3A_1052] {strides = array<i32>} : memref<48xi32, #tpu.memory_space<vmem>>, vector<16xi32>,
      %eq3A_1054 = arith.cmpi eq, %get3A_1053, %get3A_979 : vector<16xi32>
      %select_n3A_1055 = arith.select %eq3A_1054, %broadcast_in_dim3A_20, %broadcast_in_dim3A_22 : vector<16xi1>, vector<16xi32>
      %add3A_1056 = arith.addi %add3A_1051, %select_n3A_1055 : vector<16xi32>
      %gather3A_1057 = tpu.vector_load_idx %arg10[%get3A_979] : memref<976xi32, #tpu.memory_space<vmem>>[vector<16xi32>], vector<16xi32>,
      %add3A_1058 = arith.addi %gather3A_1057, %add3A_1056 : vector<16xi32>
      %swap3A_1059 = arith.constant 0 : i32
      %swap3A_1060 = arith.index_cast %swap3A_1059 : i32 to index
      %swap3A_1061 = arith.constant 48 : index
      %swap3A_1062 = tpu.vector_load %arg17[%swap3A_1060, %swap3A_1061] {strides = array<i32>} : memref<2x80xi32, #tpu.memory_space<vmem>>, vector<16xi32>,
      tpu.vector_store %arg17[%swap3A_1060, %swap3A_1061], %add3A_1058 {strides = array<i32>} : memref<2x80xi32, #tpu.memory_space<vmem>>, vector<16xi32>,
      tpu.vector_store_idx %arg10[%get3A_979], %broadcast_in_dim3A_20 {add = true} : memref<976xi32, #tpu.memory_space<vmem>>[vector<16xi32>], vector<16xi32>,
      %mul3A_1063 = arith.constant 80 : i32
      %mul3A_1064 = arith.muli %mul3A_643, %mul3A_1063 : i32
      %add3A_1065 = arith.constant 64 : i32
      %add3A_1066 = arith.addi %mul3A_1064, %add3A_1065 : i32
      %get3A_1067 = arith.index_cast %add3A_1066 : i32 to index
      %get3A_1068 = tpu.vector_load %arg13[%get3A_1067] {strides = array<i32>} : memref<10000xi32, #tpu.memory_space<vmem>>, vector<16xi32>,
      %swap3A_1069 = arith.constant 16 : index
      %swap3A_1070 = tpu.vector_load %arg20[%swap3A_1069] {strides = array<i32>} : memref<48xi32, #tpu.memory_space<vmem>>, vector<16xi32>,
      tpu.vector_store %arg20[%swap3A_1069], %get3A_1068 {strides = array<i32>} : memref<48xi32, #tpu.memory_space<vmem>>, vector<16xi32>,
      %get3A_1071 = arith.constant 15 : index
      %get3A_1072 = tpu.vector_load %arg20[%get3A_1071] {strides = array<i32>} : memref<48xi32, #tpu.memory_space<vmem>>, vector<16xi32>,
      %eq3A_1073 = arith.cmpi eq, %get3A_1072, %get3A_1068 : vector<16xi32>
      %select_n3A_1074 = arith.select %eq3A_1073, %broadcast_in_dim3A_20, %broadcast_in_dim3A_22 : vector<16xi1>, vector<16xi32>
      %add3A_1075 = arith.addi %broadcast_in_dim3A_22, %select_n3A_1074 : vector<16xi32>
      %get3A_1076 = arith.constant 14 : index
      %get3A_1077 = tpu.vector_load %arg20[%get3A_1076] {strides = array<i32>} : memref<48xi32, #tpu.memory_space<vmem>>, vector<16xi32>,
      %eq3A_1078 = arith.cmpi eq, %get3A_1077, %get3A_1068 : vector<16xi32>
      %select_n3A_1079 = arith.select %eq3A_1078, %broadcast_in_dim3A_20, %broadcast_in_dim3A_22 : vector<16xi1>, vector<16xi32>
      %add3A_1080 = arith.addi %add3A_1075, %select_n3A_1079 : vector<16xi32>
      %get3A_1081 = arith.constant 13 : index
      %get3A_1082 = tpu.vector_load %arg20[%get3A_1081] {strides = array<i32>} : memref<48xi32, #tpu.memory_space<vmem>>, vector<16xi32>,
      %eq3A_1083 = arith.cmpi eq, %get3A_1082, %get3A_1068 : vector<16xi32>
      %select_n3A_1084 = arith.select %eq3A_1083, %broadcast_in_dim3A_20, %broadcast_in_dim3A_22 : vector<16xi1>, vector<16xi32>
      %add3A_1085 = arith.addi %add3A_1080, %select_n3A_1084 : vector<16xi32>
      %get3A_1086 = arith.constant 12 : index
      %get3A_1087 = tpu.vector_load %arg20[%get3A_1086] {strides = array<i32>} : memref<48xi32, #tpu.memory_space<vmem>>, vector<16xi32>,
      %eq3A_1088 = arith.cmpi eq, %get3A_1087, %get3A_1068 : vector<16xi32>
      %select_n3A_1089 = arith.select %eq3A_1088, %broadcast_in_dim3A_20, %broadcast_in_dim3A_22 : vector<16xi1>, vector<16xi32>
      %add3A_1090 = arith.addi %add3A_1085, %select_n3A_1089 : vector<16xi32>
      %get3A_1091 = arith.constant 11 : index
      %get3A_1092 = tpu.vector_load %arg20[%get3A_1091] {strides = array<i32>} : memref<48xi32, #tpu.memory_space<vmem>>, vector<16xi32>,
      %eq3A_1093 = arith.cmpi eq, %get3A_1092, %get3A_1068 : vector<16xi32>
      %select_n3A_1094 = arith.select %eq3A_1093, %broadcast_in_dim3A_20, %broadcast_in_dim3A_22 : vector<16xi1>, vector<16xi32>
      %add3A_1095 = arith.addi %add3A_1090, %select_n3A_1094 : vector<16xi32>
      %get3A_1096 = arith.constant 10 : index
      %get3A_1097 = tpu.vector_load %arg20[%get3A_1096] {strides = array<i32>} : memref<48xi32, #tpu.memory_space<vmem>>, vector<16xi32>,
      %eq3A_1098 = arith.cmpi eq, %get3A_1097, %get3A_1068 : vector<16xi32>
      %select_n3A_1099 = arith.select %eq3A_1098, %broadcast_in_dim3A_20, %broadcast_in_dim3A_22 : vector<16xi1>, vector<16xi32>
      %add3A_1100 = arith.addi %add3A_1095, %select_n3A_1099 : vector<16xi32>
      %get3A_1101 = arith.constant 9 : index
      %get3A_1102 = tpu.vector_load %arg20[%get3A_1101] {strides = array<i32>} : memref<48xi32, #tpu.memory_space<vmem>>, vector<16xi32>,
      %eq3A_1103 = arith.cmpi eq, %get3A_1102, %get3A_1068 : vector<16xi32>
      %select_n3A_1104 = arith.select %eq3A_1103, %broadcast_in_dim3A_20, %broadcast_in_dim3A_22 : vector<16xi1>, vector<16xi32>
      %add3A_1105 = arith.addi %add3A_1100, %select_n3A_1104 : vector<16xi32>
      %get3A_1106 = arith.constant 8 : index
      %get3A_1107 = tpu.vector_load %arg20[%get3A_1106] {strides = array<i32>} : memref<48xi32, #tpu.memory_space<vmem>>, vector<16xi32>,
      %eq3A_1108 = arith.cmpi eq, %get3A_1107, %get3A_1068 : vector<16xi32>
      %select_n3A_1109 = arith.select %eq3A_1108, %broadcast_in_dim3A_20, %broadcast_in_dim3A_22 : vector<16xi1>, vector<16xi32>
      %add3A_1110 = arith.addi %add3A_1105, %select_n3A_1109 : vector<16xi32>
      %get3A_1111 = arith.constant 7 : index
      %get3A_1112 = tpu.vector_load %arg20[%get3A_1111] {strides = array<i32>} : memref<48xi32, #tpu.memory_space<vmem>>, vector<16xi32>,
      %eq3A_1113 = arith.cmpi eq, %get3A_1112, %get3A_1068 : vector<16xi32>
      %select_n3A_1114 = arith.select %eq3A_1113, %broadcast_in_dim3A_20, %broadcast_in_dim3A_22 : vector<16xi1>, vector<16xi32>
      %add3A_1115 = arith.addi %add3A_1110, %select_n3A_1114 : vector<16xi32>
      %get3A_1116 = arith.constant 6 : index
      %get3A_1117 = tpu.vector_load %arg20[%get3A_1116] {strides = array<i32>} : memref<48xi32, #tpu.memory_space<vmem>>, vector<16xi32>,
      %eq3A_1118 = arith.cmpi eq, %get3A_1117, %get3A_1068 : vector<16xi32>
      %select_n3A_1119 = arith.select %eq3A_1118, %broadcast_in_dim3A_20, %broadcast_in_dim3A_22 : vector<16xi1>, vector<16xi32>
      %add3A_1120 = arith.addi %add3A_1115, %select_n3A_1119 : vector<16xi32>
      %get3A_1121 = arith.constant 5 : index
      %get3A_1122 = tpu.vector_load %arg20[%get3A_1121] {strides = array<i32>} : memref<48xi32, #tpu.memory_space<vmem>>, vector<16xi32>,
      %eq3A_1123 = arith.cmpi eq, %get3A_1122, %get3A_1068 : vector<16xi32>
      %select_n3A_1124 = arith.select %eq3A_1123, %broadcast_in_dim3A_20, %broadcast_in_dim3A_22 : vector<16xi1>, vector<16xi32>
      %add3A_1125 = arith.addi %add3A_1120, %select_n3A_1124 : vector<16xi32>
      %get3A_1126 = arith.constant 4 : index
      %get3A_1127 = tpu.vector_load %arg20[%get3A_1126] {strides = array<i32>} : memref<48xi32, #tpu.memory_space<vmem>>, vector<16xi32>,
      %eq3A_1128 = arith.cmpi eq, %get3A_1127, %get3A_1068 : vector<16xi32>
      %select_n3A_1129 = arith.select %eq3A_1128, %broadcast_in_dim3A_20, %broadcast_in_dim3A_22 : vector<16xi1>, vector<16xi32>
      %add3A_1130 = arith.addi %add3A_1125, %select_n3A_1129 : vector<16xi32>
      %get3A_1131 = arith.constant 3 : index
      %get3A_1132 = tpu.vector_load %arg20[%get3A_1131] {strides = array<i32>} : memref<48xi32, #tpu.memory_space<vmem>>, vector<16xi32>,
      %eq3A_1133 = arith.cmpi eq, %get3A_1132, %get3A_1068 : vector<16xi32>
      %select_n3A_1134 = arith.select %eq3A_1133, %broadcast_in_dim3A_20, %broadcast_in_dim3A_22 : vector<16xi1>, vector<16xi32>
      %add3A_1135 = arith.addi %add3A_1130, %select_n3A_1134 : vector<16xi32>
      %get3A_1136 = arith.constant 2 : index
      %get3A_1137 = tpu.vector_load %arg20[%get3A_1136] {strides = array<i32>} : memref<48xi32, #tpu.memory_space<vmem>>, vector<16xi32>,
      %eq3A_1138 = arith.cmpi eq, %get3A_1137, %get3A_1068 : vector<16xi32>
      %select_n3A_1139 = arith.select %eq3A_1138, %broadcast_in_dim3A_20, %broadcast_in_dim3A_22 : vector<16xi1>, vector<16xi32>
      %add3A_1140 = arith.addi %add3A_1135, %select_n3A_1139 : vector<16xi32>
      %get3A_1141 = arith.constant 1 : index
      %get3A_1142 = tpu.vector_load %arg20[%get3A_1141] {strides = array<i32>} : memref<48xi32, #tpu.memory_space<vmem>>, vector<16xi32>,
      %eq3A_1143 = arith.cmpi eq, %get3A_1142, %get3A_1068 : vector<16xi32>
      %select_n3A_1144 = arith.select %eq3A_1143, %broadcast_in_dim3A_20, %broadcast_in_dim3A_22 : vector<16xi1>, vector<16xi32>
      %add3A_1145 = arith.addi %add3A_1140, %select_n3A_1144 : vector<16xi32>
      %gather3A_1146 = tpu.vector_load_idx %arg10[%get3A_1068] : memref<976xi32, #tpu.memory_space<vmem>>[vector<16xi32>], vector<16xi32>,
      %add3A_1147 = arith.addi %gather3A_1146, %add3A_1145 : vector<16xi32>
      %swap3A_1148 = arith.constant 0 : i32
      %swap3A_1149 = arith.index_cast %swap3A_1148 : i32 to index
      %swap3A_1150 = arith.constant 64 : index
      %swap3A_1151 = tpu.vector_load %arg17[%swap3A_1149, %swap3A_1150] {strides = array<i32>} : memref<2x80xi32, #tpu.memory_space<vmem>>, vector<16xi32>,
      tpu.vector_store %arg17[%swap3A_1149, %swap3A_1150], %add3A_1147 {strides = array<i32>} : memref<2x80xi32, #tpu.memory_space<vmem>>, vector<16xi32>,
      tpu.vector_store_idx %arg10[%get3A_1068], %broadcast_in_dim3A_20 {add = true} : memref<976xi32, #tpu.memory_space<vmem>>[vector<16xi32>], vector<16xi32>,
      %parallel_loop3A_1152 = arith.constant 0 : i32
      %parallel_loop3A_1153 = arith.constant 80 : i32
      %parallel_loop3A_1154 = arith.constant 1 : i32
      scf.for %parallel_loop3A_1867 = %parallel_loop3A_1152 to %parallel_loop3A_1153 step %parallel_loop3A_1154  : i32 {
        %parallel_loop3A_1868 = arith.constant 0 : i32
        %parallel_loop3A_1869 = arith.index_cast %parallel_loop3A_1868 : i32 to index
        %parallel_loop3A_1870 = arith.index_cast %parallel_loop3A_1867 : i32 to index
        %parallel_loop3A_1871 = arith.constant 0 : index
        %parallel_loop3A_1872 = tpu.vector_load %arg14[%parallel_loop3A_1869, %parallel_loop3A_1870, %parallel_loop3A_1871] {strides = array<i32>} : memref<2x80x128xbf16, #tpu.memory_space<vmem>>, vector<32xbf16>,
        %parallel_loop3A_1873 = tpu.unpack_subelements %parallel_loop3A_1872, 0 {pack_format = #tpu.pack_format<interleaved>} : vector<32xbf16> -> vector<16xf32>
        %parallel_loop3A_1874 = tpu.unpack_subelements %parallel_loop3A_1872, 1 {pack_format = #tpu.pack_format<interleaved>} : vector<32xbf16> -> vector<16xf32>
        %parallel_loop3A_1875 = arith.constant 0 : i32
        %parallel_loop3A_1876 = arith.index_cast %parallel_loop3A_1875 : i32 to index
        %parallel_loop3A_1877 = arith.index_cast %parallel_loop3A_1867 : i32 to index
        %parallel_loop3A_1878 = arith.constant 0 : index
        %parallel_loop3A_1879 = tpu.vector_load %arg16[%parallel_loop3A_1876, %parallel_loop3A_1877, %parallel_loop3A_1878] {strides = array<i32>} : memref<2x80x128xbf16, #tpu.memory_space<vmem>>, vector<32xbf16>,
        %parallel_loop3A_1880 = tpu.unpack_subelements %parallel_loop3A_1879, 0 {pack_format = #tpu.pack_format<interleaved>} : vector<32xbf16> -> vector<16xf32>
        %parallel_loop3A_1881 = tpu.unpack_subelements %parallel_loop3A_1879, 1 {pack_format = #tpu.pack_format<interleaved>} : vector<32xbf16> -> vector<16xf32>
        %parallel_loop3A_1882 = arith.constant 0 : i32
        %parallel_loop3A_1883 = arith.index_cast %parallel_loop3A_1882 : i32 to index
        %parallel_loop3A_1884 = arith.index_cast %parallel_loop3A_1867 : i32 to index
        %parallel_loop3A_1885 = arith.constant 0 : index
        %parallel_loop3A_1886 = tpu.vector_load %arg15[%parallel_loop3A_1883, %parallel_loop3A_1884, %parallel_loop3A_1885] {strides = array<i32>} : memref<2x80x128xbf16, #tpu.memory_space<vmem>>, vector<32xbf16>,
        %parallel_loop3A_1887 = tpu.unpack_subelements %parallel_loop3A_1886, 0 {pack_format = #tpu.pack_format<interleaved>} : vector<32xbf16> -> vector<16xf32>
        %parallel_loop3A_1888 = tpu.unpack_subelements %parallel_loop3A_1886, 1 {pack_format = #tpu.pack_format<interleaved>} : vector<32xbf16> -> vector<16xf32>
        %parallel_loop3A_1889 = arith.mulf %parallel_loop3A_1873, %parallel_loop3A_1880 : vector<16xf32>
        %parallel_loop3A_1890 = arith.mulf %parallel_loop3A_1889, %parallel_loop3A_1887 : vector<16xf32>
        %parallel_loop3A_1891 = arith.mulf %parallel_loop3A_1874, %parallel_loop3A_1881 : vector<16xf32>
        %parallel_loop3A_1892 = arith.mulf %parallel_loop3A_1891, %parallel_loop3A_1888 : vector<16xf32>
        %parallel_loop3A_1893 = arith.addf %parallel_loop3A_1890, %parallel_loop3A_1892 : vector<16xf32>
        %parallel_loop3A_1894 = arith.constant 0 : i32
        %parallel_loop3A_1895 = arith.index_cast %parallel_loop3A_1894 : i32 to index
        %parallel_loop3A_1896 = arith.index_cast %parallel_loop3A_1867 : i32 to index
        %parallel_loop3A_1897 = arith.constant 32 : index
        %parallel_loop3A_1898 = tpu.vector_load %arg14[%parallel_loop3A_1895, %parallel_loop3A_1896, %parallel_loop3A_1897] {strides = array<i32>} : memref<2x80x128xbf16, #tpu.memory_space<vmem>>, vector<32xbf16>,
        %parallel_loop3A_1899 = tpu.unpack_subelements %parallel_loop3A_1898, 0 {pack_format = #tpu.pack_format<interleaved>} : vector<32xbf16> -> vector<16xf32>
        %parallel_loop3A_1900 = tpu.unpack_subelements %parallel_loop3A_1898, 1 {pack_format = #tpu.pack_format<interleaved>} : vector<32xbf16> -> vector<16xf32>
        %parallel_loop3A_1901 = arith.constant 0 : i32
        %parallel_loop3A_1902 = arith.index_cast %parallel_loop3A_1901 : i32 to index
        %parallel_loop3A_1903 = arith.index_cast %parallel_loop3A_1867 : i32 to index
        %parallel_loop3A_1904 = arith.constant 32 : index
        %parallel_loop3A_1905 = tpu.vector_load %arg16[%parallel_loop3A_1902, %parallel_loop3A_1903, %parallel_loop3A_1904] {strides = array<i32>} : memref<2x80x128xbf16, #tpu.memory_space<vmem>>, vector<32xbf16>,
        %parallel_loop3A_1906 = tpu.unpack_subelements %parallel_loop3A_1905, 0 {pack_format = #tpu.pack_format<interleaved>} : vector<32xbf16> -> vector<16xf32>
        %parallel_loop3A_1907 = tpu.unpack_subelements %parallel_loop3A_1905, 1 {pack_format = #tpu.pack_format<interleaved>} : vector<32xbf16> -> vector<16xf32>
        %parallel_loop3A_1908 = arith.constant 0 : i32
        %parallel_loop3A_1909 = arith.index_cast %parallel_loop3A_1908 : i32 to index
        %parallel_loop3A_1910 = arith.index_cast %parallel_loop3A_1867 : i32 to index
        %parallel_loop3A_1911 = arith.constant 32 : index
        %parallel_loop3A_1912 = tpu.vector_load %arg15[%parallel_loop3A_1909, %parallel_loop3A_1910, %parallel_loop3A_1911] {strides = array<i32>} : memref<2x80x128xbf16, #tpu.memory_space<vmem>>, vector<32xbf16>,
        %parallel_loop3A_1913 = tpu.unpack_subelements %parallel_loop3A_1912, 0 {pack_format = #tpu.pack_format<interleaved>} : vector<32xbf16> -> vector<16xf32>
        %parallel_loop3A_1914 = tpu.unpack_subelements %parallel_loop3A_1912, 1 {pack_format = #tpu.pack_format<interleaved>} : vector<32xbf16> -> vector<16xf32>
        %parallel_loop3A_1915 = arith.mulf %parallel_loop3A_1899, %parallel_loop3A_1906 : vector<16xf32>
        %parallel_loop3A_1916 = arith.mulf %parallel_loop3A_1915, %parallel_loop3A_1913 : vector<16xf32>
        %parallel_loop3A_1917 = arith.mulf %parallel_loop3A_1900, %parallel_loop3A_1907 : vector<16xf32>
        %parallel_loop3A_1918 = arith.mulf %parallel_loop3A_1917, %parallel_loop3A_1914 : vector<16xf32>
        %parallel_loop3A_1919 = arith.addf %parallel_loop3A_1916, %parallel_loop3A_1918 : vector<16xf32>
        %parallel_loop3A_1920 = arith.addf %parallel_loop3A_1893, %parallel_loop3A_1919 : vector<16xf32>
        %parallel_loop3A_1921 = arith.constant 0 : i32
        %parallel_loop3A_1922 = arith.index_cast %parallel_loop3A_1921 : i32 to index
        %parallel_loop3A_1923 = arith.index_cast %parallel_loop3A_1867 : i32 to index
        %parallel_loop3A_1924 = arith.constant 64 : index
        %parallel_loop3A_1925 = tpu.vector_load %arg14[%parallel_loop3A_1922, %parallel_loop3A_1923, %parallel_loop3A_1924] {strides = array<i32>} : memref<2x80x128xbf16, #tpu.memory_space<vmem>>, vector<32xbf16>,
        %parallel_loop3A_1926 = tpu.unpack_subelements %parallel_loop3A_1925, 0 {pack_format = #tpu.pack_format<interleaved>} : vector<32xbf16> -> vector<16xf32>
        %parallel_loop3A_1927 = tpu.unpack_subelements %parallel_loop3A_1925, 1 {pack_format = #tpu.pack_format<interleaved>} : vector<32xbf16> -> vector<16xf32>
        %parallel_loop3A_1928 = arith.constant 0 : i32
        %parallel_loop3A_1929 = arith.index_cast %parallel_loop3A_1928 : i32 to index
        %parallel_loop3A_1930 = arith.index_cast %parallel_loop3A_1867 : i32 to index
        %parallel_loop3A_1931 = arith.constant 64 : index
        %parallel_loop3A_1932 = tpu.vector_load %arg16[%parallel_loop3A_1929, %parallel_loop3A_1930, %parallel_loop3A_1931] {strides = array<i32>} : memref<2x80x128xbf16, #tpu.memory_space<vmem>>, vector<32xbf16>,
        %parallel_loop3A_1933 = tpu.unpack_subelements %parallel_loop3A_1932, 0 {pack_format = #tpu.pack_format<interleaved>} : vector<32xbf16> -> vector<16xf32>
        %parallel_loop3A_1934 = tpu.unpack_subelements %parallel_loop3A_1932, 1 {pack_format = #tpu.pack_format<interleaved>} : vector<32xbf16> -> vector<16xf32>
        %parallel_loop3A_1935 = arith.constant 0 : i32
        %parallel_loop3A_1936 = arith.index_cast %parallel_loop3A_1935 : i32 to index
        %parallel_loop3A_1937 = arith.index_cast %parallel_loop3A_1867 : i32 to index
        %parallel_loop3A_1938 = arith.constant 64 : index
        %parallel_loop3A_1939 = tpu.vector_load %arg15[%parallel_loop3A_1936, %parallel_loop3A_1937, %parallel_loop3A_1938] {strides = array<i32>} : memref<2x80x128xbf16, #tpu.memory_space<vmem>>, vector<32xbf16>,
        %parallel_loop3A_1940 = tpu.unpack_subelements %parallel_loop3A_1939, 0 {pack_format = #tpu.pack_format<interleaved>} : vector<32xbf16> -> vector<16xf32>
        %parallel_loop3A_1941 = tpu.unpack_subelements %parallel_loop3A_1939, 1 {pack_format = #tpu.pack_format<interleaved>} : vector<32xbf16> -> vector<16xf32>
        %parallel_loop3A_1942 = arith.mulf %parallel_loop3A_1926, %parallel_loop3A_1933 : vector<16xf32>
        %parallel_loop3A_1943 = arith.mulf %parallel_loop3A_1942, %parallel_loop3A_1940 : vector<16xf32>
        %parallel_loop3A_1944 = arith.mulf %parallel_loop3A_1927, %parallel_loop3A_1934 : vector<16xf32>
        %parallel_loop3A_1945 = arith.mulf %parallel_loop3A_1944, %parallel_loop3A_1941 : vector<16xf32>
        %parallel_loop3A_1946 = arith.addf %parallel_loop3A_1943, %parallel_loop3A_1945 : vector<16xf32>
        %parallel_loop3A_1947 = arith.addf %parallel_loop3A_1920, %parallel_loop3A_1946 : vector<16xf32>
        %parallel_loop3A_1948 = arith.constant 0 : i32
        %parallel_loop3A_1949 = arith.index_cast %parallel_loop3A_1948 : i32 to index
        %parallel_loop3A_1950 = arith.index_cast %parallel_loop3A_1867 : i32 to index
        %parallel_loop3A_1951 = arith.constant 96 : index
        %parallel_loop3A_1952 = tpu.vector_load %arg14[%parallel_loop3A_1949, %parallel_loop3A_1950, %parallel_loop3A_1951] {strides = array<i32>} : memref<2x80x128xbf16, #tpu.memory_space<vmem>>, vector<32xbf16>,
        %parallel_loop3A_1953 = tpu.unpack_subelements %parallel_loop3A_1952, 0 {pack_format = #tpu.pack_format<interleaved>} : vector<32xbf16> -> vector<16xf32>
        %parallel_loop3A_1954 = tpu.unpack_subelements %parallel_loop3A_1952, 1 {pack_format = #tpu.pack_format<interleaved>} : vector<32xbf16> -> vector<16xf32>
        %parallel_loop3A_1955 = arith.constant 0 : i32
        %parallel_loop3A_1956 = arith.index_cast %parallel_loop3A_1955 : i32 to index
        %parallel_loop3A_1957 = arith.index_cast %parallel_loop3A_1867 : i32 to index
        %parallel_loop3A_1958 = arith.constant 96 : index
        %parallel_loop3A_1959 = tpu.vector_load %arg16[%parallel_loop3A_1956, %parallel_loop3A_1957, %parallel_loop3A_1958] {strides = array<i32>} : memref<2x80x128xbf16, #tpu.memory_space<vmem>>, vector<32xbf16>,
        %parallel_loop3A_1960 = tpu.unpack_subelements %parallel_loop3A_1959, 0 {pack_format = #tpu.pack_format<interleaved>} : vector<32xbf16> -> vector<16xf32>
        %parallel_loop3A_1961 = tpu.unpack_subelements %parallel_loop3A_1959, 1 {pack_format = #tpu.pack_format<interleaved>} : vector<32xbf16> -> vector<16xf32>
        %parallel_loop3A_1962 = arith.constant 0 : i32
        %parallel_loop3A_1963 = arith.index_cast %parallel_loop3A_1962 : i32 to index
        %parallel_loop3A_1964 = arith.index_cast %parallel_loop3A_1867 : i32 to index
        %parallel_loop3A_1965 = arith.constant 96 : index
        %parallel_loop3A_1966 = tpu.vector_load %arg15[%parallel_loop3A_1963, %parallel_loop3A_1964, %parallel_loop3A_1965] {strides = array<i32>} : memref<2x80x128xbf16, #tpu.memory_space<vmem>>, vector<32xbf16>,
        %parallel_loop3A_1967 = tpu.unpack_subelements %parallel_loop3A_1966, 0 {pack_format = #tpu.pack_format<interleaved>} : vector<32xbf16> -> vector<16xf32>
        %parallel_loop3A_1968 = tpu.unpack_subelements %parallel_loop3A_1966, 1 {pack_format = #tpu.pack_format<interleaved>} : vector<32xbf16> -> vector<16xf32>
        %parallel_loop3A_1969 = arith.mulf %parallel_loop3A_1953, %parallel_loop3A_1960 : vector<16xf32>
        %parallel_loop3A_1970 = arith.mulf %parallel_loop3A_1969, %parallel_loop3A_1967 : vector<16xf32>
        %parallel_loop3A_1971 = arith.mulf %parallel_loop3A_1954, %parallel_loop3A_1961 : vector<16xf32>
        %parallel_loop3A_1972 = arith.mulf %parallel_loop3A_1971, %parallel_loop3A_1968 : vector<16xf32>
        %parallel_loop3A_1973 = arith.addf %parallel_loop3A_1970, %parallel_loop3A_1972 : vector<16xf32>
        %parallel_loop3A_1974 = arith.addf %parallel_loop3A_1947, %parallel_loop3A_1973 : vector<16xf32>
        %parallel_loop3A_1975 = arith.constant true
        %parallel_loop3A_1976 = vector.broadcast %parallel_loop3A_1975 : i1 to vector<16xi1>
        %parallel_loop3A_1977 = tpu.scan <sum>, %parallel_loop3A_1974 masked %parallel_loop3A_1976 : vector<16xf32>, vector<16xi1> -> vector<16xf32>
        %parallel_loop3A_1978 = arith.index_cast %parallel_loop3A_1867 : i32 to index
        %parallel_loop3A_1979 = arith.constant 0 : index
        %parallel_loop3A_1980 = tpu.vector_load %arg19[%parallel_loop3A_1978, %parallel_loop3A_1979] {strides = array<i32>} : memref<80x16xf32, #tpu.memory_space<vmem>>, vector<16xf32>,
        tpu.vector_store %arg19[%parallel_loop3A_1978, %parallel_loop3A_1979], %parallel_loop3A_1977 {strides = array<i32>} : memref<80x16xf32, #tpu.memory_space<vmem>>, vector<16xf32>,
      } {sc.loop_unroll_factor = 2 : i64, sc.parallel_access}
      %add3A_1155 = arith.constant 0 : i32
      %add3A_1156 = vector.broadcast %add3A_1155 : i32 to vector<16xi32>
      %add3A_1157 = arith.addi %iota3A, %add3A_1156 : vector<16xi32>
      %gather3A_1158 = tpu.vector_load_idx %arg19[%add3A_1157, %broadcast_in_dim3A_24] : memref<80x16xf32, #tpu.memory_space<vmem>>[vector<16xi32>, vector<16xi32>], vector<16xf32>,
      %neg3A_1159 = arith.constant 0.000000e+00 : f32
      %neg3A_1160 = vector.broadcast %neg3A_1159 : f32 to vector<16xf32>
      %neg3A_1161 = arith.subf %neg3A_1160, %gather3A_1158 : vector<16xf32>
      %exp3A_1162 = math.exp %neg3A_1161 : vector<16xf32>
      %add3A_1163 = arith.constant 1.000000e+00 : f32
      %add3A_1164 = vector.broadcast %add3A_1163 : f32 to vector<16xf32>
      %add3A_1165 = arith.addf %add3A_1164, %exp3A_1162 : vector<16xf32>
      %div3A_1166 = arith.constant 1.000000e+00 : f32
      %div3A_1167 = vector.broadcast %div3A_1166 : f32 to vector<16xf32>
      %div3A_1168 = arith.divf %div3A_1167, %add3A_1165 : vector<16xf32>
      %swap3A_1169 = arith.constant 0 : i32
      %swap3A_1170 = arith.index_cast %swap3A_1169 : i32 to index
      %swap3A_1171 = arith.constant 0 : index
      %swap3A_1172 = tpu.vector_load %arg18[%swap3A_1170, %swap3A_1171] {strides = array<i32>} : memref<2x80xf32, #tpu.memory_space<vmem>>, vector<16xf32>,
      tpu.vector_store %arg18[%swap3A_1170, %swap3A_1171], %div3A_1168 {strides = array<i32>} : memref<2x80xf32, #tpu.memory_space<vmem>>, vector<16xf32>,
      %add3A_1173 = arith.constant 16 : i32
      %add3A_1174 = vector.broadcast %add3A_1173 : i32 to vector<16xi32>
      %add3A_1175 = arith.addi %iota3A, %add3A_1174 : vector<16xi32>
      %gather3A_1176 = tpu.vector_load_idx %arg19[%add3A_1175, %broadcast_in_dim3A_24] : memref<80x16xf32, #tpu.memory_space<vmem>>[vector<16xi32>, vector<16xi32>], vector<16xf32>,
      %neg3A_1177 = arith.constant 0.000000e+00 : f32
      %neg3A_1178 = vector.broadcast %neg3A_1177 : f32 to vector<16xf32>
      %neg3A_1179 = arith.subf %neg3A_1178, %gather3A_1176 : vector<16xf32>
      %exp3A_1180 = math.exp %neg3A_1179 : vector<16xf32>
      %add3A_1181 = arith.constant 1.000000e+00 : f32
      %add3A_1182 = vector.broadcast %add3A_1181 : f32 to vector<16xf32>
      %add3A_1183 = arith.addf %add3A_1182, %exp3A_1180 : vector<16xf32>
      %div3A_1184 = arith.constant 1.000000e+00 : f32
      %div3A_1185 = vector.broadcast %div3A_1184 : f32 to vector<16xf32>
      %div3A_1186 = arith.divf %div3A_1185, %add3A_1183 : vector<16xf32>
      %swap3A_1187 = arith.constant 0 : i32
      %swap3A_1188 = arith.index_cast %swap3A_1187 : i32 to index
      %swap3A_1189 = arith.constant 16 : index
      %swap3A_1190 = tpu.vector_load %arg18[%swap3A_1188, %swap3A_1189] {strides = array<i32>} : memref<2x80xf32, #tpu.memory_space<vmem>>, vector<16xf32>,
      tpu.vector_store %arg18[%swap3A_1188, %swap3A_1189], %div3A_1186 {strides = array<i32>} : memref<2x80xf32, #tpu.memory_space<vmem>>, vector<16xf32>,
      %add3A_1191 = arith.constant 32 : i32
      %add3A_1192 = vector.broadcast %add3A_1191 : i32 to vector<16xi32>
      %add3A_1193 = arith.addi %iota3A, %add3A_1192 : vector<16xi32>
      %gather3A_1194 = tpu.vector_load_idx %arg19[%add3A_1193, %broadcast_in_dim3A_24] : memref<80x16xf32, #tpu.memory_space<vmem>>[vector<16xi32>, vector<16xi32>], vector<16xf32>,
      %neg3A_1195 = arith.constant 0.000000e+00 : f32
      %neg3A_1196 = vector.broadcast %neg3A_1195 : f32 to vector<16xf32>
      %neg3A_1197 = arith.subf %neg3A_1196, %gather3A_1194 : vector<16xf32>
      %exp3A_1198 = math.exp %neg3A_1197 : vector<16xf32>
      %add3A_1199 = arith.constant 1.000000e+00 : f32
      %add3A_1200 = vector.broadcast %add3A_1199 : f32 to vector<16xf32>
      %add3A_1201 = arith.addf %add3A_1200, %exp3A_1198 : vector<16xf32>
      %div3A_1202 = arith.constant 1.000000e+00 : f32
      %div3A_1203 = vector.broadcast %div3A_1202 : f32 to vector<16xf32>
      %div3A_1204 = arith.divf %div3A_1203, %add3A_1201 : vector<16xf32>
      %swap3A_1205 = arith.constant 0 : i32
      %swap3A_1206 = arith.index_cast %swap3A_1205 : i32 to index
      %swap3A_1207 = arith.constant 32 : index
      %swap3A_1208 = tpu.vector_load %arg18[%swap3A_1206, %swap3A_1207] {strides = array<i32>} : memref<2x80xf32, #tpu.memory_space<vmem>>, vector<16xf32>,
      tpu.vector_store %arg18[%swap3A_1206, %swap3A_1207], %div3A_1204 {strides = array<i32>} : memref<2x80xf32, #tpu.memory_space<vmem>>, vector<16xf32>,
      %add3A_1209 = arith.constant 48 : i32
      %add3A_1210 = vector.broadcast %add3A_1209 : i32 to vector<16xi32>
      %add3A_1211 = arith.addi %iota3A, %add3A_1210 : vector<16xi32>
      %gather3A_1212 = tpu.vector_load_idx %arg19[%add3A_1211, %broadcast_in_dim3A_24] : memref<80x16xf32, #tpu.memory_space<vmem>>[vector<16xi32>, vector<16xi32>], vector<16xf32>,
      %neg3A_1213 = arith.constant 0.000000e+00 : f32
      %neg3A_1214 = vector.broadcast %neg3A_1213 : f32 to vector<16xf32>
      %neg3A_1215 = arith.subf %neg3A_1214, %gather3A_1212 : vector<16xf32>
      %exp3A_1216 = math.exp %neg3A_1215 : vector<16xf32>
      %add3A_1217 = arith.constant 1.000000e+00 : f32
      %add3A_1218 = vector.broadcast %add3A_1217 : f32 to vector<16xf32>
      %add3A_1219 = arith.addf %add3A_1218, %exp3A_1216 : vector<16xf32>
      %div3A_1220 = arith.constant 1.000000e+00 : f32
      %div3A_1221 = vector.broadcast %div3A_1220 : f32 to vector<16xf32>
      %div3A_1222 = arith.divf %div3A_1221, %add3A_1219 : vector<16xf32>
      %swap3A_1223 = arith.constant 0 : i32
      %swap3A_1224 = arith.index_cast %swap3A_1223 : i32 to index
      %swap3A_1225 = arith.constant 48 : index
      %swap3A_1226 = tpu.vector_load %arg18[%swap3A_1224, %swap3A_1225] {strides = array<i32>} : memref<2x80xf32, #tpu.memory_space<vmem>>, vector<16xf32>,
      tpu.vector_store %arg18[%swap3A_1224, %swap3A_1225], %div3A_1222 {strides = array<i32>} : memref<2x80xf32, #tpu.memory_space<vmem>>, vector<16xf32>,
      %add3A_1227 = arith.constant 64 : i32
      %add3A_1228 = vector.broadcast %add3A_1227 : i32 to vector<16xi32>
      %add3A_1229 = arith.addi %iota3A, %add3A_1228 : vector<16xi32>
      %gather3A_1230 = tpu.vector_load_idx %arg19[%add3A_1229, %broadcast_in_dim3A_24] : memref<80x16xf32, #tpu.memory_space<vmem>>[vector<16xi32>, vector<16xi32>], vector<16xf32>,
      %neg3A_1231 = arith.constant 0.000000e+00 : f32
      %neg3A_1232 = vector.broadcast %neg3A_1231 : f32 to vector<16xf32>
      %neg3A_1233 = arith.subf %neg3A_1232, %gather3A_1230 : vector<16xf32>
      %exp3A_1234 = math.exp %neg3A_1233 : vector<16xf32>
      %add3A_1235 = arith.constant 1.000000e+00 : f32
      %add3A_1236 = vector.broadcast %add3A_1235 : f32 to vector<16xf32>
      %add3A_1237 = arith.addf %add3A_1236, %exp3A_1234 : vector<16xf32>
      %div3A_1238 = arith.constant 1.000000e+00 : f32
      %div3A_1239 = vector.broadcast %div3A_1238 : f32 to vector<16xf32>
      %div3A_1240 = arith.divf %div3A_1239, %add3A_1237 : vector<16xf32>
      %swap3A_1241 = arith.constant 0 : i32
      %swap3A_1242 = arith.index_cast %swap3A_1241 : i32 to index
      %swap3A_1243 = arith.constant 64 : index
      %swap3A_1244 = tpu.vector_load %arg18[%swap3A_1242, %swap3A_1243] {strides = array<i32>} : memref<2x80xf32, #tpu.memory_space<vmem>>, vector<16xf32>,
      tpu.vector_store %arg18[%swap3A_1242, %swap3A_1243], %div3A_1240 {strides = array<i32>} : memref<2x80xf32, #tpu.memory_space<vmem>>, vector<16xf32>,
      %dma_start3A_1245 = arith.constant 0 : i32
      %dma_start3A_1246 = arith.constant 0 : i32
      %dma_start3A_1247 = arith.constant 0 : i32
      %dma_start3A_1248 = tpu.memref_slice %arg18[%dma_start3A_1245, %dma_start3A_1247] : memref<2x80xf32, #tpu.memory_space<vmem>> -> memref<1x80xf32, #tpu.memory_space<vmem>>
      %dma_start3A_1249 = tpu.memref_squeeze %dma_start3A_1248 : memref<1x80xf32, #tpu.memory_space<vmem>> -> memref<80xf32, #tpu.memory_space<vmem>>
      %dma_start3A_1250 = arith.constant 0 : i32
      %dma_start3A_1251 = tpu.memref_slice %arg17[%dma_start3A_1246, %dma_start3A_1250] : memref<2x80xi32, #tpu.memory_space<vmem>> -> memref<1x80xi32, #tpu.memory_space<vmem>>
      %dma_start3A_1252 = tpu.memref_squeeze %dma_start3A_1251 : memref<1x80xi32, #tpu.memory_space<vmem>> -> memref<80xi32, #tpu.memory_space<vmem>>
      %dma_start3A_1253 = arith.constant 0 : i32
      %dma_start3A_1254 = tpu.memref_slice %arg8[%dma_start3A_1253] : memref<320000xf32, #tpu.memory_space<hbm>> -> memref<320000xf32, #tpu.memory_space<hbm>>
      tpu.enqueue_indirect_dma source(%dma_start3A_1249 : memref<80xf32, #tpu.memory_space<vmem>>) target(%dma_start3A_1254 : memref<320000xf32, #tpu.memory_space<hbm>>) offsets(%dma_start3A_1252 : memref<80xi32, #tpu.memory_space<vmem>>) semaphore(%arg27 : memref<!tpu.dma_semaphore, #tpu.memory_space<semaphore_mem>>)
      %add3A_1255 = arith.constant 2 : i32
      %add3A_1256 = arith.addi %mul3A_643, %add3A_1255 : i32
      %mul3A_1257 = arith.constant 80 : i32
      %mul3A_1258 = arith.muli %add3A_1256, %mul3A_1257 : i32
      %dma_start3A_1259 = arith.constant 0 : i32
      %dma_start3A_1260 = arith.constant 0 : i32
      %dma_start3A_1261 = arith.constant 0 : i32
      %dma_start3A_1262 = tpu.memref_slice %arg14[%dma_start3A_1259, %dma_start3A_1260, %dma_start3A_1261] : memref<2x80x128xbf16, #tpu.memory_space<vmem>> -> memref<1x80x128xbf16, #tpu.memory_space<vmem>>
      %dma_start3A_1263 = tpu.memref_squeeze %dma_start3A_1262 : memref<1x80x128xbf16, #tpu.memory_space<vmem>> -> memref<80x128xbf16, #tpu.memory_space<vmem>>
      %dma_start3A_1264 = tpu.memref_slice %arg11[%mul3A_1258] : memref<10000xi32, #tpu.memory_space<vmem>> -> memref<80xi32, #tpu.memory_space<vmem>>
      %dma_start3A_1265 = arith.constant 0 : i32
      %dma_start3A_1266 = arith.constant 0 : i32
      %dma_start3A_1267 = tpu.memref_slice %arg2[%dma_start3A_1265, %dma_start3A_1266] : memref<10000x128xbf16, #tpu.memory_space<hbm>> -> memref<10000x128xbf16, #tpu.memory_space<hbm>>
      tpu.enqueue_indirect_dma source(%dma_start3A_1267 : memref<10000x128xbf16, #tpu.memory_space<hbm>>) target(%dma_start3A_1263 : memref<80x128xbf16, #tpu.memory_space<vmem>>) offsets(%dma_start3A_1264 : memref<80xi32, #tpu.memory_space<vmem>>) semaphore(%arg21 : memref<!tpu.dma_semaphore, #tpu.memory_space<semaphore_mem>>)
      %dma_start3A_1268 = arith.constant 0 : i32
      %dma_start3A_1269 = arith.constant 0 : i32
      %dma_start3A_1270 = arith.constant 0 : i32
      %dma_start3A_1271 = tpu.memref_slice %arg15[%dma_start3A_1268, %dma_start3A_1269, %dma_start3A_1270] : memref<2x80x128xbf16, #tpu.memory_space<vmem>> -> memref<1x80x128xbf16, #tpu.memory_space<vmem>>
      %dma_start3A_1272 = tpu.memref_squeeze %dma_start3A_1271 : memref<1x80x128xbf16, #tpu.memory_space<vmem>> -> memref<80x128xbf16, #tpu.memory_space<vmem>>
      %dma_start3A_1273 = tpu.memref_slice %arg12[%mul3A_1258] : memref<10000xi32, #tpu.memory_space<vmem>> -> memref<80xi32, #tpu.memory_space<vmem>>
      %dma_start3A_1274 = arith.constant 0 : i32
      %dma_start3A_1275 = arith.constant 0 : i32
      %dma_start3A_1276 = tpu.memref_slice %arg2[%dma_start3A_1274, %dma_start3A_1275] : memref<10000x128xbf16, #tpu.memory_space<hbm>> -> memref<10000x128xbf16, #tpu.memory_space<hbm>>
      tpu.enqueue_indirect_dma source(%dma_start3A_1276 : memref<10000x128xbf16, #tpu.memory_space<hbm>>) target(%dma_start3A_1272 : memref<80x128xbf16, #tpu.memory_space<vmem>>) offsets(%dma_start3A_1273 : memref<80xi32, #tpu.memory_space<vmem>>) semaphore(%arg22 : memref<!tpu.dma_semaphore, #tpu.memory_space<semaphore_mem>>)
      %dma_start3A_1277 = arith.constant 0 : i32
      %dma_start3A_1278 = arith.constant 0 : i32
      %dma_start3A_1279 = arith.constant 0 : i32
      %dma_start3A_1280 = tpu.memref_slice %arg16[%dma_start3A_1277, %dma_start3A_1278, %dma_start3A_1279] : memref<2x80x128xbf16, #tpu.memory_space<vmem>> -> memref<1x80x128xbf16, #tpu.memory_space<vmem>>
      %dma_start3A_1281 = tpu.memref_squeeze %dma_start3A_1280 : memref<1x80x128xbf16, #tpu.memory_space<vmem>> -> memref<80x128xbf16, #tpu.memory_space<vmem>>
      %dma_start3A_1282 = tpu.memref_slice %arg13[%mul3A_1258] : memref<10000xi32, #tpu.memory_space<vmem>> -> memref<80xi32, #tpu.memory_space<vmem>>
      %dma_start3A_1283 = arith.constant 0 : i32
      %dma_start3A_1284 = arith.constant 0 : i32
      %dma_start3A_1285 = tpu.memref_slice %arg6[%dma_start3A_1283, %dma_start3A_1284] : memref<964x128xbf16, #tpu.memory_space<hbm>> -> memref<964x128xbf16, #tpu.memory_space<hbm>>
      tpu.enqueue_indirect_dma source(%dma_start3A_1285 : memref<964x128xbf16, #tpu.memory_space<hbm>>) target(%dma_start3A_1281 : memref<80x128xbf16, #tpu.memory_space<vmem>>) offsets(%dma_start3A_1282 : memref<80xi32, #tpu.memory_space<vmem>>) semaphore(%arg23 : memref<!tpu.dma_semaphore, #tpu.memory_space<semaphore_mem>>)
      %dma_wait3A_1286 = arith.constant 1 : i32
      %dma_wait3A_1287 = arith.constant 0 : i32
      %dma_wait3A_1288 = arith.constant 0 : i32
      %dma_wait3A_1289 = tpu.memref_slice %arg14[%dma_wait3A_1286, %dma_wait3A_1287, %dma_wait3A_1288] : memref<2x80x128xbf16, #tpu.memory_space<vmem>> -> memref<1x80x128xbf16, #tpu.memory_space<vmem>>
      %dma_wait3A_1290 = tpu.memref_squeeze %dma_wait3A_1289 : memref<1x80x128xbf16, #tpu.memory_space<vmem>> -> memref<80x128xbf16, #tpu.memory_space<vmem>>
      %dma_wait3A_1291 = arith.constant 0 : i32
      %dma_wait3A_1292 = tpu.memref_slice %arg11[%dma_wait3A_1291] : memref<10000xi32, #tpu.memory_space<vmem>> -> memref<80xi32, #tpu.memory_space<vmem>>
      %dma_wait3A_1293 = arith.constant 0 : i32
      %dma_wait3A_1294 = arith.constant 0 : i32
      %dma_wait3A_1295 = tpu.memref_slice %arg2[%dma_wait3A_1293, %dma_wait3A_1294] : memref<10000x128xbf16, #tpu.memory_space<hbm>> -> memref<10000x128xbf16, #tpu.memory_space<hbm>>
      tpu.wait_indirect_dma semaphore(%arg24 : memref<!tpu.dma_semaphore, #tpu.memory_space<semaphore_mem>>) src(%dma_wait3A_1295 : memref<10000x128xbf16, #tpu.memory_space<hbm>>) dst(%dma_wait3A_1290 : memref<80x128xbf16, #tpu.memory_space<vmem>>)
      %dma_wait3A_1296 = arith.constant 1 : i32
      %dma_wait3A_1297 = arith.constant 0 : i32
      %dma_wait3A_1298 = arith.constant 0 : i32
      %dma_wait3A_1299 = tpu.memref_slice %arg15[%dma_wait3A_1296, %dma_wait3A_1297, %dma_wait3A_1298] : memref<2x80x128xbf16, #tpu.memory_space<vmem>> -> memref<1x80x128xbf16, #tpu.memory_space<vmem>>
      %dma_wait3A_1300 = tpu.memref_squeeze %dma_wait3A_1299 : memref<1x80x128xbf16, #tpu.memory_space<vmem>> -> memref<80x128xbf16, #tpu.memory_space<vmem>>
      %dma_wait3A_1301 = arith.constant 0 : i32
      %dma_wait3A_1302 = tpu.memref_slice %arg12[%dma_wait3A_1301] : memref<10000xi32, #tpu.memory_space<vmem>> -> memref<80xi32, #tpu.memory_space<vmem>>
      %dma_wait3A_1303 = arith.constant 0 : i32
      %dma_wait3A_1304 = arith.constant 0 : i32
      %dma_wait3A_1305 = tpu.memref_slice %arg2[%dma_wait3A_1303, %dma_wait3A_1304] : memref<10000x128xbf16, #tpu.memory_space<hbm>> -> memref<10000x128xbf16, #tpu.memory_space<hbm>>
      tpu.wait_indirect_dma semaphore(%arg25 : memref<!tpu.dma_semaphore, #tpu.memory_space<semaphore_mem>>) src(%dma_wait3A_1305 : memref<10000x128xbf16, #tpu.memory_space<hbm>>) dst(%dma_wait3A_1300 : memref<80x128xbf16, #tpu.memory_space<vmem>>)
      %dma_wait3A_1306 = arith.constant 1 : i32
      %dma_wait3A_1307 = arith.constant 0 : i32
      %dma_wait3A_1308 = arith.constant 0 : i32
      %dma_wait3A_1309 = tpu.memref_slice %arg16[%dma_wait3A_1306, %dma_wait3A_1307, %dma_wait3A_1308] : memref<2x80x128xbf16, #tpu.memory_space<vmem>> -> memref<1x80x128xbf16, #tpu.memory_space<vmem>>
      %dma_wait3A_1310 = tpu.memref_squeeze %dma_wait3A_1309 : memref<1x80x128xbf16, #tpu.memory_space<vmem>> -> memref<80x128xbf16, #tpu.memory_space<vmem>>
      %dma_wait3A_1311 = arith.constant 0 : i32
      %dma_wait3A_1312 = tpu.memref_slice %arg13[%dma_wait3A_1311] : memref<10000xi32, #tpu.memory_space<vmem>> -> memref<80xi32, #tpu.memory_space<vmem>>
      %dma_wait3A_1313 = arith.constant 0 : i32
      %dma_wait3A_1314 = arith.constant 0 : i32
      %dma_wait3A_1315 = tpu.memref_slice %arg6[%dma_wait3A_1313, %dma_wait3A_1314] : memref<964x128xbf16, #tpu.memory_space<hbm>> -> memref<964x128xbf16, #tpu.memory_space<hbm>>
      tpu.wait_indirect_dma semaphore(%arg26 : memref<!tpu.dma_semaphore, #tpu.memory_space<semaphore_mem>>) src(%dma_wait3A_1315 : memref<964x128xbf16, #tpu.memory_space<hbm>>) dst(%dma_wait3A_1310 : memref<80x128xbf16, #tpu.memory_space<vmem>>)
      %add3A_1316 = arith.constant 1 : i32
      %add3A_1317 = arith.addi %mul3A_643, %add3A_1316 : i32
      %mul3A_1318 = arith.constant 80 : i32
      %mul3A_1319 = arith.muli %add3A_1317, %mul3A_1318 : i32
      %add3A_1320 = arith.constant 0 : i32
      %add3A_1321 = arith.addi %mul3A_1319, %add3A_1320 : i32
      %get3A_1322 = arith.index_cast %add3A_1321 : i32 to index
      %get3A_1323 = tpu.vector_load %arg13[%get3A_1322] {strides = array<i32>} : memref<10000xi32, #tpu.memory_space<vmem>>, vector<16xi32>,
      %swap3A_1324 = arith.constant 16 : index
      %swap3A_1325 = tpu.vector_load %arg20[%swap3A_1324] {strides = array<i32>} : memref<48xi32, #tpu.memory_space<vmem>>, vector<16xi32>,
      tpu.vector_store %arg20[%swap3A_1324], %get3A_1323 {strides = array<i32>} : memref<48xi32, #tpu.memory_space<vmem>>, vector<16xi32>,
      %get3A_1326 = arith.constant 15 : index
      %get3A_1327 = tpu.vector_load %arg20[%get3A_1326] {strides = array<i32>} : memref<48xi32, #tpu.memory_space<vmem>>, vector<16xi32>,
      %eq3A_1328 = arith.cmpi eq, %get3A_1327, %get3A_1323 : vector<16xi32>
      %select_n3A_1329 = arith.select %eq3A_1328, %broadcast_in_dim3A_20, %broadcast_in_dim3A_22 : vector<16xi1>, vector<16xi32>
      %add3A_1330 = arith.addi %broadcast_in_dim3A_22, %select_n3A_1329 : vector<16xi32>
      %get3A_1331 = arith.constant 14 : index
      %get3A_1332 = tpu.vector_load %arg20[%get3A_1331] {strides = array<i32>} : memref<48xi32, #tpu.memory_space<vmem>>, vector<16xi32>,
      %eq3A_1333 = arith.cmpi eq, %get3A_1332, %get3A_1323 : vector<16xi32>
      %select_n3A_1334 = arith.select %eq3A_1333, %broadcast_in_dim3A_20, %broadcast_in_dim3A_22 : vector<16xi1>, vector<16xi32>
      %add3A_1335 = arith.addi %add3A_1330, %select_n3A_1334 : vector<16xi32>
      %get3A_1336 = arith.constant 13 : index
      %get3A_1337 = tpu.vector_load %arg20[%get3A_1336] {strides = array<i32>} : memref<48xi32, #tpu.memory_space<vmem>>, vector<16xi32>,
      %eq3A_1338 = arith.cmpi eq, %get3A_1337, %get3A_1323 : vector<16xi32>
      %select_n3A_1339 = arith.select %eq3A_1338, %broadcast_in_dim3A_20, %broadcast_in_dim3A_22 : vector<16xi1>, vector<16xi32>
      %add3A_1340 = arith.addi %add3A_1335, %select_n3A_1339 : vector<16xi32>
      %get3A_1341 = arith.constant 12 : index
      %get3A_1342 = tpu.vector_load %arg20[%get3A_1341] {strides = array<i32>} : memref<48xi32, #tpu.memory_space<vmem>>, vector<16xi32>,
      %eq3A_1343 = arith.cmpi eq, %get3A_1342, %get3A_1323 : vector<16xi32>
      %select_n3A_1344 = arith.select %eq3A_1343, %broadcast_in_dim3A_20, %broadcast_in_dim3A_22 : vector<16xi1>, vector<16xi32>
      %add3A_1345 = arith.addi %add3A_1340, %select_n3A_1344 : vector<16xi32>
      %get3A_1346 = arith.constant 11 : index
      %get3A_1347 = tpu.vector_load %arg20[%get3A_1346] {strides = array<i32>} : memref<48xi32, #tpu.memory_space<vmem>>, vector<16xi32>,
      %eq3A_1348 = arith.cmpi eq, %get3A_1347, %get3A_1323 : vector<16xi32>
      %select_n3A_1349 = arith.select %eq3A_1348, %broadcast_in_dim3A_20, %broadcast_in_dim3A_22 : vector<16xi1>, vector<16xi32>
      %add3A_1350 = arith.addi %add3A_1345, %select_n3A_1349 : vector<16xi32>
      %get3A_1351 = arith.constant 10 : index
      %get3A_1352 = tpu.vector_load %arg20[%get3A_1351] {strides = array<i32>} : memref<48xi32, #tpu.memory_space<vmem>>, vector<16xi32>,
      %eq3A_1353 = arith.cmpi eq, %get3A_1352, %get3A_1323 : vector<16xi32>
      %select_n3A_1354 = arith.select %eq3A_1353, %broadcast_in_dim3A_20, %broadcast_in_dim3A_22 : vector<16xi1>, vector<16xi32>
      %add3A_1355 = arith.addi %add3A_1350, %select_n3A_1354 : vector<16xi32>
      %get3A_1356 = arith.constant 9 : index
      %get3A_1357 = tpu.vector_load %arg20[%get3A_1356] {strides = array<i32>} : memref<48xi32, #tpu.memory_space<vmem>>, vector<16xi32>,
      %eq3A_1358 = arith.cmpi eq, %get3A_1357, %get3A_1323 : vector<16xi32>
      %select_n3A_1359 = arith.select %eq3A_1358, %broadcast_in_dim3A_20, %broadcast_in_dim3A_22 : vector<16xi1>, vector<16xi32>
      %add3A_1360 = arith.addi %add3A_1355, %select_n3A_1359 : vector<16xi32>
      %get3A_1361 = arith.constant 8 : index
      %get3A_1362 = tpu.vector_load %arg20[%get3A_1361] {strides = array<i32>} : memref<48xi32, #tpu.memory_space<vmem>>, vector<16xi32>,
      %eq3A_1363 = arith.cmpi eq, %get3A_1362, %get3A_1323 : vector<16xi32>
      %select_n3A_1364 = arith.select %eq3A_1363, %broadcast_in_dim3A_20, %broadcast_in_dim3A_22 : vector<16xi1>, vector<16xi32>
      %add3A_1365 = arith.addi %add3A_1360, %select_n3A_1364 : vector<16xi32>
      %get3A_1366 = arith.constant 7 : index
      %get3A_1367 = tpu.vector_load %arg20[%get3A_1366] {strides = array<i32>} : memref<48xi32, #tpu.memory_space<vmem>>, vector<16xi32>,
      %eq3A_1368 = arith.cmpi eq, %get3A_1367, %get3A_1323 : vector<16xi32>
      %select_n3A_1369 = arith.select %eq3A_1368, %broadcast_in_dim3A_20, %broadcast_in_dim3A_22 : vector<16xi1>, vector<16xi32>
      %add3A_1370 = arith.addi %add3A_1365, %select_n3A_1369 : vector<16xi32>
      %get3A_1371 = arith.constant 6 : index
      %get3A_1372 = tpu.vector_load %arg20[%get3A_1371] {strides = array<i32>} : memref<48xi32, #tpu.memory_space<vmem>>, vector<16xi32>,
      %eq3A_1373 = arith.cmpi eq, %get3A_1372, %get3A_1323 : vector<16xi32>
      %select_n3A_1374 = arith.select %eq3A_1373, %broadcast_in_dim3A_20, %broadcast_in_dim3A_22 : vector<16xi1>, vector<16xi32>
      %add3A_1375 = arith.addi %add3A_1370, %select_n3A_1374 : vector<16xi32>
      %get3A_1376 = arith.constant 5 : index
      %get3A_1377 = tpu.vector_load %arg20[%get3A_1376] {strides = array<i32>} : memref<48xi32, #tpu.memory_space<vmem>>, vector<16xi32>,
      %eq3A_1378 = arith.cmpi eq, %get3A_1377, %get3A_1323 : vector<16xi32>
      %select_n3A_1379 = arith.select %eq3A_1378, %broadcast_in_dim3A_20, %broadcast_in_dim3A_22 : vector<16xi1>, vector<16xi32>
      %add3A_1380 = arith.addi %add3A_1375, %select_n3A_1379 : vector<16xi32>
      %get3A_1381 = arith.constant 4 : index
      %get3A_1382 = tpu.vector_load %arg20[%get3A_1381] {strides = array<i32>} : memref<48xi32, #tpu.memory_space<vmem>>, vector<16xi32>,
      %eq3A_1383 = arith.cmpi eq, %get3A_1382, %get3A_1323 : vector<16xi32>
      %select_n3A_1384 = arith.select %eq3A_1383, %broadcast_in_dim3A_20, %broadcast_in_dim3A_22 : vector<16xi1>, vector<16xi32>
      %add3A_1385 = arith.addi %add3A_1380, %select_n3A_1384 : vector<16xi32>
      %get3A_1386 = arith.constant 3 : index
      %get3A_1387 = tpu.vector_load %arg20[%get3A_1386] {strides = array<i32>} : memref<48xi32, #tpu.memory_space<vmem>>, vector<16xi32>,
      %eq3A_1388 = arith.cmpi eq, %get3A_1387, %get3A_1323 : vector<16xi32>
      %select_n3A_1389 = arith.select %eq3A_1388, %broadcast_in_dim3A_20, %broadcast_in_dim3A_22 : vector<16xi1>, vector<16xi32>
      %add3A_1390 = arith.addi %add3A_1385, %select_n3A_1389 : vector<16xi32>
      %get3A_1391 = arith.constant 2 : index
      %get3A_1392 = tpu.vector_load %arg20[%get3A_1391] {strides = array<i32>} : memref<48xi32, #tpu.memory_space<vmem>>, vector<16xi32>,
      %eq3A_1393 = arith.cmpi eq, %get3A_1392, %get3A_1323 : vector<16xi32>
      %select_n3A_1394 = arith.select %eq3A_1393, %broadcast_in_dim3A_20, %broadcast_in_dim3A_22 : vector<16xi1>, vector<16xi32>
      %add3A_1395 = arith.addi %add3A_1390, %select_n3A_1394 : vector<16xi32>
      %get3A_1396 = arith.constant 1 : index
      %get3A_1397 = tpu.vector_load %arg20[%get3A_1396] {strides = array<i32>} : memref<48xi32, #tpu.memory_space<vmem>>, vector<16xi32>,
      %eq3A_1398 = arith.cmpi eq, %get3A_1397, %get3A_1323 : vector<16xi32>
      %select_n3A_1399 = arith.select %eq3A_1398, %broadcast_in_dim3A_20, %broadcast_in_dim3A_22 : vector<16xi1>, vector<16xi32>
      %add3A_1400 = arith.addi %add3A_1395, %select_n3A_1399 : vector<16xi32>
      %gather3A_1401 = tpu.vector_load_idx %arg10[%get3A_1323] : memref<976xi32, #tpu.memory_space<vmem>>[vector<16xi32>], vector<16xi32>,
      %add3A_1402 = arith.addi %gather3A_1401, %add3A_1400 : vector<16xi32>
      %swap3A_1403 = arith.constant 1 : i32
      %swap3A_1404 = arith.index_cast %swap3A_1403 : i32 to index
      %swap3A_1405 = arith.constant 0 : index
      %swap3A_1406 = tpu.vector_load %arg17[%swap3A_1404, %swap3A_1405] {strides = array<i32>} : memref<2x80xi32, #tpu.memory_space<vmem>>, vector<16xi32>,
      tpu.vector_store %arg17[%swap3A_1404, %swap3A_1405], %add3A_1402 {strides = array<i32>} : memref<2x80xi32, #tpu.memory_space<vmem>>, vector<16xi32>,
      tpu.vector_store_idx %arg10[%get3A_1323], %broadcast_in_dim3A_20 {add = true} : memref<976xi32, #tpu.memory_space<vmem>>[vector<16xi32>], vector<16xi32>,
      %mul3A_1407 = arith.constant 80 : i32
      %mul3A_1408 = arith.muli %add3A_1317, %mul3A_1407 : i32
      %add3A_1409 = arith.constant 16 : i32
      %add3A_1410 = arith.addi %mul3A_1408, %add3A_1409 : i32
      %get3A_1411 = arith.index_cast %add3A_1410 : i32 to index
      %get3A_1412 = tpu.vector_load %arg13[%get3A_1411] {strides = array<i32>} : memref<10000xi32, #tpu.memory_space<vmem>>, vector<16xi32>,
      %swap3A_1413 = arith.constant 16 : index
      %swap3A_1414 = tpu.vector_load %arg20[%swap3A_1413] {strides = array<i32>} : memref<48xi32, #tpu.memory_space<vmem>>, vector<16xi32>,
      tpu.vector_store %arg20[%swap3A_1413], %get3A_1412 {strides = array<i32>} : memref<48xi32, #tpu.memory_space<vmem>>, vector<16xi32>,
      %get3A_1415 = arith.constant 15 : index
      %get3A_1416 = tpu.vector_load %arg20[%get3A_1415] {strides = array<i32>} : memref<48xi32, #tpu.memory_space<vmem>>, vector<16xi32>,
      %eq3A_1417 = arith.cmpi eq, %get3A_1416, %get3A_1412 : vector<16xi32>
      %select_n3A_1418 = arith.select %eq3A_1417, %broadcast_in_dim3A_20, %broadcast_in_dim3A_22 : vector<16xi1>, vector<16xi32>
      %add3A_1419 = arith.addi %broadcast_in_dim3A_22, %select_n3A_1418 : vector<16xi32>
      %get3A_1420 = arith.constant 14 : index
      %get3A_1421 = tpu.vector_load %arg20[%get3A_1420] {strides = array<i32>} : memref<48xi32, #tpu.memory_space<vmem>>, vector<16xi32>,
      %eq3A_1422 = arith.cmpi eq, %get3A_1421, %get3A_1412 : vector<16xi32>
      %select_n3A_1423 = arith.select %eq3A_1422, %broadcast_in_dim3A_20, %broadcast_in_dim3A_22 : vector<16xi1>, vector<16xi32>
      %add3A_1424 = arith.addi %add3A_1419, %select_n3A_1423 : vector<16xi32>
      %get3A_1425 = arith.constant 13 : index
      %get3A_1426 = tpu.vector_load %arg20[%get3A_1425] {strides = array<i32>} : memref<48xi32, #tpu.memory_space<vmem>>, vector<16xi32>,
      %eq3A_1427 = arith.cmpi eq, %get3A_1426, %get3A_1412 : vector<16xi32>
      %select_n3A_1428 = arith.select %eq3A_1427, %broadcast_in_dim3A_20, %broadcast_in_dim3A_22 : vector<16xi1>, vector<16xi32>
      %add3A_1429 = arith.addi %add3A_1424, %select_n3A_1428 : vector<16xi32>
      %get3A_1430 = arith.constant 12 : index
      %get3A_1431 = tpu.vector_load %arg20[%get3A_1430] {strides = array<i32>} : memref<48xi32, #tpu.memory_space<vmem>>, vector<16xi32>,
      %eq3A_1432 = arith.cmpi eq, %get3A_1431, %get3A_1412 : vector<16xi32>
      %select_n3A_1433 = arith.select %eq3A_1432, %broadcast_in_dim3A_20, %broadcast_in_dim3A_22 : vector<16xi1>, vector<16xi32>
      %add3A_1434 = arith.addi %add3A_1429, %select_n3A_1433 : vector<16xi32>
      %get3A_1435 = arith.constant 11 : index
      %get3A_1436 = tpu.vector_load %arg20[%get3A_1435] {strides = array<i32>} : memref<48xi32, #tpu.memory_space<vmem>>, vector<16xi32>,
      %eq3A_1437 = arith.cmpi eq, %get3A_1436, %get3A_1412 : vector<16xi32>
      %select_n3A_1438 = arith.select %eq3A_1437, %broadcast_in_dim3A_20, %broadcast_in_dim3A_22 : vector<16xi1>, vector<16xi32>
      %add3A_1439 = arith.addi %add3A_1434, %select_n3A_1438 : vector<16xi32>
      %get3A_1440 = arith.constant 10 : index
      %get3A_1441 = tpu.vector_load %arg20[%get3A_1440] {strides = array<i32>} : memref<48xi32, #tpu.memory_space<vmem>>, vector<16xi32>,
      %eq3A_1442 = arith.cmpi eq, %get3A_1441, %get3A_1412 : vector<16xi32>
      %select_n3A_1443 = arith.select %eq3A_1442, %broadcast_in_dim3A_20, %broadcast_in_dim3A_22 : vector<16xi1>, vector<16xi32>
      %add3A_1444 = arith.addi %add3A_1439, %select_n3A_1443 : vector<16xi32>
      %get3A_1445 = arith.constant 9 : index
      %get3A_1446 = tpu.vector_load %arg20[%get3A_1445] {strides = array<i32>} : memref<48xi32, #tpu.memory_space<vmem>>, vector<16xi32>,
      %eq3A_1447 = arith.cmpi eq, %get3A_1446, %get3A_1412 : vector<16xi32>
      %select_n3A_1448 = arith.select %eq3A_1447, %broadcast_in_dim3A_20, %broadcast_in_dim3A_22 : vector<16xi1>, vector<16xi32>
      %add3A_1449 = arith.addi %add3A_1444, %select_n3A_1448 : vector<16xi32>
      %get3A_1450 = arith.constant 8 : index
      %get3A_1451 = tpu.vector_load %arg20[%get3A_1450] {strides = array<i32>} : memref<48xi32, #tpu.memory_space<vmem>>, vector<16xi32>,
      %eq3A_1452 = arith.cmpi eq, %get3A_1451, %get3A_1412 : vector<16xi32>
      %select_n3A_1453 = arith.select %eq3A_1452, %broadcast_in_dim3A_20, %broadcast_in_dim3A_22 : vector<16xi1>, vector<16xi32>
      %add3A_1454 = arith.addi %add3A_1449, %select_n3A_1453 : vector<16xi32>
      %get3A_1455 = arith.constant 7 : index
      %get3A_1456 = tpu.vector_load %arg20[%get3A_1455] {strides = array<i32>} : memref<48xi32, #tpu.memory_space<vmem>>, vector<16xi32>,
      %eq3A_1457 = arith.cmpi eq, %get3A_1456, %get3A_1412 : vector<16xi32>
      %select_n3A_1458 = arith.select %eq3A_1457, %broadcast_in_dim3A_20, %broadcast_in_dim3A_22 : vector<16xi1>, vector<16xi32>
      %add3A_1459 = arith.addi %add3A_1454, %select_n3A_1458 : vector<16xi32>
      %get3A_1460 = arith.constant 6 : index
      %get3A_1461 = tpu.vector_load %arg20[%get3A_1460] {strides = array<i32>} : memref<48xi32, #tpu.memory_space<vmem>>, vector<16xi32>,
      %eq3A_1462 = arith.cmpi eq, %get3A_1461, %get3A_1412 : vector<16xi32>
      %select_n3A_1463 = arith.select %eq3A_1462, %broadcast_in_dim3A_20, %broadcast_in_dim3A_22 : vector<16xi1>, vector<16xi32>
      %add3A_1464 = arith.addi %add3A_1459, %select_n3A_1463 : vector<16xi32>
      %get3A_1465 = arith.constant 5 : index
      %get3A_1466 = tpu.vector_load %arg20[%get3A_1465] {strides = array<i32>} : memref<48xi32, #tpu.memory_space<vmem>>, vector<16xi32>,
      %eq3A_1467 = arith.cmpi eq, %get3A_1466, %get3A_1412 : vector<16xi32>
      %select_n3A_1468 = arith.select %eq3A_1467, %broadcast_in_dim3A_20, %broadcast_in_dim3A_22 : vector<16xi1>, vector<16xi32>
      %add3A_1469 = arith.addi %add3A_1464, %select_n3A_1468 : vector<16xi32>
      %get3A_1470 = arith.constant 4 : index
      %get3A_1471 = tpu.vector_load %arg20[%get3A_1470] {strides = array<i32>} : memref<48xi32, #tpu.memory_space<vmem>>, vector<16xi32>,
      %eq3A_1472 = arith.cmpi eq, %get3A_1471, %get3A_1412 : vector<16xi32>
      %select_n3A_1473 = arith.select %eq3A_1472, %broadcast_in_dim3A_20, %broadcast_in_dim3A_22 : vector<16xi1>, vector<16xi32>
      %add3A_1474 = arith.addi %add3A_1469, %select_n3A_1473 : vector<16xi32>
      %get3A_1475 = arith.constant 3 : index
      %get3A_1476 = tpu.vector_load %arg20[%get3A_1475] {strides = array<i32>} : memref<48xi32, #tpu.memory_space<vmem>>, vector<16xi32>,
      %eq3A_1477 = arith.cmpi eq, %get3A_1476, %get3A_1412 : vector<16xi32>
      %select_n3A_1478 = arith.select %eq3A_1477, %broadcast_in_dim3A_20, %broadcast_in_dim3A_22 : vector<16xi1>, vector<16xi32>
      %add3A_1479 = arith.addi %add3A_1474, %select_n3A_1478 : vector<16xi32>
      %get3A_1480 = arith.constant 2 : index
      %get3A_1481 = tpu.vector_load %arg20[%get3A_1480] {strides = array<i32>} : memref<48xi32, #tpu.memory_space<vmem>>, vector<16xi32>,
      %eq3A_1482 = arith.cmpi eq, %get3A_1481, %get3A_1412 : vector<16xi32>
      %select_n3A_1483 = arith.select %eq3A_1482, %broadcast_in_dim3A_20, %broadcast_in_dim3A_22 : vector<16xi1>, vector<16xi32>
      %add3A_1484 = arith.addi %add3A_1479, %select_n3A_1483 : vector<16xi32>
      %get3A_1485 = arith.constant 1 : index
      %get3A_1486 = tpu.vector_load %arg20[%get3A_1485] {strides = array<i32>} : memref<48xi32, #tpu.memory_space<vmem>>, vector<16xi32>,
      %eq3A_1487 = arith.cmpi eq, %get3A_1486, %get3A_1412 : vector<16xi32>
      %select_n3A_1488 = arith.select %eq3A_1487, %broadcast_in_dim3A_20, %broadcast_in_dim3A_22 : vector<16xi1>, vector<16xi32>
      %add3A_1489 = arith.addi %add3A_1484, %select_n3A_1488 : vector<16xi32>
      %gather3A_1490 = tpu.vector_load_idx %arg10[%get3A_1412] : memref<976xi32, #tpu.memory_space<vmem>>[vector<16xi32>], vector<16xi32>,
      %add3A_1491 = arith.addi %gather3A_1490, %add3A_1489 : vector<16xi32>
      %swap3A_1492 = arith.constant 1 : i32
      %swap3A_1493 = arith.index_cast %swap3A_1492 : i32 to index
      %swap3A_1494 = arith.constant 16 : index
      %swap3A_1495 = tpu.vector_load %arg17[%swap3A_1493, %swap3A_1494] {strides = array<i32>} : memref<2x80xi32, #tpu.memory_space<vmem>>, vector<16xi32>,
      tpu.vector_store %arg17[%swap3A_1493, %swap3A_1494], %add3A_1491 {strides = array<i32>} : memref<2x80xi32, #tpu.memory_space<vmem>>, vector<16xi32>,
      tpu.vector_store_idx %arg10[%get3A_1412], %broadcast_in_dim3A_20 {add = true} : memref<976xi32, #tpu.memory_space<vmem>>[vector<16xi32>], vector<16xi32>,
      %mul3A_1496 = arith.constant 80 : i32
      %mul3A_1497 = arith.muli %add3A_1317, %mul3A_1496 : i32
      %add3A_1498 = arith.constant 32 : i32
      %add3A_1499 = arith.addi %mul3A_1497, %add3A_1498 : i32
      %get3A_1500 = arith.index_cast %add3A_1499 : i32 to index
      %get3A_1501 = tpu.vector_load %arg13[%get3A_1500] {strides = array<i32>} : memref<10000xi32, #tpu.memory_space<vmem>>, vector<16xi32>,
      %swap3A_1502 = arith.constant 16 : index
      %swap3A_1503 = tpu.vector_load %arg20[%swap3A_1502] {strides = array<i32>} : memref<48xi32, #tpu.memory_space<vmem>>, vector<16xi32>,
      tpu.vector_store %arg20[%swap3A_1502], %get3A_1501 {strides = array<i32>} : memref<48xi32, #tpu.memory_space<vmem>>, vector<16xi32>,
      %get3A_1504 = arith.constant 15 : index
      %get3A_1505 = tpu.vector_load %arg20[%get3A_1504] {strides = array<i32>} : memref<48xi32, #tpu.memory_space<vmem>>, vector<16xi32>,
      %eq3A_1506 = arith.cmpi eq, %get3A_1505, %get3A_1501 : vector<16xi32>
      %select_n3A_1507 = arith.select %eq3A_1506, %broadcast_in_dim3A_20, %broadcast_in_dim3A_22 : vector<16xi1>, vector<16xi32>
      %add3A_1508 = arith.addi %broadcast_in_dim3A_22, %select_n3A_1507 : vector<16xi32>
      %get3A_1509 = arith.constant 14 : index
      %get3A_1510 = tpu.vector_load %arg20[%get3A_1509] {strides = array<i32>} : memref<48xi32, #tpu.memory_space<vmem>>, vector<16xi32>,
      %eq3A_1511 = arith.cmpi eq, %get3A_1510, %get3A_1501 : vector<16xi32>
      %select_n3A_1512 = arith.select %eq3A_1511, %broadcast_in_dim3A_20, %broadcast_in_dim3A_22 : vector<16xi1>, vector<16xi32>
      %add3A_1513 = arith.addi %add3A_1508, %select_n3A_1512 : vector<16xi32>
      %get3A_1514 = arith.constant 13 : index
      %get3A_1515 = tpu.vector_load %arg20[%get3A_1514] {strides = array<i32>} : memref<48xi32, #tpu.memory_space<vmem>>, vector<16xi32>,
      %eq3A_1516 = arith.cmpi eq, %get3A_1515, %get3A_1501 : vector<16xi32>
      %select_n3A_1517 = arith.select %eq3A_1516, %broadcast_in_dim3A_20, %broadcast_in_dim3A_22 : vector<16xi1>, vector<16xi32>
      %add3A_1518 = arith.addi %add3A_1513, %select_n3A_1517 : vector<16xi32>
      %get3A_1519 = arith.constant 12 : index
      %get3A_1520 = tpu.vector_load %arg20[%get3A_1519] {strides = array<i32>} : memref<48xi32, #tpu.memory_space<vmem>>, vector<16xi32>,
      %eq3A_1521 = arith.cmpi eq, %get3A_1520, %get3A_1501 : vector<16xi32>
      %select_n3A_1522 = arith.select %eq3A_1521, %broadcast_in_dim3A_20, %broadcast_in_dim3A_22 : vector<16xi1>, vector<16xi32>
      %add3A_1523 = arith.addi %add3A_1518, %select_n3A_1522 : vector<16xi32>
      %get3A_1524 = arith.constant 11 : index
      %get3A_1525 = tpu.vector_load %arg20[%get3A_1524] {strides = array<i32>} : memref<48xi32, #tpu.memory_space<vmem>>, vector<16xi32>,
      %eq3A_1526 = arith.cmpi eq, %get3A_1525, %get3A_1501 : vector<16xi32>
      %select_n3A_1527 = arith.select %eq3A_1526, %broadcast_in_dim3A_20, %broadcast_in_dim3A_22 : vector<16xi1>, vector<16xi32>
      %add3A_1528 = arith.addi %add3A_1523, %select_n3A_1527 : vector<16xi32>
      %get3A_1529 = arith.constant 10 : index
      %get3A_1530 = tpu.vector_load %arg20[%get3A_1529] {strides = array<i32>} : memref<48xi32, #tpu.memory_space<vmem>>, vector<16xi32>,
      %eq3A_1531 = arith.cmpi eq, %get3A_1530, %get3A_1501 : vector<16xi32>
      %select_n3A_1532 = arith.select %eq3A_1531, %broadcast_in_dim3A_20, %broadcast_in_dim3A_22 : vector<16xi1>, vector<16xi32>
      %add3A_1533 = arith.addi %add3A_1528, %select_n3A_1532 : vector<16xi32>
      %get3A_1534 = arith.constant 9 : index
      %get3A_1535 = tpu.vector_load %arg20[%get3A_1534] {strides = array<i32>} : memref<48xi32, #tpu.memory_space<vmem>>, vector<16xi32>,
      %eq3A_1536 = arith.cmpi eq, %get3A_1535, %get3A_1501 : vector<16xi32>
      %select_n3A_1537 = arith.select %eq3A_1536, %broadcast_in_dim3A_20, %broadcast_in_dim3A_22 : vector<16xi1>, vector<16xi32>
      %add3A_1538 = arith.addi %add3A_1533, %select_n3A_1537 : vector<16xi32>
      %get3A_1539 = arith.constant 8 : index
      %get3A_1540 = tpu.vector_load %arg20[%get3A_1539] {strides = array<i32>} : memref<48xi32, #tpu.memory_space<vmem>>, vector<16xi32>,
      %eq3A_1541 = arith.cmpi eq, %get3A_1540, %get3A_1501 : vector<16xi32>
      %select_n3A_1542 = arith.select %eq3A_1541, %broadcast_in_dim3A_20, %broadcast_in_dim3A_22 : vector<16xi1>, vector<16xi32>
      %add3A_1543 = arith.addi %add3A_1538, %select_n3A_1542 : vector<16xi32>
      %get3A_1544 = arith.constant 7 : index
      %get3A_1545 = tpu.vector_load %arg20[%get3A_1544] {strides = array<i32>} : memref<48xi32, #tpu.memory_space<vmem>>, vector<16xi32>,
      %eq3A_1546 = arith.cmpi eq, %get3A_1545, %get3A_1501 : vector<16xi32>
      %select_n3A_1547 = arith.select %eq3A_1546, %broadcast_in_dim3A_20, %broadcast_in_dim3A_22 : vector<16xi1>, vector<16xi32>
      %add3A_1548 = arith.addi %add3A_1543, %select_n3A_1547 : vector<16xi32>
      %get3A_1549 = arith.constant 6 : index
      %get3A_1550 = tpu.vector_load %arg20[%get3A_1549] {strides = array<i32>} : memref<48xi32, #tpu.memory_space<vmem>>, vector<16xi32>,
      %eq3A_1551 = arith.cmpi eq, %get3A_1550, %get3A_1501 : vector<16xi32>
      %select_n3A_1552 = arith.select %eq3A_1551, %broadcast_in_dim3A_20, %broadcast_in_dim3A_22 : vector<16xi1>, vector<16xi32>
      %add3A_1553 = arith.addi %add3A_1548, %select_n3A_1552 : vector<16xi32>
      %get3A_1554 = arith.constant 5 : index
      %get3A_1555 = tpu.vector_load %arg20[%get3A_1554] {strides = array<i32>} : memref<48xi32, #tpu.memory_space<vmem>>, vector<16xi32>,
      %eq3A_1556 = arith.cmpi eq, %get3A_1555, %get3A_1501 : vector<16xi32>
      %select_n3A_1557 = arith.select %eq3A_1556, %broadcast_in_dim3A_20, %broadcast_in_dim3A_22 : vector<16xi1>, vector<16xi32>
      %add3A_1558 = arith.addi %add3A_1553, %select_n3A_1557 : vector<16xi32>
      %get3A_1559 = arith.constant 4 : index
      %get3A_1560 = tpu.vector_load %arg20[%get3A_1559] {strides = array<i32>} : memref<48xi32, #tpu.memory_space<vmem>>, vector<16xi32>,
      %eq3A_1561 = arith.cmpi eq, %get3A_1560, %get3A_1501 : vector<16xi32>
      %select_n3A_1562 = arith.select %eq3A_1561, %broadcast_in_dim3A_20, %broadcast_in_dim3A_22 : vector<16xi1>, vector<16xi32>
      %add3A_1563 = arith.addi %add3A_1558, %select_n3A_1562 : vector<16xi32>
      %get3A_1564 = arith.constant 3 : index
      %get3A_1565 = tpu.vector_load %arg20[%get3A_1564] {strides = array<i32>} : memref<48xi32, #tpu.memory_space<vmem>>, vector<16xi32>,
      %eq3A_1566 = arith.cmpi eq, %get3A_1565, %get3A_1501 : vector<16xi32>
      %select_n3A_1567 = arith.select %eq3A_1566, %broadcast_in_dim3A_20, %broadcast_in_dim3A_22 : vector<16xi1>, vector<16xi32>
      %add3A_1568 = arith.addi %add3A_1563, %select_n3A_1567 : vector<16xi32>
      %get3A_1569 = arith.constant 2 : index
      %get3A_1570 = tpu.vector_load %arg20[%get3A_1569] {strides = array<i32>} : memref<48xi32, #tpu.memory_space<vmem>>, vector<16xi32>,
      %eq3A_1571 = arith.cmpi eq, %get3A_1570, %get3A_1501 : vector<16xi32>
      %select_n3A_1572 = arith.select %eq3A_1571, %broadcast_in_dim3A_20, %broadcast_in_dim3A_22 : vector<16xi1>, vector<16xi32>
      %add3A_1573 = arith.addi %add3A_1568, %select_n3A_1572 : vector<16xi32>
      %get3A_1574 = arith.constant 1 : index
      %get3A_1575 = tpu.vector_load %arg20[%get3A_1574] {strides = array<i32>} : memref<48xi32, #tpu.memory_space<vmem>>, vector<16xi32>,
      %eq3A_1576 = arith.cmpi eq, %get3A_1575, %get3A_1501 : vector<16xi32>
      %select_n3A_1577 = arith.select %eq3A_1576, %broadcast_in_dim3A_20, %broadcast_in_dim3A_22 : vector<16xi1>, vector<16xi32>
      %add3A_1578 = arith.addi %add3A_1573, %select_n3A_1577 : vector<16xi32>
      %gather3A_1579 = tpu.vector_load_idx %arg10[%get3A_1501] : memref<976xi32, #tpu.memory_space<vmem>>[vector<16xi32>], vector<16xi32>,
      %add3A_1580 = arith.addi %gather3A_1579, %add3A_1578 : vector<16xi32>
      %swap3A_1581 = arith.constant 1 : i32
      %swap3A_1582 = arith.index_cast %swap3A_1581 : i32 to index
      %swap3A_1583 = arith.constant 32 : index
      %swap3A_1584 = tpu.vector_load %arg17[%swap3A_1582, %swap3A_1583] {strides = array<i32>} : memref<2x80xi32, #tpu.memory_space<vmem>>, vector<16xi32>,
      tpu.vector_store %arg17[%swap3A_1582, %swap3A_1583], %add3A_1580 {strides = array<i32>} : memref<2x80xi32, #tpu.memory_space<vmem>>, vector<16xi32>,
      tpu.vector_store_idx %arg10[%get3A_1501], %broadcast_in_dim3A_20 {add = true} : memref<976xi32, #tpu.memory_space<vmem>>[vector<16xi32>], vector<16xi32>,
      %mul3A_1585 = arith.constant 80 : i32
      %mul3A_1586 = arith.muli %add3A_1317, %mul3A_1585 : i32
      %add3A_1587 = arith.constant 48 : i32
      %add3A_1588 = arith.addi %mul3A_1586, %add3A_1587 : i32
      %get3A_1589 = arith.index_cast %add3A_1588 : i32 to index
      %get3A_1590 = tpu.vector_load %arg13[%get3A_1589] {strides = array<i32>} : memref<10000xi32, #tpu.memory_space<vmem>>, vector<16xi32>,
      %swap3A_1591 = arith.constant 16 : index
      %swap3A_1592 = tpu.vector_load %arg20[%swap3A_1591] {strides = array<i32>} : memref<48xi32, #tpu.memory_space<vmem>>, vector<16xi32>,
      tpu.vector_store %arg20[%swap3A_1591], %get3A_1590 {strides = array<i32>} : memref<48xi32, #tpu.memory_space<vmem>>, vector<16xi32>,
      %get3A_1593 = arith.constant 15 : index
      %get3A_1594 = tpu.vector_load %arg20[%get3A_1593] {strides = array<i32>} : memref<48xi32, #tpu.memory_space<vmem>>, vector<16xi32>,
      %eq3A_1595 = arith.cmpi eq, %get3A_1594, %get3A_1590 : vector<16xi32>
      %select_n3A_1596 = arith.select %eq3A_1595, %broadcast_in_dim3A_20, %broadcast_in_dim3A_22 : vector<16xi1>, vector<16xi32>
      %add3A_1597 = arith.addi %broadcast_in_dim3A_22, %select_n3A_1596 : vector<16xi32>
      %get3A_1598 = arith.constant 14 : index
      %get3A_1599 = tpu.vector_load %arg20[%get3A_1598] {strides = array<i32>} : memref<48xi32, #tpu.memory_space<vmem>>, vector<16xi32>,
      %eq3A_1600 = arith.cmpi eq, %get3A_1599, %get3A_1590 : vector<16xi32>
      %select_n3A_1601 = arith.select %eq3A_1600, %broadcast_in_dim3A_20, %broadcast_in_dim3A_22 : vector<16xi1>, vector<16xi32>
      %add3A_1602 = arith.addi %add3A_1597, %select_n3A_1601 : vector<16xi32>
      %get3A_1603 = arith.constant 13 : index
      %get3A_1604 = tpu.vector_load %arg20[%get3A_1603] {strides = array<i32>} : memref<48xi32, #tpu.memory_space<vmem>>, vector<16xi32>,
      %eq3A_1605 = arith.cmpi eq, %get3A_1604, %get3A_1590 : vector<16xi32>
      %select_n3A_1606 = arith.select %eq3A_1605, %broadcast_in_dim3A_20, %broadcast_in_dim3A_22 : vector<16xi1>, vector<16xi32>
      %add3A_1607 = arith.addi %add3A_1602, %select_n3A_1606 : vector<16xi32>
      %get3A_1608 = arith.constant 12 : index
      %get3A_1609 = tpu.vector_load %arg20[%get3A_1608] {strides = array<i32>} : memref<48xi32, #tpu.memory_space<vmem>>, vector<16xi32>,
      %eq3A_1610 = arith.cmpi eq, %get3A_1609, %get3A_1590 : vector<16xi32>
      %select_n3A_1611 = arith.select %eq3A_1610, %broadcast_in_dim3A_20, %broadcast_in_dim3A_22 : vector<16xi1>, vector<16xi32>
      %add3A_1612 = arith.addi %add3A_1607, %select_n3A_1611 : vector<16xi32>
      %get3A_1613 = arith.constant 11 : index
      %get3A_1614 = tpu.vector_load %arg20[%get3A_1613] {strides = array<i32>} : memref<48xi32, #tpu.memory_space<vmem>>, vector<16xi32>,
      %eq3A_1615 = arith.cmpi eq, %get3A_1614, %get3A_1590 : vector<16xi32>
      %select_n3A_1616 = arith.select %eq3A_1615, %broadcast_in_dim3A_20, %broadcast_in_dim3A_22 : vector<16xi1>, vector<16xi32>
      %add3A_1617 = arith.addi %add3A_1612, %select_n3A_1616 : vector<16xi32>
      %get3A_1618 = arith.constant 10 : index
      %get3A_1619 = tpu.vector_load %arg20[%get3A_1618] {strides = array<i32>} : memref<48xi32, #tpu.memory_space<vmem>>, vector<16xi32>,
      %eq3A_1620 = arith.cmpi eq, %get3A_1619, %get3A_1590 : vector<16xi32>
      %select_n3A_1621 = arith.select %eq3A_1620, %broadcast_in_dim3A_20, %broadcast_in_dim3A_22 : vector<16xi1>, vector<16xi32>
      %add3A_1622 = arith.addi %add3A_1617, %select_n3A_1621 : vector<16xi32>
      %get3A_1623 = arith.constant 9 : index
      %get3A_1624 = tpu.vector_load %arg20[%get3A_1623] {strides = array<i32>} : memref<48xi32, #tpu.memory_space<vmem>>, vector<16xi32>,
      %eq3A_1625 = arith.cmpi eq, %get3A_1624, %get3A_1590 : vector<16xi32>
      %select_n3A_1626 = arith.select %eq3A_1625, %broadcast_in_dim3A_20, %broadcast_in_dim3A_22 : vector<16xi1>, vector<16xi32>
      %add3A_1627 = arith.addi %add3A_1622, %select_n3A_1626 : vector<16xi32>
      %get3A_1628 = arith.constant 8 : index
      %get3A_1629 = tpu.vector_load %arg20[%get3A_1628] {strides = array<i32>} : memref<48xi32, #tpu.memory_space<vmem>>, vector<16xi32>,
      %eq3A_1630 = arith.cmpi eq, %get3A_1629, %get3A_1590 : vector<16xi32>
      %select_n3A_1631 = arith.select %eq3A_1630, %broadcast_in_dim3A_20, %broadcast_in_dim3A_22 : vector<16xi1>, vector<16xi32>
      %add3A_1632 = arith.addi %add3A_1627, %select_n3A_1631 : vector<16xi32>
      %get3A_1633 = arith.constant 7 : index
      %get3A_1634 = tpu.vector_load %arg20[%get3A_1633] {strides = array<i32>} : memref<48xi32, #tpu.memory_space<vmem>>, vector<16xi32>,
      %eq3A_1635 = arith.cmpi eq, %get3A_1634, %get3A_1590 : vector<16xi32>
      %select_n3A_1636 = arith.select %eq3A_1635, %broadcast_in_dim3A_20, %broadcast_in_dim3A_22 : vector<16xi1>, vector<16xi32>
      %add3A_1637 = arith.addi %add3A_1632, %select_n3A_1636 : vector<16xi32>
      %get3A_1638 = arith.constant 6 : index
      %get3A_1639 = tpu.vector_load %arg20[%get3A_1638] {strides = array<i32>} : memref<48xi32, #tpu.memory_space<vmem>>, vector<16xi32>,
      %eq3A_1640 = arith.cmpi eq, %get3A_1639, %get3A_1590 : vector<16xi32>
      %select_n3A_1641 = arith.select %eq3A_1640, %broadcast_in_dim3A_20, %broadcast_in_dim3A_22 : vector<16xi1>, vector<16xi32>
      %add3A_1642 = arith.addi %add3A_1637, %select_n3A_1641 : vector<16xi32>
      %get3A_1643 = arith.constant 5 : index
      %get3A_1644 = tpu.vector_load %arg20[%get3A_1643] {strides = array<i32>} : memref<48xi32, #tpu.memory_space<vmem>>, vector<16xi32>,
      %eq3A_1645 = arith.cmpi eq, %get3A_1644, %get3A_1590 : vector<16xi32>
      %select_n3A_1646 = arith.select %eq3A_1645, %broadcast_in_dim3A_20, %broadcast_in_dim3A_22 : vector<16xi1>, vector<16xi32>
      %add3A_1647 = arith.addi %add3A_1642, %select_n3A_1646 : vector<16xi32>
      %get3A_1648 = arith.constant 4 : index
      %get3A_1649 = tpu.vector_load %arg20[%get3A_1648] {strides = array<i32>} : memref<48xi32, #tpu.memory_space<vmem>>, vector<16xi32>,
      %eq3A_1650 = arith.cmpi eq, %get3A_1649, %get3A_1590 : vector<16xi32>
      %select_n3A_1651 = arith.select %eq3A_1650, %broadcast_in_dim3A_20, %broadcast_in_dim3A_22 : vector<16xi1>, vector<16xi32>
      %add3A_1652 = arith.addi %add3A_1647, %select_n3A_1651 : vector<16xi32>
      %get3A_1653 = arith.constant 3 : index
      %get3A_1654 = tpu.vector_load %arg20[%get3A_1653] {strides = array<i32>} : memref<48xi32, #tpu.memory_space<vmem>>, vector<16xi32>,
      %eq3A_1655 = arith.cmpi eq, %get3A_1654, %get3A_1590 : vector<16xi32>
      %select_n3A_1656 = arith.select %eq3A_1655, %broadcast_in_dim3A_20, %broadcast_in_dim3A_22 : vector<16xi1>, vector<16xi32>
      %add3A_1657 = arith.addi %add3A_1652, %select_n3A_1656 : vector<16xi32>
      %get3A_1658 = arith.constant 2 : index
      %get3A_1659 = tpu.vector_load %arg20[%get3A_1658] {strides = array<i32>} : memref<48xi32, #tpu.memory_space<vmem>>, vector<16xi32>,
      %eq3A_1660 = arith.cmpi eq, %get3A_1659, %get3A_1590 : vector<16xi32>
      %select_n3A_1661 = arith.select %eq3A_1660, %broadcast_in_dim3A_20, %broadcast_in_dim3A_22 : vector<16xi1>, vector<16xi32>
      %add3A_1662 = arith.addi %add3A_1657, %select_n3A_1661 : vector<16xi32>
      %get3A_1663 = arith.constant 1 : index
      %get3A_1664 = tpu.vector_load %arg20[%get3A_1663] {strides = array<i32>} : memref<48xi32, #tpu.memory_space<vmem>>, vector<16xi32>,
      %eq3A_1665 = arith.cmpi eq, %get3A_1664, %get3A_1590 : vector<16xi32>
      %select_n3A_1666 = arith.select %eq3A_1665, %broadcast_in_dim3A_20, %broadcast_in_dim3A_22 : vector<16xi1>, vector<16xi32>
      %add3A_1667 = arith.addi %add3A_1662, %select_n3A_1666 : vector<16xi32>
      %gather3A_1668 = tpu.vector_load_idx %arg10[%get3A_1590] : memref<976xi32, #tpu.memory_space<vmem>>[vector<16xi32>], vector<16xi32>,
      %add3A_1669 = arith.addi %gather3A_1668, %add3A_1667 : vector<16xi32>
      %swap3A_1670 = arith.constant 1 : i32
      %swap3A_1671 = arith.index_cast %swap3A_1670 : i32 to index
      %swap3A_1672 = arith.constant 48 : index
      %swap3A_1673 = tpu.vector_load %arg17[%swap3A_1671, %swap3A_1672] {strides = array<i32>} : memref<2x80xi32, #tpu.memory_space<vmem>>, vector<16xi32>,
      tpu.vector_store %arg17[%swap3A_1671, %swap3A_1672], %add3A_1669 {strides = array<i32>} : memref<2x80xi32, #tpu.memory_space<vmem>>, vector<16xi32>,
      tpu.vector_store_idx %arg10[%get3A_1590], %broadcast_in_dim3A_20 {add = true} : memref<976xi32, #tpu.memory_space<vmem>>[vector<16xi32>], vector<16xi32>,
      %mul3A_1674 = arith.constant 80 : i32
      %mul3A_1675 = arith.muli %add3A_1317, %mul3A_1674 : i32
      %add3A_1676 = arith.constant 64 : i32
      %add3A_1677 = arith.addi %mul3A_1675, %add3A_1676 : i32
      %get3A_1678 = arith.index_cast %add3A_1677 : i32 to index
      %get3A_1679 = tpu.vector_load %arg13[%get3A_1678] {strides = array<i32>} : memref<10000xi32, #tpu.memory_space<vmem>>, vector<16xi32>,
      %swap3A_1680 = arith.constant 16 : index
      %swap3A_1681 = tpu.vector_load %arg20[%swap3A_1680] {strides = array<i32>} : memref<48xi32, #tpu.memory_space<vmem>>, vector<16xi32>,
      tpu.vector_store %arg20[%swap3A_1680], %get3A_1679 {strides = array<i32>} : memref<48xi32, #tpu.memory_space<vmem>>, vector<16xi32>,
      %get3A_1682 = arith.constant 15 : index
      %get3A_1683 = tpu.vector_load %arg20[%get3A_1682] {strides = array<i32>} : memref<48xi32, #tpu.memory_space<vmem>>, vector<16xi32>,
      %eq3A_1684 = arith.cmpi eq, %get3A_1683, %get3A_1679 : vector<16xi32>
      %select_n3A_1685 = arith.select %eq3A_1684, %broadcast_in_dim3A_20, %broadcast_in_dim3A_22 : vector<16xi1>, vector<16xi32>
      %add3A_1686 = arith.addi %broadcast_in_dim3A_22, %select_n3A_1685 : vector<16xi32>
      %get3A_1687 = arith.constant 14 : index
      %get3A_1688 = tpu.vector_load %arg20[%get3A_1687] {strides = array<i32>} : memref<48xi32, #tpu.memory_space<vmem>>, vector<16xi32>,
      %eq3A_1689 = arith.cmpi eq, %get3A_1688, %get3A_1679 : vector<16xi32>
      %select_n3A_1690 = arith.select %eq3A_1689, %broadcast_in_dim3A_20, %broadcast_in_dim3A_22 : vector<16xi1>, vector<16xi32>
      %add3A_1691 = arith.addi %add3A_1686, %select_n3A_1690 : vector<16xi32>
      %get3A_1692 = arith.constant 13 : index
      %get3A_1693 = tpu.vector_load %arg20[%get3A_1692] {strides = array<i32>} : memref<48xi32, #tpu.memory_space<vmem>>, vector<16xi32>,
      %eq3A_1694 = arith.cmpi eq, %get3A_1693, %get3A_1679 : vector<16xi32>
      %select_n3A_1695 = arith.select %eq3A_1694, %broadcast_in_dim3A_20, %broadcast_in_dim3A_22 : vector<16xi1>, vector<16xi32>
      %add3A_1696 = arith.addi %add3A_1691, %select_n3A_1695 : vector<16xi32>
      %get3A_1697 = arith.constant 12 : index
      %get3A_1698 = tpu.vector_load %arg20[%get3A_1697] {strides = array<i32>} : memref<48xi32, #tpu.memory_space<vmem>>, vector<16xi32>,
      %eq3A_1699 = arith.cmpi eq, %get3A_1698, %get3A_1679 : vector<16xi32>
      %select_n3A_1700 = arith.select %eq3A_1699, %broadcast_in_dim3A_20, %broadcast_in_dim3A_22 : vector<16xi1>, vector<16xi32>
      %add3A_1701 = arith.addi %add3A_1696, %select_n3A_1700 : vector<16xi32>
      %get3A_1702 = arith.constant 11 : index
      %get3A_1703 = tpu.vector_load %arg20[%get3A_1702] {strides = array<i32>} : memref<48xi32, #tpu.memory_space<vmem>>, vector<16xi32>,
      %eq3A_1704 = arith.cmpi eq, %get3A_1703, %get3A_1679 : vector<16xi32>
      %select_n3A_1705 = arith.select %eq3A_1704, %broadcast_in_dim3A_20, %broadcast_in_dim3A_22 : vector<16xi1>, vector<16xi32>
      %add3A_1706 = arith.addi %add3A_1701, %select_n3A_1705 : vector<16xi32>
      %get3A_1707 = arith.constant 10 : index
      %get3A_1708 = tpu.vector_load %arg20[%get3A_1707] {strides = array<i32>} : memref<48xi32, #tpu.memory_space<vmem>>, vector<16xi32>,
      %eq3A_1709 = arith.cmpi eq, %get3A_1708, %get3A_1679 : vector<16xi32>
      %select_n3A_1710 = arith.select %eq3A_1709, %broadcast_in_dim3A_20, %broadcast_in_dim3A_22 : vector<16xi1>, vector<16xi32>
      %add3A_1711 = arith.addi %add3A_1706, %select_n3A_1710 : vector<16xi32>
      %get3A_1712 = arith.constant 9 : index
      %get3A_1713 = tpu.vector_load %arg20[%get3A_1712] {strides = array<i32>} : memref<48xi32, #tpu.memory_space<vmem>>, vector<16xi32>,
      %eq3A_1714 = arith.cmpi eq, %get3A_1713, %get3A_1679 : vector<16xi32>
      %select_n3A_1715 = arith.select %eq3A_1714, %broadcast_in_dim3A_20, %broadcast_in_dim3A_22 : vector<16xi1>, vector<16xi32>
      %add3A_1716 = arith.addi %add3A_1711, %select_n3A_1715 : vector<16xi32>
      %get3A_1717 = arith.constant 8 : index
      %get3A_1718 = tpu.vector_load %arg20[%get3A_1717] {strides = array<i32>} : memref<48xi32, #tpu.memory_space<vmem>>, vector<16xi32>,
      %eq3A_1719 = arith.cmpi eq, %get3A_1718, %get3A_1679 : vector<16xi32>
      %select_n3A_1720 = arith.select %eq3A_1719, %broadcast_in_dim3A_20, %broadcast_in_dim3A_22 : vector<16xi1>, vector<16xi32>
      %add3A_1721 = arith.addi %add3A_1716, %select_n3A_1720 : vector<16xi32>
      %get3A_1722 = arith.constant 7 : index
      %get3A_1723 = tpu.vector_load %arg20[%get3A_1722] {strides = array<i32>} : memref<48xi32, #tpu.memory_space<vmem>>, vector<16xi32>,
      %eq3A_1724 = arith.cmpi eq, %get3A_1723, %get3A_1679 : vector<16xi32>
      %select_n3A_1725 = arith.select %eq3A_1724, %broadcast_in_dim3A_20, %broadcast_in_dim3A_22 : vector<16xi1>, vector<16xi32>
      %add3A_1726 = arith.addi %add3A_1721, %select_n3A_1725 : vector<16xi32>
      %get3A_1727 = arith.constant 6 : index
      %get3A_1728 = tpu.vector_load %arg20[%get3A_1727] {strides = array<i32>} : memref<48xi32, #tpu.memory_space<vmem>>, vector<16xi32>,
      %eq3A_1729 = arith.cmpi eq, %get3A_1728, %get3A_1679 : vector<16xi32>
      %select_n3A_1730 = arith.select %eq3A_1729, %broadcast_in_dim3A_20, %broadcast_in_dim3A_22 : vector<16xi1>, vector<16xi32>
      %add3A_1731 = arith.addi %add3A_1726, %select_n3A_1730 : vector<16xi32>
      %get3A_1732 = arith.constant 5 : index
      %get3A_1733 = tpu.vector_load %arg20[%get3A_1732] {strides = array<i32>} : memref<48xi32, #tpu.memory_space<vmem>>, vector<16xi32>,
      %eq3A_1734 = arith.cmpi eq, %get3A_1733, %get3A_1679 : vector<16xi32>
      %select_n3A_1735 = arith.select %eq3A_1734, %broadcast_in_dim3A_20, %broadcast_in_dim3A_22 : vector<16xi1>, vector<16xi32>
      %add3A_1736 = arith.addi %add3A_1731, %select_n3A_1735 : vector<16xi32>
      %get3A_1737 = arith.constant 4 : index
      %get3A_1738 = tpu.vector_load %arg20[%get3A_1737] {strides = array<i32>} : memref<48xi32, #tpu.memory_space<vmem>>, vector<16xi32>,
      %eq3A_1739 = arith.cmpi eq, %get3A_1738, %get3A_1679 : vector<16xi32>
      %select_n3A_1740 = arith.select %eq3A_1739, %broadcast_in_dim3A_20, %broadcast_in_dim3A_22 : vector<16xi1>, vector<16xi32>
      %add3A_1741 = arith.addi %add3A_1736, %select_n3A_1740 : vector<16xi32>
      %get3A_1742 = arith.constant 3 : index
      %get3A_1743 = tpu.vector_load %arg20[%get3A_1742] {strides = array<i32>} : memref<48xi32, #tpu.memory_space<vmem>>, vector<16xi32>,
      %eq3A_1744 = arith.cmpi eq, %get3A_1743, %get3A_1679 : vector<16xi32>
      %select_n3A_1745 = arith.select %eq3A_1744, %broadcast_in_dim3A_20, %broadcast_in_dim3A_22 : vector<16xi1>, vector<16xi32>
      %add3A_1746 = arith.addi %add3A_1741, %select_n3A_1745 : vector<16xi32>
      %get3A_1747 = arith.constant 2 : index
      %get3A_1748 = tpu.vector_load %arg20[%get3A_1747] {strides = array<i32>} : memref<48xi32, #tpu.memory_space<vmem>>, vector<16xi32>,
      %eq3A_1749 = arith.cmpi eq, %get3A_1748, %get3A_1679 : vector<16xi32>
      %select_n3A_1750 = arith.select %eq3A_1749, %broadcast_in_dim3A_20, %broadcast_in_dim3A_22 : vector<16xi1>, vector<16xi32>
      %add3A_1751 = arith.addi %add3A_1746, %select_n3A_1750 : vector<16xi32>
      %get3A_1752 = arith.constant 1 : index
      %get3A_1753 = tpu.vector_load %arg20[%get3A_1752] {strides = array<i32>} : memref<48xi32, #tpu.memory_space<vmem>>, vector<16xi32>,
      %eq3A_1754 = arith.cmpi eq, %get3A_1753, %get3A_1679 : vector<16xi32>
      %select_n3A_1755 = arith.select %eq3A_1754, %broadcast_in_dim3A_20, %broadcast_in_dim3A_22 : vector<16xi1>, vector<16xi32>
      %add3A_1756 = arith.addi %add3A_1751, %select_n3A_1755 : vector<16xi32>
      %gather3A_1757 = tpu.vector_load_idx %arg10[%get3A_1679] : memref<976xi32, #tpu.memory_space<vmem>>[vector<16xi32>], vector<16xi32>,
      %add3A_1758 = arith.addi %gather3A_1757, %add3A_1756 : vector<16xi32>
      %swap3A_1759 = arith.constant 1 : i32
      %swap3A_1760 = arith.index_cast %swap3A_1759 : i32 to index
      %swap3A_1761 = arith.constant 64 : index
      %swap3A_1762 = tpu.vector_load %arg17[%swap3A_1760, %swap3A_1761] {strides = array<i32>} : memref<2x80xi32, #tpu.memory_space<vmem>>, vector<16xi32>,
      tpu.vector_store %arg17[%swap3A_1760, %swap3A_1761], %add3A_1758 {strides = array<i32>} : memref<2x80xi32, #tpu.memory_space<vmem>>, vector<16xi32>,
      tpu.vector_store_idx %arg10[%get3A_1679], %broadcast_in_dim3A_20 {add = true} : memref<976xi32, #tpu.memory_space<vmem>>[vector<16xi32>], vector<16xi32>,
      %parallel_loop3A_1763 = arith.constant 0 : i32
      %parallel_loop3A_1764 = arith.constant 80 : i32
      %parallel_loop3A_1765 = arith.constant 1 : i32
      scf.for %parallel_loop3A_1867 = %parallel_loop3A_1763 to %parallel_loop3A_1764 step %parallel_loop3A_1765  : i32 {
        %parallel_loop3A_1868 = arith.constant 1 : i32
        %parallel_loop3A_1869 = arith.index_cast %parallel_loop3A_1868 : i32 to index
        %parallel_loop3A_1870 = arith.index_cast %parallel_loop3A_1867 : i32 to index
        %parallel_loop3A_1871 = arith.constant 0 : index
        %parallel_loop3A_1872 = tpu.vector_load %arg14[%parallel_loop3A_1869, %parallel_loop3A_1870, %parallel_loop3A_1871] {strides = array<i32>} : memref<2x80x128xbf16, #tpu.memory_space<vmem>>, vector<32xbf16>,
        %parallel_loop3A_1873 = tpu.unpack_subelements %parallel_loop3A_1872, 0 {pack_format = #tpu.pack_format<interleaved>} : vector<32xbf16> -> vector<16xf32>
        %parallel_loop3A_1874 = tpu.unpack_subelements %parallel_loop3A_1872, 1 {pack_format = #tpu.pack_format<interleaved>} : vector<32xbf16> -> vector<16xf32>
        %parallel_loop3A_1875 = arith.constant 1 : i32
        %parallel_loop3A_1876 = arith.index_cast %parallel_loop3A_1875 : i32 to index
        %parallel_loop3A_1877 = arith.index_cast %parallel_loop3A_1867 : i32 to index
        %parallel_loop3A_1878 = arith.constant 0 : index
        %parallel_loop3A_1879 = tpu.vector_load %arg16[%parallel_loop3A_1876, %parallel_loop3A_1877, %parallel_loop3A_1878] {strides = array<i32>} : memref<2x80x128xbf16, #tpu.memory_space<vmem>>, vector<32xbf16>,
        %parallel_loop3A_1880 = tpu.unpack_subelements %parallel_loop3A_1879, 0 {pack_format = #tpu.pack_format<interleaved>} : vector<32xbf16> -> vector<16xf32>
        %parallel_loop3A_1881 = tpu.unpack_subelements %parallel_loop3A_1879, 1 {pack_format = #tpu.pack_format<interleaved>} : vector<32xbf16> -> vector<16xf32>
        %parallel_loop3A_1882 = arith.constant 1 : i32
        %parallel_loop3A_1883 = arith.index_cast %parallel_loop3A_1882 : i32 to index
        %parallel_loop3A_1884 = arith.index_cast %parallel_loop3A_1867 : i32 to index
        %parallel_loop3A_1885 = arith.constant 0 : index
        %parallel_loop3A_1886 = tpu.vector_load %arg15[%parallel_loop3A_1883, %parallel_loop3A_1884, %parallel_loop3A_1885] {strides = array<i32>} : memref<2x80x128xbf16, #tpu.memory_space<vmem>>, vector<32xbf16>,
        %parallel_loop3A_1887 = tpu.unpack_subelements %parallel_loop3A_1886, 0 {pack_format = #tpu.pack_format<interleaved>} : vector<32xbf16> -> vector<16xf32>
        %parallel_loop3A_1888 = tpu.unpack_subelements %parallel_loop3A_1886, 1 {pack_format = #tpu.pack_format<interleaved>} : vector<32xbf16> -> vector<16xf32>
        %parallel_loop3A_1889 = arith.mulf %parallel_loop3A_1873, %parallel_loop3A_1880 : vector<16xf32>
        %parallel_loop3A_1890 = arith.mulf %parallel_loop3A_1889, %parallel_loop3A_1887 : vector<16xf32>
        %parallel_loop3A_1891 = arith.mulf %parallel_loop3A_1874, %parallel_loop3A_1881 : vector<16xf32>
        %parallel_loop3A_1892 = arith.mulf %parallel_loop3A_1891, %parallel_loop3A_1888 : vector<16xf32>
        %parallel_loop3A_1893 = arith.addf %parallel_loop3A_1890, %parallel_loop3A_1892 : vector<16xf32>
        %parallel_loop3A_1894 = arith.constant 1 : i32
        %parallel_loop3A_1895 = arith.index_cast %parallel_loop3A_1894 : i32 to index
        %parallel_loop3A_1896 = arith.index_cast %parallel_loop3A_1867 : i32 to index
        %parallel_loop3A_1897 = arith.constant 32 : index
        %parallel_loop3A_1898 = tpu.vector_load %arg14[%parallel_loop3A_1895, %parallel_loop3A_1896, %parallel_loop3A_1897] {strides = array<i32>} : memref<2x80x128xbf16, #tpu.memory_space<vmem>>, vector<32xbf16>,
        %parallel_loop3A_1899 = tpu.unpack_subelements %parallel_loop3A_1898, 0 {pack_format = #tpu.pack_format<interleaved>} : vector<32xbf16> -> vector<16xf32>
        %parallel_loop3A_1900 = tpu.unpack_subelements %parallel_loop3A_1898, 1 {pack_format = #tpu.pack_format<interleaved>} : vector<32xbf16> -> vector<16xf32>
        %parallel_loop3A_1901 = arith.constant 1 : i32
        %parallel_loop3A_1902 = arith.index_cast %parallel_loop3A_1901 : i32 to index
        %parallel_loop3A_1903 = arith.index_cast %parallel_loop3A_1867 : i32 to index
        %parallel_loop3A_1904 = arith.constant 32 : index
        %parallel_loop3A_1905 = tpu.vector_load %arg16[%parallel_loop3A_1902, %parallel_loop3A_1903, %parallel_loop3A_1904] {strides = array<i32>} : memref<2x80x128xbf16, #tpu.memory_space<vmem>>, vector<32xbf16>,
        %parallel_loop3A_1906 = tpu.unpack_subelements %parallel_loop3A_1905, 0 {pack_format = #tpu.pack_format<interleaved>} : vector<32xbf16> -> vector<16xf32>
        %parallel_loop3A_1907 = tpu.unpack_subelements %parallel_loop3A_1905, 1 {pack_format = #tpu.pack_format<interleaved>} : vector<32xbf16> -> vector<16xf32>
        %parallel_loop3A_1908 = arith.constant 1 : i32
        %parallel_loop3A_1909 = arith.index_cast %parallel_loop3A_1908 : i32 to index
        %parallel_loop3A_1910 = arith.index_cast %parallel_loop3A_1867 : i32 to index
        %parallel_loop3A_1911 = arith.constant 32 : index
        %parallel_loop3A_1912 = tpu.vector_load %arg15[%parallel_loop3A_1909, %parallel_loop3A_1910, %parallel_loop3A_1911] {strides = array<i32>} : memref<2x80x128xbf16, #tpu.memory_space<vmem>>, vector<32xbf16>,
        %parallel_loop3A_1913 = tpu.unpack_subelements %parallel_loop3A_1912, 0 {pack_format = #tpu.pack_format<interleaved>} : vector<32xbf16> -> vector<16xf32>
        %parallel_loop3A_1914 = tpu.unpack_subelements %parallel_loop3A_1912, 1 {pack_format = #tpu.pack_format<interleaved>} : vector<32xbf16> -> vector<16xf32>
        %parallel_loop3A_1915 = arith.mulf %parallel_loop3A_1899, %parallel_loop3A_1906 : vector<16xf32>
        %parallel_loop3A_1916 = arith.mulf %parallel_loop3A_1915, %parallel_loop3A_1913 : vector<16xf32>
        %parallel_loop3A_1917 = arith.mulf %parallel_loop3A_1900, %parallel_loop3A_1907 : vector<16xf32>
        %parallel_loop3A_1918 = arith.mulf %parallel_loop3A_1917, %parallel_loop3A_1914 : vector<16xf32>
        %parallel_loop3A_1919 = arith.addf %parallel_loop3A_1916, %parallel_loop3A_1918 : vector<16xf32>
        %parallel_loop3A_1920 = arith.addf %parallel_loop3A_1893, %parallel_loop3A_1919 : vector<16xf32>
        %parallel_loop3A_1921 = arith.constant 1 : i32
        %parallel_loop3A_1922 = arith.index_cast %parallel_loop3A_1921 : i32 to index
        %parallel_loop3A_1923 = arith.index_cast %parallel_loop3A_1867 : i32 to index
        %parallel_loop3A_1924 = arith.constant 64 : index
        %parallel_loop3A_1925 = tpu.vector_load %arg14[%parallel_loop3A_1922, %parallel_loop3A_1923, %parallel_loop3A_1924] {strides = array<i32>} : memref<2x80x128xbf16, #tpu.memory_space<vmem>>, vector<32xbf16>,
        %parallel_loop3A_1926 = tpu.unpack_subelements %parallel_loop3A_1925, 0 {pack_format = #tpu.pack_format<interleaved>} : vector<32xbf16> -> vector<16xf32>
        %parallel_loop3A_1927 = tpu.unpack_subelements %parallel_loop3A_1925, 1 {pack_format = #tpu.pack_format<interleaved>} : vector<32xbf16> -> vector<16xf32>
        %parallel_loop3A_1928 = arith.constant 1 : i32
        %parallel_loop3A_1929 = arith.index_cast %parallel_loop3A_1928 : i32 to index
        %parallel_loop3A_1930 = arith.index_cast %parallel_loop3A_1867 : i32 to index
        %parallel_loop3A_1931 = arith.constant 64 : index
        %parallel_loop3A_1932 = tpu.vector_load %arg16[%parallel_loop3A_1929, %parallel_loop3A_1930, %parallel_loop3A_1931] {strides = array<i32>} : memref<2x80x128xbf16, #tpu.memory_space<vmem>>, vector<32xbf16>,
        %parallel_loop3A_1933 = tpu.unpack_subelements %parallel_loop3A_1932, 0 {pack_format = #tpu.pack_format<interleaved>} : vector<32xbf16> -> vector<16xf32>
        %parallel_loop3A_1934 = tpu.unpack_subelements %parallel_loop3A_1932, 1 {pack_format = #tpu.pack_format<interleaved>} : vector<32xbf16> -> vector<16xf32>
        %parallel_loop3A_1935 = arith.constant 1 : i32
        %parallel_loop3A_1936 = arith.index_cast %parallel_loop3A_1935 : i32 to index
        %parallel_loop3A_1937 = arith.index_cast %parallel_loop3A_1867 : i32 to index
        %parallel_loop3A_1938 = arith.constant 64 : index
        %parallel_loop3A_1939 = tpu.vector_load %arg15[%parallel_loop3A_1936, %parallel_loop3A_1937, %parallel_loop3A_1938] {strides = array<i32>} : memref<2x80x128xbf16, #tpu.memory_space<vmem>>, vector<32xbf16>,
        %parallel_loop3A_1940 = tpu.unpack_subelements %parallel_loop3A_1939, 0 {pack_format = #tpu.pack_format<interleaved>} : vector<32xbf16> -> vector<16xf32>
        %parallel_loop3A_1941 = tpu.unpack_subelements %parallel_loop3A_1939, 1 {pack_format = #tpu.pack_format<interleaved>} : vector<32xbf16> -> vector<16xf32>
        %parallel_loop3A_1942 = arith.mulf %parallel_loop3A_1926, %parallel_loop3A_1933 : vector<16xf32>
        %parallel_loop3A_1943 = arith.mulf %parallel_loop3A_1942, %parallel_loop3A_1940 : vector<16xf32>
        %parallel_loop3A_1944 = arith.mulf %parallel_loop3A_1927, %parallel_loop3A_1934 : vector<16xf32>
        %parallel_loop3A_1945 = arith.mulf %parallel_loop3A_1944, %parallel_loop3A_1941 : vector<16xf32>
        %parallel_loop3A_1946 = arith.addf %parallel_loop3A_1943, %parallel_loop3A_1945 : vector<16xf32>
        %parallel_loop3A_1947 = arith.addf %parallel_loop3A_1920, %parallel_loop3A_1946 : vector<16xf32>
        %parallel_loop3A_1948 = arith.constant 1 : i32
        %parallel_loop3A_1949 = arith.index_cast %parallel_loop3A_1948 : i32 to index
        %parallel_loop3A_1950 = arith.index_cast %parallel_loop3A_1867 : i32 to index
        %parallel_loop3A_1951 = arith.constant 96 : index
        %parallel_loop3A_1952 = tpu.vector_load %arg14[%parallel_loop3A_1949, %parallel_loop3A_1950, %parallel_loop3A_1951] {strides = array<i32>} : memref<2x80x128xbf16, #tpu.memory_space<vmem>>, vector<32xbf16>,
        %parallel_loop3A_1953 = tpu.unpack_subelements %parallel_loop3A_1952, 0 {pack_format = #tpu.pack_format<interleaved>} : vector<32xbf16> -> vector<16xf32>
        %parallel_loop3A_1954 = tpu.unpack_subelements %parallel_loop3A_1952, 1 {pack_format = #tpu.pack_format<interleaved>} : vector<32xbf16> -> vector<16xf32>
        %parallel_loop3A_1955 = arith.constant 1 : i32
        %parallel_loop3A_1956 = arith.index_cast %parallel_loop3A_1955 : i32 to index
        %parallel_loop3A_1957 = arith.index_cast %parallel_loop3A_1867 : i32 to index
        %parallel_loop3A_1958 = arith.constant 96 : index
        %parallel_loop3A_1959 = tpu.vector_load %arg16[%parallel_loop3A_1956, %parallel_loop3A_1957, %parallel_loop3A_1958] {strides = array<i32>} : memref<2x80x128xbf16, #tpu.memory_space<vmem>>, vector<32xbf16>,
        %parallel_loop3A_1960 = tpu.unpack_subelements %parallel_loop3A_1959, 0 {pack_format = #tpu.pack_format<interleaved>} : vector<32xbf16> -> vector<16xf32>
        %parallel_loop3A_1961 = tpu.unpack_subelements %parallel_loop3A_1959, 1 {pack_format = #tpu.pack_format<interleaved>} : vector<32xbf16> -> vector<16xf32>
        %parallel_loop3A_1962 = arith.constant 1 : i32
        %parallel_loop3A_1963 = arith.index_cast %parallel_loop3A_1962 : i32 to index
        %parallel_loop3A_1964 = arith.index_cast %parallel_loop3A_1867 : i32 to index
        %parallel_loop3A_1965 = arith.constant 96 : index
        %parallel_loop3A_1966 = tpu.vector_load %arg15[%parallel_loop3A_1963, %parallel_loop3A_1964, %parallel_loop3A_1965] {strides = array<i32>} : memref<2x80x128xbf16, #tpu.memory_space<vmem>>, vector<32xbf16>,
        %parallel_loop3A_1967 = tpu.unpack_subelements %parallel_loop3A_1966, 0 {pack_format = #tpu.pack_format<interleaved>} : vector<32xbf16> -> vector<16xf32>
        %parallel_loop3A_1968 = tpu.unpack_subelements %parallel_loop3A_1966, 1 {pack_format = #tpu.pack_format<interleaved>} : vector<32xbf16> -> vector<16xf32>
        %parallel_loop3A_1969 = arith.mulf %parallel_loop3A_1953, %parallel_loop3A_1960 : vector<16xf32>
        %parallel_loop3A_1970 = arith.mulf %parallel_loop3A_1969, %parallel_loop3A_1967 : vector<16xf32>
        %parallel_loop3A_1971 = arith.mulf %parallel_loop3A_1954, %parallel_loop3A_1961 : vector<16xf32>
        %parallel_loop3A_1972 = arith.mulf %parallel_loop3A_1971, %parallel_loop3A_1968 : vector<16xf32>
        %parallel_loop3A_1973 = arith.addf %parallel_loop3A_1970, %parallel_loop3A_1972 : vector<16xf32>
        %parallel_loop3A_1974 = arith.addf %parallel_loop3A_1947, %parallel_loop3A_1973 : vector<16xf32>
        %parallel_loop3A_1975 = arith.constant true
        %parallel_loop3A_1976 = vector.broadcast %parallel_loop3A_1975 : i1 to vector<16xi1>
        %parallel_loop3A_1977 = tpu.scan <sum>, %parallel_loop3A_1974 masked %parallel_loop3A_1976 : vector<16xf32>, vector<16xi1> -> vector<16xf32>
        %parallel_loop3A_1978 = arith.index_cast %parallel_loop3A_1867 : i32 to index
        %parallel_loop3A_1979 = arith.constant 0 : index
        %parallel_loop3A_1980 = tpu.vector_load %arg19[%parallel_loop3A_1978, %parallel_loop3A_1979] {strides = array<i32>} : memref<80x16xf32, #tpu.memory_space<vmem>>, vector<16xf32>,
        tpu.vector_store %arg19[%parallel_loop3A_1978, %parallel_loop3A_1979], %parallel_loop3A_1977 {strides = array<i32>} : memref<80x16xf32, #tpu.memory_space<vmem>>, vector<16xf32>,
      } {sc.loop_unroll_factor = 2 : i64, sc.parallel_access}
      %add3A_1766 = arith.constant 0 : i32
      %add3A_1767 = vector.broadcast %add3A_1766 : i32 to vector<16xi32>
      %add3A_1768 = arith.addi %iota3A, %add3A_1767 : vector<16xi32>
      %gather3A_1769 = tpu.vector_load_idx %arg19[%add3A_1768, %broadcast_in_dim3A_24] : memref<80x16xf32, #tpu.memory_space<vmem>>[vector<16xi32>, vector<16xi32>], vector<16xf32>,
      %neg3A_1770 = arith.constant 0.000000e+00 : f32
      %neg3A_1771 = vector.broadcast %neg3A_1770 : f32 to vector<16xf32>
      %neg3A_1772 = arith.subf %neg3A_1771, %gather3A_1769 : vector<16xf32>
      %exp3A_1773 = math.exp %neg3A_1772 : vector<16xf32>
      %add3A_1774 = arith.constant 1.000000e+00 : f32
      %add3A_1775 = vector.broadcast %add3A_1774 : f32 to vector<16xf32>
      %add3A_1776 = arith.addf %add3A_1775, %exp3A_1773 : vector<16xf32>
      %div3A_1777 = arith.constant 1.000000e+00 : f32
      %div3A_1778 = vector.broadcast %div3A_1777 : f32 to vector<16xf32>
      %div3A_1779 = arith.divf %div3A_1778, %add3A_1776 : vector<16xf32>
      %swap3A_1780 = arith.constant 1 : i32
      %swap3A_1781 = arith.index_cast %swap3A_1780 : i32 to index
      %swap3A_1782 = arith.constant 0 : index
      %swap3A_1783 = tpu.vector_load %arg18[%swap3A_1781, %swap3A_1782] {strides = array<i32>} : memref<2x80xf32, #tpu.memory_space<vmem>>, vector<16xf32>,
      tpu.vector_store %arg18[%swap3A_1781, %swap3A_1782], %div3A_1779 {strides = array<i32>} : memref<2x80xf32, #tpu.memory_space<vmem>>, vector<16xf32>,
      %add3A_1784 = arith.constant 16 : i32
      %add3A_1785 = vector.broadcast %add3A_1784 : i32 to vector<16xi32>
      %add3A_1786 = arith.addi %iota3A, %add3A_1785 : vector<16xi32>
      %gather3A_1787 = tpu.vector_load_idx %arg19[%add3A_1786, %broadcast_in_dim3A_24] : memref<80x16xf32, #tpu.memory_space<vmem>>[vector<16xi32>, vector<16xi32>], vector<16xf32>,
      %neg3A_1788 = arith.constant 0.000000e+00 : f32
      %neg3A_1789 = vector.broadcast %neg3A_1788 : f32 to vector<16xf32>
      %neg3A_1790 = arith.subf %neg3A_1789, %gather3A_1787 : vector<16xf32>
      %exp3A_1791 = math.exp %neg3A_1790 : vector<16xf32>
      %add3A_1792 = arith.constant 1.000000e+00 : f32
      %add3A_1793 = vector.broadcast %add3A_1792 : f32 to vector<16xf32>
      %add3A_1794 = arith.addf %add3A_1793, %exp3A_1791 : vector<16xf32>
      %div3A_1795 = arith.constant 1.000000e+00 : f32
      %div3A_1796 = vector.broadcast %div3A_1795 : f32 to vector<16xf32>
      %div3A_1797 = arith.divf %div3A_1796, %add3A_1794 : vector<16xf32>
      %swap3A_1798 = arith.constant 1 : i32
      %swap3A_1799 = arith.index_cast %swap3A_1798 : i32 to index
      %swap3A_1800 = arith.constant 16 : index
      %swap3A_1801 = tpu.vector_load %arg18[%swap3A_1799, %swap3A_1800] {strides = array<i32>} : memref<2x80xf32, #tpu.memory_space<vmem>>, vector<16xf32>,
      tpu.vector_store %arg18[%swap3A_1799, %swap3A_1800], %div3A_1797 {strides = array<i32>} : memref<2x80xf32, #tpu.memory_space<vmem>>, vector<16xf32>,
      %add3A_1802 = arith.constant 32 : i32
      %add3A_1803 = vector.broadcast %add3A_1802 : i32 to vector<16xi32>
      %add3A_1804 = arith.addi %iota3A, %add3A_1803 : vector<16xi32>
      %gather3A_1805 = tpu.vector_load_idx %arg19[%add3A_1804, %broadcast_in_dim3A_24] : memref<80x16xf32, #tpu.memory_space<vmem>>[vector<16xi32>, vector<16xi32>], vector<16xf32>,
      %neg3A_1806 = arith.constant 0.000000e+00 : f32
      %neg3A_1807 = vector.broadcast %neg3A_1806 : f32 to vector<16xf32>
      %neg3A_1808 = arith.subf %neg3A_1807, %gather3A_1805 : vector<16xf32>
      %exp3A_1809 = math.exp %neg3A_1808 : vector<16xf32>
      %add3A_1810 = arith.constant 1.000000e+00 : f32
      %add3A_1811 = vector.broadcast %add3A_1810 : f32 to vector<16xf32>
      %add3A_1812 = arith.addf %add3A_1811, %exp3A_1809 : vector<16xf32>
      %div3A_1813 = arith.constant 1.000000e+00 : f32
      %div3A_1814 = vector.broadcast %div3A_1813 : f32 to vector<16xf32>
      %div3A_1815 = arith.divf %div3A_1814, %add3A_1812 : vector<16xf32>
      %swap3A_1816 = arith.constant 1 : i32
      %swap3A_1817 = arith.index_cast %swap3A_1816 : i32 to index
      %swap3A_1818 = arith.constant 32 : index
      %swap3A_1819 = tpu.vector_load %arg18[%swap3A_1817, %swap3A_1818] {strides = array<i32>} : memref<2x80xf32, #tpu.memory_space<vmem>>, vector<16xf32>,
      tpu.vector_store %arg18[%swap3A_1817, %swap3A_1818], %div3A_1815 {strides = array<i32>} : memref<2x80xf32, #tpu.memory_space<vmem>>, vector<16xf32>,
      %add3A_1820 = arith.constant 48 : i32
      %add3A_1821 = vector.broadcast %add3A_1820 : i32 to vector<16xi32>
      %add3A_1822 = arith.addi %iota3A, %add3A_1821 : vector<16xi32>
      %gather3A_1823 = tpu.vector_load_idx %arg19[%add3A_1822, %broadcast_in_dim3A_24] : memref<80x16xf32, #tpu.memory_space<vmem>>[vector<16xi32>, vector<16xi32>], vector<16xf32>,
      %neg3A_1824 = arith.constant 0.000000e+00 : f32
      %neg3A_1825 = vector.broadcast %neg3A_1824 : f32 to vector<16xf32>
      %neg3A_1826 = arith.subf %neg3A_1825, %gather3A_1823 : vector<16xf32>
      %exp3A_1827 = math.exp %neg3A_1826 : vector<16xf32>
      %add3A_1828 = arith.constant 1.000000e+00 : f32
      %add3A_1829 = vector.broadcast %add3A_1828 : f32 to vector<16xf32>
      %add3A_1830 = arith.addf %add3A_1829, %exp3A_1827 : vector<16xf32>
      %div3A_1831 = arith.constant 1.000000e+00 : f32
      %div3A_1832 = vector.broadcast %div3A_1831 : f32 to vector<16xf32>
      %div3A_1833 = arith.divf %div3A_1832, %add3A_1830 : vector<16xf32>
      %swap3A_1834 = arith.constant 1 : i32
      %swap3A_1835 = arith.index_cast %swap3A_1834 : i32 to index
      %swap3A_1836 = arith.constant 48 : index
      %swap3A_1837 = tpu.vector_load %arg18[%swap3A_1835, %swap3A_1836] {strides = array<i32>} : memref<2x80xf32, #tpu.memory_space<vmem>>, vector<16xf32>,
      tpu.vector_store %arg18[%swap3A_1835, %swap3A_1836], %div3A_1833 {strides = array<i32>} : memref<2x80xf32, #tpu.memory_space<vmem>>, vector<16xf32>,
      %add3A_1838 = arith.constant 64 : i32
      %add3A_1839 = vector.broadcast %add3A_1838 : i32 to vector<16xi32>
      %add3A_1840 = arith.addi %iota3A, %add3A_1839 : vector<16xi32>
      %gather3A_1841 = tpu.vector_load_idx %arg19[%add3A_1840, %broadcast_in_dim3A_24] : memref<80x16xf32, #tpu.memory_space<vmem>>[vector<16xi32>, vector<16xi32>], vector<16xf32>,
      %neg3A_1842 = arith.constant 0.000000e+00 : f32
      %neg3A_1843 = vector.broadcast %neg3A_1842 : f32 to vector<16xf32>
      %neg3A_1844 = arith.subf %neg3A_1843, %gather3A_1841 : vector<16xf32>
      %exp3A_1845 = math.exp %neg3A_1844 : vector<16xf32>
      %add3A_1846 = arith.constant 1.000000e+00 : f32
      %add3A_1847 = vector.broadcast %add3A_1846 : f32 to vector<16xf32>
      %add3A_1848 = arith.addf %add3A_1847, %exp3A_1845 : vector<16xf32>
      %div3A_1849 = arith.constant 1.000000e+00 : f32
      %div3A_1850 = vector.broadcast %div3A_1849 : f32 to vector<16xf32>
      %div3A_1851 = arith.divf %div3A_1850, %add3A_1848 : vector<16xf32>
      %swap3A_1852 = arith.constant 1 : i32
      %swap3A_1853 = arith.index_cast %swap3A_1852 : i32 to index
      %swap3A_1854 = arith.constant 64 : index
      %swap3A_1855 = tpu.vector_load %arg18[%swap3A_1853, %swap3A_1854] {strides = array<i32>} : memref<2x80xf32, #tpu.memory_space<vmem>>, vector<16xf32>,
      tpu.vector_store %arg18[%swap3A_1853, %swap3A_1854], %div3A_1851 {strides = array<i32>} : memref<2x80xf32, #tpu.memory_space<vmem>>, vector<16xf32>,
      %dma_start3A_1856 = arith.constant 1 : i32
      %dma_start3A_1857 = arith.constant 1 : i32
      %dma_start3A_1858 = arith.constant 0 : i32
      %dma_start3A_1859 = tpu.memref_slice %arg18[%dma_start3A_1856, %dma_start3A_1858] : memref<2x80xf32, #tpu.memory_space<vmem>> -> memref<1x80xf32, #tpu.memory_space<vmem>>
      %dma_start3A_1860 = tpu.memref_squeeze %dma_start3A_1859 : memref<1x80xf32, #tpu.memory_space<vmem>> -> memref<80xf32, #tpu.memory_space<vmem>>
      %dma_start3A_1861 = arith.constant 0 : i32
      %dma_start3A_1862 = tpu.memref_slice %arg17[%dma_start3A_1857, %dma_start3A_1861] : memref<2x80xi32, #tpu.memory_space<vmem>> -> memref<1x80xi32, #tpu.memory_space<vmem>>
      %dma_start3A_1863 = tpu.memref_squeeze %dma_start3A_1862 : memref<1x80xi32, #tpu.memory_space<vmem>> -> memref<80xi32, #tpu.memory_space<vmem>>
      %dma_start3A_1864 = arith.constant 0 : i32
      %dma_start3A_1865 = tpu.memref_slice %arg8[%dma_start3A_1864] : memref<320000xf32, #tpu.memory_space<hbm>> -> memref<320000xf32, #tpu.memory_space<hbm>>
      tpu.enqueue_indirect_dma source(%dma_start3A_1860 : memref<80xf32, #tpu.memory_space<vmem>>) target(%dma_start3A_1865 : memref<320000xf32, #tpu.memory_space<hbm>>) offsets(%dma_start3A_1863 : memref<80xi32, #tpu.memory_space<vmem>>) semaphore(%arg28 : memref<!tpu.dma_semaphore, #tpu.memory_space<semaphore_mem>>)
      %scan3A_1866 = arith.constant 0 : i32
      scf.yield %scan3A_1866 : i32
    }
    %scan3A_60 = arith.constant 62 : i32
    %dma_wait3A = arith.constant 0 : i32
    %dma_wait3A_61 = arith.constant 0 : i32
    %dma_wait3A_62 = arith.constant 0 : i32
    %dma_wait3A_63 = tpu.memref_slice %arg18[%dma_wait3A, %dma_wait3A_62] : memref<2x80xf32, #tpu.memory_space<vmem>> -> memref<1x80xf32, #tpu.memory_space<vmem>>
    %dma_wait3A_64 = tpu.memref_squeeze %dma_wait3A_63 : memref<1x80xf32, #tpu.memory_space<vmem>> -> memref<80xf32, #tpu.memory_space<vmem>>
    %dma_wait3A_65 = arith.constant 0 : i32
    %dma_wait3A_66 = tpu.memref_slice %arg17[%dma_wait3A_61, %dma_wait3A_65] : memref<2x80xi32, #tpu.memory_space<vmem>> -> memref<1x80xi32, #tpu.memory_space<vmem>>
    %dma_wait3A_67 = tpu.memref_squeeze %dma_wait3A_66 : memref<1x80xi32, #tpu.memory_space<vmem>> -> memref<80xi32, #tpu.memory_space<vmem>>
    %dma_wait3A_68 = arith.constant 0 : i32
    %dma_wait3A_69 = tpu.memref_slice %arg8[%dma_wait3A_68] : memref<320000xf32, #tpu.memory_space<hbm>> -> memref<320000xf32, #tpu.memory_space<hbm>>
    tpu.wait_indirect_dma semaphore(%arg27 : memref<!tpu.dma_semaphore, #tpu.memory_space<semaphore_mem>>) src(%dma_wait3A_64 : memref<80xf32, #tpu.memory_space<vmem>>) dst(%dma_wait3A_69 : memref<320000xf32, #tpu.memory_space<hbm>>)
    %dma_wait3A_70 = arith.constant 1 : i32
    %dma_wait3A_71 = arith.constant 1 : i32
    %dma_wait3A_72 = arith.constant 0 : i32
    %dma_wait3A_73 = tpu.memref_slice %arg18[%dma_wait3A_70, %dma_wait3A_72] : memref<2x80xf32, #tpu.memory_space<vmem>> -> memref<1x80xf32, #tpu.memory_space<vmem>>
    %dma_wait3A_74 = tpu.memref_squeeze %dma_wait3A_73 : memref<1x80xf32, #tpu.memory_space<vmem>> -> memref<80xf32, #tpu.memory_space<vmem>>
    %dma_wait3A_75 = arith.constant 0 : i32
    %dma_wait3A_76 = tpu.memref_slice %arg17[%dma_wait3A_71, %dma_wait3A_75] : memref<2x80xi32, #tpu.memory_space<vmem>> -> memref<1x80xi32, #tpu.memory_space<vmem>>
    %dma_wait3A_77 = tpu.memref_squeeze %dma_wait3A_76 : memref<1x80xi32, #tpu.memory_space<vmem>> -> memref<80xi32, #tpu.memory_space<vmem>>
    %dma_wait3A_78 = arith.constant 0 : i32
    %dma_wait3A_79 = tpu.memref_slice %arg8[%dma_wait3A_78] : memref<320000xf32, #tpu.memory_space<hbm>> -> memref<320000xf32, #tpu.memory_space<hbm>>
    tpu.wait_indirect_dma semaphore(%arg28 : memref<!tpu.dma_semaphore, #tpu.memory_space<semaphore_mem>>) src(%dma_wait3A_74 : memref<80xf32, #tpu.memory_space<vmem>>) dst(%dma_wait3A_79 : memref<320000xf32, #tpu.memory_space<hbm>>)
    %dma_wait3A_80 = arith.constant 0 : i32
    %dma_wait3A_81 = arith.constant 0 : i32
    %dma_wait3A_82 = arith.constant 0 : i32
    %dma_wait3A_83 = tpu.memref_slice %arg14[%dma_wait3A_80, %dma_wait3A_81, %dma_wait3A_82] : memref<2x80x128xbf16, #tpu.memory_space<vmem>> -> memref<1x80x128xbf16, #tpu.memory_space<vmem>>
    %dma_wait3A_84 = tpu.memref_squeeze %dma_wait3A_83 : memref<1x80x128xbf16, #tpu.memory_space<vmem>> -> memref<80x128xbf16, #tpu.memory_space<vmem>>
    %dma_wait3A_85 = arith.constant 0 : i32
    %dma_wait3A_86 = tpu.memref_slice %arg11[%dma_wait3A_85] : memref<10000xi32, #tpu.memory_space<vmem>> -> memref<80xi32, #tpu.memory_space<vmem>>
    %dma_wait3A_87 = arith.constant 0 : i32
    %dma_wait3A_88 = arith.constant 0 : i32
    %dma_wait3A_89 = tpu.memref_slice %arg2[%dma_wait3A_87, %dma_wait3A_88] : memref<10000x128xbf16, #tpu.memory_space<hbm>> -> memref<10000x128xbf16, #tpu.memory_space<hbm>>
    tpu.wait_indirect_dma semaphore(%arg21 : memref<!tpu.dma_semaphore, #tpu.memory_space<semaphore_mem>>) src(%dma_wait3A_89 : memref<10000x128xbf16, #tpu.memory_space<hbm>>) dst(%dma_wait3A_84 : memref<80x128xbf16, #tpu.memory_space<vmem>>)
    %dma_wait3A_90 = arith.constant 0 : i32
    %dma_wait3A_91 = arith.constant 0 : i32
    %dma_wait3A_92 = arith.constant 0 : i32
    %dma_wait3A_93 = tpu.memref_slice %arg15[%dma_wait3A_90, %dma_wait3A_91, %dma_wait3A_92] : memref<2x80x128xbf16, #tpu.memory_space<vmem>> -> memref<1x80x128xbf16, #tpu.memory_space<vmem>>
    %dma_wait3A_94 = tpu.memref_squeeze %dma_wait3A_93 : memref<1x80x128xbf16, #tpu.memory_space<vmem>> -> memref<80x128xbf16, #tpu.memory_space<vmem>>
    %dma_wait3A_95 = arith.constant 0 : i32
    %dma_wait3A_96 = tpu.memref_slice %arg12[%dma_wait3A_95] : memref<10000xi32, #tpu.memory_space<vmem>> -> memref<80xi32, #tpu.memory_space<vmem>>
    %dma_wait3A_97 = arith.constant 0 : i32
    %dma_wait3A_98 = arith.constant 0 : i32
    %dma_wait3A_99 = tpu.memref_slice %arg2[%dma_wait3A_97, %dma_wait3A_98] : memref<10000x128xbf16, #tpu.memory_space<hbm>> -> memref<10000x128xbf16, #tpu.memory_space<hbm>>
    tpu.wait_indirect_dma semaphore(%arg22 : memref<!tpu.dma_semaphore, #tpu.memory_space<semaphore_mem>>) src(%dma_wait3A_99 : memref<10000x128xbf16, #tpu.memory_space<hbm>>) dst(%dma_wait3A_94 : memref<80x128xbf16, #tpu.memory_space<vmem>>)
    %dma_wait3A_100 = arith.constant 0 : i32
    %dma_wait3A_101 = arith.constant 0 : i32
    %dma_wait3A_102 = arith.constant 0 : i32
    %dma_wait3A_103 = tpu.memref_slice %arg16[%dma_wait3A_100, %dma_wait3A_101, %dma_wait3A_102] : memref<2x80x128xbf16, #tpu.memory_space<vmem>> -> memref<1x80x128xbf16, #tpu.memory_space<vmem>>
    %dma_wait3A_104 = tpu.memref_squeeze %dma_wait3A_103 : memref<1x80x128xbf16, #tpu.memory_space<vmem>> -> memref<80x128xbf16, #tpu.memory_space<vmem>>
    %dma_wait3A_105 = arith.constant 0 : i32
    %dma_wait3A_106 = tpu.memref_slice %arg13[%dma_wait3A_105] : memref<10000xi32, #tpu.memory_space<vmem>> -> memref<80xi32, #tpu.memory_space<vmem>>
    %dma_wait3A_107 = arith.constant 0 : i32
    %dma_wait3A_108 = arith.constant 0 : i32
    %dma_wait3A_109 = tpu.memref_slice %arg6[%dma_wait3A_107, %dma_wait3A_108] : memref<964x128xbf16, #tpu.memory_space<hbm>> -> memref<964x128xbf16, #tpu.memory_space<hbm>>
    tpu.wait_indirect_dma semaphore(%arg23 : memref<!tpu.dma_semaphore, #tpu.memory_space<semaphore_mem>>) src(%dma_wait3A_109 : memref<964x128xbf16, #tpu.memory_space<hbm>>) dst(%dma_wait3A_104 : memref<80x128xbf16, #tpu.memory_space<vmem>>)
    %get3A = arith.constant 9920 : index
    %get3A_110 = tpu.vector_load %arg13[%get3A] {strides = array<i32>} : memref<10000xi32, #tpu.memory_space<vmem>>, vector<16xi32>,
    %swap3A_111 = arith.constant 16 : index
    %swap3A_112 = tpu.vector_load %arg20[%swap3A_111] {strides = array<i32>} : memref<48xi32, #tpu.memory_space<vmem>>, vector<16xi32>,
    tpu.vector_store %arg20[%swap3A_111], %get3A_110 {strides = array<i32>} : memref<48xi32, #tpu.memory_space<vmem>>, vector<16xi32>,
    %get3A_113 = arith.constant 15 : index
    %get3A_114 = tpu.vector_load %arg20[%get3A_113] {strides = array<i32>} : memref<48xi32, #tpu.memory_space<vmem>>, vector<16xi32>,
    %eq3A = arith.cmpi eq, %get3A_114, %get3A_110 : vector<16xi32>
    %select_n3A = arith.select %eq3A, %broadcast_in_dim3A_20, %broadcast_in_dim3A_22 : vector<16xi1>, vector<16xi32>
    %add3A_115 = arith.addi %broadcast_in_dim3A_22, %select_n3A : vector<16xi32>
    %get3A_116 = arith.constant 14 : index
    %get3A_117 = tpu.vector_load %arg20[%get3A_116] {strides = array<i32>} : memref<48xi32, #tpu.memory_space<vmem>>, vector<16xi32>,
    %eq3A_118 = arith.cmpi eq, %get3A_117, %get3A_110 : vector<16xi32>
    %select_n3A_119 = arith.select %eq3A_118, %broadcast_in_dim3A_20, %broadcast_in_dim3A_22 : vector<16xi1>, vector<16xi32>
    %add3A_120 = arith.addi %add3A_115, %select_n3A_119 : vector<16xi32>
    %get3A_121 = arith.constant 13 : index
    %get3A_122 = tpu.vector_load %arg20[%get3A_121] {strides = array<i32>} : memref<48xi32, #tpu.memory_space<vmem>>, vector<16xi32>,
    %eq3A_123 = arith.cmpi eq, %get3A_122, %get3A_110 : vector<16xi32>
    %select_n3A_124 = arith.select %eq3A_123, %broadcast_in_dim3A_20, %broadcast_in_dim3A_22 : vector<16xi1>, vector<16xi32>
    %add3A_125 = arith.addi %add3A_120, %select_n3A_124 : vector<16xi32>
    %get3A_126 = arith.constant 12 : index
    %get3A_127 = tpu.vector_load %arg20[%get3A_126] {strides = array<i32>} : memref<48xi32, #tpu.memory_space<vmem>>, vector<16xi32>,
    %eq3A_128 = arith.cmpi eq, %get3A_127, %get3A_110 : vector<16xi32>
    %select_n3A_129 = arith.select %eq3A_128, %broadcast_in_dim3A_20, %broadcast_in_dim3A_22 : vector<16xi1>, vector<16xi32>
    %add3A_130 = arith.addi %add3A_125, %select_n3A_129 : vector<16xi32>
    %get3A_131 = arith.constant 11 : index
    %get3A_132 = tpu.vector_load %arg20[%get3A_131] {strides = array<i32>} : memref<48xi32, #tpu.memory_space<vmem>>, vector<16xi32>,
    %eq3A_133 = arith.cmpi eq, %get3A_132, %get3A_110 : vector<16xi32>
    %select_n3A_134 = arith.select %eq3A_133, %broadcast_in_dim3A_20, %broadcast_in_dim3A_22 : vector<16xi1>, vector<16xi32>
    %add3A_135 = arith.addi %add3A_130, %select_n3A_134 : vector<16xi32>
    %get3A_136 = arith.constant 10 : index
    %get3A_137 = tpu.vector_load %arg20[%get3A_136] {strides = array<i32>} : memref<48xi32, #tpu.memory_space<vmem>>, vector<16xi32>,
    %eq3A_138 = arith.cmpi eq, %get3A_137, %get3A_110 : vector<16xi32>
    %select_n3A_139 = arith.select %eq3A_138, %broadcast_in_dim3A_20, %broadcast_in_dim3A_22 : vector<16xi1>, vector<16xi32>
    %add3A_140 = arith.addi %add3A_135, %select_n3A_139 : vector<16xi32>
    %get3A_141 = arith.constant 9 : index
    %get3A_142 = tpu.vector_load %arg20[%get3A_141] {strides = array<i32>} : memref<48xi32, #tpu.memory_space<vmem>>, vector<16xi32>,
    %eq3A_143 = arith.cmpi eq, %get3A_142, %get3A_110 : vector<16xi32>
    %select_n3A_144 = arith.select %eq3A_143, %broadcast_in_dim3A_20, %broadcast_in_dim3A_22 : vector<16xi1>, vector<16xi32>
    %add3A_145 = arith.addi %add3A_140, %select_n3A_144 : vector<16xi32>
    %get3A_146 = arith.constant 8 : index
    %get3A_147 = tpu.vector_load %arg20[%get3A_146] {strides = array<i32>} : memref<48xi32, #tpu.memory_space<vmem>>, vector<16xi32>,
    %eq3A_148 = arith.cmpi eq, %get3A_147, %get3A_110 : vector<16xi32>
    %select_n3A_149 = arith.select %eq3A_148, %broadcast_in_dim3A_20, %broadcast_in_dim3A_22 : vector<16xi1>, vector<16xi32>
    %add3A_150 = arith.addi %add3A_145, %select_n3A_149 : vector<16xi32>
    %get3A_151 = arith.constant 7 : index
    %get3A_152 = tpu.vector_load %arg20[%get3A_151] {strides = array<i32>} : memref<48xi32, #tpu.memory_space<vmem>>, vector<16xi32>,
    %eq3A_153 = arith.cmpi eq, %get3A_152, %get3A_110 : vector<16xi32>
    %select_n3A_154 = arith.select %eq3A_153, %broadcast_in_dim3A_20, %broadcast_in_dim3A_22 : vector<16xi1>, vector<16xi32>
    %add3A_155 = arith.addi %add3A_150, %select_n3A_154 : vector<16xi32>
    %get3A_156 = arith.constant 6 : index
    %get3A_157 = tpu.vector_load %arg20[%get3A_156] {strides = array<i32>} : memref<48xi32, #tpu.memory_space<vmem>>, vector<16xi32>,
    %eq3A_158 = arith.cmpi eq, %get3A_157, %get3A_110 : vector<16xi32>
    %select_n3A_159 = arith.select %eq3A_158, %broadcast_in_dim3A_20, %broadcast_in_dim3A_22 : vector<16xi1>, vector<16xi32>
    %add3A_160 = arith.addi %add3A_155, %select_n3A_159 : vector<16xi32>
    %get3A_161 = arith.constant 5 : index
    %get3A_162 = tpu.vector_load %arg20[%get3A_161] {strides = array<i32>} : memref<48xi32, #tpu.memory_space<vmem>>, vector<16xi32>,
    %eq3A_163 = arith.cmpi eq, %get3A_162, %get3A_110 : vector<16xi32>
    %select_n3A_164 = arith.select %eq3A_163, %broadcast_in_dim3A_20, %broadcast_in_dim3A_22 : vector<16xi1>, vector<16xi32>
    %add3A_165 = arith.addi %add3A_160, %select_n3A_164 : vector<16xi32>
    %get3A_166 = arith.constant 4 : index
    %get3A_167 = tpu.vector_load %arg20[%get3A_166] {strides = array<i32>} : memref<48xi32, #tpu.memory_space<vmem>>, vector<16xi32>,
    %eq3A_168 = arith.cmpi eq, %get3A_167, %get3A_110 : vector<16xi32>
    %select_n3A_169 = arith.select %eq3A_168, %broadcast_in_dim3A_20, %broadcast_in_dim3A_22 : vector<16xi1>, vector<16xi32>
    %add3A_170 = arith.addi %add3A_165, %select_n3A_169 : vector<16xi32>
    %get3A_171 = arith.constant 3 : index
    %get3A_172 = tpu.vector_load %arg20[%get3A_171] {strides = array<i32>} : memref<48xi32, #tpu.memory_space<vmem>>, vector<16xi32>,
    %eq3A_173 = arith.cmpi eq, %get3A_172, %get3A_110 : vector<16xi32>
    %select_n3A_174 = arith.select %eq3A_173, %broadcast_in_dim3A_20, %broadcast_in_dim3A_22 : vector<16xi1>, vector<16xi32>
    %add3A_175 = arith.addi %add3A_170, %select_n3A_174 : vector<16xi32>
    %get3A_176 = arith.constant 2 : index
    %get3A_177 = tpu.vector_load %arg20[%get3A_176] {strides = array<i32>} : memref<48xi32, #tpu.memory_space<vmem>>, vector<16xi32>,
    %eq3A_178 = arith.cmpi eq, %get3A_177, %get3A_110 : vector<16xi32>
    %select_n3A_179 = arith.select %eq3A_178, %broadcast_in_dim3A_20, %broadcast_in_dim3A_22 : vector<16xi1>, vector<16xi32>
    %add3A_180 = arith.addi %add3A_175, %select_n3A_179 : vector<16xi32>
    %get3A_181 = arith.constant 1 : index
    %get3A_182 = tpu.vector_load %arg20[%get3A_181] {strides = array<i32>} : memref<48xi32, #tpu.memory_space<vmem>>, vector<16xi32>,
    %eq3A_183 = arith.cmpi eq, %get3A_182, %get3A_110 : vector<16xi32>
    %select_n3A_184 = arith.select %eq3A_183, %broadcast_in_dim3A_20, %broadcast_in_dim3A_22 : vector<16xi1>, vector<16xi32>
    %add3A_185 = arith.addi %add3A_180, %select_n3A_184 : vector<16xi32>
    %gather3A = tpu.vector_load_idx %arg10[%get3A_110] : memref<976xi32, #tpu.memory_space<vmem>>[vector<16xi32>], vector<16xi32>,
    %add3A_186 = arith.addi %gather3A, %add3A_185 : vector<16xi32>
    %swap3A_187 = arith.constant 0 : i32
    %swap3A_188 = arith.index_cast %swap3A_187 : i32 to index
    %swap3A_189 = arith.constant 0 : index
    %swap3A_190 = tpu.vector_load %arg17[%swap3A_188, %swap3A_189] {strides = array<i32>} : memref<2x80xi32, #tpu.memory_space<vmem>>, vector<16xi32>,
    tpu.vector_store %arg17[%swap3A_188, %swap3A_189], %add3A_186 {strides = array<i32>} : memref<2x80xi32, #tpu.memory_space<vmem>>, vector<16xi32>,
    tpu.vector_store_idx %arg10[%get3A_110], %broadcast_in_dim3A_20 {add = true} : memref<976xi32, #tpu.memory_space<vmem>>[vector<16xi32>], vector<16xi32>,
    %get3A_191 = arith.constant 9936 : index
    %get3A_192 = tpu.vector_load %arg13[%get3A_191] {strides = array<i32>} : memref<10000xi32, #tpu.memory_space<vmem>>, vector<16xi32>,
    %swap3A_193 = arith.constant 16 : index
    %swap3A_194 = tpu.vector_load %arg20[%swap3A_193] {strides = array<i32>} : memref<48xi32, #tpu.memory_space<vmem>>, vector<16xi32>,
    tpu.vector_store %arg20[%swap3A_193], %get3A_192 {strides = array<i32>} : memref<48xi32, #tpu.memory_space<vmem>>, vector<16xi32>,
    %get3A_195 = arith.constant 15 : index
    %get3A_196 = tpu.vector_load %arg20[%get3A_195] {strides = array<i32>} : memref<48xi32, #tpu.memory_space<vmem>>, vector<16xi32>,
    %eq3A_197 = arith.cmpi eq, %get3A_196, %get3A_192 : vector<16xi32>
    %select_n3A_198 = arith.select %eq3A_197, %broadcast_in_dim3A_20, %broadcast_in_dim3A_22 : vector<16xi1>, vector<16xi32>
    %add3A_199 = arith.addi %broadcast_in_dim3A_22, %select_n3A_198 : vector<16xi32>
    %get3A_200 = arith.constant 14 : index
    %get3A_201 = tpu.vector_load %arg20[%get3A_200] {strides = array<i32>} : memref<48xi32, #tpu.memory_space<vmem>>, vector<16xi32>,
    %eq3A_202 = arith.cmpi eq, %get3A_201, %get3A_192 : vector<16xi32>
    %select_n3A_203 = arith.select %eq3A_202, %broadcast_in_dim3A_20, %broadcast_in_dim3A_22 : vector<16xi1>, vector<16xi32>
    %add3A_204 = arith.addi %add3A_199, %select_n3A_203 : vector<16xi32>
    %get3A_205 = arith.constant 13 : index
    %get3A_206 = tpu.vector_load %arg20[%get3A_205] {strides = array<i32>} : memref<48xi32, #tpu.memory_space<vmem>>, vector<16xi32>,
    %eq3A_207 = arith.cmpi eq, %get3A_206, %get3A_192 : vector<16xi32>
    %select_n3A_208 = arith.select %eq3A_207, %broadcast_in_dim3A_20, %broadcast_in_dim3A_22 : vector<16xi1>, vector<16xi32>
    %add3A_209 = arith.addi %add3A_204, %select_n3A_208 : vector<16xi32>
    %get3A_210 = arith.constant 12 : index
    %get3A_211 = tpu.vector_load %arg20[%get3A_210] {strides = array<i32>} : memref<48xi32, #tpu.memory_space<vmem>>, vector<16xi32>,
    %eq3A_212 = arith.cmpi eq, %get3A_211, %get3A_192 : vector<16xi32>
    %select_n3A_213 = arith.select %eq3A_212, %broadcast_in_dim3A_20, %broadcast_in_dim3A_22 : vector<16xi1>, vector<16xi32>
    %add3A_214 = arith.addi %add3A_209, %select_n3A_213 : vector<16xi32>
    %get3A_215 = arith.constant 11 : index
    %get3A_216 = tpu.vector_load %arg20[%get3A_215] {strides = array<i32>} : memref<48xi32, #tpu.memory_space<vmem>>, vector<16xi32>,
    %eq3A_217 = arith.cmpi eq, %get3A_216, %get3A_192 : vector<16xi32>
    %select_n3A_218 = arith.select %eq3A_217, %broadcast_in_dim3A_20, %broadcast_in_dim3A_22 : vector<16xi1>, vector<16xi32>
    %add3A_219 = arith.addi %add3A_214, %select_n3A_218 : vector<16xi32>
    %get3A_220 = arith.constant 10 : index
    %get3A_221 = tpu.vector_load %arg20[%get3A_220] {strides = array<i32>} : memref<48xi32, #tpu.memory_space<vmem>>, vector<16xi32>,
    %eq3A_222 = arith.cmpi eq, %get3A_221, %get3A_192 : vector<16xi32>
    %select_n3A_223 = arith.select %eq3A_222, %broadcast_in_dim3A_20, %broadcast_in_dim3A_22 : vector<16xi1>, vector<16xi32>
    %add3A_224 = arith.addi %add3A_219, %select_n3A_223 : vector<16xi32>
    %get3A_225 = arith.constant 9 : index
    %get3A_226 = tpu.vector_load %arg20[%get3A_225] {strides = array<i32>} : memref<48xi32, #tpu.memory_space<vmem>>, vector<16xi32>,
    %eq3A_227 = arith.cmpi eq, %get3A_226, %get3A_192 : vector<16xi32>
    %select_n3A_228 = arith.select %eq3A_227, %broadcast_in_dim3A_20, %broadcast_in_dim3A_22 : vector<16xi1>, vector<16xi32>
    %add3A_229 = arith.addi %add3A_224, %select_n3A_228 : vector<16xi32>
    %get3A_230 = arith.constant 8 : index
    %get3A_231 = tpu.vector_load %arg20[%get3A_230] {strides = array<i32>} : memref<48xi32, #tpu.memory_space<vmem>>, vector<16xi32>,
    %eq3A_232 = arith.cmpi eq, %get3A_231, %get3A_192 : vector<16xi32>
    %select_n3A_233 = arith.select %eq3A_232, %broadcast_in_dim3A_20, %broadcast_in_dim3A_22 : vector<16xi1>, vector<16xi32>
    %add3A_234 = arith.addi %add3A_229, %select_n3A_233 : vector<16xi32>
    %get3A_235 = arith.constant 7 : index
    %get3A_236 = tpu.vector_load %arg20[%get3A_235] {strides = array<i32>} : memref<48xi32, #tpu.memory_space<vmem>>, vector<16xi32>,
    %eq3A_237 = arith.cmpi eq, %get3A_236, %get3A_192 : vector<16xi32>
    %select_n3A_238 = arith.select %eq3A_237, %broadcast_in_dim3A_20, %broadcast_in_dim3A_22 : vector<16xi1>, vector<16xi32>
    %add3A_239 = arith.addi %add3A_234, %select_n3A_238 : vector<16xi32>
    %get3A_240 = arith.constant 6 : index
    %get3A_241 = tpu.vector_load %arg20[%get3A_240] {strides = array<i32>} : memref<48xi32, #tpu.memory_space<vmem>>, vector<16xi32>,
    %eq3A_242 = arith.cmpi eq, %get3A_241, %get3A_192 : vector<16xi32>
    %select_n3A_243 = arith.select %eq3A_242, %broadcast_in_dim3A_20, %broadcast_in_dim3A_22 : vector<16xi1>, vector<16xi32>
    %add3A_244 = arith.addi %add3A_239, %select_n3A_243 : vector<16xi32>
    %get3A_245 = arith.constant 5 : index
    %get3A_246 = tpu.vector_load %arg20[%get3A_245] {strides = array<i32>} : memref<48xi32, #tpu.memory_space<vmem>>, vector<16xi32>,
    %eq3A_247 = arith.cmpi eq, %get3A_246, %get3A_192 : vector<16xi32>
    %select_n3A_248 = arith.select %eq3A_247, %broadcast_in_dim3A_20, %broadcast_in_dim3A_22 : vector<16xi1>, vector<16xi32>
    %add3A_249 = arith.addi %add3A_244, %select_n3A_248 : vector<16xi32>
    %get3A_250 = arith.constant 4 : index
    %get3A_251 = tpu.vector_load %arg20[%get3A_250] {strides = array<i32>} : memref<48xi32, #tpu.memory_space<vmem>>, vector<16xi32>,
    %eq3A_252 = arith.cmpi eq, %get3A_251, %get3A_192 : vector<16xi32>
    %select_n3A_253 = arith.select %eq3A_252, %broadcast_in_dim3A_20, %broadcast_in_dim3A_22 : vector<16xi1>, vector<16xi32>
    %add3A_254 = arith.addi %add3A_249, %select_n3A_253 : vector<16xi32>
    %get3A_255 = arith.constant 3 : index
    %get3A_256 = tpu.vector_load %arg20[%get3A_255] {strides = array<i32>} : memref<48xi32, #tpu.memory_space<vmem>>, vector<16xi32>,
    %eq3A_257 = arith.cmpi eq, %get3A_256, %get3A_192 : vector<16xi32>
    %select_n3A_258 = arith.select %eq3A_257, %broadcast_in_dim3A_20, %broadcast_in_dim3A_22 : vector<16xi1>, vector<16xi32>
    %add3A_259 = arith.addi %add3A_254, %select_n3A_258 : vector<16xi32>
    %get3A_260 = arith.constant 2 : index
    %get3A_261 = tpu.vector_load %arg20[%get3A_260] {strides = array<i32>} : memref<48xi32, #tpu.memory_space<vmem>>, vector<16xi32>,
    %eq3A_262 = arith.cmpi eq, %get3A_261, %get3A_192 : vector<16xi32>
    %select_n3A_263 = arith.select %eq3A_262, %broadcast_in_dim3A_20, %broadcast_in_dim3A_22 : vector<16xi1>, vector<16xi32>
    %add3A_264 = arith.addi %add3A_259, %select_n3A_263 : vector<16xi32>
    %get3A_265 = arith.constant 1 : index
    %get3A_266 = tpu.vector_load %arg20[%get3A_265] {strides = array<i32>} : memref<48xi32, #tpu.memory_space<vmem>>, vector<16xi32>,
    %eq3A_267 = arith.cmpi eq, %get3A_266, %get3A_192 : vector<16xi32>
    %select_n3A_268 = arith.select %eq3A_267, %broadcast_in_dim3A_20, %broadcast_in_dim3A_22 : vector<16xi1>, vector<16xi32>
    %add3A_269 = arith.addi %add3A_264, %select_n3A_268 : vector<16xi32>
    %gather3A_270 = tpu.vector_load_idx %arg10[%get3A_192] : memref<976xi32, #tpu.memory_space<vmem>>[vector<16xi32>], vector<16xi32>,
    %add3A_271 = arith.addi %gather3A_270, %add3A_269 : vector<16xi32>
    %swap3A_272 = arith.constant 0 : i32
    %swap3A_273 = arith.index_cast %swap3A_272 : i32 to index
    %swap3A_274 = arith.constant 16 : index
    %swap3A_275 = tpu.vector_load %arg17[%swap3A_273, %swap3A_274] {strides = array<i32>} : memref<2x80xi32, #tpu.memory_space<vmem>>, vector<16xi32>,
    tpu.vector_store %arg17[%swap3A_273, %swap3A_274], %add3A_271 {strides = array<i32>} : memref<2x80xi32, #tpu.memory_space<vmem>>, vector<16xi32>,
    tpu.vector_store_idx %arg10[%get3A_192], %broadcast_in_dim3A_20 {add = true} : memref<976xi32, #tpu.memory_space<vmem>>[vector<16xi32>], vector<16xi32>,
    %get3A_276 = arith.constant 9952 : index
    %get3A_277 = tpu.vector_load %arg13[%get3A_276] {strides = array<i32>} : memref<10000xi32, #tpu.memory_space<vmem>>, vector<16xi32>,
    %swap3A_278 = arith.constant 16 : index
    %swap3A_279 = tpu.vector_load %arg20[%swap3A_278] {strides = array<i32>} : memref<48xi32, #tpu.memory_space<vmem>>, vector<16xi32>,
    tpu.vector_store %arg20[%swap3A_278], %get3A_277 {strides = array<i32>} : memref<48xi32, #tpu.memory_space<vmem>>, vector<16xi32>,
    %get3A_280 = arith.constant 15 : index
    %get3A_281 = tpu.vector_load %arg20[%get3A_280] {strides = array<i32>} : memref<48xi32, #tpu.memory_space<vmem>>, vector<16xi32>,
    %eq3A_282 = arith.cmpi eq, %get3A_281, %get3A_277 : vector<16xi32>
    %select_n3A_283 = arith.select %eq3A_282, %broadcast_in_dim3A_20, %broadcast_in_dim3A_22 : vector<16xi1>, vector<16xi32>
    %add3A_284 = arith.addi %broadcast_in_dim3A_22, %select_n3A_283 : vector<16xi32>
    %get3A_285 = arith.constant 14 : index
    %get3A_286 = tpu.vector_load %arg20[%get3A_285] {strides = array<i32>} : memref<48xi32, #tpu.memory_space<vmem>>, vector<16xi32>,
    %eq3A_287 = arith.cmpi eq, %get3A_286, %get3A_277 : vector<16xi32>
    %select_n3A_288 = arith.select %eq3A_287, %broadcast_in_dim3A_20, %broadcast_in_dim3A_22 : vector<16xi1>, vector<16xi32>
    %add3A_289 = arith.addi %add3A_284, %select_n3A_288 : vector<16xi32>
    %get3A_290 = arith.constant 13 : index
    %get3A_291 = tpu.vector_load %arg20[%get3A_290] {strides = array<i32>} : memref<48xi32, #tpu.memory_space<vmem>>, vector<16xi32>,
    %eq3A_292 = arith.cmpi eq, %get3A_291, %get3A_277 : vector<16xi32>
    %select_n3A_293 = arith.select %eq3A_292, %broadcast_in_dim3A_20, %broadcast_in_dim3A_22 : vector<16xi1>, vector<16xi32>
    %add3A_294 = arith.addi %add3A_289, %select_n3A_293 : vector<16xi32>
    %get3A_295 = arith.constant 12 : index
    %get3A_296 = tpu.vector_load %arg20[%get3A_295] {strides = array<i32>} : memref<48xi32, #tpu.memory_space<vmem>>, vector<16xi32>,
    %eq3A_297 = arith.cmpi eq, %get3A_296, %get3A_277 : vector<16xi32>
    %select_n3A_298 = arith.select %eq3A_297, %broadcast_in_dim3A_20, %broadcast_in_dim3A_22 : vector<16xi1>, vector<16xi32>
    %add3A_299 = arith.addi %add3A_294, %select_n3A_298 : vector<16xi32>
    %get3A_300 = arith.constant 11 : index
    %get3A_301 = tpu.vector_load %arg20[%get3A_300] {strides = array<i32>} : memref<48xi32, #tpu.memory_space<vmem>>, vector<16xi32>,
    %eq3A_302 = arith.cmpi eq, %get3A_301, %get3A_277 : vector<16xi32>
    %select_n3A_303 = arith.select %eq3A_302, %broadcast_in_dim3A_20, %broadcast_in_dim3A_22 : vector<16xi1>, vector<16xi32>
    %add3A_304 = arith.addi %add3A_299, %select_n3A_303 : vector<16xi32>
    %get3A_305 = arith.constant 10 : index
    %get3A_306 = tpu.vector_load %arg20[%get3A_305] {strides = array<i32>} : memref<48xi32, #tpu.memory_space<vmem>>, vector<16xi32>,
    %eq3A_307 = arith.cmpi eq, %get3A_306, %get3A_277 : vector<16xi32>
    %select_n3A_308 = arith.select %eq3A_307, %broadcast_in_dim3A_20, %broadcast_in_dim3A_22 : vector<16xi1>, vector<16xi32>
    %add3A_309 = arith.addi %add3A_304, %select_n3A_308 : vector<16xi32>
    %get3A_310 = arith.constant 9 : index
    %get3A_311 = tpu.vector_load %arg20[%get3A_310] {strides = array<i32>} : memref<48xi32, #tpu.memory_space<vmem>>, vector<16xi32>,
    %eq3A_312 = arith.cmpi eq, %get3A_311, %get3A_277 : vector<16xi32>
    %select_n3A_313 = arith.select %eq3A_312, %broadcast_in_dim3A_20, %broadcast_in_dim3A_22 : vector<16xi1>, vector<16xi32>
    %add3A_314 = arith.addi %add3A_309, %select_n3A_313 : vector<16xi32>
    %get3A_315 = arith.constant 8 : index
    %get3A_316 = tpu.vector_load %arg20[%get3A_315] {strides = array<i32>} : memref<48xi32, #tpu.memory_space<vmem>>, vector<16xi32>,
    %eq3A_317 = arith.cmpi eq, %get3A_316, %get3A_277 : vector<16xi32>
    %select_n3A_318 = arith.select %eq3A_317, %broadcast_in_dim3A_20, %broadcast_in_dim3A_22 : vector<16xi1>, vector<16xi32>
    %add3A_319 = arith.addi %add3A_314, %select_n3A_318 : vector<16xi32>
    %get3A_320 = arith.constant 7 : index
    %get3A_321 = tpu.vector_load %arg20[%get3A_320] {strides = array<i32>} : memref<48xi32, #tpu.memory_space<vmem>>, vector<16xi32>,
    %eq3A_322 = arith.cmpi eq, %get3A_321, %get3A_277 : vector<16xi32>
    %select_n3A_323 = arith.select %eq3A_322, %broadcast_in_dim3A_20, %broadcast_in_dim3A_22 : vector<16xi1>, vector<16xi32>
    %add3A_324 = arith.addi %add3A_319, %select_n3A_323 : vector<16xi32>
    %get3A_325 = arith.constant 6 : index
    %get3A_326 = tpu.vector_load %arg20[%get3A_325] {strides = array<i32>} : memref<48xi32, #tpu.memory_space<vmem>>, vector<16xi32>,
    %eq3A_327 = arith.cmpi eq, %get3A_326, %get3A_277 : vector<16xi32>
    %select_n3A_328 = arith.select %eq3A_327, %broadcast_in_dim3A_20, %broadcast_in_dim3A_22 : vector<16xi1>, vector<16xi32>
    %add3A_329 = arith.addi %add3A_324, %select_n3A_328 : vector<16xi32>
    %get3A_330 = arith.constant 5 : index
    %get3A_331 = tpu.vector_load %arg20[%get3A_330] {strides = array<i32>} : memref<48xi32, #tpu.memory_space<vmem>>, vector<16xi32>,
    %eq3A_332 = arith.cmpi eq, %get3A_331, %get3A_277 : vector<16xi32>
    %select_n3A_333 = arith.select %eq3A_332, %broadcast_in_dim3A_20, %broadcast_in_dim3A_22 : vector<16xi1>, vector<16xi32>
    %add3A_334 = arith.addi %add3A_329, %select_n3A_333 : vector<16xi32>
    %get3A_335 = arith.constant 4 : index
    %get3A_336 = tpu.vector_load %arg20[%get3A_335] {strides = array<i32>} : memref<48xi32, #tpu.memory_space<vmem>>, vector<16xi32>,
    %eq3A_337 = arith.cmpi eq, %get3A_336, %get3A_277 : vector<16xi32>
    %select_n3A_338 = arith.select %eq3A_337, %broadcast_in_dim3A_20, %broadcast_in_dim3A_22 : vector<16xi1>, vector<16xi32>
    %add3A_339 = arith.addi %add3A_334, %select_n3A_338 : vector<16xi32>
    %get3A_340 = arith.constant 3 : index
    %get3A_341 = tpu.vector_load %arg20[%get3A_340] {strides = array<i32>} : memref<48xi32, #tpu.memory_space<vmem>>, vector<16xi32>,
    %eq3A_342 = arith.cmpi eq, %get3A_341, %get3A_277 : vector<16xi32>
    %select_n3A_343 = arith.select %eq3A_342, %broadcast_in_dim3A_20, %broadcast_in_dim3A_22 : vector<16xi1>, vector<16xi32>
    %add3A_344 = arith.addi %add3A_339, %select_n3A_343 : vector<16xi32>
    %get3A_345 = arith.constant 2 : index
    %get3A_346 = tpu.vector_load %arg20[%get3A_345] {strides = array<i32>} : memref<48xi32, #tpu.memory_space<vmem>>, vector<16xi32>,
    %eq3A_347 = arith.cmpi eq, %get3A_346, %get3A_277 : vector<16xi32>
    %select_n3A_348 = arith.select %eq3A_347, %broadcast_in_dim3A_20, %broadcast_in_dim3A_22 : vector<16xi1>, vector<16xi32>
    %add3A_349 = arith.addi %add3A_344, %select_n3A_348 : vector<16xi32>
    %get3A_350 = arith.constant 1 : index
    %get3A_351 = tpu.vector_load %arg20[%get3A_350] {strides = array<i32>} : memref<48xi32, #tpu.memory_space<vmem>>, vector<16xi32>,
    %eq3A_352 = arith.cmpi eq, %get3A_351, %get3A_277 : vector<16xi32>
    %select_n3A_353 = arith.select %eq3A_352, %broadcast_in_dim3A_20, %broadcast_in_dim3A_22 : vector<16xi1>, vector<16xi32>
    %add3A_354 = arith.addi %add3A_349, %select_n3A_353 : vector<16xi32>
    %gather3A_355 = tpu.vector_load_idx %arg10[%get3A_277] : memref<976xi32, #tpu.memory_space<vmem>>[vector<16xi32>], vector<16xi32>,
    %add3A_356 = arith.addi %gather3A_355, %add3A_354 : vector<16xi32>
    %swap3A_357 = arith.constant 0 : i32
    %swap3A_358 = arith.index_cast %swap3A_357 : i32 to index
    %swap3A_359 = arith.constant 32 : index
    %swap3A_360 = tpu.vector_load %arg17[%swap3A_358, %swap3A_359] {strides = array<i32>} : memref<2x80xi32, #tpu.memory_space<vmem>>, vector<16xi32>,
    tpu.vector_store %arg17[%swap3A_358, %swap3A_359], %add3A_356 {strides = array<i32>} : memref<2x80xi32, #tpu.memory_space<vmem>>, vector<16xi32>,
    tpu.vector_store_idx %arg10[%get3A_277], %broadcast_in_dim3A_20 {add = true} : memref<976xi32, #tpu.memory_space<vmem>>[vector<16xi32>], vector<16xi32>,
    %get3A_361 = arith.constant 9968 : index
    %get3A_362 = tpu.vector_load %arg13[%get3A_361] {strides = array<i32>} : memref<10000xi32, #tpu.memory_space<vmem>>, vector<16xi32>,
    %swap3A_363 = arith.constant 16 : index
    %swap3A_364 = tpu.vector_load %arg20[%swap3A_363] {strides = array<i32>} : memref<48xi32, #tpu.memory_space<vmem>>, vector<16xi32>,
    tpu.vector_store %arg20[%swap3A_363], %get3A_362 {strides = array<i32>} : memref<48xi32, #tpu.memory_space<vmem>>, vector<16xi32>,
    %get3A_365 = arith.constant 15 : index
    %get3A_366 = tpu.vector_load %arg20[%get3A_365] {strides = array<i32>} : memref<48xi32, #tpu.memory_space<vmem>>, vector<16xi32>,
    %eq3A_367 = arith.cmpi eq, %get3A_366, %get3A_362 : vector<16xi32>
    %select_n3A_368 = arith.select %eq3A_367, %broadcast_in_dim3A_20, %broadcast_in_dim3A_22 : vector<16xi1>, vector<16xi32>
    %add3A_369 = arith.addi %broadcast_in_dim3A_22, %select_n3A_368 : vector<16xi32>
    %get3A_370 = arith.constant 14 : index
    %get3A_371 = tpu.vector_load %arg20[%get3A_370] {strides = array<i32>} : memref<48xi32, #tpu.memory_space<vmem>>, vector<16xi32>,
    %eq3A_372 = arith.cmpi eq, %get3A_371, %get3A_362 : vector<16xi32>
    %select_n3A_373 = arith.select %eq3A_372, %broadcast_in_dim3A_20, %broadcast_in_dim3A_22 : vector<16xi1>, vector<16xi32>
    %add3A_374 = arith.addi %add3A_369, %select_n3A_373 : vector<16xi32>
    %get3A_375 = arith.constant 13 : index
    %get3A_376 = tpu.vector_load %arg20[%get3A_375] {strides = array<i32>} : memref<48xi32, #tpu.memory_space<vmem>>, vector<16xi32>,
    %eq3A_377 = arith.cmpi eq, %get3A_376, %get3A_362 : vector<16xi32>
    %select_n3A_378 = arith.select %eq3A_377, %broadcast_in_dim3A_20, %broadcast_in_dim3A_22 : vector<16xi1>, vector<16xi32>
    %add3A_379 = arith.addi %add3A_374, %select_n3A_378 : vector<16xi32>
    %get3A_380 = arith.constant 12 : index
    %get3A_381 = tpu.vector_load %arg20[%get3A_380] {strides = array<i32>} : memref<48xi32, #tpu.memory_space<vmem>>, vector<16xi32>,
    %eq3A_382 = arith.cmpi eq, %get3A_381, %get3A_362 : vector<16xi32>
    %select_n3A_383 = arith.select %eq3A_382, %broadcast_in_dim3A_20, %broadcast_in_dim3A_22 : vector<16xi1>, vector<16xi32>
    %add3A_384 = arith.addi %add3A_379, %select_n3A_383 : vector<16xi32>
    %get3A_385 = arith.constant 11 : index
    %get3A_386 = tpu.vector_load %arg20[%get3A_385] {strides = array<i32>} : memref<48xi32, #tpu.memory_space<vmem>>, vector<16xi32>,
    %eq3A_387 = arith.cmpi eq, %get3A_386, %get3A_362 : vector<16xi32>
    %select_n3A_388 = arith.select %eq3A_387, %broadcast_in_dim3A_20, %broadcast_in_dim3A_22 : vector<16xi1>, vector<16xi32>
    %add3A_389 = arith.addi %add3A_384, %select_n3A_388 : vector<16xi32>
    %get3A_390 = arith.constant 10 : index
    %get3A_391 = tpu.vector_load %arg20[%get3A_390] {strides = array<i32>} : memref<48xi32, #tpu.memory_space<vmem>>, vector<16xi32>,
    %eq3A_392 = arith.cmpi eq, %get3A_391, %get3A_362 : vector<16xi32>
    %select_n3A_393 = arith.select %eq3A_392, %broadcast_in_dim3A_20, %broadcast_in_dim3A_22 : vector<16xi1>, vector<16xi32>
    %add3A_394 = arith.addi %add3A_389, %select_n3A_393 : vector<16xi32>
    %get3A_395 = arith.constant 9 : index
    %get3A_396 = tpu.vector_load %arg20[%get3A_395] {strides = array<i32>} : memref<48xi32, #tpu.memory_space<vmem>>, vector<16xi32>,
    %eq3A_397 = arith.cmpi eq, %get3A_396, %get3A_362 : vector<16xi32>
    %select_n3A_398 = arith.select %eq3A_397, %broadcast_in_dim3A_20, %broadcast_in_dim3A_22 : vector<16xi1>, vector<16xi32>
    %add3A_399 = arith.addi %add3A_394, %select_n3A_398 : vector<16xi32>
    %get3A_400 = arith.constant 8 : index
    %get3A_401 = tpu.vector_load %arg20[%get3A_400] {strides = array<i32>} : memref<48xi32, #tpu.memory_space<vmem>>, vector<16xi32>,
    %eq3A_402 = arith.cmpi eq, %get3A_401, %get3A_362 : vector<16xi32>
    %select_n3A_403 = arith.select %eq3A_402, %broadcast_in_dim3A_20, %broadcast_in_dim3A_22 : vector<16xi1>, vector<16xi32>
    %add3A_404 = arith.addi %add3A_399, %select_n3A_403 : vector<16xi32>
    %get3A_405 = arith.constant 7 : index
    %get3A_406 = tpu.vector_load %arg20[%get3A_405] {strides = array<i32>} : memref<48xi32, #tpu.memory_space<vmem>>, vector<16xi32>,
    %eq3A_407 = arith.cmpi eq, %get3A_406, %get3A_362 : vector<16xi32>
    %select_n3A_408 = arith.select %eq3A_407, %broadcast_in_dim3A_20, %broadcast_in_dim3A_22 : vector<16xi1>, vector<16xi32>
    %add3A_409 = arith.addi %add3A_404, %select_n3A_408 : vector<16xi32>
    %get3A_410 = arith.constant 6 : index
    %get3A_411 = tpu.vector_load %arg20[%get3A_410] {strides = array<i32>} : memref<48xi32, #tpu.memory_space<vmem>>, vector<16xi32>,
    %eq3A_412 = arith.cmpi eq, %get3A_411, %get3A_362 : vector<16xi32>
    %select_n3A_413 = arith.select %eq3A_412, %broadcast_in_dim3A_20, %broadcast_in_dim3A_22 : vector<16xi1>, vector<16xi32>
    %add3A_414 = arith.addi %add3A_409, %select_n3A_413 : vector<16xi32>
    %get3A_415 = arith.constant 5 : index
    %get3A_416 = tpu.vector_load %arg20[%get3A_415] {strides = array<i32>} : memref<48xi32, #tpu.memory_space<vmem>>, vector<16xi32>,
    %eq3A_417 = arith.cmpi eq, %get3A_416, %get3A_362 : vector<16xi32>
    %select_n3A_418 = arith.select %eq3A_417, %broadcast_in_dim3A_20, %broadcast_in_dim3A_22 : vector<16xi1>, vector<16xi32>
    %add3A_419 = arith.addi %add3A_414, %select_n3A_418 : vector<16xi32>
    %get3A_420 = arith.constant 4 : index
    %get3A_421 = tpu.vector_load %arg20[%get3A_420] {strides = array<i32>} : memref<48xi32, #tpu.memory_space<vmem>>, vector<16xi32>,
    %eq3A_422 = arith.cmpi eq, %get3A_421, %get3A_362 : vector<16xi32>
    %select_n3A_423 = arith.select %eq3A_422, %broadcast_in_dim3A_20, %broadcast_in_dim3A_22 : vector<16xi1>, vector<16xi32>
    %add3A_424 = arith.addi %add3A_419, %select_n3A_423 : vector<16xi32>
    %get3A_425 = arith.constant 3 : index
    %get3A_426 = tpu.vector_load %arg20[%get3A_425] {strides = array<i32>} : memref<48xi32, #tpu.memory_space<vmem>>, vector<16xi32>,
    %eq3A_427 = arith.cmpi eq, %get3A_426, %get3A_362 : vector<16xi32>
    %select_n3A_428 = arith.select %eq3A_427, %broadcast_in_dim3A_20, %broadcast_in_dim3A_22 : vector<16xi1>, vector<16xi32>
    %add3A_429 = arith.addi %add3A_424, %select_n3A_428 : vector<16xi32>
    %get3A_430 = arith.constant 2 : index
    %get3A_431 = tpu.vector_load %arg20[%get3A_430] {strides = array<i32>} : memref<48xi32, #tpu.memory_space<vmem>>, vector<16xi32>,
    %eq3A_432 = arith.cmpi eq, %get3A_431, %get3A_362 : vector<16xi32>
    %select_n3A_433 = arith.select %eq3A_432, %broadcast_in_dim3A_20, %broadcast_in_dim3A_22 : vector<16xi1>, vector<16xi32>
    %add3A_434 = arith.addi %add3A_429, %select_n3A_433 : vector<16xi32>
    %get3A_435 = arith.constant 1 : index
    %get3A_436 = tpu.vector_load %arg20[%get3A_435] {strides = array<i32>} : memref<48xi32, #tpu.memory_space<vmem>>, vector<16xi32>,
    %eq3A_437 = arith.cmpi eq, %get3A_436, %get3A_362 : vector<16xi32>
    %select_n3A_438 = arith.select %eq3A_437, %broadcast_in_dim3A_20, %broadcast_in_dim3A_22 : vector<16xi1>, vector<16xi32>
    %add3A_439 = arith.addi %add3A_434, %select_n3A_438 : vector<16xi32>
    %gather3A_440 = tpu.vector_load_idx %arg10[%get3A_362] : memref<976xi32, #tpu.memory_space<vmem>>[vector<16xi32>], vector<16xi32>,
    %add3A_441 = arith.addi %gather3A_440, %add3A_439 : vector<16xi32>
    %swap3A_442 = arith.constant 0 : i32
    %swap3A_443 = arith.index_cast %swap3A_442 : i32 to index
    %swap3A_444 = arith.constant 48 : index
    %swap3A_445 = tpu.vector_load %arg17[%swap3A_443, %swap3A_444] {strides = array<i32>} : memref<2x80xi32, #tpu.memory_space<vmem>>, vector<16xi32>,
    tpu.vector_store %arg17[%swap3A_443, %swap3A_444], %add3A_441 {strides = array<i32>} : memref<2x80xi32, #tpu.memory_space<vmem>>, vector<16xi32>,
    tpu.vector_store_idx %arg10[%get3A_362], %broadcast_in_dim3A_20 {add = true} : memref<976xi32, #tpu.memory_space<vmem>>[vector<16xi32>], vector<16xi32>,
    %get3A_446 = arith.constant 9984 : index
    %get3A_447 = tpu.vector_load %arg13[%get3A_446] {strides = array<i32>} : memref<10000xi32, #tpu.memory_space<vmem>>, vector<16xi32>,
    %swap3A_448 = arith.constant 16 : index
    %swap3A_449 = tpu.vector_load %arg20[%swap3A_448] {strides = array<i32>} : memref<48xi32, #tpu.memory_space<vmem>>, vector<16xi32>,
    tpu.vector_store %arg20[%swap3A_448], %get3A_447 {strides = array<i32>} : memref<48xi32, #tpu.memory_space<vmem>>, vector<16xi32>,
    %get3A_450 = arith.constant 15 : index
    %get3A_451 = tpu.vector_load %arg20[%get3A_450] {strides = array<i32>} : memref<48xi32, #tpu.memory_space<vmem>>, vector<16xi32>,
    %eq3A_452 = arith.cmpi eq, %get3A_451, %get3A_447 : vector<16xi32>
    %select_n3A_453 = arith.select %eq3A_452, %broadcast_in_dim3A_20, %broadcast_in_dim3A_22 : vector<16xi1>, vector<16xi32>
    %add3A_454 = arith.addi %broadcast_in_dim3A_22, %select_n3A_453 : vector<16xi32>
    %get3A_455 = arith.constant 14 : index
    %get3A_456 = tpu.vector_load %arg20[%get3A_455] {strides = array<i32>} : memref<48xi32, #tpu.memory_space<vmem>>, vector<16xi32>,
    %eq3A_457 = arith.cmpi eq, %get3A_456, %get3A_447 : vector<16xi32>
    %select_n3A_458 = arith.select %eq3A_457, %broadcast_in_dim3A_20, %broadcast_in_dim3A_22 : vector<16xi1>, vector<16xi32>
    %add3A_459 = arith.addi %add3A_454, %select_n3A_458 : vector<16xi32>
    %get3A_460 = arith.constant 13 : index
    %get3A_461 = tpu.vector_load %arg20[%get3A_460] {strides = array<i32>} : memref<48xi32, #tpu.memory_space<vmem>>, vector<16xi32>,
    %eq3A_462 = arith.cmpi eq, %get3A_461, %get3A_447 : vector<16xi32>
    %select_n3A_463 = arith.select %eq3A_462, %broadcast_in_dim3A_20, %broadcast_in_dim3A_22 : vector<16xi1>, vector<16xi32>
    %add3A_464 = arith.addi %add3A_459, %select_n3A_463 : vector<16xi32>
    %get3A_465 = arith.constant 12 : index
    %get3A_466 = tpu.vector_load %arg20[%get3A_465] {strides = array<i32>} : memref<48xi32, #tpu.memory_space<vmem>>, vector<16xi32>,
    %eq3A_467 = arith.cmpi eq, %get3A_466, %get3A_447 : vector<16xi32>
    %select_n3A_468 = arith.select %eq3A_467, %broadcast_in_dim3A_20, %broadcast_in_dim3A_22 : vector<16xi1>, vector<16xi32>
    %add3A_469 = arith.addi %add3A_464, %select_n3A_468 : vector<16xi32>
    %get3A_470 = arith.constant 11 : index
    %get3A_471 = tpu.vector_load %arg20[%get3A_470] {strides = array<i32>} : memref<48xi32, #tpu.memory_space<vmem>>, vector<16xi32>,
    %eq3A_472 = arith.cmpi eq, %get3A_471, %get3A_447 : vector<16xi32>
    %select_n3A_473 = arith.select %eq3A_472, %broadcast_in_dim3A_20, %broadcast_in_dim3A_22 : vector<16xi1>, vector<16xi32>
    %add3A_474 = arith.addi %add3A_469, %select_n3A_473 : vector<16xi32>
    %get3A_475 = arith.constant 10 : index
    %get3A_476 = tpu.vector_load %arg20[%get3A_475] {strides = array<i32>} : memref<48xi32, #tpu.memory_space<vmem>>, vector<16xi32>,
    %eq3A_477 = arith.cmpi eq, %get3A_476, %get3A_447 : vector<16xi32>
    %select_n3A_478 = arith.select %eq3A_477, %broadcast_in_dim3A_20, %broadcast_in_dim3A_22 : vector<16xi1>, vector<16xi32>
    %add3A_479 = arith.addi %add3A_474, %select_n3A_478 : vector<16xi32>
    %get3A_480 = arith.constant 9 : index
    %get3A_481 = tpu.vector_load %arg20[%get3A_480] {strides = array<i32>} : memref<48xi32, #tpu.memory_space<vmem>>, vector<16xi32>,
    %eq3A_482 = arith.cmpi eq, %get3A_481, %get3A_447 : vector<16xi32>
    %select_n3A_483 = arith.select %eq3A_482, %broadcast_in_dim3A_20, %broadcast_in_dim3A_22 : vector<16xi1>, vector<16xi32>
    %add3A_484 = arith.addi %add3A_479, %select_n3A_483 : vector<16xi32>
    %get3A_485 = arith.constant 8 : index
    %get3A_486 = tpu.vector_load %arg20[%get3A_485] {strides = array<i32>} : memref<48xi32, #tpu.memory_space<vmem>>, vector<16xi32>,
    %eq3A_487 = arith.cmpi eq, %get3A_486, %get3A_447 : vector<16xi32>
    %select_n3A_488 = arith.select %eq3A_487, %broadcast_in_dim3A_20, %broadcast_in_dim3A_22 : vector<16xi1>, vector<16xi32>
    %add3A_489 = arith.addi %add3A_484, %select_n3A_488 : vector<16xi32>
    %get3A_490 = arith.constant 7 : index
    %get3A_491 = tpu.vector_load %arg20[%get3A_490] {strides = array<i32>} : memref<48xi32, #tpu.memory_space<vmem>>, vector<16xi32>,
    %eq3A_492 = arith.cmpi eq, %get3A_491, %get3A_447 : vector<16xi32>
    %select_n3A_493 = arith.select %eq3A_492, %broadcast_in_dim3A_20, %broadcast_in_dim3A_22 : vector<16xi1>, vector<16xi32>
    %add3A_494 = arith.addi %add3A_489, %select_n3A_493 : vector<16xi32>
    %get3A_495 = arith.constant 6 : index
    %get3A_496 = tpu.vector_load %arg20[%get3A_495] {strides = array<i32>} : memref<48xi32, #tpu.memory_space<vmem>>, vector<16xi32>,
    %eq3A_497 = arith.cmpi eq, %get3A_496, %get3A_447 : vector<16xi32>
    %select_n3A_498 = arith.select %eq3A_497, %broadcast_in_dim3A_20, %broadcast_in_dim3A_22 : vector<16xi1>, vector<16xi32>
    %add3A_499 = arith.addi %add3A_494, %select_n3A_498 : vector<16xi32>
    %get3A_500 = arith.constant 5 : index
    %get3A_501 = tpu.vector_load %arg20[%get3A_500] {strides = array<i32>} : memref<48xi32, #tpu.memory_space<vmem>>, vector<16xi32>,
    %eq3A_502 = arith.cmpi eq, %get3A_501, %get3A_447 : vector<16xi32>
    %select_n3A_503 = arith.select %eq3A_502, %broadcast_in_dim3A_20, %broadcast_in_dim3A_22 : vector<16xi1>, vector<16xi32>
    %add3A_504 = arith.addi %add3A_499, %select_n3A_503 : vector<16xi32>
    %get3A_505 = arith.constant 4 : index
    %get3A_506 = tpu.vector_load %arg20[%get3A_505] {strides = array<i32>} : memref<48xi32, #tpu.memory_space<vmem>>, vector<16xi32>,
    %eq3A_507 = arith.cmpi eq, %get3A_506, %get3A_447 : vector<16xi32>
    %select_n3A_508 = arith.select %eq3A_507, %broadcast_in_dim3A_20, %broadcast_in_dim3A_22 : vector<16xi1>, vector<16xi32>
    %add3A_509 = arith.addi %add3A_504, %select_n3A_508 : vector<16xi32>
    %get3A_510 = arith.constant 3 : index
    %get3A_511 = tpu.vector_load %arg20[%get3A_510] {strides = array<i32>} : memref<48xi32, #tpu.memory_space<vmem>>, vector<16xi32>,
    %eq3A_512 = arith.cmpi eq, %get3A_511, %get3A_447 : vector<16xi32>
    %select_n3A_513 = arith.select %eq3A_512, %broadcast_in_dim3A_20, %broadcast_in_dim3A_22 : vector<16xi1>, vector<16xi32>
    %add3A_514 = arith.addi %add3A_509, %select_n3A_513 : vector<16xi32>
    %get3A_515 = arith.constant 2 : index
    %get3A_516 = tpu.vector_load %arg20[%get3A_515] {strides = array<i32>} : memref<48xi32, #tpu.memory_space<vmem>>, vector<16xi32>,
    %eq3A_517 = arith.cmpi eq, %get3A_516, %get3A_447 : vector<16xi32>
    %select_n3A_518 = arith.select %eq3A_517, %broadcast_in_dim3A_20, %broadcast_in_dim3A_22 : vector<16xi1>, vector<16xi32>
    %add3A_519 = arith.addi %add3A_514, %select_n3A_518 : vector<16xi32>
    %get3A_520 = arith.constant 1 : index
    %get3A_521 = tpu.vector_load %arg20[%get3A_520] {strides = array<i32>} : memref<48xi32, #tpu.memory_space<vmem>>, vector<16xi32>,
    %eq3A_522 = arith.cmpi eq, %get3A_521, %get3A_447 : vector<16xi32>
    %select_n3A_523 = arith.select %eq3A_522, %broadcast_in_dim3A_20, %broadcast_in_dim3A_22 : vector<16xi1>, vector<16xi32>
    %add3A_524 = arith.addi %add3A_519, %select_n3A_523 : vector<16xi32>
    %gather3A_525 = tpu.vector_load_idx %arg10[%get3A_447] : memref<976xi32, #tpu.memory_space<vmem>>[vector<16xi32>], vector<16xi32>,
    %add3A_526 = arith.addi %gather3A_525, %add3A_524 : vector<16xi32>
    %swap3A_527 = arith.constant 0 : i32
    %swap3A_528 = arith.index_cast %swap3A_527 : i32 to index
    %swap3A_529 = arith.constant 64 : index
    %swap3A_530 = tpu.vector_load %arg17[%swap3A_528, %swap3A_529] {strides = array<i32>} : memref<2x80xi32, #tpu.memory_space<vmem>>, vector<16xi32>,
    tpu.vector_store %arg17[%swap3A_528, %swap3A_529], %add3A_526 {strides = array<i32>} : memref<2x80xi32, #tpu.memory_space<vmem>>, vector<16xi32>,
    tpu.vector_store_idx %arg10[%get3A_447], %broadcast_in_dim3A_20 {add = true} : memref<976xi32, #tpu.memory_space<vmem>>[vector<16xi32>], vector<16xi32>,
    %parallel_loop3A = arith.constant 0 : i32
    %parallel_loop3A_531 = arith.constant 80 : i32
    %parallel_loop3A_532 = arith.constant 1 : i32
    scf.for %parallel_loop3A_640 = %parallel_loop3A to %parallel_loop3A_531 step %parallel_loop3A_532  : i32 {
      %parallel_loop3A_641 = arith.constant 0 : i32
      %parallel_loop3A_642 = arith.index_cast %parallel_loop3A_641 : i32 to index
      %parallel_loop3A_643 = arith.index_cast %parallel_loop3A_640 : i32 to index
      %parallel_loop3A_644 = arith.constant 0 : index
      %parallel_loop3A_645 = tpu.vector_load %arg14[%parallel_loop3A_642, %parallel_loop3A_643, %parallel_loop3A_644] {strides = array<i32>} : memref<2x80x128xbf16, #tpu.memory_space<vmem>>, vector<32xbf16>,
      %parallel_loop3A_646 = tpu.unpack_subelements %parallel_loop3A_645, 0 {pack_format = #tpu.pack_format<interleaved>} : vector<32xbf16> -> vector<16xf32>
      %parallel_loop3A_647 = tpu.unpack_subelements %parallel_loop3A_645, 1 {pack_format = #tpu.pack_format<interleaved>} : vector<32xbf16> -> vector<16xf32>
      %parallel_loop3A_648 = arith.constant 0 : i32
      %parallel_loop3A_649 = arith.index_cast %parallel_loop3A_648 : i32 to index
      %parallel_loop3A_650 = arith.index_cast %parallel_loop3A_640 : i32 to index
      %parallel_loop3A_651 = arith.constant 0 : index
      %parallel_loop3A_652 = tpu.vector_load %arg16[%parallel_loop3A_649, %parallel_loop3A_650, %parallel_loop3A_651] {strides = array<i32>} : memref<2x80x128xbf16, #tpu.memory_space<vmem>>, vector<32xbf16>,
      %parallel_loop3A_653 = tpu.unpack_subelements %parallel_loop3A_652, 0 {pack_format = #tpu.pack_format<interleaved>} : vector<32xbf16> -> vector<16xf32>
      %parallel_loop3A_654 = tpu.unpack_subelements %parallel_loop3A_652, 1 {pack_format = #tpu.pack_format<interleaved>} : vector<32xbf16> -> vector<16xf32>
      %parallel_loop3A_655 = arith.constant 0 : i32
      %parallel_loop3A_656 = arith.index_cast %parallel_loop3A_655 : i32 to index
      %parallel_loop3A_657 = arith.index_cast %parallel_loop3A_640 : i32 to index
      %parallel_loop3A_658 = arith.constant 0 : index
      %parallel_loop3A_659 = tpu.vector_load %arg15[%parallel_loop3A_656, %parallel_loop3A_657, %parallel_loop3A_658] {strides = array<i32>} : memref<2x80x128xbf16, #tpu.memory_space<vmem>>, vector<32xbf16>,
      %parallel_loop3A_660 = tpu.unpack_subelements %parallel_loop3A_659, 0 {pack_format = #tpu.pack_format<interleaved>} : vector<32xbf16> -> vector<16xf32>
      %parallel_loop3A_661 = tpu.unpack_subelements %parallel_loop3A_659, 1 {pack_format = #tpu.pack_format<interleaved>} : vector<32xbf16> -> vector<16xf32>
      %parallel_loop3A_662 = arith.mulf %parallel_loop3A_646, %parallel_loop3A_653 : vector<16xf32>
      %parallel_loop3A_663 = arith.mulf %parallel_loop3A_662, %parallel_loop3A_660 : vector<16xf32>
      %parallel_loop3A_664 = arith.mulf %parallel_loop3A_647, %parallel_loop3A_654 : vector<16xf32>
      %parallel_loop3A_665 = arith.mulf %parallel_loop3A_664, %parallel_loop3A_661 : vector<16xf32>
      %parallel_loop3A_666 = arith.addf %parallel_loop3A_663, %parallel_loop3A_665 : vector<16xf32>
      %parallel_loop3A_667 = arith.constant 0 : i32
      %parallel_loop3A_668 = arith.index_cast %parallel_loop3A_667 : i32 to index
      %parallel_loop3A_669 = arith.index_cast %parallel_loop3A_640 : i32 to index
      %parallel_loop3A_670 = arith.constant 32 : index
      %parallel_loop3A_671 = tpu.vector_load %arg14[%parallel_loop3A_668, %parallel_loop3A_669, %parallel_loop3A_670] {strides = array<i32>} : memref<2x80x128xbf16, #tpu.memory_space<vmem>>, vector<32xbf16>,
      %parallel_loop3A_672 = tpu.unpack_subelements %parallel_loop3A_671, 0 {pack_format = #tpu.pack_format<interleaved>} : vector<32xbf16> -> vector<16xf32>
      %parallel_loop3A_673 = tpu.unpack_subelements %parallel_loop3A_671, 1 {pack_format = #tpu.pack_format<interleaved>} : vector<32xbf16> -> vector<16xf32>
      %parallel_loop3A_674 = arith.constant 0 : i32
      %parallel_loop3A_675 = arith.index_cast %parallel_loop3A_674 : i32 to index
      %parallel_loop3A_676 = arith.index_cast %parallel_loop3A_640 : i32 to index
      %parallel_loop3A_677 = arith.constant 32 : index
      %parallel_loop3A_678 = tpu.vector_load %arg16[%parallel_loop3A_675, %parallel_loop3A_676, %parallel_loop3A_677] {strides = array<i32>} : memref<2x80x128xbf16, #tpu.memory_space<vmem>>, vector<32xbf16>,
      %parallel_loop3A_679 = tpu.unpack_subelements %parallel_loop3A_678, 0 {pack_format = #tpu.pack_format<interleaved>} : vector<32xbf16> -> vector<16xf32>
      %parallel_loop3A_680 = tpu.unpack_subelements %parallel_loop3A_678, 1 {pack_format = #tpu.pack_format<interleaved>} : vector<32xbf16> -> vector<16xf32>
      %parallel_loop3A_681 = arith.constant 0 : i32
      %parallel_loop3A_682 = arith.index_cast %parallel_loop3A_681 : i32 to index
      %parallel_loop3A_683 = arith.index_cast %parallel_loop3A_640 : i32 to index
      %parallel_loop3A_684 = arith.constant 32 : index
      %parallel_loop3A_685 = tpu.vector_load %arg15[%parallel_loop3A_682, %parallel_loop3A_683, %parallel_loop3A_684] {strides = array<i32>} : memref<2x80x128xbf16, #tpu.memory_space<vmem>>, vector<32xbf16>,
      %parallel_loop3A_686 = tpu.unpack_subelements %parallel_loop3A_685, 0 {pack_format = #tpu.pack_format<interleaved>} : vector<32xbf16> -> vector<16xf32>
      %parallel_loop3A_687 = tpu.unpack_subelements %parallel_loop3A_685, 1 {pack_format = #tpu.pack_format<interleaved>} : vector<32xbf16> -> vector<16xf32>
      %parallel_loop3A_688 = arith.mulf %parallel_loop3A_672, %parallel_loop3A_679 : vector<16xf32>
      %parallel_loop3A_689 = arith.mulf %parallel_loop3A_688, %parallel_loop3A_686 : vector<16xf32>
      %parallel_loop3A_690 = arith.mulf %parallel_loop3A_673, %parallel_loop3A_680 : vector<16xf32>
      %parallel_loop3A_691 = arith.mulf %parallel_loop3A_690, %parallel_loop3A_687 : vector<16xf32>
      %parallel_loop3A_692 = arith.addf %parallel_loop3A_689, %parallel_loop3A_691 : vector<16xf32>
      %parallel_loop3A_693 = arith.addf %parallel_loop3A_666, %parallel_loop3A_692 : vector<16xf32>
      %parallel_loop3A_694 = arith.constant 0 : i32
      %parallel_loop3A_695 = arith.index_cast %parallel_loop3A_694 : i32 to index
      %parallel_loop3A_696 = arith.index_cast %parallel_loop3A_640 : i32 to index
      %parallel_loop3A_697 = arith.constant 64 : index
      %parallel_loop3A_698 = tpu.vector_load %arg14[%parallel_loop3A_695, %parallel_loop3A_696, %parallel_loop3A_697] {strides = array<i32>} : memref<2x80x128xbf16, #tpu.memory_space<vmem>>, vector<32xbf16>,
      %parallel_loop3A_699 = tpu.unpack_subelements %parallel_loop3A_698, 0 {pack_format = #tpu.pack_format<interleaved>} : vector<32xbf16> -> vector<16xf32>
      %parallel_loop3A_700 = tpu.unpack_subelements %parallel_loop3A_698, 1 {pack_format = #tpu.pack_format<interleaved>} : vector<32xbf16> -> vector<16xf32>
      %parallel_loop3A_701 = arith.constant 0 : i32
      %parallel_loop3A_702 = arith.index_cast %parallel_loop3A_701 : i32 to index
      %parallel_loop3A_703 = arith.index_cast %parallel_loop3A_640 : i32 to index
      %parallel_loop3A_704 = arith.constant 64 : index
      %parallel_loop3A_705 = tpu.vector_load %arg16[%parallel_loop3A_702, %parallel_loop3A_703, %parallel_loop3A_704] {strides = array<i32>} : memref<2x80x128xbf16, #tpu.memory_space<vmem>>, vector<32xbf16>,
      %parallel_loop3A_706 = tpu.unpack_subelements %parallel_loop3A_705, 0 {pack_format = #tpu.pack_format<interleaved>} : vector<32xbf16> -> vector<16xf32>
      %parallel_loop3A_707 = tpu.unpack_subelements %parallel_loop3A_705, 1 {pack_format = #tpu.pack_format<interleaved>} : vector<32xbf16> -> vector<16xf32>
      %parallel_loop3A_708 = arith.constant 0 : i32
      %parallel_loop3A_709 = arith.index_cast %parallel_loop3A_708 : i32 to index
      %parallel_loop3A_710 = arith.index_cast %parallel_loop3A_640 : i32 to index
      %parallel_loop3A_711 = arith.constant 64 : index
      %parallel_loop3A_712 = tpu.vector_load %arg15[%parallel_loop3A_709, %parallel_loop3A_710, %parallel_loop3A_711] {strides = array<i32>} : memref<2x80x128xbf16, #tpu.memory_space<vmem>>, vector<32xbf16>,
      %parallel_loop3A_713 = tpu.unpack_subelements %parallel_loop3A_712, 0 {pack_format = #tpu.pack_format<interleaved>} : vector<32xbf16> -> vector<16xf32>
      %parallel_loop3A_714 = tpu.unpack_subelements %parallel_loop3A_712, 1 {pack_format = #tpu.pack_format<interleaved>} : vector<32xbf16> -> vector<16xf32>
      %parallel_loop3A_715 = arith.mulf %parallel_loop3A_699, %parallel_loop3A_706 : vector<16xf32>
      %parallel_loop3A_716 = arith.mulf %parallel_loop3A_715, %parallel_loop3A_713 : vector<16xf32>
      %parallel_loop3A_717 = arith.mulf %parallel_loop3A_700, %parallel_loop3A_707 : vector<16xf32>
      %parallel_loop3A_718 = arith.mulf %parallel_loop3A_717, %parallel_loop3A_714 : vector<16xf32>
      %parallel_loop3A_719 = arith.addf %parallel_loop3A_716, %parallel_loop3A_718 : vector<16xf32>
      %parallel_loop3A_720 = arith.addf %parallel_loop3A_693, %parallel_loop3A_719 : vector<16xf32>
      %parallel_loop3A_721 = arith.constant 0 : i32
      %parallel_loop3A_722 = arith.index_cast %parallel_loop3A_721 : i32 to index
      %parallel_loop3A_723 = arith.index_cast %parallel_loop3A_640 : i32 to index
      %parallel_loop3A_724 = arith.constant 96 : index
      %parallel_loop3A_725 = tpu.vector_load %arg14[%parallel_loop3A_722, %parallel_loop3A_723, %parallel_loop3A_724] {strides = array<i32>} : memref<2x80x128xbf16, #tpu.memory_space<vmem>>, vector<32xbf16>,
      %parallel_loop3A_726 = tpu.unpack_subelements %parallel_loop3A_725, 0 {pack_format = #tpu.pack_format<interleaved>} : vector<32xbf16> -> vector<16xf32>
      %parallel_loop3A_727 = tpu.unpack_subelements %parallel_loop3A_725, 1 {pack_format = #tpu.pack_format<interleaved>} : vector<32xbf16> -> vector<16xf32>
      %parallel_loop3A_728 = arith.constant 0 : i32
      %parallel_loop3A_729 = arith.index_cast %parallel_loop3A_728 : i32 to index
      %parallel_loop3A_730 = arith.index_cast %parallel_loop3A_640 : i32 to index
      %parallel_loop3A_731 = arith.constant 96 : index
      %parallel_loop3A_732 = tpu.vector_load %arg16[%parallel_loop3A_729, %parallel_loop3A_730, %parallel_loop3A_731] {strides = array<i32>} : memref<2x80x128xbf16, #tpu.memory_space<vmem>>, vector<32xbf16>,
      %parallel_loop3A_733 = tpu.unpack_subelements %parallel_loop3A_732, 0 {pack_format = #tpu.pack_format<interleaved>} : vector<32xbf16> -> vector<16xf32>
      %parallel_loop3A_734 = tpu.unpack_subelements %parallel_loop3A_732, 1 {pack_format = #tpu.pack_format<interleaved>} : vector<32xbf16> -> vector<16xf32>
      %parallel_loop3A_735 = arith.constant 0 : i32
      %parallel_loop3A_736 = arith.index_cast %parallel_loop3A_735 : i32 to index
      %parallel_loop3A_737 = arith.index_cast %parallel_loop3A_640 : i32 to index
      %parallel_loop3A_738 = arith.constant 96 : index
      %parallel_loop3A_739 = tpu.vector_load %arg15[%parallel_loop3A_736, %parallel_loop3A_737, %parallel_loop3A_738] {strides = array<i32>} : memref<2x80x128xbf16, #tpu.memory_space<vmem>>, vector<32xbf16>,
      %parallel_loop3A_740 = tpu.unpack_subelements %parallel_loop3A_739, 0 {pack_format = #tpu.pack_format<interleaved>} : vector<32xbf16> -> vector<16xf32>
      %parallel_loop3A_741 = tpu.unpack_subelements %parallel_loop3A_739, 1 {pack_format = #tpu.pack_format<interleaved>} : vector<32xbf16> -> vector<16xf32>
      %parallel_loop3A_742 = arith.mulf %parallel_loop3A_726, %parallel_loop3A_733 : vector<16xf32>
      %parallel_loop3A_743 = arith.mulf %parallel_loop3A_742, %parallel_loop3A_740 : vector<16xf32>
      %parallel_loop3A_744 = arith.mulf %parallel_loop3A_727, %parallel_loop3A_734 : vector<16xf32>
      %parallel_loop3A_745 = arith.mulf %parallel_loop3A_744, %parallel_loop3A_741 : vector<16xf32>
      %parallel_loop3A_746 = arith.addf %parallel_loop3A_743, %parallel_loop3A_745 : vector<16xf32>
      %parallel_loop3A_747 = arith.addf %parallel_loop3A_720, %parallel_loop3A_746 : vector<16xf32>
      %parallel_loop3A_748 = arith.constant true
      %parallel_loop3A_749 = vector.broadcast %parallel_loop3A_748 : i1 to vector<16xi1>
      %parallel_loop3A_750 = tpu.scan <sum>, %parallel_loop3A_747 masked %parallel_loop3A_749 : vector<16xf32>, vector<16xi1> -> vector<16xf32>
      %parallel_loop3A_751 = arith.index_cast %parallel_loop3A_640 : i32 to index
      %parallel_loop3A_752 = arith.constant 0 : index
      %parallel_loop3A_753 = tpu.vector_load %arg19[%parallel_loop3A_751, %parallel_loop3A_752] {strides = array<i32>} : memref<80x16xf32, #tpu.memory_space<vmem>>, vector<16xf32>,
      tpu.vector_store %arg19[%parallel_loop3A_751, %parallel_loop3A_752], %parallel_loop3A_750 {strides = array<i32>} : memref<80x16xf32, #tpu.memory_space<vmem>>, vector<16xf32>,
    } {sc.loop_unroll_factor = 2 : i64, sc.parallel_access}
    %add3A_533 = arith.constant 0 : i32
    %add3A_534 = vector.broadcast %add3A_533 : i32 to vector<16xi32>
    %add3A_535 = arith.addi %iota3A, %add3A_534 : vector<16xi32>
    %gather3A_536 = tpu.vector_load_idx %arg19[%add3A_535, %broadcast_in_dim3A_24] : memref<80x16xf32, #tpu.memory_space<vmem>>[vector<16xi32>, vector<16xi32>], vector<16xf32>,
    %neg3A = arith.constant 0.000000e+00 : f32
    %neg3A_537 = vector.broadcast %neg3A : f32 to vector<16xf32>
    %neg3A_538 = arith.subf %neg3A_537, %gather3A_536 : vector<16xf32>
    %exp3A = math.exp %neg3A_538 : vector<16xf32>
    %add3A_539 = arith.constant 1.000000e+00 : f32
    %add3A_540 = vector.broadcast %add3A_539 : f32 to vector<16xf32>
    %add3A_541 = arith.addf %add3A_540, %exp3A : vector<16xf32>
    %div3A = arith.constant 1.000000e+00 : f32
    %div3A_542 = vector.broadcast %div3A : f32 to vector<16xf32>
    %div3A_543 = arith.divf %div3A_542, %add3A_541 : vector<16xf32>
    %swap3A_544 = arith.constant 0 : i32
    %swap3A_545 = arith.index_cast %swap3A_544 : i32 to index
    %swap3A_546 = arith.constant 0 : index
    %swap3A_547 = tpu.vector_load %arg18[%swap3A_545, %swap3A_546] {strides = array<i32>} : memref<2x80xf32, #tpu.memory_space<vmem>>, vector<16xf32>,
    tpu.vector_store %arg18[%swap3A_545, %swap3A_546], %div3A_543 {strides = array<i32>} : memref<2x80xf32, #tpu.memory_space<vmem>>, vector<16xf32>,
    %add3A_548 = arith.constant 16 : i32
    %add3A_549 = vector.broadcast %add3A_548 : i32 to vector<16xi32>
    %add3A_550 = arith.addi %iota3A, %add3A_549 : vector<16xi32>
    %gather3A_551 = tpu.vector_load_idx %arg19[%add3A_550, %broadcast_in_dim3A_24] : memref<80x16xf32, #tpu.memory_space<vmem>>[vector<16xi32>, vector<16xi32>], vector<16xf32>,
    %neg3A_552 = arith.constant 0.000000e+00 : f32
    %neg3A_553 = vector.broadcast %neg3A_552 : f32 to vector<16xf32>
    %neg3A_554 = arith.subf %neg3A_553, %gather3A_551 : vector<16xf32>
    %exp3A_555 = math.exp %neg3A_554 : vector<16xf32>
    %add3A_556 = arith.constant 1.000000e+00 : f32
    %add3A_557 = vector.broadcast %add3A_556 : f32 to vector<16xf32>
    %add3A_558 = arith.addf %add3A_557, %exp3A_555 : vector<16xf32>
    %div3A_559 = arith.constant 1.000000e+00 : f32
    %div3A_560 = vector.broadcast %div3A_559 : f32 to vector<16xf32>
    %div3A_561 = arith.divf %div3A_560, %add3A_558 : vector<16xf32>
    %swap3A_562 = arith.constant 0 : i32
    %swap3A_563 = arith.index_cast %swap3A_562 : i32 to index
    %swap3A_564 = arith.constant 16 : index
    %swap3A_565 = tpu.vector_load %arg18[%swap3A_563, %swap3A_564] {strides = array<i32>} : memref<2x80xf32, #tpu.memory_space<vmem>>, vector<16xf32>,
    tpu.vector_store %arg18[%swap3A_563, %swap3A_564], %div3A_561 {strides = array<i32>} : memref<2x80xf32, #tpu.memory_space<vmem>>, vector<16xf32>,
    %add3A_566 = arith.constant 32 : i32
    %add3A_567 = vector.broadcast %add3A_566 : i32 to vector<16xi32>
    %add3A_568 = arith.addi %iota3A, %add3A_567 : vector<16xi32>
    %gather3A_569 = tpu.vector_load_idx %arg19[%add3A_568, %broadcast_in_dim3A_24] : memref<80x16xf32, #tpu.memory_space<vmem>>[vector<16xi32>, vector<16xi32>], vector<16xf32>,
    %neg3A_570 = arith.constant 0.000000e+00 : f32
    %neg3A_571 = vector.broadcast %neg3A_570 : f32 to vector<16xf32>
    %neg3A_572 = arith.subf %neg3A_571, %gather3A_569 : vector<16xf32>
    %exp3A_573 = math.exp %neg3A_572 : vector<16xf32>
    %add3A_574 = arith.constant 1.000000e+00 : f32
    %add3A_575 = vector.broadcast %add3A_574 : f32 to vector<16xf32>
    %add3A_576 = arith.addf %add3A_575, %exp3A_573 : vector<16xf32>
    %div3A_577 = arith.constant 1.000000e+00 : f32
    %div3A_578 = vector.broadcast %div3A_577 : f32 to vector<16xf32>
    %div3A_579 = arith.divf %div3A_578, %add3A_576 : vector<16xf32>
    %swap3A_580 = arith.constant 0 : i32
    %swap3A_581 = arith.index_cast %swap3A_580 : i32 to index
    %swap3A_582 = arith.constant 32 : index
    %swap3A_583 = tpu.vector_load %arg18[%swap3A_581, %swap3A_582] {strides = array<i32>} : memref<2x80xf32, #tpu.memory_space<vmem>>, vector<16xf32>,
    tpu.vector_store %arg18[%swap3A_581, %swap3A_582], %div3A_579 {strides = array<i32>} : memref<2x80xf32, #tpu.memory_space<vmem>>, vector<16xf32>,
    %add3A_584 = arith.constant 48 : i32
    %add3A_585 = vector.broadcast %add3A_584 : i32 to vector<16xi32>
    %add3A_586 = arith.addi %iota3A, %add3A_585 : vector<16xi32>
    %gather3A_587 = tpu.vector_load_idx %arg19[%add3A_586, %broadcast_in_dim3A_24] : memref<80x16xf32, #tpu.memory_space<vmem>>[vector<16xi32>, vector<16xi32>], vector<16xf32>,
    %neg3A_588 = arith.constant 0.000000e+00 : f32
    %neg3A_589 = vector.broadcast %neg3A_588 : f32 to vector<16xf32>
    %neg3A_590 = arith.subf %neg3A_589, %gather3A_587 : vector<16xf32>
    %exp3A_591 = math.exp %neg3A_590 : vector<16xf32>
    %add3A_592 = arith.constant 1.000000e+00 : f32
    %add3A_593 = vector.broadcast %add3A_592 : f32 to vector<16xf32>
    %add3A_594 = arith.addf %add3A_593, %exp3A_591 : vector<16xf32>
    %div3A_595 = arith.constant 1.000000e+00 : f32
    %div3A_596 = vector.broadcast %div3A_595 : f32 to vector<16xf32>
    %div3A_597 = arith.divf %div3A_596, %add3A_594 : vector<16xf32>
    %swap3A_598 = arith.constant 0 : i32
    %swap3A_599 = arith.index_cast %swap3A_598 : i32 to index
    %swap3A_600 = arith.constant 48 : index
    %swap3A_601 = tpu.vector_load %arg18[%swap3A_599, %swap3A_600] {strides = array<i32>} : memref<2x80xf32, #tpu.memory_space<vmem>>, vector<16xf32>,
    tpu.vector_store %arg18[%swap3A_599, %swap3A_600], %div3A_597 {strides = array<i32>} : memref<2x80xf32, #tpu.memory_space<vmem>>, vector<16xf32>,
    %add3A_602 = arith.constant 64 : i32
    %add3A_603 = vector.broadcast %add3A_602 : i32 to vector<16xi32>
    %add3A_604 = arith.addi %iota3A, %add3A_603 : vector<16xi32>
    %gather3A_605 = tpu.vector_load_idx %arg19[%add3A_604, %broadcast_in_dim3A_24] : memref<80x16xf32, #tpu.memory_space<vmem>>[vector<16xi32>, vector<16xi32>], vector<16xf32>,
    %neg3A_606 = arith.constant 0.000000e+00 : f32
    %neg3A_607 = vector.broadcast %neg3A_606 : f32 to vector<16xf32>
    %neg3A_608 = arith.subf %neg3A_607, %gather3A_605 : vector<16xf32>
    %exp3A_609 = math.exp %neg3A_608 : vector<16xf32>
    %add3A_610 = arith.constant 1.000000e+00 : f32
    %add3A_611 = vector.broadcast %add3A_610 : f32 to vector<16xf32>
    %add3A_612 = arith.addf %add3A_611, %exp3A_609 : vector<16xf32>
    %div3A_613 = arith.constant 1.000000e+00 : f32
    %div3A_614 = vector.broadcast %div3A_613 : f32 to vector<16xf32>
    %div3A_615 = arith.divf %div3A_614, %add3A_612 : vector<16xf32>
    %swap3A_616 = arith.constant 0 : i32
    %swap3A_617 = arith.index_cast %swap3A_616 : i32 to index
    %swap3A_618 = arith.constant 64 : index
    %swap3A_619 = tpu.vector_load %arg18[%swap3A_617, %swap3A_618] {strides = array<i32>} : memref<2x80xf32, #tpu.memory_space<vmem>>, vector<16xf32>,
    tpu.vector_store %arg18[%swap3A_617, %swap3A_618], %div3A_615 {strides = array<i32>} : memref<2x80xf32, #tpu.memory_space<vmem>>, vector<16xf32>,
    %dma_start3A_620 = arith.constant 0 : i32
    %dma_start3A_621 = arith.constant 0 : i32
    %dma_start3A_622 = arith.constant 0 : i32
    %dma_start3A_623 = tpu.memref_slice %arg18[%dma_start3A_620, %dma_start3A_622] : memref<2x80xf32, #tpu.memory_space<vmem>> -> memref<1x80xf32, #tpu.memory_space<vmem>>
    %dma_start3A_624 = tpu.memref_squeeze %dma_start3A_623 : memref<1x80xf32, #tpu.memory_space<vmem>> -> memref<80xf32, #tpu.memory_space<vmem>>
    %dma_start3A_625 = arith.constant 0 : i32
    %dma_start3A_626 = tpu.memref_slice %arg17[%dma_start3A_621, %dma_start3A_625] : memref<2x80xi32, #tpu.memory_space<vmem>> -> memref<1x80xi32, #tpu.memory_space<vmem>>
    %dma_start3A_627 = tpu.memref_squeeze %dma_start3A_626 : memref<1x80xi32, #tpu.memory_space<vmem>> -> memref<80xi32, #tpu.memory_space<vmem>>
    %dma_start3A_628 = arith.constant 0 : i32
    %dma_start3A_629 = tpu.memref_slice %arg8[%dma_start3A_628] : memref<320000xf32, #tpu.memory_space<hbm>> -> memref<320000xf32, #tpu.memory_space<hbm>>
    tpu.enqueue_indirect_dma source(%dma_start3A_624 : memref<80xf32, #tpu.memory_space<vmem>>) target(%dma_start3A_629 : memref<320000xf32, #tpu.memory_space<hbm>>) offsets(%dma_start3A_627 : memref<80xi32, #tpu.memory_space<vmem>>) semaphore(%arg27 : memref<!tpu.dma_semaphore, #tpu.memory_space<semaphore_mem>>)
    %dma_wait3A_630 = arith.constant 0 : i32
    %dma_wait3A_631 = arith.constant 0 : i32
    %dma_wait3A_632 = arith.constant 0 : i32
    %dma_wait3A_633 = tpu.memref_slice %arg18[%dma_wait3A_630, %dma_wait3A_632] : memref<2x80xf32, #tpu.memory_space<vmem>> -> memref<1x80xf32, #tpu.memory_space<vmem>>
    %dma_wait3A_634 = tpu.memref_squeeze %dma_wait3A_633 : memref<1x80xf32, #tpu.memory_space<vmem>> -> memref<80xf32, #tpu.memory_space<vmem>>
    %dma_wait3A_635 = arith.constant 0 : i32
    %dma_wait3A_636 = tpu.memref_slice %arg17[%dma_wait3A_631, %dma_wait3A_635] : memref<2x80xi32, #tpu.memory_space<vmem>> -> memref<1x80xi32, #tpu.memory_space<vmem>>
    %dma_wait3A_637 = tpu.memref_squeeze %dma_wait3A_636 : memref<1x80xi32, #tpu.memory_space<vmem>> -> memref<80xi32, #tpu.memory_space<vmem>>
    %dma_wait3A_638 = arith.constant 0 : i32
    %dma_wait3A_639 = tpu.memref_slice %arg8[%dma_wait3A_638] : memref<320000xf32, #tpu.memory_space<hbm>> -> memref<320000xf32, #tpu.memory_space<hbm>>
    tpu.wait_indirect_dma semaphore(%arg27 : memref<!tpu.dma_semaphore, #tpu.memory_space<semaphore_mem>>) src(%dma_wait3A_634 : memref<80xf32, #tpu.memory_space<vmem>>) dst(%dma_wait3A_639 : memref<320000xf32, #tpu.memory_space<hbm>>)
    return
  }
}

#map = affine_map<(d0, d1) -> (0)>
#map1 = affine_map<(d0, d1) -> (0, 0)>
module attributes {stable_mosaic.version = 14 : i64} {
  func.func @_hist_kernel(%arg0: i32, %arg1: i32, %arg2: memref<320000xi32, #tpu.memory_space<hbm>>, %arg3: memref<32x976xi32, #tpu.memory_space<hbm>>, %arg4: memref<10000xi32, #tpu.memory_space<vmem>>, %arg5: memref<976xi32, #tpu.memory_space<vmem>>) attributes {dimension_semantics = [#tpu.dimension_semantics<core_parallel>, #tpu.dimension_semantics<subcore_parallel>], iteration_bounds = array<i64: 2, 16>, scalar_prefetch = 0 : i64, scratch_operands = 2 : i64, tpu.core_type = #tpu.core_type<sc_vector_subcore>, window_params = [{transform_indices = #map}, {transform_indices = #map1}]} {
    %mul3A = arith.constant 16 : i32
    %mul3A_0 = arith.muli %arg0, %mul3A : i32
    %add3A = arith.addi %mul3A_0, %arg1 : i32
    %mul3A_1 = arith.constant 10000 : i32
    %mul3A_2 = arith.muli %add3A, %mul3A_1 : i32
    "tpu.region"() ({
      %run_scoped3A = tpu.sem_alloc : memref<!tpu.dma_semaphore, #tpu.memory_space<semaphore_mem>>
      %dma_start3A = tpu.memref_slice %arg2[%mul3A_2] : memref<320000xi32, #tpu.memory_space<hbm>> -> memref<10000xi32, #tpu.memory_space<hbm>>
      %dma_start3A_19 = tpu.memref_slice %arg2[%mul3A_2] : memref<320000xi32, #tpu.memory_space<hbm>> -> memref<10000xi32, #tpu.memory_space<hbm>>
      tpu.enqueue_dma source(%dma_start3A_19 : memref<10000xi32, #tpu.memory_space<hbm>>) target(%arg4 : memref<10000xi32, #tpu.memory_space<vmem>>) target_semaphore(%run_scoped3A : memref<!tpu.dma_semaphore, #tpu.memory_space<semaphore_mem>>)
      %dma_wait3A = tpu.memref_slice %arg2[%mul3A_2] : memref<320000xi32, #tpu.memory_space<hbm>> -> memref<10000xi32, #tpu.memory_space<hbm>>
      %dma_wait3A_20 = tpu.memref_slice %arg2[%mul3A_2] : memref<320000xi32, #tpu.memory_space<hbm>> -> memref<10000xi32, #tpu.memory_space<hbm>>
      tpu.wait_dma2 semaphore(%run_scoped3A : memref<!tpu.dma_semaphore, #tpu.memory_space<semaphore_mem>>) src(%dma_wait3A_20 : memref<10000xi32, #tpu.memory_space<hbm>>) dst(%arg4 : memref<10000xi32, #tpu.memory_space<vmem>>)
      tpu.yield
    }) : () -> ()
    %broadcast_in_dim3A = arith.constant 0 : i32
    %broadcast_in_dim3A_3 = vector.broadcast %broadcast_in_dim3A : i32 to vector<16xi32>
    %scan3A = arith.constant 0 : i32
    %scan3A_4 = arith.constant 0 : i32
    %scan3A_5 = arith.constant 61 : i32
    %scan3A_6 = arith.addi %scan3A_4, %scan3A_5 : i32
    %scan3A_7 = arith.constant 1 : i32
    %scan3A_8 = scf.for %scan3A_19 = %scan3A_4 to %scan3A_6 step %scan3A_7 iter_args(%scan3A_20 = %scan3A) -> (i32)  : i32 {
      %mul3A_21 = arith.constant 16 : i32
      %mul3A_22 = arith.muli %scan3A_19, %mul3A_21 : i32
      %swap3A = arith.index_cast %mul3A_22 : i32 to index
      %swap3A_23 = tpu.vector_load %arg5[%swap3A] {strides = array<i32>} : memref<976xi32, #tpu.memory_space<vmem>>, vector<16xi32>,
      tpu.vector_store %arg5[%swap3A], %broadcast_in_dim3A_3 {strides = array<i32>} : memref<976xi32, #tpu.memory_space<vmem>>, vector<16xi32>,
      %scan3A_24 = arith.constant 0 : i32
      scf.yield %scan3A_24 : i32
    }
    %scan3A_9 = arith.constant 61 : i32
    %broadcast_in_dim3A_10 = arith.constant 1 : i32
    %broadcast_in_dim3A_11 = vector.broadcast %broadcast_in_dim3A_10 : i32 to vector<16xi32>
    %scan3A_12 = arith.constant 0 : i32
    %scan3A_13 = arith.constant 0 : i32
    %scan3A_14 = arith.constant 625 : i32
    %scan3A_15 = arith.addi %scan3A_13, %scan3A_14 : i32
    %scan3A_16 = arith.constant 1 : i32
    %scan3A_17 = scf.for %scan3A_19 = %scan3A_13 to %scan3A_15 step %scan3A_16 iter_args(%scan3A_20 = %scan3A_12) -> (i32)  : i32 {
      %mul3A_21 = arith.constant 16 : i32
      %mul3A_22 = arith.muli %scan3A_19, %mul3A_21 : i32
      %get3A = arith.index_cast %mul3A_22 : i32 to index
      %get3A_23 = tpu.vector_load %arg4[%get3A] {strides = array<i32>} : memref<10000xi32, #tpu.memory_space<vmem>>, vector<16xi32>,
      tpu.vector_store_idx %arg5[%get3A_23], %broadcast_in_dim3A_11 {add = true} : memref<976xi32, #tpu.memory_space<vmem>>[vector<16xi32>], vector<16xi32>,
      %scan3A_24 = arith.constant 0 : i32
      scf.yield %scan3A_24 : i32
    }
    %scan3A_18 = arith.constant 625 : i32
    "tpu.region"() ({
      %run_scoped3A = tpu.sem_alloc : memref<!tpu.dma_semaphore, #tpu.memory_space<semaphore_mem>>
      %dma_start3A = arith.constant 0 : i32
      %dma_start3A_19 = tpu.memref_slice %arg3[%add3A, %dma_start3A] : memref<32x976xi32, #tpu.memory_space<hbm>> -> memref<1x976xi32, #tpu.memory_space<hbm>>
      %dma_start3A_20 = tpu.memref_squeeze %dma_start3A_19 : memref<1x976xi32, #tpu.memory_space<hbm>> -> memref<976xi32, #tpu.memory_space<hbm>>
      %dma_start3A_21 = arith.constant 0 : i32
      %dma_start3A_22 = tpu.memref_slice %arg3[%add3A, %dma_start3A_21] : memref<32x976xi32, #tpu.memory_space<hbm>> -> memref<1x976xi32, #tpu.memory_space<hbm>>
      %dma_start3A_23 = tpu.memref_squeeze %dma_start3A_22 : memref<1x976xi32, #tpu.memory_space<hbm>> -> memref<976xi32, #tpu.memory_space<hbm>>
      tpu.enqueue_dma source(%arg5 : memref<976xi32, #tpu.memory_space<vmem>>) target(%dma_start3A_23 : memref<976xi32, #tpu.memory_space<hbm>>) target_semaphore(%run_scoped3A : memref<!tpu.dma_semaphore, #tpu.memory_space<semaphore_mem>>)
      %dma_wait3A = arith.constant 0 : i32
      %dma_wait3A_24 = tpu.memref_slice %arg3[%add3A, %dma_wait3A] : memref<32x976xi32, #tpu.memory_space<hbm>> -> memref<1x976xi32, #tpu.memory_space<hbm>>
      %dma_wait3A_25 = tpu.memref_squeeze %dma_wait3A_24 : memref<1x976xi32, #tpu.memory_space<hbm>> -> memref<976xi32, #tpu.memory_space<hbm>>
      %dma_wait3A_26 = arith.constant 0 : i32
      %dma_wait3A_27 = tpu.memref_slice %arg3[%add3A, %dma_wait3A_26] : memref<32x976xi32, #tpu.memory_space<hbm>> -> memref<1x976xi32, #tpu.memory_space<hbm>>
      %dma_wait3A_28 = tpu.memref_squeeze %dma_wait3A_27 : memref<1x976xi32, #tpu.memory_space<hbm>> -> memref<976xi32, #tpu.memory_space<hbm>>
      tpu.wait_dma2 semaphore(%run_scoped3A : memref<!tpu.dma_semaphore, #tpu.memory_space<semaphore_mem>>) src(%arg5 : memref<976xi32, #tpu.memory_space<vmem>>) dst(%dma_wait3A_28 : memref<976xi32, #tpu.memory_space<hbm>>)
      tpu.yield
    }) : () -> ()
    return
  }
}

</mosaic_0001>

<sc_bundles>
// kernel: kernel.4.cloned.1.call-start
scs
__scs_entry_jumppad:
0x0: {  	(pc) =	sbr.rel $0x88, $3  }
0x1: {  	(tag) =	ssettag $0x0;
	lr =	simm.s32 $0x1  }
0x2: {  	[smem:$0x3F9D] =	sst lr;
	_ =	strace $0xD0000000  }
0x3: {  	_ = 	snop  }
0x4: {  	_ = 	snop  }
0x5: {  	_ = 	snop  }
0x6: {  	_ = 	snop  }
0x7: {  	_ = 	snop  }
__scs_overlays_trampoline_lowered:
0x8: {  	[smem:$0x3FAC] =	sst s0  }
0x9: {  	[smem:$0x3FAD] =	sst s1  }
0xa: {  	[smem:$0x3FAE] =	sst s2  }
0xb: {  	[smem:$0x3FAF] =	sst s3  }
0xc: {  	[smem:$0x3FB0] =	sst s4  }
0xd: {  	[smem:$0x3FB1] =	sst s5  }
0xe: {  	[smem:$0x3FB2] =	sst s6  }
0xf: {  	[smem:$0x3FB3] =	sst s7  }
0x10: {  	[smem:$0x3FB4] =	sst s8  }
0x11: {  	[smem:$0x3FB5] =	sst s9;
	s0 =	simm.s32 @!p0 $0x0  }
0x12: {  	s1 =	sld [smem:$0x3F9B];
	s0 =	simm.s32 @p0 $0x1  }
0x13: {  	[smem:$0x3FB6] =	sst s0;
	s0 =	simm.s32 @!p1 $0x0  }
0x14: {  	s2 =	sld [smem:$0x3F9A];
	s0 =	simm.s32 @p1 $0x1  }
0x15: {  	[smem:$0x3FB7] =	sst s0;
	s0 =	simm.s32 @!p2 $0x0  }
0x16: {  	s3 =	sld [smem:$0x3FDB];
	s0 =	simm.s32 @p2 $0x1  }
0x17: {  	s4 =	simm.s32 $0x1BF5;
	[smem:$0x3FB9] =	sst s0  }
0x18: {  	s0 =	sld [smem:$0x3F9C];
	_ =	swait.ge [sflag:s4], $0x0  }
0x19: {  	s7 =	sld [smem:$0x3F9D]  }
0x1a: {  	s8 =	sadd.s32 $0xFFFFE003, lr  }
0x1b: {  	s9 =	sadd.s32 $0xFFFFFEF7, lr;
	s5 =	simm.s32 $0xFFFFFFFF;
	p2 =	slt.u32 s8, $0xFFFFF086  }
0x1c: {  	p1 =	slt.u32 s9, $0xF7A;
	s5 =	simm.s32 @!p2 $0x0  }
0x1d: {  	s5 =	simm.s32 @p1 $0x1;
	p0 =	seq.s32 s7, s2  }
0x1e: {  	s7 =	smul.u32 @!p0 $0xF7A, s2;
	p2 =	seq.s32 @!p0 s5, $0x0  }
0x1f: {  	s9 =	smul.u32 $0xF7A, s1;
	s8 =	simm.s32 @!p0 $0x1BF5;
	p2 =	por !p2, p0  }
0x20: {  	[sflag:s8] =	ssyncset.s32 @!p0 $0xFFFFF086;
	s6 =	sadd.s32 @!p0 s3, s7;
	s7 =	simm.s32 @!p0 $0x108  }
0x21: {  	s3 =	sadd.s32 s3, s9;
	s6 =	sadd.s32 @!p0 $0x88, s6;
	s7 =	simm.s32 @p2 $0x1082  }
0x22: {  	[simem:s7], [sflag:s8] =	dma.local @!p0 [hbm:s6], $0xF7A  }
0x23: {  	s9 =	sor.u32 $0xD0000000, s2;
	s6 =	simm.s32 $0x108;
	_ =	swait.ge @!p0 [sflag:s8], $0x0  }
0x24: {  	s3 =	sadd.s32 $0x88, s3;
	s6 =	simm.s32 @!p1 $0x1082;
	[sflag:s4] =	ssyncset.s32 $0xFFFFF086  }
0x25: {  	[simem:s6], [sflag:s4] =	dma.local [hbm:s3], $0xF7A  }
0x26: {  	[smem:$0x3F9D] =	sst s1;
	(tag) =	ssettag s2;
	_ =	strace s9  }
0x27: {  	s1 =	sld [smem:$0x3FAD]  }
0x28: {  	s2 =	sld [smem:$0x3FAE]  }
0x29: {  	s4 =	sld [smem:$0x3FB0]  }
0x2a: {  	p0 =	seq.s32 s5, $0x0;
	s5 =	sld [smem:$0x3FB1]  }
0x2b: {  	s6 =	sld [smem:$0x3FB2]  }
0x2c: {  	s7 =	sld [smem:$0x3FB3]  }
0x2d: {  	s3 =	simm.s32 $0x108;
	s8 =	sld [smem:$0x3FB4]  }
0x2e: {  	s3 =	simm.s32 @!p0 $0x1082;
	s9 =	sld [smem:$0x3FB5]  }
0x2f: {  	lr =	sadd.s32 s0, s3;
	s0 =	sld [smem:$0x3FAC]  }
0x30: {  	s3 =	sld [smem:$0x3FAF]  }
0x31: {  	[smem:$0x3FB8] =	sst s10  }
0x32: {  	s10 =	sld [smem:$0x3FB6];
	_ =	sdelay $0x3  }
0x33: {  	p0 =	seq.s32 s10, $0x1;
	s10 =	sld [smem:$0x3FB8];
	_ =	sdelay $0x3  }
0x34: {  	[smem:$0x3FB8] =	sst s10  }
0x35: {  	s10 =	sld [smem:$0x3FB7];
	_ =	sdelay $0x3  }
0x36: {  	p1 =	seq.s32 s10, $0x1;
	s10 =	sld [smem:$0x3FB8];
	_ =	sdelay $0x3  }
0x37: {  	[smem:$0x3FB8] =	sst s10  }
0x38: {  	s10 =	sld [smem:$0x3FB9]  }
0x39: {  	_ = 	snop;
	(pc) =	sbr.ind lr, $3  }
0x3a: {  	_ = 	snop  }
0x3b: {  	_ = 	snop  }
0x3c: {  	p2 =	seq.s32 s10, $0x1;
	s10 =	sld [smem:$0x3FB8]  }
0x3d: {  	_ =	shalt  }
0x3e: {  	_ =	shalt  }
0x3f: {  	_ =	shalt  }
0x40: {  	_ =	shalt  }
0x41: {  	_ =	shalt  }
0x42: {  	_ =	shalt  }
0x43: {  	_ =	shalt  }
0x44: {  	_ =	shalt  }
0x45: {  	_ =	shalt  }
0x46: {  	_ =	shalt  }
0x47: {  	_ =	shalt  }
0x48: {  	_ =	shalt  }
0x49: {  	_ =	shalt  }
0x4a: {  	_ =	shalt  }
0x4b: {  	_ =	shalt  }
0x4c: {  	_ =	shalt  }
0x4d: {  	_ =	shalt  }
0x4e: {  	_ =	shalt  }
0x4f: {  	_ =	shalt  }
0x50: {  	_ =	shalt  }
0x51: {  	_ =	shalt  }
0x52: {  	_ =	shalt  }
0x53: {  	_ =	shalt  }
0x54: {  	_ =	shalt  }
0x55: {  	_ =	shalt  }
0x56: {  	_ =	shalt  }
0x57: {  	_ =	shalt  }
0x58: {  	_ =	shalt  }
0x59: {  	_ =	shalt  }
0x5a: {  	_ =	shalt  }
0x5b: {  	_ =	shalt  }
0x5c: {  	_ =	shalt  }
0x5d: {  	_ =	shalt  }
0x5e: {  	_ =	shalt  }
0x5f: {  	_ =	shalt  }
0x60: {  	_ =	shalt  }
0x61: {  	_ =	shalt  }
0x62: {  	_ =	shalt  }
0x63: {  	_ =	shalt  }
0x64: {  	_ =	shalt  }
0x65: {  	_ =	shalt  }
0x66: {  	_ =	shalt  }
0x67: {  	_ =	shalt  }
0x68: {  	_ =	shalt  }
0x69: {  	_ =	shalt  }
0x6a: {  	_ =	shalt  }
0x6b: {  	_ =	shalt  }
0x6c: {  	_ =	shalt  }
0x6d: {  	_ =	shalt  }
0x6e: {  	_ =	shalt  }
0x6f: {  	_ =	shalt  }
0x70: {  	_ =	shalt  }
0x71: {  	_ =	shalt  }
0x72: {  	_ =	shalt  }
0x73: {  	_ =	shalt  }
0x74: {  	_ =	shalt  }
0x75: {  	_ =	shalt  }
0x76: {  	_ =	shalt  }
0x77: {  	_ =	shalt  }
0x78: {  	_ =	shalt  }
0x79: {  	_ =	shalt  }
0x7a: {  	_ =	shalt  }
0x7b: {  	_ =	shalt  }
0x7c: {  	_ =	shalt  }
0x7d: {  	_ =	shalt  }
0x7e: {  	_ =	shalt  }
0x7f: {  	_ =	shalt  }
0x80: {  	_ =	shalt  }
0x81: {  	_ =	shalt  }
0x82: {  	_ =	shalt  }
0x83: {  	_ =	shalt  }
0x84: {  	_ =	shalt  }
0x85: {  	_ =	shalt  }
0x86: {  	_ =	shalt  }
0x87: {  	_ =	shalt  }
.Lfunc_end0:
.L_simem_size_0:
called_computation_lowered:
.L_overlay_start_0:
0x88: {  	s2 =	sld [smem:$0x3FD9]  }
0x89: {  	s3 =	sld [smem:$0x3FFE];
	_ =	sdelay $0x1  }
0x8a: {  	s1 =	srdreg.scid  }
0x8b: {  	s0 =	sand.u32 $0x1, s1  }
0x8c: {  	s17 =	sshll.u32 s0, $0xA;
	s2 =	sadd.s32 s3, s2  }
0x8d: {  	s2 =	sadd.s32 s2, s17  }
0x8e: {  	[smem:$0x3FC4] =	sst s2  }
0x8f: {  	_ = 	snop  }
0x90: {  	s2 =	sld [smem:$0x3FC7];
	(tm) =	ssettm $0x1  }
0x91: {  	s18 =	sld [smem:$0x3FFB];
	_ =	sdelay $0x3  }
0x92: {  	_ =	strace s18  }
0x93: {  	s3 =	sld [smem:$0x3FFC];
	_ =	sdelay $0x3  }
0x94: {  	_ =	strace s3  }
0x95: {  	s3 =	sld [smem:$0x3FFD];
	_ =	sdelay $0x3  }
0x96: {  	_ =	strace s3  }
0x97: {  	_ =	strace $0x8FFFFFFF  }
0x98: {  	s19 =	sld [smem:$0x3FDB];
	_ =	sdelay $0x1  }
0x99: {  	s4 =	simm.s32 $_scs_section_size  }
0x9a: {  	s5 =	simm.s32 $_size__tile_overlayer_lowered;
	s6 =	simm.s32 $_tile_overlayer_lowered  }
0x9b: {  	s22 =	simm.s32 $0x1BFF;
	s21 =	sshll.u32 s6, $0x1;
	s3 =	sadd.s32 s4, s19  }
0x9c: {  	s7 =	simm.s32 $0x0;
	s20 =	sshll.u32 s5, $0x1;
	s5 =	sadd.s32 s21, s3  }
0x9d: {  	[timem:s7], [sflag:s22] =	dma.local [hbm:s5], s20  }
0x9e: {  	_ =	swait.ge [sflag:s22], s20  }
0x9f: {  	s4 =	ssub.s32 $0x0, s20;
	[sflag:s22] =	ssyncset.done $0x0  }
0xa0: {  	[sflag:s22] =	ssyncadd.s32 s4;
	_ =	sdelay $0x1  }
0xa1: {  	s23 =	simm.s32 $0x1B8B  }
0xa2: {  	_ =	swait.ge [sflag:s23], $0x1  }
0xa3: {  	[sflag:s23] =	ssyncset.done $0x0  }
0xa4: {  	s25 =	simm.s32 $0x1B8E;
	s24 =	sld [smem:$0x3FFE];
	[sflag:s23] =	ssyncadd.s32 $0xFFFFFFFF  }
0xa5: {  	s26 =	simm.s32 $execute0_lowered;
	[smem:$0x3FD2] =	sst s25  }
0xa6: {  	s5 =	sshll.u32 s26, $0x1;
	_ =	strace $0x80000046;
	[dreg:$0x1] =	wrdreg $0xFFFFFFFF  }
0xa7: {  	s28 =	simm.s32 $_size_execute0_lowered;
	s3 =	sadd.s32 s3, s5;
	[dreg:$0x0] =	wrdreg $0x0  }
0xa8: {  	s5 =	sshll.u32 s28, $0x1;
	[dreg:$0x2] =	wrdreg s3  }
0xa9: {  	[dreg:$0x3] =	wrdreg s5  }
0xaa: {  	[dreg:$0x4] =	wrdreg $0xC0  }
0xab: {  	_ =	task [dreg:s7], $0x5FFFF  }
0xac: {  	[dreg:$0x1] =	wrdreg $0xFFFFFFFF  }
0xad: {  	[dreg:$0x0] =	wrdreg $0x60  }
0xae: {  	[dreg:$0x2] =	wrdreg s2  }
0xaf: {  	[dreg:$0x3] =	wrdreg s24  }
0xb0: {  	[dreg:$0x4] =	wrdreg $0x9  }
0xb1: {  	_ =	task.clear_ibuf [dreg:s7], $0x5FFFF;
	_ =	strace $0x90000046  }
0xb2: {  	s29 =	simm.s32 $0x9;
	_ =	strace $0x80000048  }
0xb3: {  	_ =	swait.ge [sflag:s29], $0x1  }
0xb4: {  	[sflag:s29] =	ssyncadd.s32 $0xFFFFFFFF  }
0xb5: {  	_ =	strace $0x90000048  }
0xb6: {  	_ =	sfence  }
0xb7: {  	s30 =	sld [smem:$0x0];
	_ =	sdelay $0x2  }
0xb8: {  	s31 =	sshll.u32 s1, $0xD;
	s1 =	sshrl.u32 s1, $0x2  }
0xb9: {  	s3 =	sand.u32 $0x4000, s31;
	s1 =	sadd.s32 s1, s30  }
0xba: {  	s0 =	sor.u32 s3, s0;
	s1 =	sshll.u32 s1, $0x11  }
0xbb: {  	s0 =	sor.u32 s1, s0  }
0xbc: {  	s0 =	sadd.s32 $0x8F2B, s0  }
0xbd: {  	[sflag:s0] =	ssyncadd.remote.s32 $0x1  }
0xbe: {  	_ =	sfence.sel $0xFFFF  }
0xbf: {  	[dreg:$0x0] =	wrdreg $0xFFFFFFFF;
	(pc) =	sbr.abs _section_cstart, $3  }
0xc0: {  	[dreg:$0x1] =	wrdreg $0xFFFFFFFF  }
0xc1: {  	_ =	task.clear_ibuf [dreg:s7], $0x2FFFF;
	_ =	strace $0x9FFFFFFF  }
0xc2: {  	(tm) =	ssettm $0x7FFFFFFF  }
0xc3: {  	_ =	shalt  }
tec
execute0_lowered:
.L_overlay_start_1:
0x0: {  	(tag) =	ssettag $0x1  }
0x1: {  	s0 =	srdreg.scid  }
0x2: {  	s3 =	rddreg [dreg:$0x0];
	s4 =	sand.u32 $0x1, s0  }
0x3: {  	s5 =	rddreg [dreg:$0x1];
	s1 =	stileid.u32;
	s2 =	sshll.u32 s4, $0x4  }
0x4: {  	s0 =	rddreg [dreg:$0x2];
	s6 =	sor.u32 s1, s2  }
0x5: {  	s4 =	ssub.s32 $0x2, s4;
	s2 =	simm.s32 $0x0;
	s7 =	smul.u32 $0x7A, s6  }
0x6: {  	s8 =	sshrl.u32 s4, $0x1;
	[smem:$0x7FF] =	sst s2;
	s6 =	smul.u32 $0x4E2, s6  }
0x7: {  	s31 =	ssub.s32 s4, s8;
	s8 =	simm.s32 $0x0;
	_ =	strace $0x80000047  }
0x8: {  	s5 =	sadd.s32 s7, s5;
	s3 =	sadd.s32 s3, s6;
	s6 =	simm.s32 $0x1  }
0x9: {  	v0 =	vimm.s32 $0x0;
	v1 =	vimm.s32 $0x1;
	s7 =	simm.s32 $0x2710;
	s4 =	sadd.s32 $0x600, s5;
	s5 =	smax.u32 s31, $0x1  }
.LBB2_1:
0xa: {  	[tilespmem:s2], [sflag:$0x1] =	stream.linear.gather [hbm4b:s3+s2], $0x2710, $0x38;
	[tilespmem:$0x2AE0] =	vst v63  }
0xb: {  	_ =	swait.ge [sflag:s6], $0x2710  }
0xc: {  	[sflag:s6] =	ssyncset.done $0x0  }
0xd: {  	s9 =	simm.s32 $0x0;
	[sflag:s6] =	ssyncadd.s32 $0xFFFFD8F0  }
.LBB2_2:
0xe: {  	p0 =	sne.s32 s9, $0xF00  }
.Ltmp0:
0xf: {  	_ = 	snop;
	(pc) =	sbr.rel @p0 .LBB2_2-.Ltmp0, $3  }
0x10: {  	_ =	sdelay $0x1  }
0x11: {  	s10 =	sshra.s32 s9, $0x2  }
0x12: {  	s9 =	sadd.s32 $0x40, s9;
	[tilespmem:s10+$0x2710] =	vst v0  }
0x13: {  	s10 =	simm.s32 $0x0;
	s9 =	simm.s32 $0x40  }
.LBB2_4:
0x14: {  	p0 =	sne.s32 s9, $0x9C00;
	v2 =	vld [tilespmem:s10+$0x0];
	_ =	sdelay $0x3  }
.Ltmp1:
0x15: {  	(pc) =	sbr.rel @p0 .LBB2_4-.Ltmp1, $2  }
0x16: {  	_ =	sdelay $0x2  }
0x17: {  	s10 =	sshra.s32 s9, $0x2;
	s9 =	sadd.s32 $0x40, s9;
	[tilespmem:v2+s7+$0x0] =	vst.idx.add.s32.msk $0xffff, v1  }
0x18: {  	v2 =	vld [tilespmem:s10+$0x0];
	_ =	sdelay $0x5  }
0x19: {  	s8 =	sadd.s32 $0x1, s8  }
0x1a: {  	p0 =	sne.s32 s8, s5  }
.Ltmp2:
0x1b: {  	[tilespmem:v2+s7+$0x0] =	vst.idx.add.s32.msk $0xffff, v1;
	(pc) =	sbr.rel @p0 .LBB2_1-.Ltmp2, $4  }
0x1c: {  	[hbm4b:s4+s2] =	stream.linear.scatter [tilespmem:s7], [sflag:$0x1], $0x3D0, $0x38;
	[tilespmem:$0x2AE0] =	vst v63  }
0x1d: {  	_ =	swait.ge [sflag:s6], $0x3D0  }
0x1e: {  	[sflag:s6] =	ssyncset.done $0x0  }
0x1f: {  	[sflag:s6] =	ssyncadd.s32 $0xFFFFFC30  }
0x20: {  	_ =	sfence.sel $0x180000  }
0x21: {  	[bflag:$0x0] =	sbarrier.arrive $0xFFFF  }
0x22: {  	p0 =	sne.s32 s1, $0x0;
	_ =	strace $0x90000047  }
0x23: {  	s0 =	sadd.s32 @!p0 $0x100000, s0;
	[bflag:$0x2] =	sbarrier.arrive $0xFFFF  }
0x24: {  	[sflag:s0] =	ssyncadd.tile.s32 @!p0 $0x1;
	_ =	shalt  }
.Lfunc_end2:
_tile_overlayer_lowered:
.L_overlay_start_2:
0x25: {  	(tag) =	ssettag $0x2  }
0x26: {  	s0 =	rddreg [dreg:$0x0];
	s2 =	stileid.u32  }
0x27: {  	s1 =	rddreg [dreg:$0x1];
	p0 =	sne.s32 s2, $0x0  }
0x28: {  	s3 =	rddreg [dreg:$0x2];
	[bflag:$0x3] =	sbarrier.arrive $0xFFFF;
	s2 =	simm.s32 @!p0 $0x1C01  }
0x29: {  	[timem:s3], [sflag:s2] =	dma.local @!p0 [hbm:s0], s1  }
0x2a: {  	s0 =	simm.s32 @!p0 $0x1  }
0x2b: {  	_ =	swait.ge @!p0 [sflag:s0], s1  }
0x2c: {  	s1 =	ssub.s32 @!p0 $0x0, s1;
	[sflag:s0] =	ssyncset.done @!p0 $0x0  }
0x2d: {  	[sflag:s0] =	ssyncadd.s32 @!p0 s1  }
0x2e: {  	[bflag:$0x3] =	sbarrier.arrive $0xFFFF  }
0x2f: {  	_ =	shalt  }

// kernel: kernel.7.cloned.1.call-start
scs
__scs_entry_jumppad:
0x0: {  	(pc) =	sbr.rel $0x88, $3  }
0x1: {  	(tag) =	ssettag $0x0;
	lr =	simm.s32 $0x1  }
0x2: {  	[smem:$0x3F9D] =	sst lr;
	_ =	strace $0xD0000000  }
0x3: {  	_ = 	snop  }
0x4: {  	_ = 	snop  }
0x5: {  	_ = 	snop  }
0x6: {  	_ = 	snop  }
0x7: {  	_ = 	snop  }
__scs_overlays_trampoline_lowered:
0x8: {  	[smem:$0x3FAC] =	sst s0  }
0x9: {  	[smem:$0x3FAD] =	sst s1  }
0xa: {  	[smem:$0x3FAE] =	sst s2  }
0xb: {  	[smem:$0x3FAF] =	sst s3  }
0xc: {  	[smem:$0x3FB0] =	sst s4  }
0xd: {  	[smem:$0x3FB1] =	sst s5  }
0xe: {  	[smem:$0x3FB2] =	sst s6  }
0xf: {  	[smem:$0x3FB3] =	sst s7  }
0x10: {  	[smem:$0x3FB4] =	sst s8  }
0x11: {  	[smem:$0x3FB5] =	sst s9;
	s0 =	simm.s32 @!p0 $0x0  }
0x12: {  	s1 =	sld [smem:$0x3F9B];
	s0 =	simm.s32 @p0 $0x1  }
0x13: {  	[smem:$0x3FB6] =	sst s0;
	s0 =	simm.s32 @!p1 $0x0  }
0x14: {  	s2 =	sld [smem:$0x3F9A];
	s0 =	simm.s32 @p1 $0x1  }
0x15: {  	[smem:$0x3FB7] =	sst s0;
	s0 =	simm.s32 @!p2 $0x0  }
0x16: {  	s3 =	sld [smem:$0x3FDB];
	s0 =	simm.s32 @p2 $0x1  }
0x17: {  	s4 =	simm.s32 $0x1BF5;
	[smem:$0x3FB9] =	sst s0  }
0x18: {  	s0 =	sld [smem:$0x3F9C];
	_ =	swait.ge [sflag:s4], $0x0  }
0x19: {  	s7 =	sld [smem:$0x3F9D]  }
0x1a: {  	s8 =	sadd.s32 $0xFFFFE003, lr  }
0x1b: {  	s9 =	sadd.s32 $0xFFFFFEF7, lr;
	s5 =	simm.s32 $0xFFFFFFFF;
	p2 =	slt.u32 s8, $0xFFFFF086  }
0x1c: {  	p1 =	slt.u32 s9, $0xF7A;
	s5 =	simm.s32 @!p2 $0x0  }
0x1d: {  	s5 =	simm.s32 @p1 $0x1;
	p0 =	seq.s32 s7, s2  }
0x1e: {  	s7 =	smul.u32 @!p0 $0xF7A, s2;
	p2 =	seq.s32 @!p0 s5, $0x0  }
0x1f: {  	s9 =	smul.u32 $0xF7A, s1;
	s8 =	simm.s32 @!p0 $0x1BF5;
	p2 =	por !p2, p0  }
0x20: {  	[sflag:s8] =	ssyncset.s32 @!p0 $0xFFFFF086;
	s6 =	sadd.s32 @!p0 s3, s7;
	s7 =	simm.s32 @!p0 $0x108  }
0x21: {  	s3 =	sadd.s32 s3, s9;
	s6 =	sadd.s32 @!p0 $0x88, s6;
	s7 =	simm.s32 @p2 $0x1082  }
0x22: {  	[simem:s7], [sflag:s8] =	dma.local @!p0 [hbm:s6], $0xF7A  }
0x23: {  	s9 =	sor.u32 $0xD0000000, s2;
	s6 =	simm.s32 $0x108;
	_ =	swait.ge @!p0 [sflag:s8], $0x0  }
0x24: {  	s3 =	sadd.s32 $0x88, s3;
	s6 =	simm.s32 @!p1 $0x1082;
	[sflag:s4] =	ssyncset.s32 $0xFFFFF086  }
0x25: {  	[simem:s6], [sflag:s4] =	dma.local [hbm:s3], $0xF7A  }
0x26: {  	[smem:$0x3F9D] =	sst s1;
	(tag) =	ssettag s2;
	_ =	strace s9  }
0x27: {  	s1 =	sld [smem:$0x3FAD]  }
0x28: {  	s2 =	sld [smem:$0x3FAE]  }
0x29: {  	s4 =	sld [smem:$0x3FB0]  }
0x2a: {  	p0 =	seq.s32 s5, $0x0;
	s5 =	sld [smem:$0x3FB1]  }
0x2b: {  	s6 =	sld [smem:$0x3FB2]  }
0x2c: {  	s7 =	sld [smem:$0x3FB3]  }
0x2d: {  	s3 =	simm.s32 $0x108;
	s8 =	sld [smem:$0x3FB4]  }
0x2e: {  	s3 =	simm.s32 @!p0 $0x1082;
	s9 =	sld [smem:$0x3FB5]  }
0x2f: {  	lr =	sadd.s32 s0, s3;
	s0 =	sld [smem:$0x3FAC]  }
0x30: {  	s3 =	sld [smem:$0x3FAF]  }
0x31: {  	[smem:$0x3FB8] =	sst s10  }
0x32: {  	s10 =	sld [smem:$0x3FB6];
	_ =	sdelay $0x3  }
0x33: {  	p0 =	seq.s32 s10, $0x1;
	s10 =	sld [smem:$0x3FB8];
	_ =	sdelay $0x3  }
0x34: {  	[smem:$0x3FB8] =	sst s10  }
0x35: {  	s10 =	sld [smem:$0x3FB7];
	_ =	sdelay $0x3  }
0x36: {  	p1 =	seq.s32 s10, $0x1;
	s10 =	sld [smem:$0x3FB8];
	_ =	sdelay $0x3  }
0x37: {  	[smem:$0x3FB8] =	sst s10  }
0x38: {  	s10 =	sld [smem:$0x3FB9]  }
0x39: {  	_ = 	snop;
	(pc) =	sbr.ind lr, $3  }
0x3a: {  	_ = 	snop  }
0x3b: {  	_ = 	snop  }
0x3c: {  	p2 =	seq.s32 s10, $0x1;
	s10 =	sld [smem:$0x3FB8]  }
0x3d: {  	_ =	shalt  }
0x3e: {  	_ =	shalt  }
0x3f: {  	_ =	shalt  }
0x40: {  	_ =	shalt  }
0x41: {  	_ =	shalt  }
0x42: {  	_ =	shalt  }
0x43: {  	_ =	shalt  }
0x44: {  	_ =	shalt  }
0x45: {  	_ =	shalt  }
0x46: {  	_ =	shalt  }
0x47: {  	_ =	shalt  }
0x48: {  	_ =	shalt  }
0x49: {  	_ =	shalt  }
0x4a: {  	_ =	shalt  }
0x4b: {  	_ =	shalt  }
0x4c: {  	_ =	shalt  }
0x4d: {  	_ =	shalt  }
0x4e: {  	_ =	shalt  }
0x4f: {  	_ =	shalt  }
0x50: {  	_ =	shalt  }
0x51: {  	_ =	shalt  }
0x52: {  	_ =	shalt  }
0x53: {  	_ =	shalt  }
0x54: {  	_ =	shalt  }
0x55: {  	_ =	shalt  }
0x56: {  	_ =	shalt  }
0x57: {  	_ =	shalt  }
0x58: {  	_ =	shalt  }
0x59: {  	_ =	shalt  }
0x5a: {  	_ =	shalt  }
0x5b: {  	_ =	shalt  }
0x5c: {  	_ =	shalt  }
0x5d: {  	_ =	shalt  }
0x5e: {  	_ =	shalt  }
0x5f: {  	_ =	shalt  }
0x60: {  	_ =	shalt  }
0x61: {  	_ =	shalt  }
0x62: {  	_ =	shalt  }
0x63: {  	_ =	shalt  }
0x64: {  	_ =	shalt  }
0x65: {  	_ =	shalt  }
0x66: {  	_ =	shalt  }
0x67: {  	_ =	shalt  }
0x68: {  	_ =	shalt  }
0x69: {  	_ =	shalt  }
0x6a: {  	_ =	shalt  }
0x6b: {  	_ =	shalt  }
0x6c: {  	_ =	shalt  }
0x6d: {  	_ =	shalt  }
0x6e: {  	_ =	shalt  }
0x6f: {  	_ =	shalt  }
0x70: {  	_ =	shalt  }
0x71: {  	_ =	shalt  }
0x72: {  	_ =	shalt  }
0x73: {  	_ =	shalt  }
0x74: {  	_ =	shalt  }
0x75: {  	_ =	shalt  }
0x76: {  	_ =	shalt  }
0x77: {  	_ =	shalt  }
0x78: {  	_ =	shalt  }
0x79: {  	_ =	shalt  }
0x7a: {  	_ =	shalt  }
0x7b: {  	_ =	shalt  }
0x7c: {  	_ =	shalt  }
0x7d: {  	_ =	shalt  }
0x7e: {  	_ =	shalt  }
0x7f: {  	_ =	shalt  }
0x80: {  	_ =	shalt  }
0x81: {  	_ =	shalt  }
0x82: {  	_ =	shalt  }
0x83: {  	_ =	shalt  }
0x84: {  	_ =	shalt  }
0x85: {  	_ =	shalt  }
0x86: {  	_ =	shalt  }
0x87: {  	_ =	shalt  }
.Lfunc_end0:
.L_simem_size_0:
called_computation.1_lowered:
.L_overlay_start_0:
0x88: {  	s2 =	sld [smem:$0x3FD9]  }
0x89: {  	s3 =	sld [smem:$0x3FFE];
	_ =	sdelay $0x1  }
0x8a: {  	s1 =	srdreg.scid  }
0x8b: {  	s0 =	sand.u32 $0x1, s1  }
0x8c: {  	s17 =	sshll.u32 s0, $0xA;
	s2 =	sadd.s32 s3, s2  }
0x8d: {  	s2 =	sadd.s32 s2, s17  }
0x8e: {  	[smem:$0x3FC4] =	sst s2  }
0x8f: {  	_ = 	snop  }
0x90: {  	s2 =	sld [smem:$0x3FC7]  }
0x91: {  	s18 =	sld [smem:$0x3FD0];
	(tm) =	ssettm $0x1  }
0x92: {  	s4 =	sld [smem:$0x3FFB];
	_ =	sdelay $0x3  }
0x93: {  	_ =	strace s4  }
0x94: {  	s4 =	sld [smem:$0x3FFC];
	_ =	sdelay $0x3  }
0x95: {  	_ =	strace s4  }
0x96: {  	s4 =	sld [smem:$0x3FFD];
	_ =	sdelay $0x3  }
0x97: {  	_ =	strace s4  }
0x98: {  	_ =	strace $0x8FFFFFFF  }
0x99: {  	s19 =	sld [smem:$0x3FDB];
	_ =	sdelay $0x1  }
0x9a: {  	s5 =	simm.s32 $_scs_section_size  }
0x9b: {  	s6 =	simm.s32 $_size__tile_overlayer_lowered;
	s7 =	simm.s32 $_tile_overlayer_lowered  }
0x9c: {  	s22 =	simm.s32 $0x1BFF;
	s21 =	sshll.u32 s7, $0x1;
	s4 =	sadd.s32 s5, s19  }
0x9d: {  	s8 =	simm.s32 $0x0;
	s20 =	sshll.u32 s6, $0x1;
	s6 =	sadd.s32 s21, s4  }
0x9e: {  	[timem:s8], [sflag:s22] =	dma.local [hbm:s6], s20  }
0x9f: {  	_ =	swait.ge [sflag:s22], s20  }
0xa0: {  	s5 =	ssub.s32 $0x0, s20;
	[sflag:s22] =	ssyncset.done $0x0  }
0xa1: {  	[sflag:s22] =	ssyncadd.s32 s5;
	_ =	sdelay $0x1  }
0xa2: {  	s23 =	simm.s32 $0x1B8B  }
0xa3: {  	_ =	swait.ge [sflag:s23], $0x1  }
0xa4: {  	[sflag:s23] =	ssyncset.done $0x0  }
0xa5: {  	s25 =	simm.s32 $0x1B8E;
	s24 =	sld [smem:$0x3FFE];
	[sflag:s23] =	ssyncadd.s32 $0xFFFFFFFF  }
0xa6: {  	s26 =	simm.s32 $execute0_lowered;
	[smem:$0x3FD2] =	sst s25  }
0xa7: {  	s6 =	sshll.u32 s26, $0x1;
	_ =	strace $0x80000049;
	[dreg:$0x1] =	wrdreg $0xFFFFFFFF  }
0xa8: {  	s28 =	simm.s32 $_size_execute0_lowered;
	s4 =	sadd.s32 s4, s6;
	[dreg:$0x0] =	wrdreg $0x0  }
0xa9: {  	s6 =	sshll.u32 s28, $0x1;
	[dreg:$0x2] =	wrdreg s4  }
0xaa: {  	[dreg:$0x3] =	wrdreg s6  }
0xab: {  	[dreg:$0x4] =	wrdreg $0xC0  }
0xac: {  	_ =	task [dreg:s8], $0x5FFFF  }
0xad: {  	[dreg:$0x1] =	wrdreg $0xFFFFFFFF  }
0xae: {  	[dreg:$0x0] =	wrdreg $0x60  }
0xaf: {  	[dreg:$0x2] =	wrdreg s24  }
0xb0: {  	[dreg:$0x3] =	wrdreg s2  }
0xb1: {  	[dreg:$0x4] =	wrdreg s18  }
0xb2: {  	[dreg:$0x5] =	wrdreg $0x9  }
0xb3: {  	_ =	task.clear_ibuf [dreg:s8], $0x6FFFF;
	_ =	strace $0x90000049  }
0xb4: {  	s29 =	simm.s32 $0x9;
	_ =	strace $0x8000004B  }
0xb5: {  	_ =	swait.ge [sflag:s29], $0x1  }
0xb6: {  	[sflag:s29] =	ssyncadd.s32 $0xFFFFFFFF  }
0xb7: {  	_ =	strace $0x9000004B  }
0xb8: {  	_ =	sfence  }
0xb9: {  	s30 =	sld [smem:$0x0];
	_ =	sdelay $0x2  }
0xba: {  	s31 =	sshll.u32 s1, $0xD;
	s1 =	sshrl.u32 s1, $0x2  }
0xbb: {  	s3 =	sand.u32 $0x4000, s31;
	s1 =	sadd.s32 s1, s30  }
0xbc: {  	s0 =	sor.u32 s3, s0;
	s1 =	sshll.u32 s1, $0x11  }
0xbd: {  	s0 =	sor.u32 s1, s0  }
0xbe: {  	s0 =	sadd.s32 $0x8F2B, s0  }
0xbf: {  	[sflag:s0] =	ssyncadd.remote.s32 $0x1  }
0xc0: {  	_ =	sfence.sel $0xFFFF  }
0xc1: {  	[dreg:$0x0] =	wrdreg $0xFFFFFFFF;
	(pc) =	sbr.abs _section_cstart, $3  }
0xc2: {  	[dreg:$0x1] =	wrdreg $0xFFFFFFFF  }
0xc3: {  	_ =	task.clear_ibuf [dreg:s8], $0x2FFFF;
	_ =	strace $0x9FFFFFFF  }
0xc4: {  	(tm) =	ssettm $0x7FFFFFFF  }
0xc5: {  	_ =	shalt  }
tec
execute0_lowered:
.L_overlay_start_1:
0x0: {  	(tag) =	ssettag $0x1  }
0x1: {  	s1 =	srdreg.scid  }
0x2: {  	s1 =	sand.u32 $0x1, s1  }
0x3: {  	s5 =	stileid.u32;
	s4 =	sshll.u32 s1, $0x4  }
0x4: {  	s4 =	sor.u32 s5, s4  }
0x5: {  	s0 =	rddreg [dreg:$0x0];
	v5 =	vmov s4  }
0x6: {  	s3 =	rddreg [dreg:$0x1];
	s6 =	simm.s32 $0x0;
	v0 =	vimm.s32 $0x0;
	vm0 =	veq.s32 v5, $0x1F  }
0x7: {  	[smem:$0x7FF] =	sst s6;
	v0 =	vsel vm0, $0xFFFFFFFF, v0  }
0x8: {  	s2 =	rddreg [dreg:$0x2];
	_ =	strace $0x8000004A;
	vm0 =	vgt.u32 v5, $0x1D;
	[tilespmem:$0x1FE10] =	vst v0;
	v0 =	vimm.s32 $0x0  }
0x9: {  	v0 =	vsel vm0, $0xFFFFFFFF, v0  }
0xa: {  	vm1 =	vgt.u32 v5, $0x1C;
	[tilespmem:$0x1FE20] =	vst v0;
	v0 =	vimm.s32 $0x0  }
0xb: {  	v6 =	vimm.s32 $0x0;
	v0 =	vsel vm1, $0xFFFFFFFF, v0  }
0xc: {  	vm14 =	vgt.u32 v5, $0x19;
	vm0 =	vgt.u32 v5, $0x1B;
	[tilespmem:$0x1FE30] =	vst v0;
	v0 =	vimm.s32 $0x0  }
0xd: {  	vm15 =	vgt.u32 v5, $0x18;
	vm13 =	vgt.u32 v5, $0x17;
	v0 =	vsel vm0, $0xFFFFFFFF, v0  }
0xe: {  	vm2 =	vgt.u32 v5, $0x16;
	vm0 =	vgt.u32 v5, $0x1A;
	[tilespmem:$0x1FE40] =	vst v0;
	v0 =	vimm.s32 $0x0  }
0xf: {  	vm3 =	vgt.u32 v5, $0xF;
	vm11 =	vgt.u32 v5, $0xA;
	v0 =	vsel vm0, $0xFFFFFFFF, v0  }
0x10: {  	vm12 =	vgt.u32 v5, $0x9;
	vm5 =	vgt.u32 v5, $0x8;
	[tilespmem:$0x1FE50] =	vst v0;
	v0 =	vimm.s32 $0x0  }
0x11: {  	vm6 =	vgt.u32 v5, $0x7;
	vm7 =	vgt.u32 v5, $0x6;
	v0 =	vsel vm2, $0xFFFFFFFF, v0  }
0x12: {  	vm8 =	vgt.u32 v5, $0x5;
	vm2 =	vgt.u32 v5, $0x15;
	[tilespmem:$0x1FE60] =	vst v0;
	v0 =	vimm.s32 $0x0  }
0x13: {  	vm9 =	vgt.u32 v5, $0x3;
	vm10 =	vgt.u32 v5, $0x1;
	v0 =	vsel vm2, $0xFFFFFFFF, v0  }
0x14: {  	vm4 =	veq.s32 v5, $0x0;
	vm2 =	vgt.u32 v5, $0x14;
	[tilespmem:$0x1FE70] =	vst v0;
	v0 =	vimm.s32 $0x0  }
0x15: {  	vm1 =	vgt.u32 v5, $0x12;
	vm0 =	vgt.u32 v5, $0xE;
	v0 =	vsel vm2, $0xFFFFFFFF, v0  }
0x16: {  	v6 =	vsel vm0, $0xFFFFFFFF, v6;
	vm2 =	vgt.u32 v5, $0x13;
	[tilespmem:$0x1FE80] =	vst v0;
	v0 =	vimm.s32 $0x0  }
0x17: {  	vm0 =	vgt.u32 v5, $0xD;
	[tilespmem:$0x1FEC0] =	vst v6;
	v6 =	vimm.s32 $0x0;
	v0 =	vsel vm2, $0xFFFFFFFF, v0  }
0x18: {  	v6 =	vsel vm0, $0xFFFFFFFF, v6;
	vm0 =	vgt.u32 v5, $0xC;
	[tilespmem:$0x1FE90] =	vst v0;
	v0 =	vimm.s32 $0x0  }
0x19: {  	[tilespmem:$0x1FED0] =	vst v6;
	v6 =	vimm.s32 $0x0;
	vm2 =	vgt.u32 v5, $0xB;
	v0 =	vsel vm1, $0xFFFFFFFF, v0  }
0x1a: {  	v6 =	vsel vm2, $0xFFFFFFFF, v6;
	vm1 =	vgt.u32 v5, $0x11;
	[tilespmem:$0x1FEA0] =	vst v0;
	v0 =	vimm.s32 $0x0  }
0x1b: {  	[tilespmem:$0x1FEE0] =	vst v6;
	v6 =	vimm.s32 $0x0;
	v0 =	vsel vm1, $0xFFFFFFFF, v0;
	vm1 =	vgt.u32 v5, $0x10  }
0x1c: {  	vm2 =	vgt.u32 v5, $0x4;
	v6 =	vsel vm9, $0xFFFFFFFF, v6;
	vm9 =	vmmov vm1  }
0x1d: {  	vm1 =	vmmov vm3;
	vm3 =	vgt.u32 v5, $0x2;
	v5 =	vimm.s32 $0x0  }
0x1e: {  	v5 =	vsel vm14, $0xFFFFFFFF, v5  }
0x1f: {  	[tilespmem:$0x1FF00] =	vst v5;
	v5 =	vimm.s32 $0x0  }
0x20: {  	v5 =	vsel vm15, $0xFFFFFFFF, v5  }
0x21: {  	[tilespmem:$0x1FF10] =	vst v5;
	v5 =	vimm.s32 $0x0  }
0x22: {  	v5 =	vsel vm13, $0xFFFFFFFF, v5  }
0x23: {  	[tilespmem:$0x1FF20] =	vst v5;
	v5 =	vimm.s32 $0x0  }
0x24: {  	v5 =	vsel vm9, $0xFFFFFFFF, v5  }
0x25: {  	[tilespmem:$0x1FF30] =	vst v5;
	v5 =	vimm.s32 $0x0  }
0x26: {  	v5 =	vsel vm1, $0xFFFFFFFF, v5  }
0x27: {  	[tilespmem:$0x1FF40] =	vst v5;
	v5 =	vimm.s32 $0x0  }
0x28: {  	v5 =	vsel vm0, $0xFFFFFFFF, v5  }
0x29: {  	[tilespmem:$0x1FF50] =	vst v5;
	v5 =	vimm.s32 $0x0  }
0x2a: {  	v5 =	vsel vm11, $0xFFFFFFFF, v5  }
0x2b: {  	[tilespmem:$0x1FF60] =	vst v5;
	v5 =	vimm.s32 $0x0  }
0x2c: {  	v5 =	vsel vm12, $0xFFFFFFFF, v5  }
0x2d: {  	[tilespmem:$0x1FF70] =	vst v5;
	v5 =	vimm.s32 $0x0  }
0x2e: {  	v5 =	vsel vm5, $0xFFFFFFFF, v5  }
0x2f: {  	[tilespmem:$0x1FF80] =	vst v5;
	v5 =	vimm.s32 $0x0  }
0x30: {  	v5 =	vsel vm6, $0xFFFFFFFF, v5  }
0x31: {  	s11 =	simm.s32 $0x7DD0;
	s13 =	simm.s32 $0xA4E0;
	s14 =	simm.s32 $0xCBF0;
	[tilespmem:$0x1FF90] =	vst v5;
	v5 =	vimm.s32 $0x0  }
0x32: {  	s15 =	simm.s32 $0x50;
	s16 =	simm.s32 $0xF300;
	s17 =	simm.s32 $0x11B00;
	v5 =	vsel vm7, $0xFFFFFFFF, v5  }
0x33: {  	s18 =	simm.s32 $0x14300;
	s20 =	simm.s32 $0x12F00;
	s21 =	simm.s32 $0x15700;
	[tilespmem:$0x1FFA0] =	vst v5;
	v5 =	vimm.s32 $0x0  }
0x34: {  	s28 =	simm.s32 $0x16B00;
	s29 =	simm.s32 $0x16BA0;
	s30 =	simm.s32 $0x4;
	v5 =	vsel vm8, $0xFFFFFFFF, v5  }
0x35: {  	s31 =	simm.s32 $0x5;
	s12 =	simm.s32 $0x16BF0;
	s22 =	smul.u32 $0x4E2, s4;
	[tilespmem:$0x1FFB0] =	vst v5;
	v5 =	vimm.s32 $0x0  }
0x36: {  	s6 =	simm.s32 $0x0;
	s1 =	ssub.s32 $0x2, s1;
	s5 =	sadd.s32 $0x1600, s0;
	v5 =	vsel vm2, $0xFFFFFFFF, v5  }
0x37: {  	s4 =	sadd.s32 $0x3600, s0;
	s7 =	sadd.s32 s22, s0;
	s0 =	sadd.s32 $0x600, s0;
	[tilespmem:$0x1FFC0] =	vst v5;
	v5 =	vimm.s32 $0x0  }
0x38: {  	s8 =	sshrl.u32 s1, $0x1;
	s26 =	sadd.s32 s3, s22;
	[dreg:$0x4] =	wrdreg s0;
	v5 =	vsel vm3, $0xFFFFFFFF, v5  }
0x39: {  	s23 =	ssub.s32 s1, s8;
	s24 =	sadd.s32 $0x20E00, s7;
	[dreg:$0x7] =	wrdreg s26;
	[tilespmem:$0x1FFD0] =	vst v5;
	v5 =	vimm.s32 $0x0  }
0x3a: {  	s1 =	simm.s32 $0x16B50;
	s25 =	sadd.s32 $0x17000, s7;
	[dreg:$0x5] =	wrdreg s24;
	[tilespmem:$0x1FEF0] =	vst v6;
	v5 =	vsel vm10, $0xFFFFFFFF, v5  }
0x3b: {  	v1 =	vimm.s32 $0xFFFFFFFE;
	s22 =	simm.s32 $0x1;
	s0 =	smax.u32 s23, $0x1;
	[dreg:$0x6] =	wrdreg s25;
	[tilespmem:$0x1FFE0] =	vst v5;
	v5 =	vimm.s32 $0x0  }
0x3c: {  	v4 =	vlaneseq.u32;
	v2 =	vimm.s32 $0x0;
	s23 =	simm.s32 $0x2;
	s26 =	simm.s32 $0x16C40;
	[dreg:$0x8] =	wrdreg s0;
	[tilespmem:$0x1FEB0] =	vst v0;
	v5 =	vsel vm4, $0xFFFFFFFF, v5  }
0x3d: {  	v3 =	vimm.s32 $0x1;
	v4 =	vmul.u32 $0x10, v4;
	s24 =	simm.s32 $0x3;
	s25 =	simm.s32 $0x7A00;
	s0 =	simm.s32 $0x6;
	v0 =	vimm.s32 $0xFFFFFFFF;
	[tilespmem:$0x1FFF0] =	vst v5  }
.LBB2_1:
0x3e: {  	s3 =	simm.s32 $0x0;
	s7 =	rddreg [dreg:$0x4]  }
0x3f: {  	[tilespmem:s3], [sflag:$0x9] =	stream.linear.gather [hbm4b:s7+s3], $0x7A00, $0x38;
	[tilespmem:$0x17170] =	vst v63  }
0x40: {  	[dreg:$0x9] =	wrdreg s6;
	s7 =	simm.s32 $0x9  }
0x41: {  	_ =	swait.ge [sflag:s7], $0x7A00  }
0x42: {  	[sflag:s7] =	ssyncset.done $0x0  }
0x43: {  	s8 =	rddreg [dreg:$0x5];
	[sflag:s7] =	ssyncadd.s32 $0xFFFF8600  }
0x44: {  	[tilespmem:s11], [sflag:$0x9] =	stream.linear.gather [hbm4b:s8+s3], $0x2710, $0x38;
	[tilespmem:$0x17170] =	vst v63  }
0x45: {  	_ =	swait.ge [sflag:s7], $0x2710  }
0x46: {  	[sflag:s7] =	ssyncset.done $0x0  }
0x47: {  	s9 =	rddreg [dreg:$0x6];
	[sflag:s7] =	ssyncadd.s32 $0xFFFFD8F0  }
0x48: {  	[tilespmem:s13], [sflag:$0x9] =	stream.linear.gather [hbm4b:s9+s3], $0x2710, $0x38;
	[tilespmem:$0x17170] =	vst v63  }
0x49: {  	_ =	swait.ge [sflag:s7], $0x2710  }
0x4a: {  	[sflag:s7] =	ssyncset.done $0x0  }
0x4b: {  	s10 =	rddreg [dreg:$0x7];
	[sflag:s7] =	ssyncadd.s32 $0xFFFFD8F0  }
0x4c: {  	[tilespmem:s14], [sflag:$0x9] =	stream.linear.gather [hbm4b:s10+s3], $0x2710, $0x38;
	[tilespmem:$0x17170] =	vst v63  }
0x4d: {  	_ =	swait.ge [sflag:s7], $0x2710  }
0x4e: {  	v25 =	vld [tilespmem:$0x1FEF0]  }
0x4f: {  	v29 =	vld [tilespmem:$0x1FE50]  }
0x50: {  	v30 =	vld [tilespmem:$0x1FED0]  }
0x51: {  	v31 =	vld [tilespmem:$0x1FEC0]  }
0x52: {  	v33 =	vld [tilespmem:$0x1FEA0]  }
0x53: {  	v54 =	vld [tilespmem:$0x1FE90]  }
0x54: {  	v34 =	vld [tilespmem:$0x1FE80]  }
0x55: {  	[sflag:s7] =	ssyncset.done $0x0;
	v56 =	vld [tilespmem:$0x1FE70]  }
0x56: {  	s8 =	simm.s32 $0x0;
	v35 =	vld [tilespmem:$0x1FE60];
	[sflag:s7] =	ssyncadd.s32 $0xFFFFD8F0  }
0x57: {  	v5 =	vld [tilespmem:s8+$0x0]  }
0x58: {  	v6 =	vld [tilespmem:s8+$0x3D0]  }
0x59: {  	v7 =	vld [tilespmem:s8+$0x7A0]  }
0x5a: {  	v8 =	vld [tilespmem:s8+$0xB70]  }
0x5b: {  	v9 =	vld [tilespmem:s8+$0xF40]  }
0x5c: {  	v10 =	vld [tilespmem:s8+$0x1310]  }
0x5d: {  	v12 =	vld [tilespmem:s8+$0x16E0]  }
0x5e: {  	v13 =	vld [tilespmem:s8+$0x1AB0];
	v11 =	vadd.s32 v5, v6  }
0x5f: {  	v14 =	vld [tilespmem:s8+$0x1E80];
	v11 =	vadd.s32 v7, v11  }
0x60: {  	v15 =	vld [tilespmem:s8+$0x2250];
	v11 =	vadd.s32 v8, v11  }
0x61: {  	v21 =	vld [tilespmem:s8+$0x3930];
	v11 =	vadd.s32 v9, v11  }
0x62: {  	v16 =	vld [tilespmem:s8+$0x2620];
	v11 =	vadd.s32 v10, v11  }
0x63: {  	v17 =	vld [tilespmem:s8+$0x29F0];
	v11 =	vadd.s32 v12, v11  }
0x64: {  	v18 =	vld [tilespmem:s8+$0x2DC0];
	v5 =	vsel vm4, $0x0, v5;
	v11 =	vadd.s32 v13, v11  }
0x65: {  	v19 =	vld [tilespmem:s8+$0x3190];
	v6 =	vnsel vm10, $0x0, v6;
	vm10 =	vmmov vm15;
	v11 =	vadd.s32 v14, v11  }
0x66: {  	v20 =	vld [tilespmem:s8+$0x3560];
	vm15 =	vnez.u8 v25;
	v32 =	vnsel vm1, $0x0, v21;
	v11 =	vadd.s32 v15, v11  }
0x67: {  	v22 =	vld [tilespmem:s8+$0x3D00];
	v7 =	vnsel vm3, $0x0, v7;
	v5 =	vadd.s32 s3, v5;
	v11 =	vadd.s32 v16, v11  }
0x68: {  	v23 =	vld [tilespmem:s8+$0x40D0];
	v8 =	vnsel vm15, $0x0, v8;
	v5 =	vadd.s32 v6, v5;
	v11 =	vadd.s32 v17, v11  }
0x69: {  	v24 =	vld [tilespmem:s8+$0x44A0];
	v9 =	vnsel vm2, $0x0, v9;
	v5 =	vadd.s32 v7, v5;
	v11 =	vadd.s32 v18, v11  }
0x6a: {  	v14 =	vnsel vm5, $0x0, v14;
	vm5 =	vnez.u8 v29;
	v29 =	vld [tilespmem:$0x1FEE0];
	v11 =	vadd.s32 v19, v11  }
0x6b: {  	v26 =	vld [tilespmem:s8+$0x4C40];
	v10 =	vnsel vm8, $0x0, v10;
	v5 =	vadd.s32 v8, v5;
	v11 =	vadd.s32 v20, v11  }
0x6c: {  	v12 =	vnsel vm7, $0x0, v12;
	v5 =	vadd.s32 v9, v5;
	v11 =	vadd.s32 v21, v11;
	v21 =	vld [tilespmem:$0x1FEB0]  }
0x6d: {  	v25 =	vld [tilespmem:s8+$0x4870];
	vm7 =	vmmov vm2;
	v13 =	vnsel vm6, $0x0, v13;
	v5 =	vadd.s32 v10, v5  }
0x6e: {  	v27 =	vld [tilespmem:s8+$0x5010];
	vm6 =	vmmov vm0;
	v12 =	vadd.s32 v12, v5;
	v18 =	vnsel vm0, $0x0, v18  }
0x6f: {  	v28 =	vld [tilespmem:s8+$0x53E0];
	vm0 =	vnez.u8 v30;
	vm2 =	vnez.u8 v29;
	v11 =	vadd.s32 v22, v11  }
0x70: {  	v55 =	vld [tilespmem:s8+$0x66F0];
	v19 =	vnsel vm0, $0x0, v19;
	vm0 =	vnez.u8 v31;
	v11 =	vadd.s32 v23, v11  }
0x71: {  	v29 =	vld [tilespmem:s8+$0x57B0];
	v31 =	vnsel vm0, $0x0, v20;
	v11 =	vadd.s32 v24, v11;
	vm0 =	vnez.u8 v21  }
0x72: {  	v30 =	vld [tilespmem:s8+$0x5B80];
	v11 =	vadd.s32 v25, v11;
	v23 =	vnsel vm0, $0x0, v23;
	vm0 =	vnez.u8 v33  }
0x73: {  	v20 =	vld [tilespmem:s8+$0x5F50];
	v11 =	vadd.s32 v26, v11;
	v24 =	vnsel vm0, $0x0, v24;
	vm0 =	vnez.u8 v54  }
0x74: {  	v21 =	vld [tilespmem:s8+$0x6320];
	v11 =	vadd.s32 v27, v11;
	v25 =	vnsel vm0, $0x0, v25;
	vm0 =	vnez.u8 v34  }
0x75: {  	v5 =	vld [tilespmem:$0x1FE20];
	v11 =	vadd.s32 v28, v11;
	v26 =	vnsel vm0, $0x0, v26;
	vm0 =	vnez.u8 v56  }
0x76: {  	v11 =	vadd.s32 v29, v11;
	v34 =	vnsel vm0, $0x0, v27;
	v27 =	vld [tilespmem:s8+$0x6AC0];
	vm0 =	vnez.u8 v35  }
0x77: {  	v11 =	vadd.s32 v30, v11;
	v35 =	vnsel vm0, $0x0, v28;
	v28 =	vld [tilespmem:s8+$0x6E90]  }
0x78: {  	v36 =	vnsel vm13, $0x0, v29;
	v29 =	vld [tilespmem:s8+$0x7260];
	v11 =	vadd.s32 v20, v11  }
0x79: {  	v6 =	vnsel vm10, $0x0, v30;
	v30 =	vld [tilespmem:s8+$0x7630];
	v11 =	vadd.s32 v21, v11  }
0x7a: {  	v11 =	vadd.s32 v55, v11  }
0x7b: {  	v11 =	vadd.s32 v27, v11  }
0x7c: {  	v11 =	vadd.s32 v28, v11  }
0x7d: {  	v16 =	vnsel vm11, $0x0, v16;
	v11 =	vadd.s32 v29, v11  }
0x7e: {  	vm11 =	vnez.u8 v5;
	v5 =	vadd.s32 v30, v11;
	v11 =	vadd.s32 v13, v12;
	v12 =	vld [tilespmem:$0x1FE10];
	_ =	sdelay $0x1  }
0x7f: {  	v15 =	vnsel vm12, $0x0, v15;
	v11 =	vadd.s32 v14, v11  }
0x80: {  	v9 =	vld [tilespmem:$0x1FE40];
	v11 =	vadd.s32 v15, v11  }
0x81: {  	v10 =	vld [tilespmem:$0x1FE30];
	v17 =	vnsel vm2, $0x0, v17;
	v11 =	vadd.s32 v16, v11  }
0x82: {  	v37 =	vnsel vm11, $0x0, v28;
	v11 =	vadd.s32 v17, v11;
	vm11 =	vnez.u8 v12;
	v12 =	vld [tilespmem:$0x1FFF0]  }
0x83: {  	s7 =	simm.s32 $0x10;
	v11 =	vadd.s32 v18, v11;
	v18 =	vld [tilespmem:$0x1FFB0]  }
0x84: {  	v7 =	vnsel vm14, $0x0, v20;
	v20 =	vld [tilespmem:s7+$0x0]  }
0x85: {  	v8 =	vnsel vm5, $0x0, v21;
	v21 =	vld [tilespmem:s7+$0x3D0]  }
0x86: {  	vm0 =	vnez.u8 v9;
	v14 =	vld [tilespmem:$0x1FFE0]  }
0x87: {  	v9 =	vnsel vm0, $0x0, v55;
	vm0 =	vnez.u8 v12;
	v12 =	vld [tilespmem:s7+$0x1310]  }
0x88: {  	vm1 =	vnez.u8 v18;
	v18 =	vld [tilespmem:$0x1FFA0]  }
0x89: {  	v57 =	vld [tilespmem:s7+$0x7A0];
	vm5 =	vnez.u8 v10  }
0x8a: {  	v10 =	vnsel vm5, $0x0, v27;
	v27 =	vld [tilespmem:s7+$0xB70]  }
0x8b: {  	v22 =	vnsel vm9, $0x0, v22;
	v13 =	vadd.s32 v20, v21;
	v15 =	vld [tilespmem:$0x1FFD0];
	vm9 =	vmmov vm0  }
0x8c: {  	v39 =	vsel vm0, $0x0, v20;
	vm0 =	vnez.u8 v14;
	v14 =	vld [tilespmem:s7+$0x16E0];
	vm13 =	vmmov vm1  }
0x8d: {  	v40 =	vnsel vm0, $0x0, v21;
	v21 =	vnsel vm1, $0x0, v12;
	vm1 =	vnez.u8 v18;
	v18 =	vld [tilespmem:$0x1FF90]  }
0x8e: {  	v13 =	vadd.s32 v57, v13  }
0x8f: {  	v13 =	vadd.s32 v27, v13  }
0x90: {  	v42 =	vnsel vm15, $0x0, v27;
	vm14 =	vmmov vm0;
	vm0 =	vnez.u8 v15  }
0x91: {  	vm3 =	vmmov vm0;
	v41 =	vnsel vm0, $0x0, v57;
	vm0 =	vmmov vm15  }
0x92: {  	vm15 =	vmmov vm1;
	v27 =	vnsel vm1, $0x0, v14;
	vm1 =	vnez.u8 v18;
	v18 =	vld [tilespmem:$0x1FF80];
	_ =	sdelay $0x2  }
0x93: {  	v16 =	vld [tilespmem:s7+$0x1E80]  }
0x94: {  	v15 =	vld [tilespmem:s7+$0x1AB0]  }
0x95: {  	vm2 =	vnez.u8 v18;
	v18 =	vld [tilespmem:$0x1FF70];
	_ =	sdelay $0x2  }
0x96: {  	vm8 =	vmmov vm6;
	v28 =	vld [tilespmem:s7+$0xF40]  }
0x97: {  	v17 =	vld [tilespmem:s7+$0x2250];
	v38 =	vnsel vm11, $0x0, v29;
	vm6 =	vmmov vm1;
	v30 =	vnsel vm1, $0x0, v15  }
0x98: {  	vm1 =	vmmov vm2;
	v29 =	vnsel vm2, $0x0, v16;
	vm2 =	vnez.u8 v18;
	v18 =	vld [tilespmem:$0x1FF60];
	_ =	sdelay $0x3  }
0x99: {  	v13 =	vadd.s32 v28, v13;
	v20 =	vnsel vm7, $0x0, v28  }
0x9a: {  	vm4 =	vmmov vm2;
	v28 =	vnsel vm2, $0x0, v17;
	vm2 =	vnez.u8 v18;
	v18 =	vld [tilespmem:$0x1FEE0];
	_ =	sdelay $0x1  }
0x9b: {  	v13 =	vadd.s32 v12, v13;
	v12 =	vld [tilespmem:s7+$0x2620]  }
0x9c: {  	v11 =	vadd.s32 v19, v11;
	v13 =	vadd.s32 v14, v13;
	v14 =	vld [tilespmem:s7+$0x29F0]  }
0x9d: {  	vm12 =	vmmov vm5;
	v11 =	vadd.s32 v31, v11;
	v13 =	vadd.s32 v15, v13;
	v15 =	vld [tilespmem:s7+$0x2DC0]  }
0x9e: {  	v11 =	vadd.s32 v32, v11;
	v13 =	vadd.s32 v16, v13;
	vm5 =	vnez.u8 v18;
	v18 =	vld [tilespmem:$0x1FED0]  }
0x9f: {  	v11 =	vadd.s32 v22, v11;
	v13 =	vadd.s32 v17, v13;
	v16 =	vld [tilespmem:s7+$0x3190]  }
0xa0: {  	v11 =	vadd.s32 v23, v11;
	v13 =	vadd.s32 v12, v13  }
0xa1: {  	v11 =	vadd.s32 v24, v11;
	v13 =	vadd.s32 v14, v13  }
0xa2: {  	v13 =	vadd.s32 v15, v13;
	vm10 =	vmmov vm2;
	v22 =	vnsel vm2, $0x0, v12  }
0xa3: {  	vm2 =	vmmov vm5;
	v23 =	vnsel vm5, $0x0, v14;
	vm5 =	vnez.u8 v18  }
0xa4: {  	v11 =	vadd.s32 v25, v11;
	v13 =	vadd.s32 v16, v13;
	v25 =	vnsel vm5, $0x0, v16;
	v16 =	vld [tilespmem:$0x1FEC0];
	_ =	sdelay $0x3  }
0xa5: {  	v17 =	vld [tilespmem:s7+$0x3560]  }
0xa6: {  	vm5 =	vnez.u8 v16;
	v16 =	vld [tilespmem:$0x1FF40];
	_ =	sdelay $0x2  }
0xa7: {  	v12 =	vld [tilespmem:s7+$0x3930]  }
0xa8: {  	v14 =	vld [tilespmem:s7+$0x3D00]  }
0xa9: {  	v11 =	vadd.s32 v26, v11;
	v26 =	vnsel vm5, $0x0, v17;
	vm5 =	vnez.u8 v16;
	v16 =	vld [tilespmem:$0x1FF30]  }
0xaa: {  	v24 =	vnsel vm8, $0x0, v15;
	v15 =	vld [tilespmem:s7+$0x40D0]  }
0xab: {  	(xrf0) =	vadd.scan.msk.s32 $0xffff, v5;
	v31 =	vld [tilespmem:s7+$0x44A0]  }
0xac: {  	v58 =	vld [tilespmem:s7+$0x4870];
	v11 =	vadd.s32 v34, v11;
	v13 =	vadd.s32 v17, v13  }
0xad: {  	v11 =	vadd.s32 v35, v11;
	v13 =	vadd.s32 v12, v13  }
0xae: {  	v13 =	vadd.s32 v14, v13;
	v18 =	vnsel vm5, $0x0, v12;
	vm5 =	vnez.u8 v16  }
0xaf: {  	v11 =	vadd.s32 v36, v11;
	v13 =	vadd.s32 v15, v13;
	v16 =	vnsel vm5, $0x0, v14;
	v14 =	vld [tilespmem:$0x1FEB0]  }
0xb0: {  	v6 =	vadd.s32 v6, v11;
	v11 =	vadd.s32 v31, v13;
	v13 =	vld [tilespmem:$0x1FEA0]  }
0xb1: {  	v19, _, _ =	vpop (xrf0);
	v6 =	vadd.s32 v7, v6;
	v7 =	vadd.s32 v58, v11;
	v11 =	vld [tilespmem:$0x1FE90]  }
0xb2: {  	(v2sf) =	vpush v19, $0xF;
	v6 =	vadd.s32 v8, v6;
	v8 =	vld [tilespmem:$0x1FE80];
	_ =	sdelay $0x1  }
0xb3: {  	v12 =	vld [tilespmem:s7+$0x4C40];
	vm5 =	vnez.u8 v14  }
0xb4: {  	v59 =	vld [tilespmem:s7+$0x5010];
	v17 =	vnsel vm5, $0x0, v15;
	vm5 =	vnez.u8 v13  }
0xb5: {  	v60 =	vld [tilespmem:s7+$0x53E0];
	v15 =	vnsel vm5, $0x0, v31;
	vm5 =	vnez.u8 v11  }
0xb6: {  	v14 =	vnsel vm5, $0x0, v58;
	vm5 =	vnez.u8 v8;
	v8 =	vld [tilespmem:$0x1FE70]  }
0xb7: {  	v31 =	vld [tilespmem:s7+$0x57B0]  }
0xb8: {  	v7 =	vadd.s32 v12, v7  }
0xb9: {  	v7 =	vadd.s32 v59, v7  }
0xba: {  	v6 =	vadd.s32 v9, v6;
	v7 =	vadd.s32 v60, v7;
	v11 =	vld [tilespmem:s7+$0x5B80]  }
0xbb: {  	v13 =	vnsel vm5, $0x0, v12;
	vm5 =	vnez.u8 v8;
	v8 =	vadd.s32 v10, v6;
	v6 =	vld [tilespmem:$0x1FE60]  }
0xbc: {  	v9 =	vadd.s32 v31, v7;
	v7 =	vld [tilespmem:$0x1FF20];
	v8 =	vadd.s32 v37, v8  }
0xbd: {  	v35 =	vadd.s32 v38, v8;
	v8 =	vld [tilespmem:$0x1FF10]  }
0xbe: {  	v61 =	vld [tilespmem:s7+$0x5F50]  }
0xbf: {  	v62 =	vld [tilespmem:s7+$0x6320]  }
0xc0: {  	v43 =	vld [tilespmem:s7+$0x66F0];
	s19 =	spop (v2sf);
	v12 =	vnsel vm5, $0x0, v59;
	vm5 =	vnez.u8 v6  }
0xc1: {  	s9 =	sadd.s32 $0x0, s19;
	v9 =	vadd.s32 v11, v9;
	v6 =	vnsel vm5, $0x0, v60;
	vm5 =	vnez.u8 v7  }
0xc2: {  	v10 =	vadd.s32 s9, v39;
	v7 =	vnsel vm5, $0x0, v31;
	vm5 =	vnez.u8 v8  }
0xc3: {  	v31 =	vadd.s32 v40, v10;
	v10 =	vld [tilespmem:$0x1FE50];
	v8 =	vnsel vm5, $0x0, v11;
	v11 =	vadd.s32 v61, v9  }
0xc4: {  	v9 =	vld [tilespmem:$0x1FF00];
	v11 =	vadd.s32 v62, v11  }
0xc5: {  	v63 =	vadd.s32 v41, v31;
	v31 =	vadd.s32 v43, v11;
	v11 =	vld [tilespmem:$0x1FE40];
	_ =	sdelay $0x1  }
0xc6: {  	v33 =	vld [tilespmem:s7+$0x6AC0]  }
0xc7: {  	s10 =	simm.s32 $0x20;
	v34 =	vld [tilespmem:s7+$0x7260]  }
0xc8: {  	v36 =	vld [tilespmem:s10+$0x0];
	v39 =	vadd.s32 v42, v63;
	vm5 =	vnez.u8 v9  }
0xc9: {  	v37 =	vld [tilespmem:s7+$0x6E90];
	v9 =	vnsel vm5, $0x0, v61;
	vm5 =	vnez.u8 v10;
	vm11 =	vnez.u8 v11  }
0xca: {  	s3 =	simm.s32 $0xC0;
	v38 =	vld [tilespmem:s7+$0x7630];
	v10 =	vnsel vm5, $0x0, v62;
	vm5 =	vmmov vm11;
	v11 =	vnsel vm11, $0x0, v43  }
.LBB2_2:
0xcb: {  	v40 =	vld [tilespmem:s10+$0x3D0]  }
0xcc: {  	v44 =	vld [tilespmem:s10+$0x7A0]  }
0xcd: {  	v20 =	vadd.s32 v20, v39;
	v45 =	vld [tilespmem:$0x1FE20]  }
0xce: {  	v48 =	vld [tilespmem:s10+$0x1310];
	v20 =	vadd.s32 v21, v20  }
0xcf: {  	v21 =	vld [tilespmem:s10+$0xB70];
	v20 =	vadd.s32 v27, v20  }
0xd0: {  	v27 =	vld [tilespmem:s10+$0xF40];
	v20 =	vadd.s32 v30, v20;
	v30 =	vsub.s32 v35, v5;
	v31 =	vadd.s32 v33, v31  }
0xd1: {  	v19 =	vadd.s32 v19, v30;
	v30 =	vld [tilespmem:s10+$0x16E0];
	v31 =	vadd.s32 v37, v31  }
0xd2: {  	v20 =	vadd.s32 v29, v20;
	[tilespmem:s8+$0x7A00] =	vst v19;
	s8 =	smov.u32 s7;
	s7 =	smov.u32 s10;
	v46 =	vadd.s32 v34, v31;
	v31 =	vld [tilespmem:$0x1FE10]  }
0xd3: {  	v29 =	vadd.s32 v36, v40;
	v20 =	vadd.s32 v28, v20;
	v28 =	vld [tilespmem:s7+$0x1AB0]  }
0xd4: {  	v19 =	vadd.s32 v44, v29;
	v20 =	vadd.s32 v22, v20;
	v22 =	vld [tilespmem:s7+$0x1E80]  }
0xd5: {  	v52 =	vld [tilespmem:s7+$0x2620];
	v19 =	vadd.s32 v21, v19  }
0xd6: {  	v50 =	vnsel vm0, $0x0, v21;
	v21 =	vadd.s32 v23, v20;
	v23 =	vld [tilespmem:s7+$0x2250];
	v51 =	vadd.s32 v27, v19  }
0xd7: {  	v53 =	vld [tilespmem:s7+$0x29F0];
	v24 =	vadd.s32 v24, v21;
	v29 =	vadd.s32 v48, v51  }
0xd8: {  	v54 =	vld [tilespmem:s7+$0x3190];
	v24 =	vadd.s32 v25, v24;
	v25 =	vadd.s32 v30, v29  }
0xd9: {  	v24 =	vadd.s32 v26, v24;
	v26 =	vld [tilespmem:s7+$0x2DC0];
	v25 =	vadd.s32 v28, v25  }
0xda: {  	v41 =	vld [tilespmem:s7+$0x3560];
	v25 =	vadd.s32 v22, v25  }
0xdb: {  	v55 =	vld [tilespmem:s7+$0x3930];
	v29 =	vnsel vm1, $0x0, v22;
	v18 =	vadd.s32 v18, v24;
	v22 =	vadd.s32 v23, v25  }
0xdc: {  	v56 =	vld [tilespmem:s7+$0x3D00];
	v16 =	vadd.s32 v16, v18;
	v18 =	vadd.s32 v52, v22  }
0xdd: {  	v57 =	vld [tilespmem:s7+$0x44A0];
	v16 =	vadd.s32 v17, v16;
	v17 =	vadd.s32 v53, v18  }
0xde: {  	v15 =	vadd.s32 v15, v16;
	v16 =	vadd.s32 v26, v17;
	v17 =	vld [tilespmem:s7+$0x40D0]  }
0xdf: {  	v14 =	vadd.s32 v14, v15;
	v15 =	vadd.s32 v54, v16;
	v16 =	vld [tilespmem:$0x1FED0]  }
0xe0: {  	v32 =	vnsel vm12, $0x0, v33;
	v13 =	vadd.s32 v13, v14;
	v14 =	vadd.s32 v41, v15;
	v15 =	vld [tilespmem:$0x1FEC0]  }
0xe1: {  	vm11 =	vnez.u8 v45;
	v12 =	vadd.s32 v12, v13;
	v13 =	vadd.s32 v55, v14;
	v14 =	vld [tilespmem:$0x1FF40]  }
0xe2: {  	v33 =	vnsel vm11, $0x0, v37;
	v6 =	vadd.s32 v6, v12;
	v12 =	vadd.s32 v56, v13;
	v13 =	vld [tilespmem:$0x1FF30]  }
0xe3: {  	vm11 =	vnez.u8 v31;
	v6 =	vadd.s32 v7, v6;
	v7 =	vadd.s32 v17, v12;
	v12 =	vld [tilespmem:$0x1FEB0]  }
0xe4: {  	v31 =	vnsel vm11, $0x0, v34;
	v6 =	vadd.s32 v8, v6;
	v8 =	vld [tilespmem:$0x1FEA0];
	vm11 =	vnez.u8 v16  }
0xe5: {  	v58 =	vld [tilespmem:s7+$0x4870];
	v25 =	vnsel vm11, $0x0, v54;
	vm11 =	vnez.u8 v15  }
0xe6: {  	v59 =	vld [tilespmem:s7+$0x4C40];
	v24 =	vnsel vm8, $0x0, v26;
	v26 =	vnsel vm11, $0x0, v41;
	vm11 =	vnez.u8 v14  }
0xe7: {  	v60 =	vld [tilespmem:s7+$0x5010];
	v18 =	vnsel vm11, $0x0, v55;
	vm11 =	vnez.u8 v13  }
0xe8: {  	v42 =	vld [tilespmem:s7+$0x53E0];
	v5 =	vadd.s32 v38, v46;
	v16 =	vnsel vm11, $0x0, v56;
	vm11 =	vnez.u8 v12  }
0xe9: {  	v7 =	vadd.s32 v57, v7;
	v17 =	vnsel vm11, $0x0, v17;
	vm11 =	vnez.u8 v8;
	v8 =	vld [tilespmem:s7+$0x57B0]  }
0xea: {  	(xrf0) =	vadd.scan.msk.s32 $0xffff, v5;
	v6 =	vadd.s32 v9, v6;
	v9 =	vld [tilespmem:$0x1FE90];
	v7 =	vadd.s32 v58, v7  }
0xeb: {  	v6 =	vadd.s32 v10, v6;
	v10 =	vld [tilespmem:$0x1FE80];
	v7 =	vadd.s32 v59, v7  }
0xec: {  	v6 =	vadd.s32 v11, v6;
	v11 =	vld [tilespmem:$0x1FE70];
	v7 =	vadd.s32 v60, v7  }
0xed: {  	v32 =	vadd.s32 v32, v6;
	v6 =	vld [tilespmem:$0x1FE60];
	v7 =	vadd.s32 v42, v7  }
0xee: {  	v62 =	vadd.s32 v8, v7;
	v7 =	vld [tilespmem:$0x1FF20]  }
0xef: {  	v15 =	vnsel vm11, $0x0, v57;
	vm11 =	vnez.u8 v9  }
0xf0: {  	v19, _, _ =	vpop (xrf0);
	v14 =	vnsel vm11, $0x0, v58;
	vm11 =	vnez.u8 v10  }
0xf1: {  	(v2sf) =	vpush v19, $0xF;
	v13 =	vnsel vm11, $0x0, v59;
	vm11 =	vnez.u8 v11  }
0xf2: {  	v12 =	vnsel vm11, $0x0, v60;
	vm11 =	vnez.u8 v6  }
0xf3: {  	v6 =	vnsel vm11, $0x0, v42;
	vm11 =	vnez.u8 v7  }
0xf4: {  	v7 =	vnsel vm11, $0x0, v8;
	v8 =	vld [tilespmem:$0x1FF10]  }
0xf5: {  	v9 =	vld [tilespmem:s7+$0x5B80];
	_ =	sdelay $0x3  }
0xf6: {  	v32 =	vadd.s32 v33, v32;
	vm11 =	vnez.u8 v8  }
0xf7: {  	v35 =	vadd.s32 v31, v32;
	v31 =	vadd.s32 v9, v62;
	v8 =	vnsel vm11, $0x0, v9;
	v9 =	vld [tilespmem:$0x1FF00]  }
0xf8: {  	v10 =	vld [tilespmem:s7+$0x5F50];
	_ =	sdelay $0x3  }
0xf9: {  	v11 =	vld [tilespmem:s7+$0x6320];
	vm11 =	vnez.u8 v9  }
0xfa: {  	v47 =	vsel vm9, $0x0, v36;
	s6 =	spop (v2sf);
	v31 =	vadd.s32 v10, v31;
	v9 =	vnsel vm11, $0x0, v10;
	v10 =	vld [tilespmem:$0x1FE50]  }
0xfb: {  	p0 =	sne.s32 s3, $0xF00;
	v49 =	vnsel vm14, $0x0, v40;
	v39 =	vnsel vm3, $0x0, v44;
	v61 =	vld [tilespmem:s7+$0x66F0];
	v20 =	vnsel vm7, $0x0, v27;
	s9 =	sadd.s32 s9, s6  }
.Ltmp0:
0xfc: {  	s10 =	sshra.s32 s3, $0x2;
	v37 =	vld [tilespmem:s7+$0x6E90];
	v21 =	vnsel vm13, $0x0, v48;
	v27 =	vnsel vm15, $0x0, v30;
	v63 =	vadd.s32 s9, v47;
	(pc) =	sbr.rel @p0 .LBB2_2-.Ltmp0, $4  }
0xfd: {  	v36 =	vld [tilespmem:s10+$0x0];
	v30 =	vnsel vm6, $0x0, v28;
	v28 =	vnsel vm4, $0x0, v23;
	v32 =	vadd.s32 v49, v63  }
0xfe: {  	v38 =	vld [tilespmem:s7+$0x7630];
	v23 =	vnsel vm2, $0x0, v53;
	v22 =	vnsel vm10, $0x0, v52;
	v32 =	vadd.s32 v39, v32  }
0xff: {  	v34 =	vld [tilespmem:s7+$0x7260];
	v31 =	vadd.s32 v11, v31;
	v39 =	vadd.s32 v50, v32;
	vm11 =	vnez.u8 v10  }
0x100: {  	s3 =	sadd.s32 $0x40, s3;
	v33 =	vld [tilespmem:s7+$0x6AC0];
	v31 =	vadd.s32 v61, v31;
	v10 =	vnsel vm11, $0x0, v11;
	v11 =	vnsel vm5, $0x0, v61  }
0x101: {  	_ =	sdelay $0x3  }
0x102: {  	v31 =	vadd.s32 v33, v31  }
0x103: {  	v31 =	vadd.s32 v37, v31  }
0x104: {  	v31 =	vadd.s32 v34, v31  }
0x105: {  	v31 =	vadd.s32 v38, v31  }
0x106: {  	(xrf0) =	vadd.scan.msk.s32 $0xffff, v31;
	_ =	sdelay $0x5  }
0x107: {  	v32, _, _ =	vpop (xrf0)  }
0x108: {  	(v2sf) =	vpush v32, $0xF;
	_ =	sdelay $0x1  }
0x109: {  	v51 =	vld [tilespmem:s10+$0x3D0]  }
0x10a: {  	v40 =	vld [tilespmem:s10+$0x7A0]  }
0x10b: {  	v41 =	vld [tilespmem:s10+$0xB70]  }
0x10c: {  	v42 =	vld [tilespmem:s10+$0xF40];
	v20 =	vadd.s32 v20, v39  }
0x10d: {  	v5 =	vsub.s32 v35, v5;
	v56 =	vld [tilespmem:$0x1FE10];
	v20 =	vadd.s32 v21, v20  }
0x10e: {  	v52 =	vld [tilespmem:s10+$0x1310];
	v5 =	vadd.s32 v19, v5;
	v53 =	vadd.s32 v27, v20  }
0x10f: {  	v21 =	vld [tilespmem:s10+$0x16E0];
	[tilespmem:s8+$0x7A00] =	vst v5;
	v19 =	vadd.s32 v30, v53  }
0x110: {  	v59 =	vsel vm9, $0x0, v36;
	v27 =	vld [tilespmem:s10+$0x1AB0];
	v19 =	vadd.s32 v29, v19;
	v5 =	vadd.s32 v36, v51  }
0x111: {  	v55 =	vld [tilespmem:s10+$0x1E80];
	v20 =	vnsel vm12, $0x0, v33;
	v28 =	vadd.s32 v28, v19;
	v5 =	vadd.s32 v40, v5  }
0x112: {  	v61 =	vld [tilespmem:s10+$0x29F0];
	vm12 =	vnez.u8 v56;
	v62 =	vnsel vm14, $0x0, v51;
	v54 =	vadd.s32 v41, v5  }
0x113: {  	v33 =	vld [tilespmem:s10+$0x2250];
	v43 =	vnsel vm3, $0x0, v40;
	v45 =	vnsel vm0, $0x0, v41;
	v29 =	vadd.s32 v42, v54  }
0x114: {  	v58 =	vld [tilespmem:s10+$0x2620];
	v47 =	vnsel vm7, $0x0, v42;
	v22 =	vadd.s32 v22, v28;
	v57 =	vadd.s32 v52, v29  }
0x115: {  	v35 =	vnsel vm13, $0x0, v52;
	v22 =	vadd.s32 v23, v22;
	v60 =	vadd.s32 v21, v57  }
0x116: {  	v63 =	vld [tilespmem:s10+$0x2DC0];
	v19 =	vnsel vm12, $0x0, v34;
	v22 =	vadd.s32 v24, v22;
	v23 =	vadd.s32 v27, v60;
	s3 =	spop (v2sf)  }
0x117: {  	v44 =	vld [tilespmem:s10+$0x3190];
	v30 =	vnsel vm1, $0x0, v55;
	v28 =	vnsel vm2, $0x0, v61;
	v23 =	vadd.s32 v55, v23;
	s3 =	sadd.s32 s9, s3  }
0x118: {  	v46 =	vld [tilespmem:s10+$0x3560];
	v22 =	vadd.s32 v25, v22;
	v23 =	vadd.s32 v33, v23;
	v34 =	vadd.s32 s3, v59  }
0x119: {  	v40 =	vld [tilespmem:$0x1FED0];
	v22 =	vadd.s32 v26, v22;
	v48 =	vadd.s32 v58, v23;
	v34 =	vadd.s32 v62, v34  }
0x11a: {  	v49 =	vld [tilespmem:s10+$0x3930];
	v18 =	vadd.s32 v18, v22;
	v50 =	vadd.s32 v61, v48;
	v34 =	vadd.s32 v43, v34  }
0x11b: {  	v22 =	vld [tilespmem:s10+$0x3D00];
	v16 =	vadd.s32 v16, v18;
	v51 =	vadd.s32 v63, v50;
	v34 =	vadd.s32 v45, v34  }
0x11c: {  	v16 =	vadd.s32 v17, v16;
	v17 =	vadd.s32 v44, v51;
	v51 =	vld [tilespmem:$0x1FEB0];
	v34 =	vadd.s32 v47, v34  }
0x11d: {  	v52 =	vld [tilespmem:s10+$0x40D0];
	v21 =	vnsel vm15, $0x0, v21;
	v27 =	vnsel vm6, $0x0, v27;
	v34 =	vadd.s32 v35, v34  }
0x11e: {  	v33 =	vnsel vm4, $0x0, v33;
	vm4 =	vnez.u8 v40;
	v21 =	vadd.s32 v21, v34  }
0x11f: {  	v25 =	vnsel vm4, $0x0, v44;
	v44 =	vld [tilespmem:$0x1FEC0];
	v17 =	vadd.s32 v46, v17;
	v21 =	vadd.s32 v27, v21  }
0x120: {  	v29 =	vnsel vm10, $0x0, v58;
	v48 =	vld [tilespmem:$0x1FF40];
	v17 =	vadd.s32 v49, v17;
	v21 =	vadd.s32 v30, v21  }
0x121: {  	v50 =	vld [tilespmem:$0x1FF30];
	v17 =	vadd.s32 v22, v17;
	vm9 =	vnez.u8 v51;
	v21 =	vadd.s32 v33, v21  }
0x122: {  	v17 =	vadd.s32 v52, v17;
	v18 =	vnsel vm9, $0x0, v52;
	v52 =	vld [tilespmem:$0x1FEA0];
	v21 =	vadd.s32 v29, v21  }
0x123: {  	v53 =	vld [tilespmem:s10+$0x44A0];
	v24 =	vnsel vm8, $0x0, v63;
	v21 =	vadd.s32 v28, v21  }
0x124: {  	vm6 =	vnez.u8 v44;
	v21 =	vadd.s32 v24, v21  }
0x125: {  	vm7 =	vnez.u8 v48;
	v26 =	vnsel vm6, $0x0, v46;
	v21 =	vadd.s32 v25, v21  }
0x126: {  	v23 =	vnsel vm7, $0x0, v49;
	vm8 =	vnez.u8 v50;
	v21 =	vadd.s32 v26, v21  }
0x127: {  	v22 =	vnsel vm8, $0x0, v22;
	vm10 =	vnez.u8 v52;
	v21 =	vadd.s32 v23, v21  }
0x128: {  	v17 =	vadd.s32 v53, v17;
	v21 =	vadd.s32 v22, v21;
	v22 =	vnsel vm10, $0x0, v53;
	v53 =	vld [tilespmem:$0x1FE90]  }
0x129: {  	v54 =	vld [tilespmem:s10+$0x4870];
	_ =	sdelay $0x2  }
0x12a: {  	v56 =	vld [tilespmem:s10+$0x5010]  }
0x12b: {  	v41 =	vld [tilespmem:s10+$0x66F0];
	vm13 =	vnez.u8 v53  }
0x12c: {  	v59 =	vadd.s32 v54, v17;
	v18 =	vadd.s32 v18, v21;
	v21 =	vnsel vm13, $0x0, v54;
	v54 =	vld [tilespmem:$0x1FE80]  }
0x12d: {  	v55 =	vld [tilespmem:s10+$0x4C40]  }
0x12e: {  	v57 =	vld [tilespmem:s10+$0x53E0];
	v15 =	vadd.s32 v15, v16  }
0x12f: {  	v60 =	vld [tilespmem:s10+$0x5B80];
	v14 =	vadd.s32 v14, v15  }
0x130: {  	v58 =	vld [tilespmem:s10+$0x57B0];
	v13 =	vadd.s32 v13, v14  }
0x131: {  	v61 =	vld [tilespmem:s10+$0x5F50];
	v12 =	vadd.s32 v12, v13;
	vm14 =	vnez.u8 v54  }
0x132: {  	v16 =	vadd.s32 v55, v59;
	v18 =	vadd.s32 v22, v18;
	v22 =	vnsel vm14, $0x0, v55;
	v55 =	vld [tilespmem:$0x1FE70]  }
0x133: {  	v63 =	vld [tilespmem:s10+$0x6320];
	v6 =	vadd.s32 v6, v12  }
0x134: {  	v6 =	vadd.s32 v7, v6;
	v7 =	vld [tilespmem:$0x1FE60];
	v62 =	vadd.s32 v56, v16  }
0x135: {  	v43 =	vld [tilespmem:s10+$0x6AC0];
	v15 =	vadd.s32 v57, v62  }
0x136: {  	v45 =	vld [tilespmem:s10+$0x6E90];
	v42 =	vadd.s32 v58, v15  }
0x137: {  	v47 =	vld [tilespmem:s10+$0x7260];
	v14 =	vadd.s32 v60, v42;
	vm15 =	vnez.u8 v55  }
0x138: {  	v46 =	vadd.s32 v61, v14;
	v12 =	vnsel vm15, $0x0, v56;
	v56 =	vld [tilespmem:$0x1FF20]  }
0x139: {  	v49 =	vld [tilespmem:s10+$0x7630];
	v13 =	vadd.s32 v63, v46  }
0x13a: {  	v13 =	vadd.s32 v41, v13  }
0x13b: {  	v5 =	vld [tilespmem:$0x1FE20];
	v13 =	vadd.s32 v43, v13  }
0x13c: {  	vm2 =	vnez.u8 v7;
	v13 =	vadd.s32 v45, v13  }
0x13d: {  	v7 =	vnsel vm2, $0x0, v57;
	v57 =	vld [tilespmem:$0x1FF10];
	v13 =	vadd.s32 v47, v13;
	vm3 =	vnez.u8 v56  }
0x13e: {  	v6 =	vadd.s32 v8, v6;
	v13 =	vadd.s32 v49, v13;
	v8 =	vnsel vm3, $0x0, v58;
	v58 =	vld [tilespmem:$0x1FF00]  }
0x13f: {  	v59 =	vld [tilespmem:$0x1FE50];
	(xrf0) =	vadd.scan.msk.s32 $0xffff, v13;
	v18 =	vadd.s32 v21, v18  }
0x140: {  	vm11 =	vnez.u8 v5;
	v6 =	vadd.s32 v9, v6;
	v18 =	vadd.s32 v22, v18  }
0x141: {  	v5 =	vnsel vm11, $0x0, v37;
	v6 =	vadd.s32 v10, v6;
	v62 =	vld [tilespmem:$0x1FE30];
	v12 =	vadd.s32 v12, v18  }
0x142: {  	v6 =	vadd.s32 v11, v6;
	vm8 =	vnez.u8 v57;
	v7 =	vadd.s32 v7, v12  }
0x143: {  	v9 =	vnsel vm8, $0x0, v60;
	v7 =	vadd.s32 v8, v7;
	vm9 =	vnez.u8 v58  }
0x144: {  	vm10 =	vnez.u8 v59;
	v7 =	vadd.s32 v9, v7;
	v8 =	vnsel vm9, $0x0, v61  }
0x145: {  	v60 =	vnsel vm5, $0x0, v41;
	v9 =	vnsel vm10, $0x0, v63;
	v61, _, _ =	vpop (xrf0);
	v7 =	vadd.s32 v8, v7  }
0x146: {  	vm15 =	vnez.u8 v62;
	(v2sf) =	vpush v61, $0xF;
	v7 =	vadd.s32 v9, v7  }
0x147: {  	v6 =	vadd.s32 v20, v6;
	v9 =	vnsel vm15, $0x0, v43;
	v7 =	vadd.s32 v60, v7  }
0x148: {  	v5 =	vadd.s32 v5, v6;
	v6 =	vnsel vm11, $0x0, v45;
	v7 =	vadd.s32 v9, v7  }
0x149: {  	v5 =	vadd.s32 v19, v5;
	v63 =	vnsel vm12, $0x0, v47;
	v6 =	vadd.s32 v6, v7  }
0x14a: {  	v5 =	vsub.s32 v5, v31;
	v6 =	vadd.s32 v63, v6  }
0x14b: {  	v5 =	vadd.s32 v32, v5;
	v6 =	vsub.s32 v6, v13  }
0x14c: {  	[tilespmem:s7+$0x7A00] =	vst v5;
	v5 =	vadd.s32 v61, v6  }
0x14d: {  	[tilespmem:s10+$0x7A00] =	vst v5  }
0x14e: {  	[tilespmem:$0x17140] =	vst v0  }
0x14f: {  	[tilespmem:$0x17160] =	vst v1  }
0x150: {  	[tilespmem:s16], [sflag:$0x1] =	stream.indirect.gather [hbm4b:s4+s15], $0x40, s11, s15, $0xb8;
	[tilespmem:$0x17170] =	vst v63  }
0x151: {  	_ = 	snop  }
0x152: {  	[tilespmem:s17], [sflag:$0x2] =	stream.indirect.gather [hbm4b:s4+s15], $0x40, s13, s15, $0xb8;
	[tilespmem:$0x17170] =	vst v63  }
0x153: {  	_ = 	snop  }
0x154: {  	[tilespmem:s18], [sflag:$0x3] =	stream.indirect.gather [hbm4b:s5+s15], $0x40, s14, s15, $0xb8;
	[tilespmem:$0x17170] =	vst v63  }
0x155: {  	s7 =	simm.s32 $0x0;
	s19 =	spop (v2sf)  }
.LBB2_4:
0x156: {  	p0 =	seq.s32 s7, $0x0  }
0x157: {  	s3 =	simm.s32 @!p0 $0x7  }
0x158: {  	_ =	swait.ge @!p0 [sflag:s3], $0x50  }
0x159: {  	[sflag:s3] =	ssyncset.done @!p0 $0x0  }
0x15a: {  	[sflag:s3] =	ssyncadd.s32 @!p0 $0xFFFFFFB0;
	s3 =	simm.s32 @!p0 $0x8  }
0x15b: {  	s8 =	smul.u32 $0xA0, s7;
	_ =	swait.ge @!p0 [sflag:s3], $0x50  }
0x15c: {  	[sflag:s3] =	ssyncset.done @!p0 $0x0  }
0x15d: {  	s6 =	simm.s32 $0x10700;
	s19 =	sadd.s32 $0x7E20, s8;
	[sflag:s3] =	ssyncadd.s32 @!p0 $0xFFFFFFB0  }
0x15e: {  	[tilespmem:s6], [sflag:$0x4] =	stream.indirect.gather [hbm4b:s4+s15], $0x40, s19, s15, $0xb8;
	[tilespmem:$0x17170] =	vst v63  }
0x15f: {  	s6 =	sadd.s32 $0xA530, s8  }
0x160: {  	[tilespmem:s20], [sflag:$0x5] =	stream.indirect.gather [hbm4b:s4+s15], $0x40, s6, s15, $0xb8;
	[tilespmem:$0x17170] =	vst v63  }
0x161: {  	s9 =	sadd.s32 $0xCC40, s8  }
0x162: {  	[tilespmem:s21], [sflag:$0x6] =	stream.indirect.gather [hbm4b:s5+s15], $0x40, s9, s15, $0xb8;
	[tilespmem:$0x17170] =	vst v63  }
0x163: {  	_ =	swait.ge [sflag:s22], $0x1400  }
0x164: {  	[sflag:s22] =	ssyncset.done $0x0  }
0x165: {  	[sflag:s22] =	ssyncadd.s32 $0xFFFFEC00  }
0x166: {  	_ =	swait.ge [sflag:s23], $0x1400  }
0x167: {  	[sflag:s23] =	ssyncset.done $0x0  }
0x168: {  	[sflag:s23] =	ssyncadd.s32 $0xFFFFEC00  }
0x169: {  	_ =	swait.ge [sflag:s24], $0x1400  }
0x16a: {  	[sflag:s24] =	ssyncset.done $0x0  }
0x16b: {  	[sflag:s24] =	ssyncadd.s32 $0xFFFFEC00  }
0x16c: {  	v5 =	vld [tilespmem:s8+$0xCBF0];
	_ =	sdelay $0x4  }
0x16d: {  	[tilespmem:$0x17150] =	vst v5  }
0x16e: {  	v6 =	vld [tilespmem:$0x1714F]  }
0x16f: {  	v7 =	vld [tilespmem:$0x1714E]  }
0x170: {  	v8 =	vld [tilespmem:$0x1714D]  }
0x171: {  	v9 =	vld [tilespmem:$0x1714C]  }
0x172: {  	v10 =	vld [tilespmem:$0x1714B]  }
0x173: {  	v11 =	vld [tilespmem:$0x1714A]  }
0x174: {  	vm15 =	veq.s32 v6, v5;
	vm0 =	veq.s32 v7, v5;
	v6 =	vld [tilespmem:$0x17149]  }
0x175: {  	vm9 =	veq.s32 v8, v5;
	v8 =	vld [tilespmem:$0x17148];
	v7 =	vsel vm15, $0x1, v2;
	v12 =	vsel vm0, $0x1, v2  }
0x176: {  	vm10 =	veq.s32 v9, v5;
	v9 =	vld [tilespmem:$0x17147];
	v7 =	vadd.s32 v7, v12;
	v12 =	vsel vm9, $0x1, v2  }
0x177: {  	vm11 =	veq.s32 v10, v5;
	v10 =	vld [tilespmem:$0x17146];
	v7 =	vadd.s32 v12, v7;
	v12 =	vsel vm10, $0x1, v2  }
0x178: {  	vm12 =	veq.s32 v11, v5;
	v11 =	vld [tilespmem:$0x17145];
	v7 =	vadd.s32 v12, v7;
	v12 =	vsel vm11, $0x1, v2  }
0x179: {  	v7 =	vadd.s32 v12, v7;
	v12 =	vsel vm12, $0x1, v2;
	vm13 =	veq.s32 v6, v5;
	v6 =	vld [tilespmem:$0x17144]  }
0x17a: {  	vm14 =	veq.s32 v8, v5;
	v8 =	vld [tilespmem:$0x17143];
	v7 =	vadd.s32 v12, v7;
	v12 =	vsel vm13, $0x1, v2  }
0x17b: {  	vm15 =	veq.s32 v9, v5;
	v9 =	vld [tilespmem:$0x17142];
	v7 =	vadd.s32 v12, v7;
	v12 =	vsel vm14, $0x1, v2  }
0x17c: {  	vm4 =	veq.s32 v10, v5;
	v7 =	vadd.s32 v12, v7;
	v12 =	vsel vm15, $0x1, v2  }
0x17d: {  	vm5 =	veq.s32 v11, v5;
	v11 =	vld [tilespmem:$0x17141];
	v10 =	vsel vm4, $0x1, v2;
	v7 =	vadd.s32 v12, v7  }
0x17e: {  	v7 =	vadd.s32 v10, v7;
	v10 =	vsel vm5, $0x1, v2;
	vm6 =	veq.s32 v6, v5;
	v6 =	vld.idx.msk [tilespmem:v5+s25+$0x0], $0xffff  }
0x17f: {  	vm7 =	veq.s32 v8, v5;
	v7 =	vadd.s32 v10, v7;
	v10 =	vsel vm6, $0x1, v2  }
0x180: {  	vm8 =	veq.s32 v9, v5;
	v8 =	vsel vm7, $0x1, v2;
	v7 =	vadd.s32 v10, v7  }
0x181: {  	v7 =	vadd.s32 v8, v7;
	v8 =	vsel vm8, $0x1, v2  }
0x182: {  	vm9 =	veq.s32 v11, v5;
	v7 =	vadd.s32 v8, v7  }
0x183: {  	v8 =	vsel vm9, $0x1, v2;
	v6 =	vadd.s32 v6, v7  }
0x184: {  	v6 =	vadd.s32 v8, v6  }
0x185: {  	[tilespmem:$0x16B00] =	vst v6  }
0x186: {  	[tilespmem:v5+s25+$0x0] =	vst.idx.add.s32.msk $0xffff, v3  }
0x187: {  	v5 =	vld [tilespmem:s8+$0xCC00];
	_ =	sdelay $0x4  }
0x188: {  	[tilespmem:$0x17150] =	vst v5  }
0x189: {  	v6 =	vld [tilespmem:$0x1714F]  }
0x18a: {  	v7 =	vld [tilespmem:$0x1714E]  }
0x18b: {  	v8 =	vld [tilespmem:$0x1714D]  }
0x18c: {  	v9 =	vld [tilespmem:$0x1714C]  }
0x18d: {  	v10 =	vld [tilespmem:$0x1714B]  }
0x18e: {  	v11 =	vld [tilespmem:$0x1714A]  }
0x18f: {  	vm10 =	veq.s32 v6, v5;
	vm11 =	veq.s32 v7, v5;
	v6 =	vld [tilespmem:$0x17149]  }
0x190: {  	vm15 =	veq.s32 v8, v5;
	v8 =	vld [tilespmem:$0x17148];
	v7 =	vsel vm10, $0x1, v2;
	v12 =	vsel vm11, $0x1, v2  }
0x191: {  	vm4 =	veq.s32 v9, v5;
	v9 =	vld [tilespmem:$0x17147];
	v7 =	vadd.s32 v7, v12;
	v12 =	vsel vm15, $0x1, v2  }
0x192: {  	vm5 =	veq.s32 v10, v5;
	v10 =	vld [tilespmem:$0x17146];
	v7 =	vadd.s32 v12, v7;
	v12 =	vsel vm4, $0x1, v2  }
0x193: {  	vm6 =	veq.s32 v11, v5;
	v11 =	vld [tilespmem:$0x17145];
	v7 =	vadd.s32 v12, v7;
	v12 =	vsel vm5, $0x1, v2  }
0x194: {  	v7 =	vadd.s32 v12, v7;
	v12 =	vsel vm6, $0x1, v2;
	vm7 =	veq.s32 v6, v5;
	v6 =	vld [tilespmem:$0x17144]  }
0x195: {  	vm8 =	veq.s32 v8, v5;
	v8 =	vld [tilespmem:$0x17143];
	v7 =	vadd.s32 v12, v7;
	v12 =	vsel vm7, $0x1, v2  }
0x196: {  	vm9 =	veq.s32 v9, v5;
	v9 =	vld [tilespmem:$0x17142];
	v7 =	vadd.s32 v12, v7;
	v12 =	vsel vm8, $0x1, v2  }
0x197: {  	vm10 =	veq.s32 v10, v5;
	v7 =	vadd.s32 v12, v7;
	v12 =	vsel vm9, $0x1, v2  }
0x198: {  	vm11 =	veq.s32 v11, v5;
	v11 =	vld [tilespmem:$0x17141];
	v10 =	vsel vm10, $0x1, v2;
	v7 =	vadd.s32 v12, v7  }
0x199: {  	v7 =	vadd.s32 v10, v7;
	v10 =	vsel vm11, $0x1, v2;
	vm12 =	veq.s32 v6, v5;
	v6 =	vld.idx.msk [tilespmem:v5+s25+$0x0], $0xffff  }
0x19a: {  	vm13 =	veq.s32 v8, v5;
	v7 =	vadd.s32 v10, v7;
	v10 =	vsel vm12, $0x1, v2  }
0x19b: {  	vm14 =	veq.s32 v9, v5;
	v8 =	vsel vm13, $0x1, v2;
	v7 =	vadd.s32 v10, v7  }
0x19c: {  	v7 =	vadd.s32 v8, v7;
	v8 =	vsel vm14, $0x1, v2  }
0x19d: {  	vm15 =	veq.s32 v11, v5;
	v7 =	vadd.s32 v8, v7  }
0x19e: {  	v8 =	vsel vm15, $0x1, v2;
	v6 =	vadd.s32 v6, v7  }
0x19f: {  	v6 =	vadd.s32 v8, v6  }
0x1a0: {  	[tilespmem:$0x16B10] =	vst v6  }
0x1a1: {  	[tilespmem:v5+s25+$0x0] =	vst.idx.add.s32.msk $0xffff, v3  }
0x1a2: {  	v5 =	vld [tilespmem:s8+$0xCC10];
	_ =	sdelay $0x4  }
0x1a3: {  	[tilespmem:$0x17150] =	vst v5  }
0x1a4: {  	v6 =	vld [tilespmem:$0x1714F]  }
0x1a5: {  	v7 =	vld [tilespmem:$0x1714E]  }
0x1a6: {  	v8 =	vld [tilespmem:$0x1714D]  }
0x1a7: {  	v9 =	vld [tilespmem:$0x1714C]  }
0x1a8: {  	v10 =	vld [tilespmem:$0x1714B]  }
0x1a9: {  	v11 =	vld [tilespmem:$0x1714A]  }
0x1aa: {  	vm4 =	veq.s32 v6, v5;
	vm5 =	veq.s32 v7, v5;
	v6 =	vld [tilespmem:$0x17149]  }
0x1ab: {  	vm6 =	veq.s32 v8, v5;
	v8 =	vld [tilespmem:$0x17148];
	v7 =	vsel vm4, $0x1, v2;
	v12 =	vsel vm5, $0x1, v2  }
0x1ac: {  	vm7 =	veq.s32 v9, v5;
	v9 =	vld [tilespmem:$0x17147];
	v7 =	vadd.s32 v7, v12;
	v12 =	vsel vm6, $0x1, v2  }
0x1ad: {  	vm8 =	veq.s32 v10, v5;
	v10 =	vld [tilespmem:$0x17146];
	v7 =	vadd.s32 v12, v7;
	v12 =	vsel vm7, $0x1, v2  }
0x1ae: {  	vm9 =	veq.s32 v11, v5;
	v11 =	vld [tilespmem:$0x17145];
	v7 =	vadd.s32 v12, v7;
	v12 =	vsel vm8, $0x1, v2  }
0x1af: {  	v7 =	vadd.s32 v12, v7;
	v12 =	vsel vm9, $0x1, v2;
	vm10 =	veq.s32 v6, v5;
	v6 =	vld [tilespmem:$0x17144]  }
0x1b0: {  	vm11 =	veq.s32 v8, v5;
	v8 =	vld [tilespmem:$0x17143];
	v7 =	vadd.s32 v12, v7;
	v12 =	vsel vm10, $0x1, v2  }
0x1b1: {  	vm12 =	veq.s32 v9, v5;
	v9 =	vld [tilespmem:$0x17142];
	v7 =	vadd.s32 v12, v7;
	v12 =	vsel vm11, $0x1, v2  }
0x1b2: {  	vm13 =	veq.s32 v10, v5;
	v7 =	vadd.s32 v12, v7;
	v12 =	vsel vm12, $0x1, v2  }
0x1b3: {  	vm14 =	veq.s32 v11, v5;
	v11 =	vld [tilespmem:$0x17141];
	v10 =	vsel vm13, $0x1, v2;
	v7 =	vadd.s32 v12, v7  }
0x1b4: {  	v7 =	vadd.s32 v10, v7;
	v10 =	vsel vm14, $0x1, v2;
	vm15 =	veq.s32 v6, v5;
	v6 =	vld.idx.msk [tilespmem:v5+s25+$0x0], $0xffff  }
0x1b5: {  	vm4 =	veq.s32 v8, v5;
	v7 =	vadd.s32 v10, v7;
	v10 =	vsel vm15, $0x1, v2  }
0x1b6: {  	vm5 =	veq.s32 v9, v5;
	v8 =	vsel vm4, $0x1, v2;
	v7 =	vadd.s32 v10, v7  }
0x1b7: {  	v7 =	vadd.s32 v8, v7;
	v8 =	vsel vm5, $0x1, v2  }
0x1b8: {  	vm6 =	veq.s32 v11, v5;
	v7 =	vadd.s32 v8, v7  }
0x1b9: {  	v8 =	vsel vm6, $0x1, v2;
	v6 =	vadd.s32 v6, v7  }
0x1ba: {  	v6 =	vadd.s32 v8, v6  }
0x1bb: {  	[tilespmem:$0x16B20] =	vst v6  }
0x1bc: {  	[tilespmem:v5+s25+$0x0] =	vst.idx.add.s32.msk $0xffff, v3  }
0x1bd: {  	v5 =	vld [tilespmem:s8+$0xCC20];
	_ =	sdelay $0x4  }
0x1be: {  	[tilespmem:$0x17150] =	vst v5  }
0x1bf: {  	v6 =	vld [tilespmem:$0x1714F]  }
0x1c0: {  	v7 =	vld [tilespmem:$0x1714E]  }
0x1c1: {  	v8 =	vld [tilespmem:$0x1714D]  }
0x1c2: {  	v9 =	vld [tilespmem:$0x1714C]  }
0x1c3: {  	v10 =	vld [tilespmem:$0x1714B]  }
0x1c4: {  	v11 =	vld [tilespmem:$0x1714A]  }
0x1c5: {  	vm7 =	veq.s32 v6, v5;
	vm8 =	veq.s32 v7, v5;
	v6 =	vld [tilespmem:$0x17149]  }
0x1c6: {  	vm9 =	veq.s32 v8, v5;
	v8 =	vld [tilespmem:$0x17148];
	v7 =	vsel vm7, $0x1, v2;
	v12 =	vsel vm8, $0x1, v2  }
0x1c7: {  	vm10 =	veq.s32 v9, v5;
	v9 =	vld [tilespmem:$0x17147];
	v7 =	vadd.s32 v7, v12;
	v12 =	vsel vm9, $0x1, v2  }
0x1c8: {  	vm11 =	veq.s32 v10, v5;
	v10 =	vld [tilespmem:$0x17146];
	v7 =	vadd.s32 v12, v7;
	v12 =	vsel vm10, $0x1, v2  }
0x1c9: {  	vm12 =	veq.s32 v11, v5;
	v11 =	vld [tilespmem:$0x17145];
	v7 =	vadd.s32 v12, v7;
	v12 =	vsel vm11, $0x1, v2  }
0x1ca: {  	v7 =	vadd.s32 v12, v7;
	v12 =	vsel vm12, $0x1, v2;
	vm13 =	veq.s32 v6, v5;
	v6 =	vld [tilespmem:$0x17144]  }
0x1cb: {  	vm14 =	veq.s32 v8, v5;
	v8 =	vld [tilespmem:$0x17143];
	v7 =	vadd.s32 v12, v7;
	v12 =	vsel vm13, $0x1, v2  }
0x1cc: {  	vm15 =	veq.s32 v9, v5;
	v9 =	vld [tilespmem:$0x17142];
	v7 =	vadd.s32 v12, v7;
	v12 =	vsel vm14, $0x1, v2  }
0x1cd: {  	vm4 =	veq.s32 v10, v5;
	v7 =	vadd.s32 v12, v7;
	v12 =	vsel vm15, $0x1, v2  }
0x1ce: {  	vm5 =	veq.s32 v11, v5;
	v11 =	vld [tilespmem:$0x17141];
	v10 =	vsel vm4, $0x1, v2;
	v7 =	vadd.s32 v12, v7  }
0x1cf: {  	v7 =	vadd.s32 v10, v7;
	v10 =	vsel vm5, $0x1, v2;
	vm6 =	veq.s32 v6, v5;
	v6 =	vld.idx.msk [tilespmem:v5+s25+$0x0], $0xffff  }
0x1d0: {  	vm7 =	veq.s32 v8, v5;
	v7 =	vadd.s32 v10, v7;
	v10 =	vsel vm6, $0x1, v2  }
0x1d1: {  	vm8 =	veq.s32 v9, v5;
	v8 =	vsel vm7, $0x1, v2;
	v7 =	vadd.s32 v10, v7  }
0x1d2: {  	v7 =	vadd.s32 v8, v7;
	v8 =	vsel vm8, $0x1, v2  }
0x1d3: {  	vm9 =	veq.s32 v11, v5;
	v7 =	vadd.s32 v8, v7  }
0x1d4: {  	v8 =	vsel vm9, $0x1, v2;
	v6 =	vadd.s32 v6, v7  }
0x1d5: {  	v6 =	vadd.s32 v8, v6  }
0x1d6: {  	[tilespmem:$0x16B30] =	vst v6  }
0x1d7: {  	[tilespmem:v5+s25+$0x0] =	vst.idx.add.s32.msk $0xffff, v3  }
0x1d8: {  	v5 =	vld [tilespmem:s8+$0xCC30];
	_ =	sdelay $0x4  }
0x1d9: {  	[tilespmem:$0x17150] =	vst v5  }
0x1da: {  	v6 =	vld [tilespmem:$0x1714F]  }
0x1db: {  	v7 =	vld [tilespmem:$0x1714E]  }
0x1dc: {  	v8 =	vld [tilespmem:$0x1714D]  }
0x1dd: {  	v9 =	vld [tilespmem:$0x1714C]  }
0x1de: {  	v10 =	vld [tilespmem:$0x1714B]  }
0x1df: {  	v11 =	vld [tilespmem:$0x1714A]  }
0x1e0: {  	vm10 =	veq.s32 v6, v5;
	vm11 =	veq.s32 v7, v5;
	v6 =	vld [tilespmem:$0x17149]  }
0x1e1: {  	vm15 =	veq.s32 v8, v5;
	v8 =	vld [tilespmem:$0x17148];
	v7 =	vsel vm10, $0x1, v2;
	v12 =	vsel vm11, $0x1, v2  }
0x1e2: {  	vm4 =	veq.s32 v9, v5;
	v9 =	vld [tilespmem:$0x17147];
	v7 =	vadd.s32 v7, v12;
	v12 =	vsel vm15, $0x1, v2  }
0x1e3: {  	vm5 =	veq.s32 v10, v5;
	v10 =	vld [tilespmem:$0x17146];
	v7 =	vadd.s32 v12, v7;
	v12 =	vsel vm4, $0x1, v2  }
0x1e4: {  	vm6 =	veq.s32 v11, v5;
	v11 =	vld [tilespmem:$0x17145];
	v7 =	vadd.s32 v12, v7;
	v12 =	vsel vm5, $0x1, v2  }
0x1e5: {  	v7 =	vadd.s32 v12, v7;
	v12 =	vsel vm6, $0x1, v2;
	vm7 =	veq.s32 v6, v5;
	v6 =	vld [tilespmem:$0x17144]  }
0x1e6: {  	vm8 =	veq.s32 v8, v5;
	v8 =	vld [tilespmem:$0x17143];
	v7 =	vadd.s32 v12, v7;
	v12 =	vsel vm7, $0x1, v2  }
0x1e7: {  	vm9 =	veq.s32 v9, v5;
	v9 =	vld [tilespmem:$0x17142];
	v7 =	vadd.s32 v12, v7;
	v12 =	vsel vm8, $0x1, v2  }
0x1e8: {  	vm10 =	veq.s32 v10, v5;
	v7 =	vadd.s32 v12, v7;
	v12 =	vsel vm9, $0x1, v2  }
0x1e9: {  	vm11 =	veq.s32 v11, v5;
	v11 =	vld [tilespmem:$0x17141];
	v10 =	vsel vm10, $0x1, v2;
	v7 =	vadd.s32 v12, v7  }
0x1ea: {  	v7 =	vadd.s32 v10, v7;
	v10 =	vsel vm11, $0x1, v2;
	vm12 =	veq.s32 v6, v5;
	v6 =	vld.idx.msk [tilespmem:v5+s25+$0x0], $0xffff  }
0x1eb: {  	vm13 =	veq.s32 v8, v5;
	v7 =	vadd.s32 v10, v7;
	v10 =	vsel vm12, $0x1, v2  }
0x1ec: {  	vm14 =	veq.s32 v9, v5;
	v8 =	vsel vm13, $0x1, v2;
	v7 =	vadd.s32 v10, v7  }
0x1ed: {  	v7 =	vadd.s32 v8, v7;
	v8 =	vsel vm14, $0x1, v2  }
0x1ee: {  	vm15 =	veq.s32 v11, v5;
	v7 =	vadd.s32 v8, v7  }
0x1ef: {  	v8 =	vsel vm15, $0x1, v2;
	v6 =	vadd.s32 v6, v7  }
0x1f0: {  	v6 =	vadd.s32 v8, v6  }
0x1f1: {  	[tilespmem:$0x16B40] =	vst v6  }
0x1f2: {  	s10 =	simm.s32 $0x11B40;
	[tilespmem:v5+s25+$0x0] =	vst.idx.add.s32.msk $0xffff, v3  }
0x1f3: {  	s9 =	simm.s32 $0xF340;
	v5 =	vld [tilespmem:s10+$0x20]  }
0x1f4: {  	s11 =	simm.s32 $0x14340;
	v6 =	vld [tilespmem:s9+$0x30]  }
0x1f5: {  	v7 =	vld [tilespmem:s11+$0x30]  }
0x1f6: {  	v8 =	vld [tilespmem:s10+$0x0]  }
0x1f7: {  	v9 =	vld [tilespmem:s9+$0x20]  }
0x1f8: {  	v10 =	vld [tilespmem:s11+$0x20]  }
0x1f9: {  	v11 =	vld [tilespmem:s9+$0x0]  }
0x1fa: {  	v12 =	vld [tilespmem:s11+$0x0]  }
0x1fb: {  	v13 =	vld [tilespmem:s9+$0x10]  }
0x1fc: {  	v14 =	vunpack.i.l.bf16.f32 v5;
	v15 =	vunpack.i.u.bf16.f32 v6;
	v16 =	vunpack.i.u.bf16.f32 v8  }
0x1fd: {  	v17 =	vld [tilespmem:s11+$0x10];
	v6 =	vunpack.i.l.bf16.f32 v6;
	v18 =	vunpack.i.l.bf16.f32 v7;
	v8 =	vunpack.i.l.bf16.f32 v8  }
0x1fe: {  	v19 =	vunpack.i.u.bf16.f32 v9;
	v9 =	vunpack.i.l.bf16.f32 v9;
	v20 =	vunpack.i.u.bf16.f32 v11  }
0x1ff: {  	v22 =	vunpack.i.u.bf16.f32 v10;
	v10 =	vunpack.i.l.bf16.f32 v10;
	v11 =	vunpack.i.l.bf16.f32 v11  }
0x200: {  	v21 =	vld [tilespmem:s10+$0x10];
	v23 =	vunpack.i.u.bf16.f32 v12;
	v12 =	vunpack.i.l.bf16.f32 v12;
	v25 =	vunpack.i.u.bf16.f32 v13  }
0x201: {  	s13 =	simm.s32 $0x11BC0;
	v13 =	vunpack.i.l.bf16.f32 v13;
	v7 =	vunpack.i.u.bf16.f32 v7;
	v6 =	vmul.f32 v18, v6  }
0x202: {  	v27 =	vld [tilespmem:s13+$0x10];
	v18 =	vunpack.i.u.bf16.f32 v17;
	v9 =	vmul.f32 v10, v9;
	v10 =	vmul.f32 v22, v19  }
0x203: {  	v24 =	vld [tilespmem:s10+$0x30];
	v11 =	vmul.f32 v12, v11;
	v12 =	vmul.f32 v23, v20;
	v17 =	vunpack.i.l.bf16.f32 v17  }
0x204: {  	s19 =	simm.s32 $0x143C0;
	v5 =	vunpack.i.u.bf16.f32 v5;
	v19 =	vld [tilespmem:s9+$0xFFFFFFC0];
	v13 =	vmul.f32 v17, v13;
	v17 =	vmul.f32 v18, v25  }
0x205: {  	v20 =	vunpack.i.u.bf16.f32 v21;
	v23 =	vld [tilespmem:s19+$0x10];
	v8 =	vmul.f32 v8, v11;
	v11 =	vmul.f32 v16, v12  }
0x206: {  	v18 =	vld [tilespmem:s11+$0xFFFFFFC0];
	v12 =	vunpack.i.l.bf16.f32 v21;
	v9 =	vmul.f32 v14, v9;
	v5 =	vmul.f32 v5, v10  }
0x207: {  	v42 =	vunpack.i.u.bf16.f32 v27;
	v14 =	vld [tilespmem:s11+$0xFFFFFFD0];
	v12 =	vmul.f32 v12, v13;
	v13 =	vmul.f32 v20, v17  }
0x208: {  	v7 =	vmul.f32 v7, v15;
	v16 =	vunpack.i.l.bf16.f32 v24;
	v17 =	vld [tilespmem:s9+$0xFFFFFFD0];
	v8 =	vadd.f32 v8, v11  }
0x209: {  	v10 =	vld [tilespmem:s10+$0xFFFFFFC0];
	v6 =	vmul.f32 v16, v6;
	v5 =	vadd.f32 v9, v5;
	v11 =	vadd.f32 v12, v13  }
0x20a: {  	v16 =	vld [tilespmem:s11+$0xFFFFFFE0];
	v12 =	vunpack.i.u.bf16.f32 v19;
	v13 =	vunpack.i.u.bf16.f32 v24;
	v40 =	vunpack.i.u.bf16.f32 v23  }
0x20b: {  	v9 =	vld [tilespmem:s9+$0xFFFFFFE0];
	v7 =	vmul.f32 v13, v7;
	v13 =	vunpack.i.u.bf16.f32 v18;
	v18 =	vunpack.i.l.bf16.f32 v18  }
0x20c: {  	v15 =	vld [tilespmem:s10+$0xFFFFFFD0];
	v8 =	vadd.f32 v11, v8;
	v11 =	vunpack.i.l.bf16.f32 v19;
	v12 =	vmul.f32 v13, v12  }
0x20d: {  	v19 =	vunpack.i.u.bf16.f32 v17;
	v6 =	vadd.f32 v6, v7;
	v7 =	vunpack.i.l.bf16.f32 v17  }
0x20e: {  	v20 =	vld [tilespmem:s10+$0xFFFFFFF0];
	v11 =	vmul.f32 v18, v11;
	v18 =	vunpack.i.u.bf16.f32 v10;
	v10 =	vunpack.i.l.bf16.f32 v10  }
0x20f: {  	v13 =	vld [tilespmem:s9+$0xFFFFFFF0];
	v22 =	vunpack.i.u.bf16.f32 v16;
	v5 =	vadd.f32 v5, v8;
	v8 =	vunpack.i.u.bf16.f32 v14  }
0x210: {  	s9 =	simm.s32 $0xF440;
	v17 =	vld [tilespmem:s10+$0xFFFFFFE0];
	v14 =	vunpack.i.l.bf16.f32 v14;
	v21 =	vunpack.i.u.bf16.f32 v9;
	v9 =	vunpack.i.l.bf16.f32 v9  }
0x211: {  	s10 =	simm.s32 $0x14440;
	v48 =	vld [tilespmem:s9+$0x0];
	v7 =	vmul.f32 v14, v7;
	v8 =	vmul.f32 v8, v19;
	v19 =	vunpack.i.u.bf16.f32 v15  }
0x212: {  	v47 =	vld [tilespmem:s10+$0x30];
	v10 =	vmul.f32 v10, v11;
	v11 =	vmul.f32 v18, v12;
	v12 =	vunpack.i.l.bf16.f32 v16  }
0x213: {  	v49 =	vld [tilespmem:s10+$0x10];
	v15 =	vunpack.i.l.bf16.f32 v15;
	v9 =	vmul.f32 v12, v9;
	v12 =	vmul.f32 v22, v21  }
0x214: {  	v23 =	vunpack.i.l.bf16.f32 v23;
	v14 =	vld [tilespmem:s11+$0xFFFFFFF0];
	v7 =	vmul.f32 v15, v7;
	v8 =	vmul.f32 v19, v8  }
0x215: {  	v16 =	vld [tilespmem:s13+$0x30];
	v21 =	vunpack.i.l.bf16.f32 v13;
	v10 =	vadd.f32 v10, v11;
	v13 =	vunpack.i.u.bf16.f32 v13  }
0x216: {  	s14 =	simm.s32 $0xF3C0;
	v22 =	vld [tilespmem:s19+$0x30];
	v15 =	vunpack.i.u.bf16.f32 v17;
	v17 =	vunpack.i.l.bf16.f32 v17;
	v52 =	vunpack.i.u.bf16.f32 v48  }
0x217: {  	v19 =	vld [tilespmem:s14+$0x30];
	v24 =	vunpack.i.l.bf16.f32 v48;
	v7 =	vadd.f32 v7, v8;
	v9 =	vmul.f32 v17, v9  }
0x218: {  	v11 =	vld [tilespmem:s13+$0x0];
	v12 =	vmul.f32 v15, v12;
	v50 =	vunpack.i.l.bf16.f32 v47;
	v54 =	vunpack.i.u.bf16.f32 v49  }
0x219: {  	v15 =	vld [tilespmem:s14+$0x20];
	v25 =	vunpack.i.l.bf16.f32 v49;
	v8 =	vunpack.i.l.bf16.f32 v14;
	v14 =	vunpack.i.u.bf16.f32 v14  }
0x21a: {  	v8 =	vmul.f32 v8, v21;
	v13 =	vmul.f32 v14, v13;
	v14 =	vld [tilespmem:s19+$0x20];
	v7 =	vadd.f32 v7, v10  }
0x21b: {  	v9 =	vadd.f32 v9, v12;
	v10 =	vadd.f32 v6, v5;
	v6 =	vunpack.i.l.bf16.f32 v20;
	v12 =	vld [tilespmem:s14+$0x0]  }
0x21c: {  	v5 =	vunpack.i.u.bf16.f32 v20;
	v20 =	vunpack.i.l.bf16.f32 v16;
	v6 =	vmul.f32 v6, v8;
	v8 =	vld [tilespmem:s19+$0x0]  }
0x21d: {  	v38 =	vunpack.i.l.bf16.f32 v22;
	v13 =	vmul.f32 v5, v13;
	v5 =	vadd.f32 v9, v7;
	v7 =	vld [tilespmem:s14+$0x10]  }
0x21e: {  	v22 =	vunpack.i.u.bf16.f32 v22;
	v16 =	vunpack.i.u.bf16.f32 v16;
	v17 =	vunpack.i.u.bf16.f32 v19  }
0x21f: {  	v21 =	vunpack.i.u.bf16.f32 v11;
	v19 =	vunpack.i.l.bf16.f32 v19;
	v39 =	vunpack.i.u.bf16.f32 v15  }
0x220: {  	v15 =	vunpack.i.l.bf16.f32 v15;
	v28 =	vunpack.i.u.bf16.f32 v14;
	v14 =	vunpack.i.l.bf16.f32 v14  }
0x221: {  	v18 =	vld [tilespmem:s13+$0x20];
	v26 =	vunpack.i.u.bf16.f32 v12;
	v12 =	vunpack.i.l.bf16.f32 v12;
	v14 =	vmul.f32 v14, v15  }
0x222: {  	v29 =	vunpack.i.u.bf16.f32 v8;
	v8 =	vunpack.i.l.bf16.f32 v8;
	v30 =	vunpack.i.u.bf16.f32 v7  }
0x223: {  	s11 =	simm.s32 $0x11C40;
	v7 =	vunpack.i.l.bf16.f32 v7;
	v8 =	vmul.f32 v8, v12;
	v12 =	vmul.f32 v29, v26  }
0x224: {  	v53 =	vld [tilespmem:s11+$0x10];
	v11 =	vunpack.i.l.bf16.f32 v11;
	v7 =	vmul.f32 v23, v7;
	v23 =	vmul.f32 v40, v30  }
0x225: {  	v41 =	vld [tilespmem:s14+$0xFFFFFFC0];
	v8 =	vmul.f32 v11, v8;
	v11 =	vmul.f32 v21, v12;
	v12 =	vunpack.i.l.bf16.f32 v27  }
0x226: {  	v9 =	vunpack.i.l.bf16.f32 v18;
	v21 =	vld [tilespmem:s19+$0xFFFFFFC0];
	v7 =	vmul.f32 v12, v7;
	v12 =	vmul.f32 v42, v23  }
0x227: {  	v19 =	vmul.f32 v38, v19;
	v18 =	vunpack.i.u.bf16.f32 v18;
	v15 =	vmul.f32 v28, v39;
	v23 =	vld [tilespmem:s14+$0xFFFFFFD0]  }
0x228: {  	v9 =	vmul.f32 v9, v14;
	v8 =	vadd.f32 v8, v11;
	v7 =	vadd.f32 v7, v12  }
0x229: {  	v57 =	vunpack.i.u.bf16.f32 v53;
	v14 =	vmul.f32 v22, v17;
	v17 =	vld [tilespmem:s19+$0xFFFFFFD0];
	v11 =	vmul.f32 v18, v15  }
0x22a: {  	v15 =	vunpack.i.u.bf16.f32 v41;
	v18 =	vmul.f32 v20, v19;
	v12 =	vld [tilespmem:s13+$0xFFFFFFC0];
	v7 =	vadd.f32 v7, v8  }
0x22b: {  	v19 =	vld [tilespmem:s13+$0xFFFFFFD0];
	v8 =	vadd.f32 v9, v11;
	v9 =	vmul.f32 v16, v14;
	v14 =	vunpack.i.l.bf16.f32 v41  }
0x22c: {  	v11 =	vld [tilespmem:s14+$0xFFFFFFE0];
	v16 =	vunpack.i.u.bf16.f32 v21;
	v20 =	vunpack.i.l.bf16.f32 v21;
	v22 =	vunpack.i.u.bf16.f32 v23  }
0x22d: {  	v21 =	vld [tilespmem:s19+$0xFFFFFFE0];
	v14 =	vmul.f32 v20, v14;
	v7 =	vadd.f32 v8, v7;
	v8 =	vadd.f32 v18, v9  }
0x22e: {  	v9 =	vunpack.i.l.bf16.f32 v23;
	v18 =	vunpack.i.u.bf16.f32 v17;
	v17 =	vunpack.i.l.bf16.f32 v17  }
0x22f: {  	v15 =	vmul.f32 v16, v15;
	v20 =	vld [tilespmem:s14+$0xFFFFFFF0];
	v16 =	vunpack.i.u.bf16.f32 v12;
	v9 =	vmul.f32 v17, v9  }
0x230: {  	v23 =	vld [tilespmem:s13+$0xFFFFFFE0];
	v17 =	vmul.f32 v18, v22;
	v12 =	vunpack.i.l.bf16.f32 v12;
	v22 =	vunpack.i.u.bf16.f32 v19  }
0x231: {  	v18 =	vld [tilespmem:s19+$0xFFFFFFF0];
	v19 =	vunpack.i.l.bf16.f32 v19;
	v12 =	vmul.f32 v12, v14;
	v14 =	vmul.f32 v16, v15  }
0x232: {  	v43 =	vunpack.i.u.bf16.f32 v11;
	v11 =	vunpack.i.l.bf16.f32 v11;
	v45 =	vunpack.i.u.bf16.f32 v21  }
0x233: {  	v44 =	vld [tilespmem:s13+$0xFFFFFFF0];
	v15 =	vunpack.i.l.bf16.f32 v21;
	v9 =	vmul.f32 v19, v9;
	v17 =	vmul.f32 v22, v17  }
0x234: {  	v16 =	vld [tilespmem:s11+$0x30];
	v11 =	vmul.f32 v15, v11;
	v15 =	vmul.f32 v45, v43;
	v46 =	vunpack.i.u.bf16.f32 v20  }
0x235: {  	v21 =	vld [tilespmem:s11+$0x20];
	v20 =	vunpack.i.l.bf16.f32 v20;
	v12 =	vadd.f32 v12, v14;
	v19 =	vunpack.i.u.bf16.f32 v23  }
0x236: {  	v22 =	vunpack.i.l.bf16.f32 v23;
	v23 =	vld [tilespmem:s9+$0x30];
	v9 =	vadd.f32 v9, v17;
	v14 =	vunpack.i.l.bf16.f32 v18  }
0x237: {  	v11 =	vmul.f32 v22, v11;
	v15 =	vmul.f32 v19, v15;
	v18 =	vunpack.i.u.bf16.f32 v18;
	v19 =	vld [tilespmem:s9+$0x20]  }
0x238: {  	v22 =	vunpack.i.l.bf16.f32 v44;
	v14 =	vmul.f32 v14, v20;
	v20 =	vld [tilespmem:s10+$0x20];
	v12 =	vadd.f32 v9, v12  }
0x239: {  	v18 =	vmul.f32 v18, v46;
	v9 =	vadd.f32 v6, v13;
	v13 =	vld [tilespmem:s10+$0x0];
	v11 =	vadd.f32 v11, v15  }
0x23a: {  	v15 =	vadd.f32 v8, v7;
	v7 =	vunpack.i.u.bf16.f32 v44;
	v8 =	vmul.f32 v22, v14  }
0x23b: {  	v17 =	vld [tilespmem:s11+$0x0];
	v7 =	vmul.f32 v7, v18;
	v18 =	vunpack.i.l.bf16.f32 v16;
	v6 =	vadd.f32 v11, v12  }
0x23c: {  	v11 =	vld [tilespmem:s9+$0x10];
	v12 =	vunpack.i.l.bf16.f32 v21;
	v14 =	vunpack.i.u.bf16.f32 v23;
	v23 =	vunpack.i.l.bf16.f32 v23  }
0x23d: {  	v51 =	vunpack.i.u.bf16.f32 v19;
	v19 =	vunpack.i.l.bf16.f32 v19;
	v23 =	vmul.f32 v50, v23  }
0x23e: {  	v31 =	vunpack.i.u.bf16.f32 v20;
	v20 =	vunpack.i.l.bf16.f32 v20;
	v32 =	vunpack.i.u.bf16.f32 v13  }
0x23f: {  	v13 =	vunpack.i.l.bf16.f32 v13;
	v19 =	vmul.f32 v20, v19;
	v20 =	vmul.f32 v31, v51  }
0x240: {  	v22 =	vunpack.i.u.bf16.f32 v17;
	v13 =	vmul.f32 v13, v24;
	v55 =	vmul.f32 v32, v52  }
0x241: {  	v18 =	vmul.f32 v18, v23;
	v33 =	vunpack.i.u.bf16.f32 v11;
	v11 =	vunpack.i.l.bf16.f32 v11  }
0x242: {  	v59 =	vld [tilespmem:s9+$0xFFFFFFD0];
	v17 =	vunpack.i.l.bf16.f32 v17;
	v11 =	vmul.f32 v25, v11;
	v58 =	vmul.f32 v54, v33  }
0x243: {  	v56 =	vld [tilespmem:s9+$0xFFFFFFC0];
	(xrf2) =	vadd.scan.msk.f32 $0xffff, v10;
	v10 =	vmul.f32 v17, v13;
	v13 =	vmul.f32 v22, v55;
	v17 =	vunpack.i.l.bf16.f32 v53  }
0x244: {  	(xrf2) =	vadd.scan.msk.f32 $0xffff, v15;
	v15 =	vld [tilespmem:s10+$0xFFFFFFC0];
	v22 =	vunpack.i.u.bf16.f32 v47;
	v11 =	vmul.f32 v17, v11;
	v17 =	vmul.f32 v57, v58  }
0x245: {  	v21 =	vunpack.i.u.bf16.f32 v21;
	v12 =	vmul.f32 v12, v19;
	v14 =	vmul.f32 v22, v14  }
0x246: {  	v23 =	vld [tilespmem:s10+$0xFFFFFFE0];
	v10 =	vadd.f32 v10, v13;
	v13 =	vmul.f32 v21, v20;
	v11 =	vadd.f32 v11, v17  }
0x247: {  	v16 =	vunpack.i.u.bf16.f32 v16;
	v19 =	vld [tilespmem:s10+$0xFFFFFFD0];
	v22 =	vunpack.i.u.bf16.f32 v59  }
0x248: {  	v17 =	vld [tilespmem:s11+$0xFFFFFFC0];
	v10 =	vadd.f32 v11, v10;
	v11 =	vadd.f32 v12, v13;
	v12 =	vmul.f32 v16, v14  }
0x249: {  	v20 =	vunpack.i.u.bf16.f32 v56;
	v21 =	vld [tilespmem:s11+$0xFFFFFFD0];
	v13 =	vunpack.i.l.bf16.f32 v56;
	v14 =	vunpack.i.u.bf16.f32 v15  }
0x24a: {  	v16 =	vld [tilespmem:s9+$0xFFFFFFE0];
	v15 =	vunpack.i.l.bf16.f32 v15;
	v10 =	vadd.f32 v11, v10;
	v11 =	vadd.f32 v18, v12  }
0x24b: {  	v60 =	vmul.f32 v15, v13;
	v61 =	vmul.f32 v14, v20;
	v12 =	vunpack.i.l.bf16.f32 v59  }
0x24c: {  	v18 =	vunpack.i.u.bf16.f32 v19;
	v19 =	vunpack.i.l.bf16.f32 v19;
	v62 =	vadd.f32 v11, v10;
	v10 =	vld [tilespmem:s11+$0xFFFFFFE0]  }
0x24d: {  	v13 =	vld [tilespmem:s10+$0xFFFFFFF0];
	v63 =	vunpack.i.u.bf16.f32 v17;
	v14 =	vmul.f32 v19, v12;
	v15 =	vmul.f32 v18, v22  }
0x24e: {  	s3 =	simm.s32 $0x16C50;
	v12 =	vld [tilespmem:s9+$0xFFFFFFF0];
	v17 =	vunpack.i.l.bf16.f32 v17;
	v19 =	vunpack.i.u.bf16.f32 v21;
	v22 =	vunpack.i.l.bf16.f32 v21;
	v11, _, _ =	vpop (xrf2);
	(xrf2) =	vadd.scan.msk.f32 $0xffff, v62  }
0x24f: {  	s6 =	simm.s32 $0x4;
	s13 =	simm.s32 $0x16C70;
	v21 =	vunpack.i.u.bf16.f32 v23;
	v23 =	vunpack.i.l.bf16.f32 v23;
	v18 =	vunpack.i.u.bf16.f32 v16;
	[tilespmem:s3+$0x0] =	vst v11;
	v11, _, _ =	vpop (xrf2)  }
0x250: {  	s14 =	sadd.s32 $0x50, s8;
	s19 =	simm.s32 $0x11CC0;
	v20 =	vunpack.i.l.bf16.f32 v16;
	v16 =	vmul.f32 v17, v60;
	v17 =	vmul.f32 v63, v61;
	[tilespmem:s13+$0x0] =	vst v11;
	v11 =	vld [tilespmem:s11+$0xFFFFFFF0];
	s11 =	simm.s32 $0x16C70  }
.LBB2_5:
0x251: {  	v24 =	vld [tilespmem:s19+$0x30];
	v14 =	vmul.f32 v22, v14;
	v15 =	vmul.f32 v19, v15;
	v19 =	vunpack.i.u.bf16.f32 v10  }
0x252: {  	v10 =	vunpack.i.l.bf16.f32 v10;
	v20 =	vmul.f32 v23, v20;
	v18 =	vmul.f32 v21, v18;
	s9 =	sadd.s32 $0x80, s9;
	v22 =	vld [tilespmem:s19+$0x20]  }
0x253: {  	v23 =	vunpack.i.u.bf16.f32 v12;
	v12 =	vunpack.i.l.bf16.f32 v12;
	v25 =	vunpack.i.u.bf16.f32 v13;
	s10 =	sadd.s32 $0x80, s10;
	v21 =	vld [tilespmem:s9+$0x30]  }
0x254: {  	v13 =	vunpack.i.l.bf16.f32 v13;
	v16 =	vadd.f32 v16, v17;
	v14 =	vadd.f32 v14, v15;
	v26 =	vld [tilespmem:s10+$0x30]  }
0x255: {  	v10 =	vmul.f32 v10, v20;
	v27 =	vmul.f32 v19, v18;
	v18 =	vunpack.i.u.bf16.f32 v11;
	v15 =	vld [tilespmem:s19+$0x0]  }
0x256: {  	v12 =	vmul.f32 v13, v12;
	v13 =	vmul.f32 v25, v23;
	v11 =	vunpack.i.l.bf16.f32 v11;
	v19 =	vld [tilespmem:s9+$0x20]  }
0x257: {  	v14 =	vadd.f32 v14, v16;
	v10 =	vadd.f32 v10, v27;
	v20 =	vld [tilespmem:s10+$0x20]  }
0x258: {  	s13 =	sadd.s32 $0x20, s13;
	v23 =	vadd.f32 v8, v7;
	v7 =	vmul.f32 v18, v13;
	v8 =	vmul.f32 v11, v12;
	v16 =	vld [tilespmem:s9+$0x0];
	v17, _, _ =	vpop (xrf2)  }
0x259: {  	v12 =	vadd.f32 v9, v5;
	v5 =	vmov v6;
	v6 =	vadd.f32 v10, v14;
	v11 =	vld [tilespmem:s10+$0x0];
	[tilespmem:s13+$0x0] =	vst v17  }
0x25a: {  	v9 =	vmovc v23;
	v13 =	vunpack.i.l.bf16.f32 v22;
	v14 =	vunpack.i.u.bf16.f32 v21;
	v17 =	vunpack.i.l.bf16.f32 v24;
	v10 =	vld [tilespmem:s9+$0x10]  }
0x25b: {  	v21 =	vunpack.i.l.bf16.f32 v21;
	v25 =	vunpack.i.l.bf16.f32 v26;
	v18 =	vunpack.i.u.bf16.f32 v15;
	v23 =	vld [tilespmem:s10+$0x10];
	(xrf2) =	vadd.scan.msk.f32 $0xffff, v12  }
0x25c: {  	s6 =	sadd.s32 $0x2, s6;
	v12 =	vunpack.i.l.bf16.f32 v15;
	v15 =	vunpack.i.u.bf16.f32 v19;
	v19 =	vunpack.i.l.bf16.f32 v19;
	v27 =	vld [tilespmem:s10+$0xFFFFFFC0]  }
0x25d: {  	p0 =	slt.u32 s6, $0x4E;
	v30 =	vunpack.i.u.bf16.f32 v20;
	v20 =	vunpack.i.l.bf16.f32 v20;
	v28 =	vunpack.i.u.bf16.f32 v16;
	v29 =	vld [tilespmem:s19+$0x10]  }
0x25e: {  	v16 =	vunpack.i.l.bf16.f32 v16;
	v31 =	vld [tilespmem:s9+$0xFFFFFFD0];
	v32 =	vunpack.i.u.bf16.f32 v11;
	v11 =	vunpack.i.l.bf16.f32 v11  }
0x25f: {  	v21 =	vmul.f32 v25, v21;
	v33 =	vld [tilespmem:s10+$0xFFFFFFD0];
	v34 =	vunpack.i.u.bf16.f32 v10;
	v10 =	vunpack.i.l.bf16.f32 v10  }
0x260: {  	v19 =	vmul.f32 v20, v19;
	v15 =	vmul.f32 v30, v15;
	v25 =	vld [tilespmem:s9+$0xFFFFFFC0];
	v35 =	vunpack.i.u.bf16.f32 v23  }
0x261: {  	v11 =	vmul.f32 v11, v16;
	v16 =	vmul.f32 v32, v28;
	v23 =	vunpack.i.l.bf16.f32 v23;
	v20 =	vld [tilespmem:s19+$0xFFFFFFC0]  }
0x262: {  	v10 =	vmul.f32 v23, v10;
	v23 =	vmul.f32 v35, v34;
	v28 =	vld [tilespmem:s19+$0xFFFFFFD0];
	v30 =	vunpack.i.u.bf16.f32 v29  }
0x263: {  	v11 =	vmul.f32 v12, v11;
	v16 =	vmul.f32 v18, v16;
	v12 =	vunpack.i.l.bf16.f32 v29;
	v32 =	vld [tilespmem:s9+$0xFFFFFFE0]  }
0x264: {  	v18 =	vmul.f32 v12, v10;
	v23 =	vmul.f32 v30, v23;
	v12 =	vunpack.i.u.bf16.f32 v26;
	v29 =	vld [tilespmem:s10+$0xFFFFFFE0]  }
0x265: {  	v22 =	vunpack.i.u.bf16.f32 v22;
	v19 =	vmul.f32 v13, v19;
	v14 =	vmul.f32 v12, v14;
	v10 =	vld [tilespmem:s19+$0xFFFFFFE0];
	v13, _, _ =	vpop (xrf2)  }
0x266: {  	v15 =	vmul.f32 v22, v15;
	v16 =	vadd.f32 v11, v16;
	v18 =	vadd.f32 v18, v23;
	v12 =	vld [tilespmem:s9+$0xFFFFFFF0];
	[tilespmem:s3+$0xFFFFFFF0] =	vst v13;
	s3 =	smov.u32 s11;
	s11 =	smov.u32 s13  }
0x267: {  	v17 =	vmul.f32 v17, v21;
	v22 =	vunpack.i.u.bf16.f32 v25;
	v23 =	vunpack.i.u.bf16.f32 v24;
	v13 =	vld [tilespmem:s10+$0xFFFFFFF0]  }
0x268: {  	v15 =	vadd.f32 v19, v15;
	v14 =	vmul.f32 v23, v14;
	v16 =	vadd.f32 v18, v16;
	v11 =	vld [tilespmem:s19+$0xFFFFFFF0]  }
0x269: {  	v19 =	vunpack.i.u.bf16.f32 v27;
	v21 =	vunpack.i.l.bf16.f32 v27;
	v18 =	vunpack.i.l.bf16.f32 v25  }
0x26a: {  	v23 =	vunpack.i.u.bf16.f32 v31;
	v14 =	vadd.f32 v17, v14;
	v15 =	vadd.f32 v15, v16  }
0x26b: {  	v24 =	vunpack.i.l.bf16.f32 v33;
	v17 =	vunpack.i.u.bf16.f32 v33;
	v16 =	vunpack.i.l.bf16.f32 v31  }
.Ltmp1:
0x26c: {  	v26 =	vmul.f32 v19, v22;
	v25 =	vmul.f32 v21, v18;
	v18 =	vadd.f32 v14, v15;
	(pc) =	sbr.rel @p0 .LBB2_5-.Ltmp1, $4  }
0x26d: {  	v27 =	vunpack.i.u.bf16.f32 v20;
	v14 =	vmul.f32 v24, v16;
	v15 =	vmul.f32 v17, v23  }
0x26e: {  	v19 =	vunpack.i.u.bf16.f32 v28;
	v22 =	vunpack.i.l.bf16.f32 v28;
	v16 =	vunpack.i.l.bf16.f32 v20;
	(xrf2) =	vadd.scan.msk.f32 $0xffff, v18  }
0x26f: {  	v21 =	vunpack.i.u.bf16.f32 v29;
	v20 =	vunpack.i.l.bf16.f32 v32;
	v18 =	vunpack.i.u.bf16.f32 v32  }
0x270: {  	s19 =	sadd.s32 $0x80, s19;
	v17 =	vmul.f32 v27, v26;
	v23 =	vunpack.i.l.bf16.f32 v29;
	v16 =	vmul.f32 v16, v25  }
0x271: {  	v14 =	vmul.f32 v22, v14;
	v15 =	vmul.f32 v19, v15;
	v19 =	vunpack.i.u.bf16.f32 v10  }
0x272: {  	v10 =	vunpack.i.l.bf16.f32 v10;
	v20 =	vmul.f32 v23, v20;
	v18 =	vmul.f32 v21, v18  }
0x273: {  	v21 =	vunpack.i.u.bf16.f32 v12;
	v12 =	vunpack.i.l.bf16.f32 v12;
	v22 =	vunpack.i.u.bf16.f32 v13  }
0x274: {  	v13 =	vunpack.i.l.bf16.f32 v13;
	v16 =	vadd.f32 v16, v17;
	v17 =	vunpack.i.u.bf16.f32 v11  }
0x275: {  	v12 =	vmul.f32 v13, v12;
	v13 =	vmul.f32 v22, v21;
	v11 =	vunpack.i.l.bf16.f32 v11  }
0x276: {  	v14 =	vadd.f32 v14, v15;
	v10 =	vmul.f32 v10, v20;
	v15 =	vmul.f32 v19, v18  }
0x277: {  	v11 =	vmul.f32 v11, v12  }
0x278: {  	v12 =	vmul.f32 v17, v13;
	v14 =	vadd.f32 v14, v16;
	v10 =	vadd.f32 v10, v15  }
0x279: {  	v7 =	vadd.f32 v8, v7;
	v5 =	vadd.f32 v9, v5  }
0x27a: {  	v9 =	vadd.f32 v11, v12;
	v8 =	vadd.f32 v10, v14  }
0x27b: {  	v6 =	vadd.f32 v7, v6  }
0x27c: {  	(xrf2) =	vadd.scan.msk.f32 $0xffff, v5;
	v5 =	vadd.f32 v9, v8  }
0x27d: {  	(xrf2) =	vadd.scan.msk.f32 $0xffff, v6  }
0x27e: {  	(xrf2) =	vadd.scan.msk.f32 $0xffff, v5;
	_ =	sdelay $0x6  }
0x27f: {  	s6 =	sadd.s32 $0x20, s13;
	v6, _, _ =	vpop (xrf2);
	v5 =	vor.u32 $0xF, v4  }
0x280: {  	[tilespmem:s6+$0x0] =	vst v6;
	v7, _, _ =	vpop (xrf2)  }
0x281: {  	[tilespmem:s3+$0xFFFFFFF0] =	vst v7;
	v6, _, _ =	vpop (xrf2)  }
0x282: {  	[tilespmem:s11+$0xFFFFFFF0] =	vst v6;
	v6, _, _ =	vpop (xrf2)  }
0x283: {  	[tilespmem:s6+$0xFFFFFFF0] =	vst v6  }
0x284: {  	v6 =	vld.idx.msk [tilespmem:v5+s26+$0x0], $0xffff;
	_ =	sdelay $0x4  }
0x285: {  	v6 =	vsub.f32 $0.0e+00, v6;
	_ =	sdelay $0x1  }
0x286: {  	v6 =	vmul.f32 $1.442695020e+00, v6;
	_ =	sdelay $0x1  }
0x287: {  	(erf) = vpow2.f32 v6;
	_ =	sdelay $0x8  }
0x288: {  	v6 =	vpop (erf)  }
0x289: {  	v6 =	vadd.f32 $1.000000000e+00, v6;
	_ =	sdelay $0x1  }
0x28a: {  	(erf) = vrcp.f32 v6;
	_ =	sdelay $0x5  }
0x28b: {  	v6 =	vor.u32 $0x10F, v4;
	_ =	sdelay $0x2  }
0x28c: {  	v7 =	vpop (erf)  }
0x28d: {  	[tilespmem:$0x16BA0] =	vst v7  }
0x28e: {  	v7 =	vld.idx.msk [tilespmem:v6+s26+$0x0], $0xffff;
	_ =	sdelay $0x4  }
0x28f: {  	v7 =	vsub.f32 $0.0e+00, v7;
	_ =	sdelay $0x1  }
0x290: {  	v7 =	vmul.f32 $1.442695020e+00, v7;
	_ =	sdelay $0x1  }
0x291: {  	(erf) = vpow2.f32 v7;
	_ =	sdelay $0x8  }
0x292: {  	v7 =	vpop (erf)  }
0x293: {  	v7 =	vadd.f32 $1.000000000e+00, v7;
	_ =	sdelay $0x1  }
0x294: {  	(erf) = vrcp.f32 v7;
	_ =	sdelay $0x5  }
0x295: {  	v7 =	vor.u32 $0x20F, v4;
	_ =	sdelay $0x2  }
0x296: {  	v8 =	vpop (erf)  }
0x297: {  	[tilespmem:$0x16BB0] =	vst v8  }
0x298: {  	v8 =	vld.idx.msk [tilespmem:v7+s26+$0x0], $0xffff;
	_ =	sdelay $0x4  }
0x299: {  	v8 =	vsub.f32 $0.0e+00, v8;
	_ =	sdelay $0x1  }
0x29a: {  	v8 =	vmul.f32 $1.442695020e+00, v8;
	_ =	sdelay $0x1  }
0x29b: {  	(erf) = vpow2.f32 v8;
	_ =	sdelay $0x8  }
0x29c: {  	v8 =	vpop (erf)  }
0x29d: {  	v8 =	vadd.f32 $1.000000000e+00, v8;
	_ =	sdelay $0x1  }
0x29e: {  	(erf) = vrcp.f32 v8;
	_ =	sdelay $0x5  }
0x29f: {  	v8 =	vor.u32 $0x30F, v4;
	_ =	sdelay $0x2  }
0x2a0: {  	v9 =	vpop (erf)  }
0x2a1: {  	[tilespmem:$0x16BC0] =	vst v9  }
0x2a2: {  	v9 =	vld.idx.msk [tilespmem:v8+s26+$0x0], $0xffff;
	_ =	sdelay $0x4  }
0x2a3: {  	v9 =	vsub.f32 $0.0e+00, v9;
	_ =	sdelay $0x1  }
0x2a4: {  	v9 =	vmul.f32 $1.442695020e+00, v9;
	_ =	sdelay $0x1  }
0x2a5: {  	(erf) = vpow2.f32 v9;
	_ =	sdelay $0x8  }
0x2a6: {  	v9 =	vpop (erf)  }
0x2a7: {  	v9 =	vadd.f32 $1.000000000e+00, v9;
	_ =	sdelay $0x1  }
0x2a8: {  	(erf) = vrcp.f32 v9;
	_ =	sdelay $0x5  }
0x2a9: {  	v9 =	vor.u32 $0x40F, v4;
	_ =	sdelay $0x2  }
0x2aa: {  	v10 =	vpop (erf)  }
0x2ab: {  	[tilespmem:$0x16BD0] =	vst v10  }
0x2ac: {  	v10 =	vld.idx.msk [tilespmem:v9+s26+$0x0], $0xffff;
	_ =	sdelay $0x4  }
0x2ad: {  	v10 =	vsub.f32 $0.0e+00, v10;
	_ =	sdelay $0x1  }
0x2ae: {  	v10 =	vmul.f32 $1.442695020e+00, v10;
	_ =	sdelay $0x1  }
0x2af: {  	(erf) = vpow2.f32 v10;
	_ =	sdelay $0x8  }
0x2b0: {  	v10 =	vpop (erf)  }
0x2b1: {  	v10 =	vadd.f32 $1.000000000e+00, v10;
	_ =	sdelay $0x1  }
0x2b2: {  	(erf) = vrcp.f32 v10;
	_ =	sdelay $0x8  }
0x2b3: {  	v10 =	vpop (erf)  }
0x2b4: {  	[tilespmem:$0x16BE0] =	vst v10  }
0x2b5: {  	[hbm4b:s2+s15] =	stream.indirect.scatter [tilespmem:s29], [sflag:$0x7], $0x1, s28, s15, $0xb8;
	[tilespmem:$0x17170] =	vst v63  }
0x2b6: {  	s10 =	sadd.s32 $0x7E70, s8  }
0x2b7: {  	[tilespmem:s16], [sflag:$0x1] =	stream.indirect.gather [hbm4b:s4+s15], $0x40, s10, s15, $0xb8;
	[tilespmem:$0x17170] =	vst v63  }
0x2b8: {  	s11 =	sadd.s32 $0xA580, s8  }
0x2b9: {  	[tilespmem:s17], [sflag:$0x2] =	stream.indirect.gather [hbm4b:s4+s15], $0x40, s11, s15, $0xb8;
	[tilespmem:$0x17170] =	vst v63  }
0x2ba: {  	s13 =	sadd.s32 $0xCC90, s8  }
0x2bb: {  	[tilespmem:s18], [sflag:$0x3] =	stream.indirect.gather [hbm4b:s5+s15], $0x40, s13, s15, $0xb8;
	[tilespmem:$0x17170] =	vst v63  }
0x2bc: {  	_ =	swait.ge [sflag:s30], $0x1400  }
0x2bd: {  	[sflag:s30] =	ssyncset.done $0x0  }
0x2be: {  	[sflag:s30] =	ssyncadd.s32 $0xFFFFEC00  }
0x2bf: {  	_ =	swait.ge [sflag:s31], $0x1400  }
0x2c0: {  	[sflag:s31] =	ssyncset.done $0x0  }
0x2c1: {  	[sflag:s31] =	ssyncadd.s32 $0xFFFFEC00  }
0x2c2: {  	_ =	swait.ge [sflag:s0], $0x1400  }
0x2c3: {  	[sflag:s0] =	ssyncset.done $0x0  }
0x2c4: {  	[sflag:s0] =	ssyncadd.s32 $0xFFFFEC00  }
0x2c5: {  	v10 =	vld [tilespmem:s14+$0xCBF0];
	_ =	sdelay $0x4  }
0x2c6: {  	[tilespmem:$0x17150] =	vst v10  }
0x2c7: {  	v11 =	vld [tilespmem:$0x1714F]  }
0x2c8: {  	v12 =	vld [tilespmem:$0x1714E]  }
0x2c9: {  	v13 =	vld [tilespmem:$0x1714D]  }
0x2ca: {  	v14 =	vld [tilespmem:$0x1714C]  }
0x2cb: {  	v15 =	vld [tilespmem:$0x1714B]  }
0x2cc: {  	v16 =	vld [tilespmem:$0x1714A]  }
0x2cd: {  	vm0 =	veq.s32 v11, v10;
	vm15 =	veq.s32 v12, v10;
	v11 =	vld [tilespmem:$0x17149]  }
0x2ce: {  	vm9 =	veq.s32 v13, v10;
	v13 =	vld [tilespmem:$0x17148];
	v12 =	vsel vm0, $0x1, v2;
	v17 =	vsel vm15, $0x1, v2  }
0x2cf: {  	vm10 =	veq.s32 v14, v10;
	v14 =	vld [tilespmem:$0x17147];
	v12 =	vadd.s32 v12, v17;
	v17 =	vsel vm9, $0x1, v2  }
0x2d0: {  	vm11 =	veq.s32 v15, v10;
	v15 =	vld [tilespmem:$0x17146];
	v12 =	vadd.s32 v17, v12;
	v17 =	vsel vm10, $0x1, v2  }
0x2d1: {  	vm12 =	veq.s32 v16, v10;
	v16 =	vld [tilespmem:$0x17145];
	v12 =	vadd.s32 v17, v12;
	v17 =	vsel vm11, $0x1, v2  }
0x2d2: {  	v12 =	vadd.s32 v17, v12;
	v17 =	vsel vm12, $0x1, v2;
	vm13 =	veq.s32 v11, v10;
	v11 =	vld [tilespmem:$0x17144]  }
0x2d3: {  	vm14 =	veq.s32 v13, v10;
	v13 =	vld [tilespmem:$0x17143];
	v12 =	vadd.s32 v17, v12;
	v17 =	vsel vm13, $0x1, v2  }
0x2d4: {  	vm15 =	veq.s32 v14, v10;
	v14 =	vld [tilespmem:$0x17142];
	v12 =	vadd.s32 v17, v12;
	v17 =	vsel vm14, $0x1, v2  }
0x2d5: {  	vm4 =	veq.s32 v15, v10;
	v12 =	vadd.s32 v17, v12;
	v17 =	vsel vm15, $0x1, v2  }
0x2d6: {  	vm5 =	veq.s32 v16, v10;
	v16 =	vld [tilespmem:$0x17141];
	v15 =	vsel vm4, $0x1, v2;
	v12 =	vadd.s32 v17, v12  }
0x2d7: {  	v12 =	vadd.s32 v15, v12;
	v15 =	vsel vm5, $0x1, v2;
	vm6 =	veq.s32 v11, v10;
	v11 =	vld.idx.msk [tilespmem:v10+s25+$0x0], $0xffff  }
0x2d8: {  	vm7 =	veq.s32 v13, v10;
	v12 =	vadd.s32 v15, v12;
	v15 =	vsel vm6, $0x1, v2  }
0x2d9: {  	vm8 =	veq.s32 v14, v10;
	v13 =	vsel vm7, $0x1, v2;
	v12 =	vadd.s32 v15, v12  }
0x2da: {  	v12 =	vadd.s32 v13, v12;
	v13 =	vsel vm8, $0x1, v2  }
0x2db: {  	vm9 =	veq.s32 v16, v10;
	v12 =	vadd.s32 v13, v12  }
0x2dc: {  	v13 =	vsel vm9, $0x1, v2;
	v11 =	vadd.s32 v11, v12  }
0x2dd: {  	v11 =	vadd.s32 v13, v11  }
0x2de: {  	[tilespmem:$0x16B50] =	vst v11  }
0x2df: {  	[tilespmem:v10+s25+$0x0] =	vst.idx.add.s32.msk $0xffff, v3  }
0x2e0: {  	v10 =	vld [tilespmem:s8+$0xCC50];
	_ =	sdelay $0x4  }
0x2e1: {  	[tilespmem:$0x17150] =	vst v10  }
0x2e2: {  	v11 =	vld [tilespmem:$0x1714F]  }
0x2e3: {  	v12 =	vld [tilespmem:$0x1714E]  }
0x2e4: {  	v13 =	vld [tilespmem:$0x1714D]  }
0x2e5: {  	v14 =	vld [tilespmem:$0x1714C]  }
0x2e6: {  	v15 =	vld [tilespmem:$0x1714B]  }
0x2e7: {  	v16 =	vld [tilespmem:$0x1714A]  }
0x2e8: {  	vm10 =	veq.s32 v11, v10;
	vm11 =	veq.s32 v12, v10;
	v11 =	vld [tilespmem:$0x17149]  }
0x2e9: {  	vm15 =	veq.s32 v13, v10;
	v13 =	vld [tilespmem:$0x17148];
	v12 =	vsel vm10, $0x1, v2;
	v17 =	vsel vm11, $0x1, v2  }
0x2ea: {  	vm4 =	veq.s32 v14, v10;
	v14 =	vld [tilespmem:$0x17147];
	v12 =	vadd.s32 v12, v17;
	v17 =	vsel vm15, $0x1, v2  }
0x2eb: {  	vm5 =	veq.s32 v15, v10;
	v15 =	vld [tilespmem:$0x17146];
	v12 =	vadd.s32 v17, v12;
	v17 =	vsel vm4, $0x1, v2  }
0x2ec: {  	vm6 =	veq.s32 v16, v10;
	v16 =	vld [tilespmem:$0x17145];
	v12 =	vadd.s32 v17, v12;
	v17 =	vsel vm5, $0x1, v2  }
0x2ed: {  	v12 =	vadd.s32 v17, v12;
	v17 =	vsel vm6, $0x1, v2;
	vm7 =	veq.s32 v11, v10;
	v11 =	vld [tilespmem:$0x17144]  }
0x2ee: {  	vm8 =	veq.s32 v13, v10;
	v13 =	vld [tilespmem:$0x17143];
	v12 =	vadd.s32 v17, v12;
	v17 =	vsel vm7, $0x1, v2  }
0x2ef: {  	vm9 =	veq.s32 v14, v10;
	v14 =	vld [tilespmem:$0x17142];
	v12 =	vadd.s32 v17, v12;
	v17 =	vsel vm8, $0x1, v2  }
0x2f0: {  	vm10 =	veq.s32 v15, v10;
	v12 =	vadd.s32 v17, v12;
	v17 =	vsel vm9, $0x1, v2  }
0x2f1: {  	vm11 =	veq.s32 v16, v10;
	v16 =	vld [tilespmem:$0x17141];
	v15 =	vsel vm10, $0x1, v2;
	v12 =	vadd.s32 v17, v12  }
0x2f2: {  	v12 =	vadd.s32 v15, v12;
	v15 =	vsel vm11, $0x1, v2;
	vm12 =	veq.s32 v11, v10;
	v11 =	vld.idx.msk [tilespmem:v10+s25+$0x0], $0xffff  }
0x2f3: {  	vm13 =	veq.s32 v13, v10;
	v12 =	vadd.s32 v15, v12;
	v15 =	vsel vm12, $0x1, v2  }
0x2f4: {  	vm14 =	veq.s32 v14, v10;
	v13 =	vsel vm13, $0x1, v2;
	v12 =	vadd.s32 v15, v12  }
0x2f5: {  	v12 =	vadd.s32 v13, v12;
	v13 =	vsel vm14, $0x1, v2  }
0x2f6: {  	vm15 =	veq.s32 v16, v10;
	v12 =	vadd.s32 v13, v12  }
0x2f7: {  	v13 =	vsel vm15, $0x1, v2;
	v11 =	vadd.s32 v11, v12  }
0x2f8: {  	v11 =	vadd.s32 v13, v11  }
0x2f9: {  	[tilespmem:$0x16B60] =	vst v11  }
0x2fa: {  	[tilespmem:v10+s25+$0x0] =	vst.idx.add.s32.msk $0xffff, v3  }
0x2fb: {  	v10 =	vld [tilespmem:s8+$0xCC60];
	_ =	sdelay $0x4  }
0x2fc: {  	[tilespmem:$0x17150] =	vst v10  }
0x2fd: {  	v11 =	vld [tilespmem:$0x1714F]  }
0x2fe: {  	v12 =	vld [tilespmem:$0x1714E]  }
0x2ff: {  	v13 =	vld [tilespmem:$0x1714D]  }
0x300: {  	v14 =	vld [tilespmem:$0x1714C]  }
0x301: {  	v15 =	vld [tilespmem:$0x1714B]  }
0x302: {  	v16 =	vld [tilespmem:$0x1714A]  }
0x303: {  	vm4 =	veq.s32 v11, v10;
	vm5 =	veq.s32 v12, v10;
	v11 =	vld [tilespmem:$0x17149]  }
0x304: {  	vm6 =	veq.s32 v13, v10;
	v13 =	vld [tilespmem:$0x17148];
	v12 =	vsel vm4, $0x1, v2;
	v17 =	vsel vm5, $0x1, v2  }
0x305: {  	vm7 =	veq.s32 v14, v10;
	v14 =	vld [tilespmem:$0x17147];
	v12 =	vadd.s32 v12, v17;
	v17 =	vsel vm6, $0x1, v2  }
0x306: {  	vm8 =	veq.s32 v15, v10;
	v15 =	vld [tilespmem:$0x17146];
	v12 =	vadd.s32 v17, v12;
	v17 =	vsel vm7, $0x1, v2  }
0x307: {  	vm9 =	veq.s32 v16, v10;
	v16 =	vld [tilespmem:$0x17145];
	v12 =	vadd.s32 v17, v12;
	v17 =	vsel vm8, $0x1, v2  }
0x308: {  	v12 =	vadd.s32 v17, v12;
	v17 =	vsel vm9, $0x1, v2;
	vm10 =	veq.s32 v11, v10;
	v11 =	vld [tilespmem:$0x17144]  }
0x309: {  	vm11 =	veq.s32 v13, v10;
	v13 =	vld [tilespmem:$0x17143];
	v12 =	vadd.s32 v17, v12;
	v17 =	vsel vm10, $0x1, v2  }
0x30a: {  	vm12 =	veq.s32 v14, v10;
	v14 =	vld [tilespmem:$0x17142];
	v12 =	vadd.s32 v17, v12;
	v17 =	vsel vm11, $0x1, v2  }
0x30b: {  	vm13 =	veq.s32 v15, v10;
	v12 =	vadd.s32 v17, v12;
	v17 =	vsel vm12, $0x1, v2  }
0x30c: {  	vm14 =	veq.s32 v16, v10;
	v16 =	vld [tilespmem:$0x17141];
	v15 =	vsel vm13, $0x1, v2;
	v12 =	vadd.s32 v17, v12  }
0x30d: {  	v12 =	vadd.s32 v15, v12;
	v15 =	vsel vm14, $0x1, v2;
	vm15 =	veq.s32 v11, v10;
	v11 =	vld.idx.msk [tilespmem:v10+s25+$0x0], $0xffff  }
0x30e: {  	vm4 =	veq.s32 v13, v10;
	v12 =	vadd.s32 v15, v12;
	v15 =	vsel vm15, $0x1, v2  }
0x30f: {  	vm5 =	veq.s32 v14, v10;
	v13 =	vsel vm4, $0x1, v2;
	v12 =	vadd.s32 v15, v12  }
0x310: {  	v12 =	vadd.s32 v13, v12;
	v13 =	vsel vm5, $0x1, v2  }
0x311: {  	vm6 =	veq.s32 v16, v10;
	v12 =	vadd.s32 v13, v12  }
0x312: {  	v13 =	vsel vm6, $0x1, v2;
	v11 =	vadd.s32 v11, v12  }
0x313: {  	v11 =	vadd.s32 v13, v11  }
0x314: {  	[tilespmem:$0x16B70] =	vst v11  }
0x315: {  	[tilespmem:v10+s25+$0x0] =	vst.idx.add.s32.msk $0xffff, v3  }
0x316: {  	v10 =	vld [tilespmem:s8+$0xCC70];
	_ =	sdelay $0x4  }
0x317: {  	[tilespmem:$0x17150] =	vst v10  }
0x318: {  	v11 =	vld [tilespmem:$0x1714F]  }
0x319: {  	v12 =	vld [tilespmem:$0x1714E]  }
0x31a: {  	v13 =	vld [tilespmem:$0x1714D]  }
0x31b: {  	v14 =	vld [tilespmem:$0x1714C]  }
0x31c: {  	v15 =	vld [tilespmem:$0x1714B]  }
0x31d: {  	v16 =	vld [tilespmem:$0x1714A]  }
0x31e: {  	vm7 =	veq.s32 v11, v10;
	vm8 =	veq.s32 v12, v10;
	v11 =	vld [tilespmem:$0x17149]  }
0x31f: {  	vm9 =	veq.s32 v13, v10;
	v13 =	vld [tilespmem:$0x17148];
	v12 =	vsel vm7, $0x1, v2;
	v17 =	vsel vm8, $0x1, v2  }
0x320: {  	vm10 =	veq.s32 v14, v10;
	v14 =	vld [tilespmem:$0x17147];
	v12 =	vadd.s32 v12, v17;
	v17 =	vsel vm9, $0x1, v2  }
0x321: {  	vm11 =	veq.s32 v15, v10;
	v15 =	vld [tilespmem:$0x17146];
	v12 =	vadd.s32 v17, v12;
	v17 =	vsel vm10, $0x1, v2  }
0x322: {  	vm12 =	veq.s32 v16, v10;
	v16 =	vld [tilespmem:$0x17145];
	v12 =	vadd.s32 v17, v12;
	v17 =	vsel vm11, $0x1, v2  }
0x323: {  	v12 =	vadd.s32 v17, v12;
	v17 =	vsel vm12, $0x1, v2;
	vm13 =	veq.s32 v11, v10;
	v11 =	vld [tilespmem:$0x17144]  }
0x324: {  	vm14 =	veq.s32 v13, v10;
	v13 =	vld [tilespmem:$0x17143];
	v12 =	vadd.s32 v17, v12;
	v17 =	vsel vm13, $0x1, v2  }
0x325: {  	vm15 =	veq.s32 v14, v10;
	v14 =	vld [tilespmem:$0x17142];
	v12 =	vadd.s32 v17, v12;
	v17 =	vsel vm14, $0x1, v2  }
0x326: {  	vm4 =	veq.s32 v15, v10;
	v12 =	vadd.s32 v17, v12;
	v17 =	vsel vm15, $0x1, v2  }
0x327: {  	vm5 =	veq.s32 v16, v10;
	v16 =	vld [tilespmem:$0x17141];
	v15 =	vsel vm4, $0x1, v2;
	v12 =	vadd.s32 v17, v12  }
0x328: {  	v12 =	vadd.s32 v15, v12;
	v15 =	vsel vm5, $0x1, v2;
	vm6 =	veq.s32 v11, v10;
	v11 =	vld.idx.msk [tilespmem:v10+s25+$0x0], $0xffff  }
0x329: {  	vm7 =	veq.s32 v13, v10;
	v12 =	vadd.s32 v15, v12;
	v15 =	vsel vm6, $0x1, v2  }
0x32a: {  	vm8 =	veq.s32 v14, v10;
	v13 =	vsel vm7, $0x1, v2;
	v12 =	vadd.s32 v15, v12  }
0x32b: {  	v12 =	vadd.s32 v13, v12;
	v13 =	vsel vm8, $0x1, v2  }
0x32c: {  	vm9 =	veq.s32 v16, v10;
	v12 =	vadd.s32 v13, v12  }
0x32d: {  	v13 =	vsel vm9, $0x1, v2;
	v11 =	vadd.s32 v11, v12  }
0x32e: {  	v11 =	vadd.s32 v13, v11  }
0x32f: {  	[tilespmem:$0x16B80] =	vst v11  }
0x330: {  	[tilespmem:v10+s25+$0x0] =	vst.idx.add.s32.msk $0xffff, v3  }
0x331: {  	v10 =	vld [tilespmem:s8+$0xCC80];
	_ =	sdelay $0x4  }
0x332: {  	[tilespmem:$0x17150] =	vst v10  }
0x333: {  	v11 =	vld [tilespmem:$0x1714F]  }
0x334: {  	v12 =	vld [tilespmem:$0x1714E]  }
0x335: {  	v13 =	vld [tilespmem:$0x1714D]  }
0x336: {  	v14 =	vld [tilespmem:$0x1714C]  }
0x337: {  	v15 =	vld [tilespmem:$0x1714B]  }
0x338: {  	v16 =	vld [tilespmem:$0x1714A]  }
0x339: {  	vm10 =	veq.s32 v11, v10;
	vm11 =	veq.s32 v12, v10;
	v11 =	vld [tilespmem:$0x17149]  }
0x33a: {  	vm15 =	veq.s32 v13, v10;
	v13 =	vld [tilespmem:$0x17148];
	v12 =	vsel vm10, $0x1, v2;
	v17 =	vsel vm11, $0x1, v2  }
0x33b: {  	vm4 =	veq.s32 v14, v10;
	v14 =	vld [tilespmem:$0x17147];
	v12 =	vadd.s32 v12, v17;
	v17 =	vsel vm15, $0x1, v2  }
0x33c: {  	vm5 =	veq.s32 v15, v10;
	v15 =	vld [tilespmem:$0x17146];
	v12 =	vadd.s32 v17, v12;
	v17 =	vsel vm4, $0x1, v2  }
0x33d: {  	vm6 =	veq.s32 v16, v10;
	v16 =	vld [tilespmem:$0x17145];
	v12 =	vadd.s32 v17, v12;
	v17 =	vsel vm5, $0x1, v2  }
0x33e: {  	v12 =	vadd.s32 v17, v12;
	v17 =	vsel vm6, $0x1, v2;
	vm7 =	veq.s32 v11, v10;
	v11 =	vld [tilespmem:$0x17144]  }
0x33f: {  	vm8 =	veq.s32 v13, v10;
	v13 =	vld [tilespmem:$0x17143];
	v12 =	vadd.s32 v17, v12;
	v17 =	vsel vm7, $0x1, v2  }
0x340: {  	vm9 =	veq.s32 v14, v10;
	v14 =	vld [tilespmem:$0x17142];
	v12 =	vadd.s32 v17, v12;
	v17 =	vsel vm8, $0x1, v2  }
0x341: {  	vm10 =	veq.s32 v15, v10;
	v12 =	vadd.s32 v17, v12;
	v17 =	vsel vm9, $0x1, v2  }
0x342: {  	vm11 =	veq.s32 v16, v10;
	v16 =	vld [tilespmem:$0x17141];
	v15 =	vsel vm10, $0x1, v2;
	v12 =	vadd.s32 v17, v12  }
0x343: {  	v12 =	vadd.s32 v15, v12;
	v15 =	vsel vm11, $0x1, v2;
	vm12 =	veq.s32 v11, v10;
	v11 =	vld.idx.msk [tilespmem:v10+s25+$0x0], $0xffff  }
0x344: {  	vm13 =	veq.s32 v13, v10;
	v12 =	vadd.s32 v15, v12;
	v15 =	vsel vm12, $0x1, v2  }
0x345: {  	vm14 =	veq.s32 v14, v10;
	v13 =	vsel vm13, $0x1, v2;
	v12 =	vadd.s32 v15, v12  }
0x346: {  	v12 =	vadd.s32 v13, v12;
	v13 =	vsel vm14, $0x1, v2  }
0x347: {  	vm15 =	veq.s32 v16, v10;
	v12 =	vadd.s32 v13, v12  }
0x348: {  	v13 =	vsel vm15, $0x1, v2;
	v11 =	vadd.s32 v11, v12  }
0x349: {  	v11 =	vadd.s32 v13, v11  }
0x34a: {  	[tilespmem:$0x16B90] =	vst v11  }
0x34b: {  	s19 =	simm.s32 $0x12F70;
	[tilespmem:v10+s25+$0x0] =	vst.idx.add.s32.msk $0xffff, v3  }
0x34c: {  	s9 =	simm.s32 $0x10770;
	v10 =	vld [tilespmem:s19+$0xFFFFFFF0]  }
0x34d: {  	s10 =	simm.s32 $0x15770;
	v11 =	vld [tilespmem:s9+$0x0]  }
0x34e: {  	v12 =	vld [tilespmem:s10+$0x0]  }
0x34f: {  	v13 =	vld [tilespmem:s19+$0xFFFFFFD0]  }
0x350: {  	v14 =	vld [tilespmem:s9+$0xFFFFFFF0]  }
0x351: {  	v15 =	vld [tilespmem:s10+$0xFFFFFFF0]  }
0x352: {  	v16 =	vld [tilespmem:s9+$0xFFFFFFD0]  }
0x353: {  	v17 =	vld [tilespmem:s10+$0xFFFFFFD0]  }
0x354: {  	v18 =	vld [tilespmem:s9+$0xFFFFFFE0]  }
0x355: {  	v19 =	vunpack.i.l.bf16.f32 v10;
	v20 =	vunpack.i.u.bf16.f32 v11;
	v21 =	vunpack.i.u.bf16.f32 v13  }
0x356: {  	v22 =	vld [tilespmem:s10+$0xFFFFFFE0];
	v11 =	vunpack.i.l.bf16.f32 v11;
	v23 =	vunpack.i.l.bf16.f32 v12;
	v13 =	vunpack.i.l.bf16.f32 v13  }
0x357: {  	v24 =	vunpack.i.u.bf16.f32 v14;
	v14 =	vunpack.i.l.bf16.f32 v14;
	v25 =	vunpack.i.u.bf16.f32 v16  }
0x358: {  	v27 =	vunpack.i.u.bf16.f32 v15;
	v15 =	vunpack.i.l.bf16.f32 v15;
	v16 =	vunpack.i.l.bf16.f32 v16  }
0x359: {  	v26 =	vld [tilespmem:s19+$0xFFFFFFE0];
	v28 =	vunpack.i.u.bf16.f32 v17;
	v17 =	vunpack.i.l.bf16.f32 v17;
	v30 =	vunpack.i.u.bf16.f32 v18  }
0x35a: {  	v18 =	vunpack.i.l.bf16.f32 v18;
	v12 =	vunpack.i.u.bf16.f32 v12;
	v11 =	vmul.f32 v23, v11  }
0x35b: {  	v29 =	vld [tilespmem:s19+$0x0];
	v23 =	vunpack.i.u.bf16.f32 v22;
	v14 =	vmul.f32 v15, v14;
	v15 =	vmul.f32 v27, v24  }
0x35c: {  	v16 =	vmul.f32 v17, v16;
	v17 =	vmul.f32 v28, v25;
	v22 =	vunpack.i.l.bf16.f32 v22  }
0x35d: {  	v10 =	vunpack.i.u.bf16.f32 v10;
	v24 =	vld [tilespmem:s9+$0xFFFFFF90];
	v18 =	vmul.f32 v22, v18;
	v22 =	vmul.f32 v23, v30  }
0x35e: {  	v25 =	vunpack.i.u.bf16.f32 v26;
	v23 =	vld [tilespmem:s10+$0xFFFFFF90];
	v13 =	vmul.f32 v13, v16;
	v16 =	vmul.f32 v21, v17  }
0x35f: {  	v17 =	vunpack.i.l.bf16.f32 v26;
	v14 =	vmul.f32 v19, v14;
	v19 =	vld [tilespmem:s10+$0xFFFFFFA0];
	v10 =	vmul.f32 v10, v15  }
0x360: {  	v21 =	vunpack.i.l.bf16.f32 v29;
	v17 =	vmul.f32 v17, v18;
	v18 =	vmul.f32 v25, v22;
	v22 =	vld [tilespmem:s9+$0xFFFFFFA0]  }
0x361: {  	v12 =	vmul.f32 v12, v20;
	v15 =	vld [tilespmem:s19+$0xFFFFFF90];
	v11 =	vmul.f32 v21, v11;
	v13 =	vadd.f32 v13, v16  }
0x362: {  	v21 =	vld [tilespmem:s10+$0xFFFFFFB0];
	v10 =	vadd.f32 v14, v10;
	v16 =	vadd.f32 v17, v18;
	v18 =	vunpack.i.u.bf16.f32 v29  }
0x363: {  	v14 =	vld [tilespmem:s9+$0xFFFFFFB0];
	v17 =	vunpack.i.u.bf16.f32 v24;
	v12 =	vmul.f32 v18, v12;
	v18 =	vunpack.i.u.bf16.f32 v23  }
0x364: {  	v23 =	vunpack.i.l.bf16.f32 v23;
	v13 =	vadd.f32 v16, v13;
	v16 =	vunpack.i.l.bf16.f32 v24  }
0x365: {  	v17 =	vmul.f32 v18, v17;
	v24 =	vunpack.i.u.bf16.f32 v22;
	v11 =	vadd.f32 v11, v12  }
0x366: {  	v20 =	vld [tilespmem:s19+$0xFFFFFFA0];
	v12 =	vunpack.i.l.bf16.f32 v22;
	v16 =	vmul.f32 v23, v16;
	v23 =	vunpack.i.u.bf16.f32 v15  }
0x367: {  	v25 =	vld [tilespmem:s19+$0xFFFFFFC0];
	v15 =	vunpack.i.l.bf16.f32 v15;
	v27 =	vunpack.i.u.bf16.f32 v21;
	v10 =	vadd.f32 v10, v13  }
0x368: {  	v18 =	vld [tilespmem:s9+$0xFFFFFFC0];
	v13 =	vunpack.i.u.bf16.f32 v19;
	v19 =	vunpack.i.l.bf16.f32 v19;
	v26 =	vunpack.i.u.bf16.f32 v14  }
0x369: {  	v22 =	vld [tilespmem:s19+$0xFFFFFFB0];
	s19 =	simm.s32 $0x13070;
	v14 =	vunpack.i.l.bf16.f32 v14;
	v12 =	vmul.f32 v19, v12;
	v13 =	vmul.f32 v13, v24  }
0x36a: {  	v59 =	vld [tilespmem:s19+$0xFFFFFFE0];
	v15 =	vmul.f32 v15, v16;
	v16 =	vmul.f32 v23, v17;
	v17 =	vunpack.i.l.bf16.f32 v21  }
0x36b: {  	s11 =	simm.s32 $0x12FF0;
	v19 =	vld [tilespmem:s10+$0xFFFFFFC0];
	v24 =	vunpack.i.u.bf16.f32 v20;
	v20 =	vunpack.i.l.bf16.f32 v20;
	v14 =	vmul.f32 v17, v14  }
0x36c: {  	s14 =	simm.s32 $0x157F0;
	v21 =	vld [tilespmem:s11+$0x0];
	v17 =	vmul.f32 v27, v26;
	v12 =	vmul.f32 v20, v12  }
0x36d: {  	s13 =	simm.s32 $0x107F0;
	v27 =	vld [tilespmem:s14+$0x0];
	v13 =	vmul.f32 v24, v13;
	v26 =	vunpack.i.l.bf16.f32 v18;
	v15 =	vadd.f32 v15, v16  }
0x36e: {  	v24 =	vld [tilespmem:s13+$0x0];
	v18 =	vunpack.i.u.bf16.f32 v18;
	v20 =	vunpack.i.u.bf16.f32 v22;
	v22 =	vunpack.i.l.bf16.f32 v22  }
0x36f: {  	v16 =	vld [tilespmem:s11+$0xFFFFFFD0];
	v12 =	vadd.f32 v12, v13;
	v14 =	vmul.f32 v22, v14;
	v17 =	vmul.f32 v20, v17  }
0x370: {  	v28 =	vld [tilespmem:s14+$0xFFFFFFE0];
	v62 =	vunpack.i.u.bf16.f32 v59;
	v13 =	vunpack.i.l.bf16.f32 v19;
	v19 =	vunpack.i.u.bf16.f32 v19  }
0x371: {  	v20 =	vld [tilespmem:s13+$0xFFFFFFF0];
	v13 =	vmul.f32 v13, v26;
	v18 =	vmul.f32 v19, v18;
	v12 =	vadd.f32 v12, v15  }
0x372: {  	v19 =	vld [tilespmem:s14+$0xFFFFFFF0];
	v14 =	vadd.f32 v14, v17;
	v15 =	vadd.f32 v11, v10;
	v10 =	vunpack.i.u.bf16.f32 v25  }
0x373: {  	v11 =	vunpack.i.l.bf16.f32 v25;
	v17 =	vld [tilespmem:s13+$0xFFFFFFD0];
	v25 =	vunpack.i.l.bf16.f32 v21;
	v29 =	vunpack.i.l.bf16.f32 v27  }
0x374: {  	v22 =	vunpack.i.u.bf16.f32 v24;
	v26 =	vunpack.i.u.bf16.f32 v16;
	v11 =	vmul.f32 v11, v13;
	v13 =	vld [tilespmem:s14+$0xFFFFFFD0]  }
0x375: {  	v24 =	vunpack.i.l.bf16.f32 v24;
	v18 =	vmul.f32 v10, v18;
	v10 =	vadd.f32 v14, v12;
	v12 =	vld [tilespmem:s13+$0xFFFFFFE0]  }
0x376: {  	v16 =	vunpack.i.l.bf16.f32 v16;
	v24 =	vmul.f32 v29, v24;
	v29 =	vunpack.i.u.bf16.f32 v28  }
0x377: {  	v32 =	vld [tilespmem:s11+$0xFFFFFFE0];
	v28 =	vunpack.i.l.bf16.f32 v28;
	v30 =	vunpack.i.u.bf16.f32 v20;
	v20 =	vunpack.i.l.bf16.f32 v20  }
0x378: {  	v31 =	vunpack.i.u.bf16.f32 v17;
	v33 =	vunpack.i.u.bf16.f32 v19;
	v19 =	vunpack.i.l.bf16.f32 v19  }
0x379: {  	v23 =	vld [tilespmem:s11+$0xFFFFFFF0];
	v17 =	vunpack.i.l.bf16.f32 v17;
	v19 =	vmul.f32 v19, v20;
	v20 =	vmul.f32 v33, v30  }
0x37a: {  	v34 =	vunpack.i.u.bf16.f32 v13;
	v13 =	vunpack.i.l.bf16.f32 v13;
	v35 =	vunpack.i.u.bf16.f32 v12  }
0x37b: {  	v12 =	vunpack.i.l.bf16.f32 v12;
	v13 =	vmul.f32 v13, v17;
	v17 =	vmul.f32 v34, v31  }
0x37c: {  	v30 =	vld [tilespmem:s13+$0xFFFFFF90];
	v31 =	vunpack.i.u.bf16.f32 v32;
	v12 =	vmul.f32 v28, v12;
	v28 =	vmul.f32 v29, v35  }
0x37d: {  	v13 =	vmul.f32 v16, v13;
	v16 =	vmul.f32 v26, v17;
	v17 =	vunpack.i.l.bf16.f32 v32  }
0x37e: {  	v14 =	vunpack.i.l.bf16.f32 v23;
	v26 =	vld [tilespmem:s14+$0xFFFFFF90];
	v12 =	vmul.f32 v17, v12;
	v17 =	vmul.f32 v31, v28  }
0x37f: {  	v27 =	vunpack.i.u.bf16.f32 v27;
	v23 =	vunpack.i.u.bf16.f32 v23;
	v14 =	vmul.f32 v14, v19;
	v28 =	vld [tilespmem:s13+$0xFFFFFFA0]  }
0x380: {  	v13 =	vadd.f32 v13, v16;
	v16 =	vmul.f32 v23, v20;
	v12 =	vadd.f32 v12, v17  }
0x381: {  	v21 =	vunpack.i.u.bf16.f32 v21;
	v19 =	vmul.f32 v27, v22;
	v22 =	vld [tilespmem:s14+$0xFFFFFFA0];
	v20 =	vunpack.i.u.bf16.f32 v30  }
0x382: {  	v23 =	vmul.f32 v25, v24;
	v17 =	vld [tilespmem:s11+$0xFFFFFF90];
	v12 =	vadd.f32 v12, v13;
	v13 =	vadd.f32 v14, v16  }
0x383: {  	v24 =	vld [tilespmem:s11+$0xFFFFFFA0];
	v14 =	vmul.f32 v21, v19;
	v19 =	vunpack.i.l.bf16.f32 v30;
	v25 =	vunpack.i.l.bf16.f32 v26  }
0x384: {  	v16 =	vld [tilespmem:s13+$0xFFFFFFB0];
	v21 =	vunpack.i.u.bf16.f32 v26;
	v27 =	vunpack.i.u.bf16.f32 v28;
	v19 =	vmul.f32 v25, v19  }
0x385: {  	v26 =	vld [tilespmem:s14+$0xFFFFFFB0];
	v20 =	vmul.f32 v21, v20;
	v12 =	vadd.f32 v13, v12;
	v13 =	vadd.f32 v23, v14  }
0x386: {  	v30 =	vld [tilespmem:s11+$0xFFFFFFC0];
	v14 =	vunpack.i.l.bf16.f32 v28;
	v23 =	vunpack.i.u.bf16.f32 v22;
	v22 =	vunpack.i.l.bf16.f32 v22  }
0x387: {  	v25 =	vld [tilespmem:s13+$0xFFFFFFC0];
	v21 =	vunpack.i.u.bf16.f32 v17;
	v14 =	vmul.f32 v22, v14;
	v22 =	vmul.f32 v23, v27  }
0x388: {  	v28 =	vld [tilespmem:s11+$0xFFFFFFB0];
	v17 =	vunpack.i.l.bf16.f32 v17;
	v27 =	vunpack.i.u.bf16.f32 v24;
	v24 =	vunpack.i.l.bf16.f32 v24  }
0x389: {  	v23 =	vld [tilespmem:s14+$0xFFFFFFC0];
	v17 =	vmul.f32 v17, v19;
	v19 =	vmul.f32 v21, v20;
	v29 =	vunpack.i.u.bf16.f32 v16  }
0x38a: {  	v21 =	vld [tilespmem:s19+$0x0];
	v16 =	vunpack.i.l.bf16.f32 v16;
	v20 =	vunpack.i.l.bf16.f32 v26;
	v14 =	vmul.f32 v24, v14  }
0x38b: {  	s9 =	simm.s32 $0x15870;
	v31 =	vunpack.i.u.bf16.f32 v26;
	v22 =	vmul.f32 v27, v22;
	v26 =	vld [tilespmem:s19+$0xFFFFFFF0];
	v16 =	vmul.f32 v20, v16  }
0x38c: {  	s8 =	simm.s32 $0x10870;
	v20 =	vmul.f32 v31, v29;
	v29 =	vunpack.i.u.bf16.f32 v25;
	v25 =	vunpack.i.l.bf16.f32 v25;
	v31 =	vld [tilespmem:s9+$0x0]  }
0x38d: {  	v17 =	vadd.f32 v17, v19;
	v24 =	vunpack.i.u.bf16.f32 v28;
	v27 =	vunpack.i.l.bf16.f32 v28;
	v28 =	vld [tilespmem:s8+$0x0]  }
0x38e: {  	v14 =	vadd.f32 v14, v22;
	v22 =	vld [tilespmem:s19+$0xFFFFFFD0];
	v19 =	vunpack.i.l.bf16.f32 v23;
	v16 =	vmul.f32 v27, v16  }
0x38f: {  	v20 =	vmul.f32 v24, v20;
	v23 =	vunpack.i.u.bf16.f32 v23;
	v24 =	vld [tilespmem:s8+$0xFFFFFFF0];
	v27 =	vunpack.i.l.bf16.f32 v30  }
0x390: {  	v19 =	vmul.f32 v19, v25;
	v23 =	vmul.f32 v23, v29;
	v25 =	vld [tilespmem:s9+$0xFFFFFFF0];
	v17 =	vadd.f32 v14, v17  }
0x391: {  	v29 =	vld [tilespmem:s8+$0xFFFFFFD0];
	v16 =	vadd.f32 v16, v20;
	v20 =	vadd.f32 v13, v12;
	v12 =	vunpack.i.u.bf16.f32 v30  }
0x392: {  	v14 =	vadd.f32 v11, v18;
	v18 =	vld [tilespmem:s9+$0xFFFFFFD0];
	v13 =	vmul.f32 v27, v19;
	v12 =	vmul.f32 v12, v23  }
0x393: {  	v23 =	vunpack.i.l.bf16.f32 v21;
	v56 =	vunpack.i.l.bf16.f32 v31;
	v11 =	vadd.f32 v16, v17  }
0x394: {  	v30 =	vld [tilespmem:s9+$0xFFFFFFE0];
	v17 =	vunpack.i.l.bf16.f32 v26;
	v19 =	vunpack.i.u.bf16.f32 v28;
	v27 =	vunpack.i.u.bf16.f32 v22  }
0x395: {  	v16 =	vld [tilespmem:s8+$0xFFFFFFE0];
	v28 =	vunpack.i.l.bf16.f32 v28;
	v57 =	vunpack.i.u.bf16.f32 v24;
	v24 =	vunpack.i.l.bf16.f32 v24  }
0x396: {  	v28 =	vmul.f32 v56, v28;
	v58 =	vunpack.i.u.bf16.f32 v29;
	v36 =	vunpack.i.u.bf16.f32 v25  }
0x397: {  	v25 =	vunpack.i.l.bf16.f32 v25;
	v29 =	vunpack.i.l.bf16.f32 v29;
	v37 =	vunpack.i.u.bf16.f32 v18  }
0x398: {  	v18 =	vunpack.i.l.bf16.f32 v18;
	v24 =	vmul.f32 v25, v24;
	v25 =	vmul.f32 v36, v57  }
0x399: {  	v60 =	vunpack.i.u.bf16.f32 v30;
	v18 =	vmul.f32 v18, v29;
	v29 =	vmul.f32 v37, v58  }
0x39a: {  	v30 =	vunpack.i.l.bf16.f32 v30;
	v38 =	vunpack.i.u.bf16.f32 v16;
	v16 =	vunpack.i.l.bf16.f32 v16  }
0x39b: {  	v61 =	vld [tilespmem:s8+$0xFFFFFF90];
	(xrf2) =	vadd.scan.msk.f32 $0xffff, v15;
	v22 =	vunpack.i.l.bf16.f32 v22;
	v16 =	vmul.f32 v30, v16;
	v30 =	vmul.f32 v60, v38  }
0x39c: {  	(xrf2) =	vadd.scan.msk.f32 $0xffff, v20;
	v20 =	vld [tilespmem:s9+$0xFFFFFF90];
	v15 =	vmul.f32 v22, v18;
	v18 =	vmul.f32 v27, v29;
	v22 =	vunpack.i.l.bf16.f32 v59  }
0x39d: {  	v27 =	vunpack.i.u.bf16.f32 v31;
	v29 =	vld [tilespmem:s8+$0xFFFFFFA0];
	v16 =	vmul.f32 v22, v16;
	v22 =	vmul.f32 v62, v30  }
0x39e: {  	v26 =	vunpack.i.u.bf16.f32 v26;
	v17 =	vmul.f32 v17, v24;
	v19 =	vmul.f32 v27, v19  }
0x39f: {  	v24 =	vld [tilespmem:s9+$0xFFFFFFA0];
	v15 =	vadd.f32 v15, v18;
	v18 =	vmul.f32 v26, v25;
	v16 =	vadd.f32 v16, v22  }
0x3a0: {  	v21 =	vunpack.i.u.bf16.f32 v21;
	v23 =	vmul.f32 v23, v28;
	v28 =	vld [tilespmem:s9+$0xFFFFFFB0];
	v25 =	vunpack.i.u.bf16.f32 v61  }
0x3a1: {  	v22 =	vld [tilespmem:s19+$0xFFFFFF90];
	v15 =	vadd.f32 v16, v15;
	v16 =	vadd.f32 v17, v18;
	v17 =	vmul.f32 v21, v19  }
0x3a2: {  	v26 =	vld [tilespmem:s19+$0xFFFFFFA0];
	v27 =	vunpack.i.u.bf16.f32 v29;
	v18 =	vunpack.i.l.bf16.f32 v61;
	v19 =	vunpack.i.u.bf16.f32 v20  }
0x3a3: {  	v21 =	vld [tilespmem:s8+$0xFFFFFFB0];
	v20 =	vunpack.i.l.bf16.f32 v20;
	v15 =	vadd.f32 v16, v15;
	v16 =	vadd.f32 v23, v17  }
0x3a4: {  	v30 =	vmul.f32 v19, v25;
	v17 =	vunpack.i.l.bf16.f32 v29;
	v23 =	vunpack.i.u.bf16.f32 v24  }
0x3a5: {  	v24 =	vunpack.i.l.bf16.f32 v24;
	v29 =	vmul.f32 v20, v18;
	v31 =	vadd.f32 v16, v15;
	v15 =	vld [tilespmem:s19+$0xFFFFFFB0]  }
0x3a6: {  	v18 =	vld [tilespmem:s9+$0xFFFFFFC0];
	v63 =	vunpack.i.u.bf16.f32 v22;
	v19 =	vmul.f32 v24, v17;
	v20 =	vmul.f32 v23, v27  }
0x3a7: {  	s3 =	simm.s32 $0x16C50;
	v17 =	vld [tilespmem:s8+$0xFFFFFFC0];
	v22 =	vunpack.i.l.bf16.f32 v22;
	v24 =	vunpack.i.u.bf16.f32 v26;
	v27 =	vunpack.i.l.bf16.f32 v26;
	v16, _, _ =	vpop (xrf2);
	(xrf2) =	vadd.scan.msk.f32 $0xffff, v31  }
0x3a8: {  	s10 =	simm.s32 $0x16C70;
	v26 =	vunpack.i.u.bf16.f32 v28;
	v28 =	vunpack.i.l.bf16.f32 v28;
	v23 =	vunpack.i.u.bf16.f32 v21;
	[tilespmem:s3+$0x0] =	vst v16;
	v16, _, _ =	vpop (xrf2)  }
0x3a9: {  	s6 =	simm.s32 $0x4;
	s13 =	simm.s32 $0x130F0;
	s11 =	simm.s32 $0x16C70;
	v25 =	vunpack.i.l.bf16.f32 v21;
	v21 =	vmul.f32 v22, v29;
	v22 =	vmul.f32 v63, v30;
	[tilespmem:s10+$0x0] =	vst v16;
	v16 =	vld [tilespmem:s19+$0xFFFFFFC0]  }
.LBB2_7:
0x3aa: {  	v29 =	vld [tilespmem:s13+$0x0];
	v19 =	vmul.f32 v27, v19;
	v20 =	vmul.f32 v24, v20;
	v24 =	vunpack.i.u.bf16.f32 v15  }
0x3ab: {  	v15 =	vunpack.i.l.bf16.f32 v15;
	v25 =	vmul.f32 v28, v25;
	v23 =	vmul.f32 v26, v23;
	s8 =	sadd.s32 $0x80, s8;
	v27 =	vld [tilespmem:s13+$0xFFFFFFF0]  }
0x3ac: {  	v28 =	vunpack.i.u.bf16.f32 v17;
	v17 =	vunpack.i.l.bf16.f32 v17;
	v30 =	vunpack.i.u.bf16.f32 v18;
	s9 =	sadd.s32 $0x80, s9;
	v26 =	vld [tilespmem:s8+$0x0]  }
0x3ad: {  	v18 =	vunpack.i.l.bf16.f32 v18;
	v21 =	vadd.f32 v21, v22;
	v19 =	vadd.f32 v19, v20;
	v31 =	vld [tilespmem:s9+$0x0]  }
0x3ae: {  	v15 =	vmul.f32 v15, v25;
	v32 =	vmul.f32 v24, v23;
	v23 =	vunpack.i.u.bf16.f32 v16;
	v20 =	vld [tilespmem:s13+$0xFFFFFFD0]  }
0x3af: {  	v17 =	vmul.f32 v18, v17;
	v18 =	vmul.f32 v30, v28;
	v16 =	vunpack.i.l.bf16.f32 v16;
	v24 =	vld [tilespmem:s8+$0xFFFFFFF0]  }
0x3b0: {  	v19 =	vadd.f32 v19, v21;
	v15 =	vadd.f32 v15, v32;
	v25 =	vld [tilespmem:s9+$0xFFFFFFF0]  }
0x3b1: {  	s10 =	sadd.s32 $0x20, s10;
	v28 =	vadd.f32 v13, v12;
	v12 =	vmul.f32 v23, v18;
	v13 =	vmul.f32 v16, v17;
	v21 =	vld [tilespmem:s8+$0xFFFFFFD0];
	v22, _, _ =	vpop (xrf2)  }
0x3b2: {  	v17 =	vadd.f32 v14, v10;
	v10 =	vmov v11;
	v11 =	vadd.f32 v15, v19;
	v16 =	vld [tilespmem:s9+$0xFFFFFFD0];
	[tilespmem:s10+$0x0] =	vst v22  }
0x3b3: {  	v14 =	vmovc v28;
	v18 =	vunpack.i.l.bf16.f32 v27;
	v19 =	vunpack.i.u.bf16.f32 v26;
	v22 =	vunpack.i.l.bf16.f32 v29;
	v15 =	vld [tilespmem:s8+$0xFFFFFFE0]  }
0x3b4: {  	v26 =	vunpack.i.l.bf16.f32 v26;
	v30 =	vunpack.i.l.bf16.f32 v31;
	v23 =	vunpack.i.u.bf16.f32 v20;
	v28 =	vld [tilespmem:s9+$0xFFFFFFE0];
	(xrf2) =	vadd.scan.msk.f32 $0xffff, v17  }
0x3b5: {  	s6 =	sadd.s32 $0x2, s6;
	v17 =	vunpack.i.l.bf16.f32 v20;
	v20 =	vunpack.i.u.bf16.f32 v24;
	v24 =	vunpack.i.l.bf16.f32 v24;
	v32 =	vld [tilespmem:s9+$0xFFFFFF90]  }
0x3b6: {  	p0 =	slt.u32 s6, $0x4E;
	v35 =	vunpack.i.u.bf16.f32 v25;
	v25 =	vunpack.i.l.bf16.f32 v25;
	v33 =	vunpack.i.u.bf16.f32 v21;
	v34 =	vld [tilespmem:s13+$0xFFFFFFE0]  }
0x3b7: {  	v21 =	vunpack.i.l.bf16.f32 v21;
	v36 =	vld [tilespmem:s8+$0xFFFFFFA0];
	v37 =	vunpack.i.u.bf16.f32 v16;
	v16 =	vunpack.i.l.bf16.f32 v16  }
0x3b8: {  	v26 =	vmul.f32 v30, v26;
	v38 =	vld [tilespmem:s9+$0xFFFFFFA0];
	v39 =	vunpack.i.u.bf16.f32 v15;
	v15 =	vunpack.i.l.bf16.f32 v15  }
0x3b9: {  	v24 =	vmul.f32 v25, v24;
	v20 =	vmul.f32 v35, v20;
	v30 =	vld [tilespmem:s8+$0xFFFFFF90];
	v40 =	vunpack.i.u.bf16.f32 v28  }
0x3ba: {  	v16 =	vmul.f32 v16, v21;
	v21 =	vmul.f32 v37, v33;
	v28 =	vunpack.i.l.bf16.f32 v28;
	v25 =	vld [tilespmem:s13+$0xFFFFFF90]  }
0x3bb: {  	v15 =	vmul.f32 v28, v15;
	v28 =	vmul.f32 v40, v39;
	v33 =	vld [tilespmem:s13+$0xFFFFFFA0];
	v35 =	vunpack.i.u.bf16.f32 v34  }
0x3bc: {  	v16 =	vmul.f32 v17, v16;
	v21 =	vmul.f32 v23, v21;
	v17 =	vunpack.i.l.bf16.f32 v34;
	v37 =	vld [tilespmem:s8+$0xFFFFFFB0]  }
0x3bd: {  	v23 =	vmul.f32 v17, v15;
	v28 =	vmul.f32 v35, v28;
	v17 =	vunpack.i.u.bf16.f32 v31;
	v34 =	vld [tilespmem:s9+$0xFFFFFFB0]  }
0x3be: {  	v27 =	vunpack.i.u.bf16.f32 v27;
	v24 =	vmul.f32 v18, v24;
	v19 =	vmul.f32 v17, v19;
	v15 =	vld [tilespmem:s13+$0xFFFFFFB0];
	v18, _, _ =	vpop (xrf2)  }
0x3bf: {  	v20 =	vmul.f32 v27, v20;
	v21 =	vadd.f32 v16, v21;
	v23 =	vadd.f32 v23, v28;
	v17 =	vld [tilespmem:s8+$0xFFFFFFC0];
	[tilespmem:s3+$0xFFFFFFF0] =	vst v18;
	s3 =	smov.u32 s11;
	s11 =	smov.u32 s10  }
0x3c0: {  	v22 =	vmul.f32 v22, v26;
	v27 =	vunpack.i.u.bf16.f32 v30;
	v28 =	vunpack.i.u.bf16.f32 v29;
	v18 =	vld [tilespmem:s9+$0xFFFFFFC0]  }
0x3c1: {  	v20 =	vadd.f32 v24, v20;
	v19 =	vmul.f32 v28, v19;
	v21 =	vadd.f32 v23, v21;
	v16 =	vld [tilespmem:s13+$0xFFFFFFC0]  }
0x3c2: {  	v24 =	vunpack.i.u.bf16.f32 v32;
	v26 =	vunpack.i.l.bf16.f32 v32;
	v23 =	vunpack.i.l.bf16.f32 v30  }
0x3c3: {  	v28 =	vunpack.i.u.bf16.f32 v36;
	v19 =	vadd.f32 v22, v19;
	v20 =	vadd.f32 v20, v21  }
0x3c4: {  	v29 =	vunpack.i.l.bf16.f32 v38;
	v22 =	vunpack.i.u.bf16.f32 v38;
	v21 =	vunpack.i.l.bf16.f32 v36  }
.Ltmp2:
0x3c5: {  	v31 =	vmul.f32 v24, v27;
	v30 =	vmul.f32 v26, v23;
	v23 =	vadd.f32 v19, v20;
	(pc) =	sbr.rel @p0 .LBB2_7-.Ltmp2, $4  }
0x3c6: {  	v32 =	vunpack.i.u.bf16.f32 v25;
	v19 =	vmul.f32 v29, v21;
	v20 =	vmul.f32 v22, v28  }
0x3c7: {  	v24 =	vunpack.i.u.bf16.f32 v33;
	v27 =	vunpack.i.l.bf16.f32 v33;
	v21 =	vunpack.i.l.bf16.f32 v25;
	(xrf2) =	vadd.scan.msk.f32 $0xffff, v23  }
0x3c8: {  	v26 =	vunpack.i.u.bf16.f32 v34;
	v25 =	vunpack.i.l.bf16.f32 v37;
	v23 =	vunpack.i.u.bf16.f32 v37  }
0x3c9: {  	s13 =	sadd.s32 $0x80, s13;
	v22 =	vmul.f32 v32, v31;
	v28 =	vunpack.i.l.bf16.f32 v34;
	v21 =	vmul.f32 v21, v30  }
0x3ca: {  	v19 =	vmul.f32 v27, v19;
	v20 =	vmul.f32 v24, v20  }
0x3cb: {  	v51 =	vunpack.i.u.bf16.f32 v15;
	v52 =	vunpack.i.l.bf16.f32 v15;
	v25 =	vmul.f32 v28, v25  }
0x3cc: {  	v23 =	vmul.f32 v26, v23;
	v53 =	vunpack.i.u.bf16.f32 v17;
	v54 =	vunpack.i.l.bf16.f32 v17  }
0x3cd: {  	v55 =	vunpack.i.u.bf16.f32 v18;
	v56 =	vunpack.i.l.bf16.f32 v18;
	v60 =	vunpack.i.l.bf16.f32 v16  }
0x3ce: {  	v21 =	vadd.f32 v21, v22;
	v17 =	vmul.f32 v56, v54;
	v59 =	vmul.f32 v55, v53  }
0x3cf: {  	v19 =	vadd.f32 v19, v20;
	v15 =	vmul.f32 v52, v25;
	v57 =	vmul.f32 v51, v23  }
0x3d0: {  	v58 =	vunpack.i.u.bf16.f32 v16;
	v16 =	vmul.f32 v60, v17  }
0x3d1: {  	v61 =	vmul.f32 v58, v59;
	v19 =	vadd.f32 v19, v21;
	v15 =	vadd.f32 v15, v57  }
0x3d2: {  	v12 =	vadd.f32 v13, v12;
	v10 =	vadd.f32 v14, v10  }
0x3d3: {  	v63 =	vadd.f32 v16, v61;
	v62 =	vadd.f32 v15, v19  }
0x3d4: {  	v11 =	vadd.f32 v12, v11  }
0x3d5: {  	(xrf2) =	vadd.scan.msk.f32 $0xffff, v10;
	v10 =	vadd.f32 v63, v62  }
0x3d6: {  	(xrf2) =	vadd.scan.msk.f32 $0xffff, v11  }
0x3d7: {  	(xrf2) =	vadd.scan.msk.f32 $0xffff, v10;
	_ =	sdelay $0x6  }
0x3d8: {  	s6 =	sadd.s32 $0x20, s10;
	v10, _, _ =	vpop (xrf2)  }
0x3d9: {  	v11, _, _ =	vpop (xrf2);
	[tilespmem:s6+$0x0] =	vst v10  }
0x3da: {  	v10, _, _ =	vpop (xrf2);
	[tilespmem:s3+$0xFFFFFFF0] =	vst v11  }
0x3db: {  	[tilespmem:s11+$0xFFFFFFF0] =	vst v10;
	v10, _, _ =	vpop (xrf2)  }
0x3dc: {  	[tilespmem:s6+$0xFFFFFFF0] =	vst v10  }
0x3dd: {  	v10 =	vld.idx.msk [tilespmem:v5+s26+$0x0], $0xffff;
	_ =	sdelay $0x4  }
0x3de: {  	v10 =	vsub.f32 $0.0e+00, v10;
	_ =	sdelay $0x1  }
0x3df: {  	v10 =	vmul.f32 $1.442695020e+00, v10;
	_ =	sdelay $0x1  }
0x3e0: {  	(erf) = vpow2.f32 v10;
	_ =	sdelay $0x8  }
0x3e1: {  	v10 =	vpop (erf)  }
0x3e2: {  	v10 =	vadd.f32 $1.000000000e+00, v10;
	_ =	sdelay $0x1  }
0x3e3: {  	(erf) = vrcp.f32 v10;
	_ =	sdelay $0x8  }
0x3e4: {  	v10 =	vpop (erf)  }
0x3e5: {  	[tilespmem:$0x16BF0] =	vst v10  }
0x3e6: {  	v10 =	vld.idx.msk [tilespmem:v6+s26+$0x0], $0xffff;
	_ =	sdelay $0x4  }
0x3e7: {  	v10 =	vsub.f32 $0.0e+00, v10;
	_ =	sdelay $0x1  }
0x3e8: {  	v10 =	vmul.f32 $1.442695020e+00, v10;
	_ =	sdelay $0x1  }
0x3e9: {  	(erf) = vpow2.f32 v10;
	_ =	sdelay $0x8  }
0x3ea: {  	v10 =	vpop (erf)  }
0x3eb: {  	v10 =	vadd.f32 $1.000000000e+00, v10;
	_ =	sdelay $0x1  }
0x3ec: {  	(erf) = vrcp.f32 v10;
	_ =	sdelay $0x8  }
0x3ed: {  	v10 =	vpop (erf)  }
0x3ee: {  	[tilespmem:$0x16C00] =	vst v10  }
0x3ef: {  	v10 =	vld.idx.msk [tilespmem:v7+s26+$0x0], $0xffff;
	_ =	sdelay $0x4  }
0x3f0: {  	v10 =	vsub.f32 $0.0e+00, v10;
	_ =	sdelay $0x1  }
0x3f1: {  	v10 =	vmul.f32 $1.442695020e+00, v10;
	_ =	sdelay $0x1  }
0x3f2: {  	(erf) = vpow2.f32 v10;
	_ =	sdelay $0x8  }
0x3f3: {  	v10 =	vpop (erf)  }
0x3f4: {  	v10 =	vadd.f32 $1.000000000e+00, v10;
	_ =	sdelay $0x1  }
0x3f5: {  	(erf) = vrcp.f32 v10;
	_ =	sdelay $0x8  }
0x3f6: {  	v10 =	vpop (erf)  }
0x3f7: {  	[tilespmem:$0x16C10] =	vst v10  }
0x3f8: {  	v10 =	vld.idx.msk [tilespmem:v8+s26+$0x0], $0xffff;
	_ =	sdelay $0x4  }
0x3f9: {  	v10 =	vsub.f32 $0.0e+00, v10;
	_ =	sdelay $0x1  }
0x3fa: {  	v10 =	vmul.f32 $1.442695020e+00, v10;
	_ =	sdelay $0x1  }
0x3fb: {  	(erf) = vpow2.f32 v10;
	_ =	sdelay $0x8  }
0x3fc: {  	v10 =	vpop (erf)  }
0x3fd: {  	v10 =	vadd.f32 $1.000000000e+00, v10;
	_ =	sdelay $0x1  }
0x3fe: {  	(erf) = vrcp.f32 v10;
	_ =	sdelay $0x8  }
0x3ff: {  	v10 =	vpop (erf)  }
0x400: {  	[tilespmem:$0x16C20] =	vst v10  }
0x401: {  	v10 =	vld.idx.msk [tilespmem:v9+s26+$0x0], $0xffff;
	_ =	sdelay $0x4  }
0x402: {  	v10 =	vsub.f32 $0.0e+00, v10;
	_ =	sdelay $0x1  }
0x403: {  	v10 =	vmul.f32 $1.442695020e+00, v10;
	_ =	sdelay $0x1  }
0x404: {  	(erf) = vpow2.f32 v10;
	_ =	sdelay $0x8  }
0x405: {  	v10 =	vpop (erf)  }
0x406: {  	v10 =	vadd.f32 $1.000000000e+00, v10;
	_ =	sdelay $0x1  }
0x407: {  	(erf) = vrcp.f32 v10;
	_ =	sdelay $0x4  }
0x408: {  	s7 =	sadd.s32 $0x1, s7  }
0x409: {  	p0 =	sne.s32 s7, $0x3E  }
.Ltmp3:
0x40a: {  	_ = 	snop;
	(pc) =	sbr.rel @p0 .LBB2_4-.Ltmp3, $4  }
0x40b: {  	_ = 	snop  }
0x40c: {  	v10 =	vpop (erf)  }
0x40d: {  	[tilespmem:$0x16C30] =	vst v10  }
0x40e: {  	[hbm4b:s2+s15] =	stream.indirect.scatter [tilespmem:s12], [sflag:$0x8], $0x1, s1, s15, $0xb8;
	[tilespmem:$0x17170] =	vst v63  }
0x40f: {  	s13 =	simm.s32 $0x7  }
0x410: {  	_ =	swait.ge [sflag:s13], $0x50  }
0x411: {  	[sflag:s13] =	ssyncset.done $0x0  }
0x412: {  	s3 =	simm.s32 $0x8;
	[sflag:s13] =	ssyncadd.s32 $0xFFFFFFB0  }
0x413: {  	_ =	swait.ge [sflag:s3], $0x50  }
0x414: {  	[sflag:s3] =	ssyncset.done $0x0  }
0x415: {  	[sflag:s3] =	ssyncadd.s32 $0xFFFFFFB0  }
0x416: {  	_ =	swait.ge [sflag:s22], $0x1400  }
0x417: {  	[sflag:s22] =	ssyncset.done $0x0  }
0x418: {  	[sflag:s22] =	ssyncadd.s32 $0xFFFFEC00  }
0x419: {  	_ =	swait.ge [sflag:s23], $0x1400  }
0x41a: {  	[sflag:s23] =	ssyncset.done $0x0  }
0x41b: {  	[sflag:s23] =	ssyncadd.s32 $0xFFFFEC00  }
0x41c: {  	_ =	swait.ge [sflag:s24], $0x1400  }
0x41d: {  	[sflag:s24] =	ssyncset.done $0x0  }
0x41e: {  	[sflag:s24] =	ssyncadd.s32 $0xFFFFEC00  }
0x41f: {  	v10 =	vld [tilespmem:$0xF2B0];
	_ =	sdelay $0x4  }
0x420: {  	[tilespmem:$0x17150] =	vst v10  }
0x421: {  	v11 =	vld [tilespmem:$0x1714F]  }
0x422: {  	v12 =	vld [tilespmem:$0x1714E]  }
0x423: {  	v13 =	vld [tilespmem:$0x1714D]  }
0x424: {  	v14 =	vld [tilespmem:$0x1714C]  }
0x425: {  	v15 =	vld [tilespmem:$0x1714B]  }
0x426: {  	v16 =	vld [tilespmem:$0x1714A]  }
0x427: {  	vm0 =	veq.s32 v11, v10;
	vm15 =	veq.s32 v12, v10;
	v11 =	vld [tilespmem:$0x17149]  }
0x428: {  	vm9 =	veq.s32 v13, v10;
	v13 =	vld [tilespmem:$0x17148];
	v12 =	vsel vm0, $0x1, v2;
	v17 =	vsel vm15, $0x1, v2  }
0x429: {  	vm10 =	veq.s32 v14, v10;
	v14 =	vld [tilespmem:$0x17147];
	v12 =	vadd.s32 v12, v17;
	v17 =	vsel vm9, $0x1, v2  }
0x42a: {  	vm11 =	veq.s32 v15, v10;
	v15 =	vld [tilespmem:$0x17146];
	v12 =	vadd.s32 v17, v12;
	v17 =	vsel vm10, $0x1, v2  }
0x42b: {  	vm12 =	veq.s32 v16, v10;
	v16 =	vld [tilespmem:$0x17145];
	v12 =	vadd.s32 v17, v12;
	v17 =	vsel vm11, $0x1, v2  }
0x42c: {  	v12 =	vadd.s32 v17, v12;
	v17 =	vsel vm12, $0x1, v2;
	vm13 =	veq.s32 v11, v10;
	v11 =	vld [tilespmem:$0x17144]  }
0x42d: {  	vm14 =	veq.s32 v13, v10;
	v13 =	vld [tilespmem:$0x17143];
	v12 =	vadd.s32 v17, v12;
	v17 =	vsel vm13, $0x1, v2  }
0x42e: {  	vm15 =	veq.s32 v14, v10;
	v14 =	vld [tilespmem:$0x17142];
	v12 =	vadd.s32 v17, v12;
	v17 =	vsel vm14, $0x1, v2  }
0x42f: {  	vm4 =	veq.s32 v15, v10;
	v12 =	vadd.s32 v17, v12;
	v17 =	vsel vm15, $0x1, v2  }
0x430: {  	vm5 =	veq.s32 v16, v10;
	v16 =	vld [tilespmem:$0x17141];
	v15 =	vsel vm4, $0x1, v2;
	v12 =	vadd.s32 v17, v12  }
0x431: {  	v12 =	vadd.s32 v15, v12;
	v15 =	vsel vm5, $0x1, v2;
	vm6 =	veq.s32 v11, v10;
	v11 =	vld.idx.msk [tilespmem:v10+s25+$0x0], $0xffff  }
0x432: {  	vm7 =	veq.s32 v13, v10;
	v12 =	vadd.s32 v15, v12;
	v15 =	vsel vm6, $0x1, v2  }
0x433: {  	vm8 =	veq.s32 v14, v10;
	v13 =	vsel vm7, $0x1, v2;
	v12 =	vadd.s32 v15, v12  }
0x434: {  	v12 =	vadd.s32 v13, v12;
	v13 =	vsel vm8, $0x1, v2  }
0x435: {  	vm9 =	veq.s32 v16, v10;
	v12 =	vadd.s32 v13, v12  }
0x436: {  	v13 =	vsel vm9, $0x1, v2;
	v11 =	vadd.s32 v11, v12  }
0x437: {  	v11 =	vadd.s32 v13, v11  }
0x438: {  	[tilespmem:$0x16B00] =	vst v11  }
0x439: {  	[tilespmem:v10+s25+$0x0] =	vst.idx.add.s32.msk $0xffff, v3  }
0x43a: {  	v10 =	vld [tilespmem:$0xF2C0];
	_ =	sdelay $0x4  }
0x43b: {  	[tilespmem:$0x17150] =	vst v10  }
0x43c: {  	v11 =	vld [tilespmem:$0x1714F]  }
0x43d: {  	v12 =	vld [tilespmem:$0x1714E]  }
0x43e: {  	v13 =	vld [tilespmem:$0x1714D]  }
0x43f: {  	v14 =	vld [tilespmem:$0x1714C]  }
0x440: {  	v15 =	vld [tilespmem:$0x1714B]  }
0x441: {  	v16 =	vld [tilespmem:$0x1714A]  }
0x442: {  	vm10 =	veq.s32 v11, v10;
	vm11 =	veq.s32 v12, v10;
	v11 =	vld [tilespmem:$0x17149]  }
0x443: {  	vm15 =	veq.s32 v13, v10;
	v13 =	vld [tilespmem:$0x17148];
	v12 =	vsel vm10, $0x1, v2;
	v17 =	vsel vm11, $0x1, v2  }
0x444: {  	vm4 =	veq.s32 v14, v10;
	v14 =	vld [tilespmem:$0x17147];
	v12 =	vadd.s32 v12, v17;
	v17 =	vsel vm15, $0x1, v2  }
0x445: {  	vm5 =	veq.s32 v15, v10;
	v15 =	vld [tilespmem:$0x17146];
	v12 =	vadd.s32 v17, v12;
	v17 =	vsel vm4, $0x1, v2  }
0x446: {  	vm6 =	veq.s32 v16, v10;
	v16 =	vld [tilespmem:$0x17145];
	v12 =	vadd.s32 v17, v12;
	v17 =	vsel vm5, $0x1, v2  }
0x447: {  	v12 =	vadd.s32 v17, v12;
	v17 =	vsel vm6, $0x1, v2;
	vm7 =	veq.s32 v11, v10;
	v11 =	vld [tilespmem:$0x17144]  }
0x448: {  	vm8 =	veq.s32 v13, v10;
	v13 =	vld [tilespmem:$0x17143];
	v12 =	vadd.s32 v17, v12;
	v17 =	vsel vm7, $0x1, v2  }
0x449: {  	vm9 =	veq.s32 v14, v10;
	v14 =	vld [tilespmem:$0x17142];
	v12 =	vadd.s32 v17, v12;
	v17 =	vsel vm8, $0x1, v2  }
0x44a: {  	vm10 =	veq.s32 v15, v10;
	v12 =	vadd.s32 v17, v12;
	v17 =	vsel vm9, $0x1, v2  }
0x44b: {  	vm11 =	veq.s32 v16, v10;
	v16 =	vld [tilespmem:$0x17141];
	v15 =	vsel vm10, $0x1, v2;
	v12 =	vadd.s32 v17, v12  }
0x44c: {  	v12 =	vadd.s32 v15, v12;
	v15 =	vsel vm11, $0x1, v2;
	vm12 =	veq.s32 v11, v10;
	v11 =	vld.idx.msk [tilespmem:v10+s25+$0x0], $0xffff  }
0x44d: {  	vm13 =	veq.s32 v13, v10;
	v12 =	vadd.s32 v15, v12;
	v15 =	vsel vm12, $0x1, v2  }
0x44e: {  	vm14 =	veq.s32 v14, v10;
	v13 =	vsel vm13, $0x1, v2;
	v12 =	vadd.s32 v15, v12  }
0x44f: {  	v12 =	vadd.s32 v13, v12;
	v13 =	vsel vm14, $0x1, v2  }
0x450: {  	vm15 =	veq.s32 v16, v10;
	v12 =	vadd.s32 v13, v12  }
0x451: {  	v13 =	vsel vm15, $0x1, v2;
	v11 =	vadd.s32 v11, v12  }
0x452: {  	v11 =	vadd.s32 v13, v11  }
0x453: {  	[tilespmem:$0x16B10] =	vst v11  }
0x454: {  	[tilespmem:v10+s25+$0x0] =	vst.idx.add.s32.msk $0xffff, v3  }
0x455: {  	v10 =	vld [tilespmem:$0xF2D0];
	_ =	sdelay $0x4  }
0x456: {  	[tilespmem:$0x17150] =	vst v10  }
0x457: {  	v11 =	vld [tilespmem:$0x1714F]  }
0x458: {  	v12 =	vld [tilespmem:$0x1714E]  }
0x459: {  	v13 =	vld [tilespmem:$0x1714D]  }
0x45a: {  	v14 =	vld [tilespmem:$0x1714C]  }
0x45b: {  	v15 =	vld [tilespmem:$0x1714B]  }
0x45c: {  	v16 =	vld [tilespmem:$0x1714A]  }
0x45d: {  	vm4 =	veq.s32 v11, v10;
	vm5 =	veq.s32 v12, v10;
	v11 =	vld [tilespmem:$0x17149]  }
0x45e: {  	vm6 =	veq.s32 v13, v10;
	v13 =	vld [tilespmem:$0x17148];
	v12 =	vsel vm4, $0x1, v2;
	v17 =	vsel vm5, $0x1, v2  }
0x45f: {  	vm7 =	veq.s32 v14, v10;
	v14 =	vld [tilespmem:$0x17147];
	v12 =	vadd.s32 v12, v17;
	v17 =	vsel vm6, $0x1, v2  }
0x460: {  	vm8 =	veq.s32 v15, v10;
	v15 =	vld [tilespmem:$0x17146];
	v12 =	vadd.s32 v17, v12;
	v17 =	vsel vm7, $0x1, v2  }
0x461: {  	vm9 =	veq.s32 v16, v10;
	v16 =	vld [tilespmem:$0x17145];
	v12 =	vadd.s32 v17, v12;
	v17 =	vsel vm8, $0x1, v2  }
0x462: {  	v12 =	vadd.s32 v17, v12;
	v17 =	vsel vm9, $0x1, v2;
	vm10 =	veq.s32 v11, v10;
	v11 =	vld [tilespmem:$0x17144]  }
0x463: {  	vm11 =	veq.s32 v13, v10;
	v13 =	vld [tilespmem:$0x17143];
	v12 =	vadd.s32 v17, v12;
	v17 =	vsel vm10, $0x1, v2  }
0x464: {  	vm12 =	veq.s32 v14, v10;
	v14 =	vld [tilespmem:$0x17142];
	v12 =	vadd.s32 v17, v12;
	v17 =	vsel vm11, $0x1, v2  }
0x465: {  	vm13 =	veq.s32 v15, v10;
	v12 =	vadd.s32 v17, v12;
	v17 =	vsel vm12, $0x1, v2  }
0x466: {  	vm14 =	veq.s32 v16, v10;
	v16 =	vld [tilespmem:$0x17141];
	v15 =	vsel vm13, $0x1, v2;
	v12 =	vadd.s32 v17, v12  }
0x467: {  	v12 =	vadd.s32 v15, v12;
	v15 =	vsel vm14, $0x1, v2;
	vm15 =	veq.s32 v11, v10;
	v11 =	vld.idx.msk [tilespmem:v10+s25+$0x0], $0xffff  }
0x468: {  	vm4 =	veq.s32 v13, v10;
	v12 =	vadd.s32 v15, v12;
	v15 =	vsel vm15, $0x1, v2  }
0x469: {  	vm5 =	veq.s32 v14, v10;
	v13 =	vsel vm4, $0x1, v2;
	v12 =	vadd.s32 v15, v12  }
0x46a: {  	v12 =	vadd.s32 v13, v12;
	v13 =	vsel vm5, $0x1, v2  }
0x46b: {  	vm6 =	veq.s32 v16, v10;
	v12 =	vadd.s32 v13, v12  }
0x46c: {  	v13 =	vsel vm6, $0x1, v2;
	v11 =	vadd.s32 v11, v12  }
0x46d: {  	v11 =	vadd.s32 v13, v11  }
0x46e: {  	[tilespmem:$0x16B20] =	vst v11  }
0x46f: {  	[tilespmem:v10+s25+$0x0] =	vst.idx.add.s32.msk $0xffff, v3  }
0x470: {  	v10 =	vld [tilespmem:$0xF2E0];
	_ =	sdelay $0x4  }
0x471: {  	[tilespmem:$0x17150] =	vst v10  }
0x472: {  	v11 =	vld [tilespmem:$0x1714F]  }
0x473: {  	v12 =	vld [tilespmem:$0x1714E]  }
0x474: {  	v13 =	vld [tilespmem:$0x1714D]  }
0x475: {  	v14 =	vld [tilespmem:$0x1714C]  }
0x476: {  	v15 =	vld [tilespmem:$0x1714B]  }
0x477: {  	v16 =	vld [tilespmem:$0x1714A]  }
0x478: {  	vm7 =	veq.s32 v11, v10;
	vm8 =	veq.s32 v12, v10;
	v11 =	vld [tilespmem:$0x17149]  }
0x479: {  	vm9 =	veq.s32 v13, v10;
	v13 =	vld [tilespmem:$0x17148];
	v12 =	vsel vm7, $0x1, v2;
	v17 =	vsel vm8, $0x1, v2  }
0x47a: {  	vm10 =	veq.s32 v14, v10;
	v14 =	vld [tilespmem:$0x17147];
	v12 =	vadd.s32 v12, v17;
	v17 =	vsel vm9, $0x1, v2  }
0x47b: {  	vm11 =	veq.s32 v15, v10;
	v15 =	vld [tilespmem:$0x17146];
	v12 =	vadd.s32 v17, v12;
	v17 =	vsel vm10, $0x1, v2  }
0x47c: {  	vm12 =	veq.s32 v16, v10;
	v16 =	vld [tilespmem:$0x17145];
	v12 =	vadd.s32 v17, v12;
	v17 =	vsel vm11, $0x1, v2  }
0x47d: {  	v12 =	vadd.s32 v17, v12;
	v17 =	vsel vm12, $0x1, v2;
	vm13 =	veq.s32 v11, v10;
	v11 =	vld [tilespmem:$0x17144]  }
0x47e: {  	vm14 =	veq.s32 v13, v10;
	v13 =	vld [tilespmem:$0x17143];
	v12 =	vadd.s32 v17, v12;
	v17 =	vsel vm13, $0x1, v2  }
0x47f: {  	vm15 =	veq.s32 v14, v10;
	v14 =	vld [tilespmem:$0x17142];
	v12 =	vadd.s32 v17, v12;
	v17 =	vsel vm14, $0x1, v2  }
0x480: {  	vm4 =	veq.s32 v15, v10;
	v12 =	vadd.s32 v17, v12;
	v17 =	vsel vm15, $0x1, v2  }
0x481: {  	vm5 =	veq.s32 v16, v10;
	v16 =	vld [tilespmem:$0x17141];
	v15 =	vsel vm4, $0x1, v2;
	v12 =	vadd.s32 v17, v12  }
0x482: {  	v12 =	vadd.s32 v15, v12;
	v15 =	vsel vm5, $0x1, v2;
	vm6 =	veq.s32 v11, v10;
	v11 =	vld.idx.msk [tilespmem:v10+s25+$0x0], $0xffff  }
0x483: {  	vm7 =	veq.s32 v13, v10;
	v12 =	vadd.s32 v15, v12;
	v15 =	vsel vm6, $0x1, v2  }
0x484: {  	vm8 =	veq.s32 v14, v10;
	v13 =	vsel vm7, $0x1, v2;
	v12 =	vadd.s32 v15, v12  }
0x485: {  	v12 =	vadd.s32 v13, v12;
	v13 =	vsel vm8, $0x1, v2  }
0x486: {  	vm9 =	veq.s32 v16, v10;
	v12 =	vadd.s32 v13, v12  }
0x487: {  	v13 =	vsel vm9, $0x1, v2;
	v11 =	vadd.s32 v11, v12  }
0x488: {  	v11 =	vadd.s32 v13, v11  }
0x489: {  	[tilespmem:$0x16B30] =	vst v11  }
0x48a: {  	[tilespmem:v10+s25+$0x0] =	vst.idx.add.s32.msk $0xffff, v3  }
0x48b: {  	v10 =	vld [tilespmem:$0xF2F0];
	_ =	sdelay $0x4  }
0x48c: {  	[tilespmem:$0x17150] =	vst v10  }
0x48d: {  	v11 =	vld [tilespmem:$0x1714F]  }
0x48e: {  	v12 =	vld [tilespmem:$0x1714E]  }
0x48f: {  	v13 =	vld [tilespmem:$0x1714D]  }
0x490: {  	v14 =	vld [tilespmem:$0x1714C]  }
0x491: {  	v15 =	vld [tilespmem:$0x1714B]  }
0x492: {  	v16 =	vld [tilespmem:$0x1714A]  }
0x493: {  	vm10 =	veq.s32 v11, v10;
	vm11 =	veq.s32 v12, v10;
	v11 =	vld [tilespmem:$0x17149]  }
0x494: {  	vm15 =	veq.s32 v13, v10;
	v13 =	vld [tilespmem:$0x17148];
	v12 =	vsel vm10, $0x1, v2;
	v17 =	vsel vm11, $0x1, v2  }
0x495: {  	vm4 =	veq.s32 v14, v10;
	v14 =	vld [tilespmem:$0x17147];
	v12 =	vadd.s32 v12, v17;
	v17 =	vsel vm15, $0x1, v2  }
0x496: {  	vm5 =	veq.s32 v15, v10;
	v15 =	vld [tilespmem:$0x17146];
	v12 =	vadd.s32 v17, v12;
	v17 =	vsel vm4, $0x1, v2  }
0x497: {  	vm6 =	veq.s32 v16, v10;
	v16 =	vld [tilespmem:$0x17145];
	v12 =	vadd.s32 v17, v12;
	v17 =	vsel vm5, $0x1, v2  }
0x498: {  	v12 =	vadd.s32 v17, v12;
	v17 =	vsel vm6, $0x1, v2;
	vm7 =	veq.s32 v11, v10;
	v11 =	vld [tilespmem:$0x17144]  }
0x499: {  	vm8 =	veq.s32 v13, v10;
	v13 =	vld [tilespmem:$0x17143];
	v12 =	vadd.s32 v17, v12;
	v17 =	vsel vm7, $0x1, v2  }
0x49a: {  	vm9 =	veq.s32 v14, v10;
	v14 =	vld [tilespmem:$0x17142];
	v12 =	vadd.s32 v17, v12;
	v17 =	vsel vm8, $0x1, v2  }
0x49b: {  	vm10 =	veq.s32 v15, v10;
	v12 =	vadd.s32 v17, v12;
	v17 =	vsel vm9, $0x1, v2  }
0x49c: {  	vm11 =	veq.s32 v16, v10;
	v16 =	vld [tilespmem:$0x17141];
	v15 =	vsel vm10, $0x1, v2;
	v12 =	vadd.s32 v17, v12  }
0x49d: {  	v12 =	vadd.s32 v15, v12;
	v15 =	vsel vm11, $0x1, v2;
	vm12 =	veq.s32 v11, v10;
	v11 =	vld.idx.msk [tilespmem:v10+s25+$0x0], $0xffff  }
0x49e: {  	vm13 =	veq.s32 v13, v10;
	v12 =	vadd.s32 v15, v12;
	v15 =	vsel vm12, $0x1, v2  }
0x49f: {  	vm14 =	veq.s32 v14, v10;
	v13 =	vsel vm13, $0x1, v2;
	v12 =	vadd.s32 v15, v12  }
0x4a0: {  	v12 =	vadd.s32 v13, v12;
	v13 =	vsel vm14, $0x1, v2  }
0x4a1: {  	vm15 =	veq.s32 v16, v10;
	v12 =	vadd.s32 v13, v12  }
0x4a2: {  	v13 =	vsel vm15, $0x1, v2;
	v11 =	vadd.s32 v11, v12  }
0x4a3: {  	v11 =	vadd.s32 v13, v11  }
0x4a4: {  	[tilespmem:$0x16B40] =	vst v11  }
0x4a5: {  	s10 =	simm.s32 $0x11B40;
	[tilespmem:v10+s25+$0x0] =	vst.idx.add.s32.msk $0xffff, v3  }
0x4a6: {  	s7 =	simm.s32 $0xF340;
	v10 =	vld [tilespmem:s10+$0x20]  }
0x4a7: {  	s6 =	simm.s32 $0x14340;
	v11 =	vld [tilespmem:s7+$0x30]  }
0x4a8: {  	v12 =	vld [tilespmem:s6+$0x30]  }
0x4a9: {  	v13 =	vld [tilespmem:s10+$0x0]  }
0x4aa: {  	v14 =	vld [tilespmem:s7+$0x20]  }
0x4ab: {  	v15 =	vld [tilespmem:s6+$0x20]  }
0x4ac: {  	v16 =	vld [tilespmem:s7+$0x0]  }
0x4ad: {  	v17 =	vld [tilespmem:s6+$0x0]  }
0x4ae: {  	v18 =	vld [tilespmem:s7+$0x10]  }
0x4af: {  	v19 =	vunpack.i.l.bf16.f32 v10;
	v20 =	vunpack.i.u.bf16.f32 v11;
	v21 =	vunpack.i.u.bf16.f32 v13  }
0x4b0: {  	v22 =	vld [tilespmem:s6+$0x10];
	v11 =	vunpack.i.l.bf16.f32 v11;
	v23 =	vunpack.i.l.bf16.f32 v12;
	v13 =	vunpack.i.l.bf16.f32 v13  }
0x4b1: {  	v24 =	vunpack.i.u.bf16.f32 v14;
	v14 =	vunpack.i.l.bf16.f32 v14;
	v25 =	vunpack.i.u.bf16.f32 v16  }
0x4b2: {  	v27 =	vunpack.i.u.bf16.f32 v15;
	v15 =	vunpack.i.l.bf16.f32 v15;
	v16 =	vunpack.i.l.bf16.f32 v16  }
0x4b3: {  	v26 =	vld [tilespmem:s10+$0x10];
	v28 =	vunpack.i.u.bf16.f32 v17;
	v17 =	vunpack.i.l.bf16.f32 v17;
	v30 =	vunpack.i.u.bf16.f32 v18  }
0x4b4: {  	v18 =	vunpack.i.l.bf16.f32 v18;
	v12 =	vunpack.i.u.bf16.f32 v12;
	v11 =	vmul.f32 v23, v11  }
0x4b5: {  	v29 =	vld [tilespmem:s10+$0x30];
	v23 =	vunpack.i.u.bf16.f32 v22;
	v14 =	vmul.f32 v15, v14;
	v15 =	vmul.f32 v27, v24  }
0x4b6: {  	v16 =	vmul.f32 v17, v16;
	v17 =	vmul.f32 v28, v25;
	v22 =	vunpack.i.l.bf16.f32 v22  }
0x4b7: {  	v10 =	vunpack.i.u.bf16.f32 v10;
	v24 =	vld [tilespmem:s7+$0xFFFFFFC0];
	v18 =	vmul.f32 v22, v18;
	v22 =	vmul.f32 v23, v30  }
0x4b8: {  	v25 =	vunpack.i.u.bf16.f32 v26;
	v23 =	vld [tilespmem:s6+$0xFFFFFFC0];
	v13 =	vmul.f32 v13, v16;
	v16 =	vmul.f32 v21, v17  }
0x4b9: {  	v17 =	vunpack.i.l.bf16.f32 v26;
	v14 =	vmul.f32 v19, v14;
	v19 =	vld [tilespmem:s6+$0xFFFFFFD0];
	v10 =	vmul.f32 v10, v15  }
0x4ba: {  	v21 =	vunpack.i.l.bf16.f32 v29;
	v17 =	vmul.f32 v17, v18;
	v18 =	vmul.f32 v25, v22;
	v22 =	vld [tilespmem:s7+$0xFFFFFFD0]  }
0x4bb: {  	v12 =	vmul.f32 v12, v20;
	v15 =	vld [tilespmem:s10+$0xFFFFFFC0];
	v11 =	vmul.f32 v21, v11;
	v13 =	vadd.f32 v13, v16  }
0x4bc: {  	v21 =	vld [tilespmem:s6+$0xFFFFFFE0];
	v10 =	vadd.f32 v14, v10;
	v16 =	vadd.f32 v17, v18;
	v18 =	vunpack.i.u.bf16.f32 v29  }
0x4bd: {  	v14 =	vld [tilespmem:s7+$0xFFFFFFE0];
	v17 =	vunpack.i.u.bf16.f32 v24;
	v12 =	vmul.f32 v18, v12;
	v18 =	vunpack.i.u.bf16.f32 v23  }
0x4be: {  	v23 =	vunpack.i.l.bf16.f32 v23;
	v13 =	vadd.f32 v16, v13;
	v16 =	vunpack.i.l.bf16.f32 v24  }
0x4bf: {  	v17 =	vmul.f32 v18, v17;
	v24 =	vunpack.i.u.bf16.f32 v22;
	v11 =	vadd.f32 v11, v12  }
0x4c0: {  	v20 =	vld [tilespmem:s10+$0xFFFFFFD0];
	v12 =	vunpack.i.l.bf16.f32 v22;
	v16 =	vmul.f32 v23, v16;
	v23 =	vunpack.i.u.bf16.f32 v15  }
0x4c1: {  	v25 =	vld [tilespmem:s10+$0xFFFFFFF0];
	v15 =	vunpack.i.l.bf16.f32 v15;
	v27 =	vunpack.i.u.bf16.f32 v21;
	v10 =	vadd.f32 v10, v13  }
0x4c2: {  	v18 =	vld [tilespmem:s7+$0xFFFFFFF0];
	v13 =	vunpack.i.u.bf16.f32 v19;
	v19 =	vunpack.i.l.bf16.f32 v19;
	v26 =	vunpack.i.u.bf16.f32 v14  }
0x4c3: {  	v22 =	vld [tilespmem:s10+$0xFFFFFFE0];
	s10 =	simm.s32 $0x11C40;
	v14 =	vunpack.i.l.bf16.f32 v14;
	v12 =	vmul.f32 v19, v12;
	v13 =	vmul.f32 v13, v24  }
0x4c4: {  	v59 =	vld [tilespmem:s10+$0x10];
	v15 =	vmul.f32 v15, v16;
	v16 =	vmul.f32 v23, v17;
	v17 =	vunpack.i.l.bf16.f32 v21  }
0x4c5: {  	s11 =	simm.s32 $0x11BC0;
	v19 =	vld [tilespmem:s6+$0xFFFFFFF0];
	v24 =	vunpack.i.u.bf16.f32 v20;
	v20 =	vunpack.i.l.bf16.f32 v20;
	v14 =	vmul.f32 v17, v14  }
0x4c6: {  	s19 =	simm.s32 $0x143C0;
	v21 =	vld [tilespmem:s11+$0x30];
	v17 =	vmul.f32 v27, v26;
	v12 =	vmul.f32 v20, v12  }
0x4c7: {  	s14 =	simm.s32 $0xF3C0;
	v27 =	vld [tilespmem:s19+$0x30];
	v13 =	vmul.f32 v24, v13;
	v26 =	vunpack.i.l.bf16.f32 v18;
	v15 =	vadd.f32 v15, v16  }
0x4c8: {  	v24 =	vld [tilespmem:s14+$0x30];
	v18 =	vunpack.i.u.bf16.f32 v18;
	v20 =	vunpack.i.u.bf16.f32 v22;
	v22 =	vunpack.i.l.bf16.f32 v22  }
0x4c9: {  	v16 =	vld [tilespmem:s11+$0x0];
	v12 =	vadd.f32 v12, v13;
	v14 =	vmul.f32 v22, v14;
	v17 =	vmul.f32 v20, v17  }
0x4ca: {  	v28 =	vld [tilespmem:s19+$0x10];
	v62 =	vunpack.i.u.bf16.f32 v59;
	v13 =	vunpack.i.l.bf16.f32 v19;
	v19 =	vunpack.i.u.bf16.f32 v19  }
0x4cb: {  	v20 =	vld [tilespmem:s14+$0x20];
	v13 =	vmul.f32 v13, v26;
	v18 =	vmul.f32 v19, v18;
	v12 =	vadd.f32 v12, v15  }
0x4cc: {  	v19 =	vld [tilespmem:s19+$0x20];
	v14 =	vadd.f32 v14, v17;
	v15 =	vadd.f32 v11, v10;
	v10 =	vunpack.i.u.bf16.f32 v25  }
0x4cd: {  	v11 =	vunpack.i.l.bf16.f32 v25;
	v17 =	vld [tilespmem:s14+$0x0];
	v25 =	vunpack.i.l.bf16.f32 v21;
	v29 =	vunpack.i.l.bf16.f32 v27  }
0x4ce: {  	v22 =	vunpack.i.u.bf16.f32 v24;
	v26 =	vunpack.i.u.bf16.f32 v16;
	v11 =	vmul.f32 v11, v13;
	v13 =	vld [tilespmem:s19+$0x0]  }
0x4cf: {  	v24 =	vunpack.i.l.bf16.f32 v24;
	v18 =	vmul.f32 v10, v18;
	v10 =	vadd.f32 v14, v12;
	v12 =	vld [tilespmem:s14+$0x10]  }
0x4d0: {  	v16 =	vunpack.i.l.bf16.f32 v16;
	v24 =	vmul.f32 v29, v24;
	v29 =	vunpack.i.u.bf16.f32 v28  }
0x4d1: {  	v32 =	vld [tilespmem:s11+$0x10];
	v28 =	vunpack.i.l.bf16.f32 v28;
	v30 =	vunpack.i.u.bf16.f32 v20;
	v20 =	vunpack.i.l.bf16.f32 v20  }
0x4d2: {  	v31 =	vunpack.i.u.bf16.f32 v17;
	v33 =	vunpack.i.u.bf16.f32 v19;
	v19 =	vunpack.i.l.bf16.f32 v19  }
0x4d3: {  	v23 =	vld [tilespmem:s11+$0x20];
	v17 =	vunpack.i.l.bf16.f32 v17;
	v19 =	vmul.f32 v19, v20;
	v20 =	vmul.f32 v33, v30  }
0x4d4: {  	v34 =	vunpack.i.u.bf16.f32 v13;
	v13 =	vunpack.i.l.bf16.f32 v13;
	v35 =	vunpack.i.u.bf16.f32 v12  }
0x4d5: {  	v12 =	vunpack.i.l.bf16.f32 v12;
	v13 =	vmul.f32 v13, v17;
	v17 =	vmul.f32 v34, v31  }
0x4d6: {  	v30 =	vld [tilespmem:s14+$0xFFFFFFC0];
	v31 =	vunpack.i.u.bf16.f32 v32;
	v12 =	vmul.f32 v28, v12;
	v28 =	vmul.f32 v29, v35  }
0x4d7: {  	v13 =	vmul.f32 v16, v13;
	v16 =	vmul.f32 v26, v17;
	v17 =	vunpack.i.l.bf16.f32 v32  }
0x4d8: {  	v14 =	vunpack.i.l.bf16.f32 v23;
	v26 =	vld [tilespmem:s19+$0xFFFFFFC0];
	v12 =	vmul.f32 v17, v12;
	v17 =	vmul.f32 v31, v28  }
0x4d9: {  	v27 =	vunpack.i.u.bf16.f32 v27;
	v23 =	vunpack.i.u.bf16.f32 v23;
	v14 =	vmul.f32 v14, v19;
	v28 =	vld [tilespmem:s14+$0xFFFFFFD0]  }
0x4da: {  	v13 =	vadd.f32 v13, v16;
	v16 =	vmul.f32 v23, v20;
	v12 =	vadd.f32 v12, v17  }
0x4db: {  	v21 =	vunpack.i.u.bf16.f32 v21;
	v19 =	vmul.f32 v27, v22;
	v22 =	vld [tilespmem:s19+$0xFFFFFFD0];
	v20 =	vunpack.i.u.bf16.f32 v30  }
0x4dc: {  	v23 =	vmul.f32 v25, v24;
	v17 =	vld [tilespmem:s11+$0xFFFFFFC0];
	v12 =	vadd.f32 v12, v13;
	v13 =	vadd.f32 v14, v16  }
0x4dd: {  	v24 =	vld [tilespmem:s11+$0xFFFFFFD0];
	v14 =	vmul.f32 v21, v19;
	v19 =	vunpack.i.l.bf16.f32 v30;
	v25 =	vunpack.i.l.bf16.f32 v26  }
0x4de: {  	v16 =	vld [tilespmem:s14+$0xFFFFFFE0];
	v21 =	vunpack.i.u.bf16.f32 v26;
	v27 =	vunpack.i.u.bf16.f32 v28;
	v19 =	vmul.f32 v25, v19  }
0x4df: {  	v26 =	vld [tilespmem:s19+$0xFFFFFFE0];
	v20 =	vmul.f32 v21, v20;
	v12 =	vadd.f32 v13, v12;
	v13 =	vadd.f32 v23, v14  }
0x4e0: {  	v30 =	vld [tilespmem:s11+$0xFFFFFFF0];
	v14 =	vunpack.i.l.bf16.f32 v28;
	v23 =	vunpack.i.u.bf16.f32 v22;
	v22 =	vunpack.i.l.bf16.f32 v22  }
0x4e1: {  	v25 =	vld [tilespmem:s14+$0xFFFFFFF0];
	v21 =	vunpack.i.u.bf16.f32 v17;
	v14 =	vmul.f32 v22, v14;
	v22 =	vmul.f32 v23, v27  }
0x4e2: {  	v28 =	vld [tilespmem:s11+$0xFFFFFFE0];
	v17 =	vunpack.i.l.bf16.f32 v17;
	v27 =	vunpack.i.u.bf16.f32 v24;
	v24 =	vunpack.i.l.bf16.f32 v24  }
0x4e3: {  	v23 =	vld [tilespmem:s19+$0xFFFFFFF0];
	v17 =	vmul.f32 v17, v19;
	v19 =	vmul.f32 v21, v20;
	v29 =	vunpack.i.u.bf16.f32 v16  }
0x4e4: {  	v21 =	vld [tilespmem:s10+$0x30];
	v16 =	vunpack.i.l.bf16.f32 v16;
	v20 =	vunpack.i.l.bf16.f32 v26;
	v14 =	vmul.f32 v24, v14  }
0x4e5: {  	s8 =	simm.s32 $0x14440;
	v31 =	vunpack.i.u.bf16.f32 v26;
	v22 =	vmul.f32 v27, v22;
	v26 =	vld [tilespmem:s10+$0x20];
	v16 =	vmul.f32 v20, v16  }
0x4e6: {  	s7 =	simm.s32 $0xF440;
	v20 =	vmul.f32 v31, v29;
	v29 =	vunpack.i.u.bf16.f32 v25;
	v25 =	vunpack.i.l.bf16.f32 v25;
	v31 =	vld [tilespmem:s8+$0x30]  }
0x4e7: {  	v17 =	vadd.f32 v17, v19;
	v24 =	vunpack.i.u.bf16.f32 v28;
	v27 =	vunpack.i.l.bf16.f32 v28;
	v28 =	vld [tilespmem:s7+$0x30]  }
0x4e8: {  	v14 =	vadd.f32 v14, v22;
	v22 =	vld [tilespmem:s10+$0x0];
	v19 =	vunpack.i.l.bf16.f32 v23;
	v16 =	vmul.f32 v27, v16  }
0x4e9: {  	v20 =	vmul.f32 v24, v20;
	v23 =	vunpack.i.u.bf16.f32 v23;
	v24 =	vld [tilespmem:s7+$0x20];
	v27 =	vunpack.i.l.bf16.f32 v30  }
0x4ea: {  	v19 =	vmul.f32 v19, v25;
	v23 =	vmul.f32 v23, v29;
	v25 =	vld [tilespmem:s8+$0x20];
	v17 =	vadd.f32 v14, v17  }
0x4eb: {  	v29 =	vld [tilespmem:s7+$0x0];
	v16 =	vadd.f32 v16, v20;
	v20 =	vadd.f32 v13, v12;
	v12 =	vunpack.i.u.bf16.f32 v30  }
0x4ec: {  	v14 =	vadd.f32 v11, v18;
	v18 =	vld [tilespmem:s8+$0x0];
	v13 =	vmul.f32 v27, v19;
	v12 =	vmul.f32 v12, v23  }
0x4ed: {  	v23 =	vunpack.i.l.bf16.f32 v21;
	v56 =	vunpack.i.l.bf16.f32 v31;
	v11 =	vadd.f32 v16, v17  }
0x4ee: {  	v30 =	vld [tilespmem:s8+$0x10];
	v17 =	vunpack.i.l.bf16.f32 v26;
	v19 =	vunpack.i.u.bf16.f32 v28;
	v27 =	vunpack.i.u.bf16.f32 v22  }
0x4ef: {  	v16 =	vld [tilespmem:s7+$0x10];
	v28 =	vunpack.i.l.bf16.f32 v28;
	v57 =	vunpack.i.u.bf16.f32 v24;
	v24 =	vunpack.i.l.bf16.f32 v24  }
0x4f0: {  	v28 =	vmul.f32 v56, v28;
	v58 =	vunpack.i.u.bf16.f32 v29;
	v36 =	vunpack.i.u.bf16.f32 v25  }
0x4f1: {  	v25 =	vunpack.i.l.bf16.f32 v25;
	v29 =	vunpack.i.l.bf16.f32 v29;
	v37 =	vunpack.i.u.bf16.f32 v18  }
0x4f2: {  	v18 =	vunpack.i.l.bf16.f32 v18;
	v24 =	vmul.f32 v25, v24;
	v25 =	vmul.f32 v36, v57  }
0x4f3: {  	v60 =	vunpack.i.u.bf16.f32 v30;
	v18 =	vmul.f32 v18, v29;
	v29 =	vmul.f32 v37, v58  }
0x4f4: {  	v30 =	vunpack.i.l.bf16.f32 v30;
	v38 =	vunpack.i.u.bf16.f32 v16;
	v16 =	vunpack.i.l.bf16.f32 v16  }
0x4f5: {  	v61 =	vld [tilespmem:s7+$0xFFFFFFC0];
	(xrf2) =	vadd.scan.msk.f32 $0xffff, v15;
	v22 =	vunpack.i.l.bf16.f32 v22;
	v16 =	vmul.f32 v30, v16;
	v30 =	vmul.f32 v60, v38  }
0x4f6: {  	(xrf2) =	vadd.scan.msk.f32 $0xffff, v20;
	v20 =	vld [tilespmem:s8+$0xFFFFFFC0];
	v15 =	vmul.f32 v22, v18;
	v18 =	vmul.f32 v27, v29;
	v22 =	vunpack.i.l.bf16.f32 v59  }
0x4f7: {  	v27 =	vunpack.i.u.bf16.f32 v31;
	v29 =	vld [tilespmem:s7+$0xFFFFFFD0];
	v16 =	vmul.f32 v22, v16;
	v22 =	vmul.f32 v62, v30  }
0x4f8: {  	v26 =	vunpack.i.u.bf16.f32 v26;
	v17 =	vmul.f32 v17, v24;
	v19 =	vmul.f32 v27, v19  }
0x4f9: {  	v24 =	vld [tilespmem:s8+$0xFFFFFFD0];
	v15 =	vadd.f32 v15, v18;
	v18 =	vmul.f32 v26, v25;
	v16 =	vadd.f32 v16, v22  }
0x4fa: {  	v21 =	vunpack.i.u.bf16.f32 v21;
	v23 =	vmul.f32 v23, v28;
	v28 =	vld [tilespmem:s8+$0xFFFFFFE0];
	v25 =	vunpack.i.u.bf16.f32 v61  }
0x4fb: {  	v22 =	vld [tilespmem:s10+$0xFFFFFFC0];
	v15 =	vadd.f32 v16, v15;
	v16 =	vadd.f32 v17, v18;
	v17 =	vmul.f32 v21, v19  }
0x4fc: {  	v26 =	vld [tilespmem:s10+$0xFFFFFFD0];
	v27 =	vunpack.i.u.bf16.f32 v29;
	v18 =	vunpack.i.l.bf16.f32 v61;
	v19 =	vunpack.i.u.bf16.f32 v20  }
0x4fd: {  	v21 =	vld [tilespmem:s7+$0xFFFFFFE0];
	v20 =	vunpack.i.l.bf16.f32 v20;
	v15 =	vadd.f32 v16, v15;
	v16 =	vadd.f32 v23, v17  }
0x4fe: {  	v30 =	vmul.f32 v19, v25;
	v17 =	vunpack.i.l.bf16.f32 v29;
	v23 =	vunpack.i.u.bf16.f32 v24  }
0x4ff: {  	v24 =	vunpack.i.l.bf16.f32 v24;
	v29 =	vmul.f32 v20, v18;
	v31 =	vadd.f32 v16, v15;
	v15 =	vld [tilespmem:s10+$0xFFFFFFE0]  }
0x500: {  	v18 =	vld [tilespmem:s8+$0xFFFFFFF0];
	v63 =	vunpack.i.u.bf16.f32 v22;
	v19 =	vmul.f32 v24, v17;
	v20 =	vmul.f32 v23, v27  }
0x501: {  	s3 =	simm.s32 $0x16C50;
	v17 =	vld [tilespmem:s7+$0xFFFFFFF0];
	v22 =	vunpack.i.l.bf16.f32 v22;
	v24 =	vunpack.i.u.bf16.f32 v26;
	v27 =	vunpack.i.l.bf16.f32 v26;
	v16, _, _ =	vpop (xrf2);
	(xrf2) =	vadd.scan.msk.f32 $0xffff, v31  }
0x502: {  	s9 =	simm.s32 $0x16C70;
	v26 =	vunpack.i.u.bf16.f32 v28;
	v28 =	vunpack.i.l.bf16.f32 v28;
	v23 =	vunpack.i.u.bf16.f32 v21;
	[tilespmem:s3+$0x0] =	vst v16;
	v16, _, _ =	vpop (xrf2)  }
0x503: {  	s6 =	simm.s32 $0x4;
	s11 =	simm.s32 $0x11CC0;
	v25 =	vunpack.i.l.bf16.f32 v21;
	v21 =	vmul.f32 v22, v29;
	v22 =	vmul.f32 v63, v30;
	[tilespmem:s9+$0x0] =	vst v16;
	v16 =	vld [tilespmem:s10+$0xFFFFFFF0];
	s10 =	simm.s32 $0x16C70  }
.LBB2_10:
0x504: {  	v29 =	vld [tilespmem:s11+$0x30];
	v19 =	vmul.f32 v27, v19;
	v20 =	vmul.f32 v24, v20;
	v24 =	vunpack.i.u.bf16.f32 v15  }
0x505: {  	v15 =	vunpack.i.l.bf16.f32 v15;
	v25 =	vmul.f32 v28, v25;
	v23 =	vmul.f32 v26, v23;
	s7 =	sadd.s32 $0x80, s7;
	v27 =	vld [tilespmem:s11+$0x20]  }
0x506: {  	v28 =	vunpack.i.u.bf16.f32 v17;
	v17 =	vunpack.i.l.bf16.f32 v17;
	v30 =	vunpack.i.u.bf16.f32 v18;
	s8 =	sadd.s32 $0x80, s8;
	v26 =	vld [tilespmem:s7+$0x30]  }
0x507: {  	v18 =	vunpack.i.l.bf16.f32 v18;
	v21 =	vadd.f32 v21, v22;
	v19 =	vadd.f32 v19, v20;
	v31 =	vld [tilespmem:s8+$0x30]  }
0x508: {  	v15 =	vmul.f32 v15, v25;
	v32 =	vmul.f32 v24, v23;
	v23 =	vunpack.i.u.bf16.f32 v16;
	v20 =	vld [tilespmem:s11+$0x0]  }
0x509: {  	v17 =	vmul.f32 v18, v17;
	v18 =	vmul.f32 v30, v28;
	v16 =	vunpack.i.l.bf16.f32 v16;
	v24 =	vld [tilespmem:s7+$0x20]  }
0x50a: {  	v19 =	vadd.f32 v19, v21;
	v15 =	vadd.f32 v15, v32;
	v25 =	vld [tilespmem:s8+$0x20]  }
0x50b: {  	s9 =	sadd.s32 $0x20, s9;
	v28 =	vadd.f32 v13, v12;
	v12 =	vmul.f32 v23, v18;
	v13 =	vmul.f32 v16, v17;
	v21 =	vld [tilespmem:s7+$0x0];
	v22, _, _ =	vpop (xrf2)  }
0x50c: {  	v17 =	vadd.f32 v14, v10;
	v10 =	vmov v11;
	v11 =	vadd.f32 v15, v19;
	v16 =	vld [tilespmem:s8+$0x0];
	[tilespmem:s9+$0x0] =	vst v22  }
0x50d: {  	v14 =	vmovc v28;
	v18 =	vunpack.i.l.bf16.f32 v27;
	v19 =	vunpack.i.u.bf16.f32 v26;
	v22 =	vunpack.i.l.bf16.f32 v29;
	v15 =	vld [tilespmem:s7+$0x10]  }
0x50e: {  	v26 =	vunpack.i.l.bf16.f32 v26;
	v30 =	vunpack.i.l.bf16.f32 v31;
	v23 =	vunpack.i.u.bf16.f32 v20;
	v28 =	vld [tilespmem:s8+$0x10];
	(xrf2) =	vadd.scan.msk.f32 $0xffff, v17  }
0x50f: {  	s6 =	sadd.s32 $0x2, s6;
	v17 =	vunpack.i.l.bf16.f32 v20;
	v20 =	vunpack.i.u.bf16.f32 v24;
	v24 =	vunpack.i.l.bf16.f32 v24;
	v32 =	vld [tilespmem:s8+$0xFFFFFFC0]  }
0x510: {  	p0 =	slt.u32 s6, $0x4E;
	v35 =	vunpack.i.u.bf16.f32 v25;
	v25 =	vunpack.i.l.bf16.f32 v25;
	v33 =	vunpack.i.u.bf16.f32 v21;
	v34 =	vld [tilespmem:s11+$0x10]  }
0x511: {  	v21 =	vunpack.i.l.bf16.f32 v21;
	v36 =	vld [tilespmem:s7+$0xFFFFFFD0];
	v37 =	vunpack.i.u.bf16.f32 v16;
	v16 =	vunpack.i.l.bf16.f32 v16  }
0x512: {  	v26 =	vmul.f32 v30, v26;
	v38 =	vld [tilespmem:s8+$0xFFFFFFD0];
	v39 =	vunpack.i.u.bf16.f32 v15;
	v15 =	vunpack.i.l.bf16.f32 v15  }
0x513: {  	v24 =	vmul.f32 v25, v24;
	v20 =	vmul.f32 v35, v20;
	v30 =	vld [tilespmem:s7+$0xFFFFFFC0];
	v40 =	vunpack.i.u.bf16.f32 v28  }
0x514: {  	v16 =	vmul.f32 v16, v21;
	v21 =	vmul.f32 v37, v33;
	v28 =	vunpack.i.l.bf16.f32 v28;
	v25 =	vld [tilespmem:s11+$0xFFFFFFC0]  }
0x515: {  	v15 =	vmul.f32 v28, v15;
	v28 =	vmul.f32 v40, v39;
	v33 =	vld [tilespmem:s11+$0xFFFFFFD0];
	v35 =	vunpack.i.u.bf16.f32 v34  }
0x516: {  	v16 =	vmul.f32 v17, v16;
	v21 =	vmul.f32 v23, v21;
	v17 =	vunpack.i.l.bf16.f32 v34;
	v37 =	vld [tilespmem:s7+$0xFFFFFFE0]  }
0x517: {  	v23 =	vmul.f32 v17, v15;
	v28 =	vmul.f32 v35, v28;
	v17 =	vunpack.i.u.bf16.f32 v31;
	v34 =	vld [tilespmem:s8+$0xFFFFFFE0]  }
0x518: {  	v27 =	vunpack.i.u.bf16.f32 v27;
	v24 =	vmul.f32 v18, v24;
	v19 =	vmul.f32 v17, v19;
	v15 =	vld [tilespmem:s11+$0xFFFFFFE0];
	v18, _, _ =	vpop (xrf2)  }
0x519: {  	v20 =	vmul.f32 v27, v20;
	v21 =	vadd.f32 v16, v21;
	v23 =	vadd.f32 v23, v28;
	v17 =	vld [tilespmem:s7+$0xFFFFFFF0];
	[tilespmem:s3+$0xFFFFFFF0] =	vst v18;
	s3 =	smov.u32 s10;
	s10 =	smov.u32 s9  }
0x51a: {  	v22 =	vmul.f32 v22, v26;
	v27 =	vunpack.i.u.bf16.f32 v30;
	v28 =	vunpack.i.u.bf16.f32 v29;
	v18 =	vld [tilespmem:s8+$0xFFFFFFF0]  }
0x51b: {  	v20 =	vadd.f32 v24, v20;
	v19 =	vmul.f32 v28, v19;
	v21 =	vadd.f32 v23, v21;
	v16 =	vld [tilespmem:s11+$0xFFFFFFF0]  }
0x51c: {  	v24 =	vunpack.i.u.bf16.f32 v32;
	v26 =	vunpack.i.l.bf16.f32 v32;
	v23 =	vunpack.i.l.bf16.f32 v30  }
0x51d: {  	v28 =	vunpack.i.u.bf16.f32 v36;
	v19 =	vadd.f32 v22, v19;
	v20 =	vadd.f32 v20, v21  }
0x51e: {  	v29 =	vunpack.i.l.bf16.f32 v38;
	v22 =	vunpack.i.u.bf16.f32 v38;
	v21 =	vunpack.i.l.bf16.f32 v36  }
.Ltmp4:
0x51f: {  	v31 =	vmul.f32 v24, v27;
	v30 =	vmul.f32 v26, v23;
	v23 =	vadd.f32 v19, v20;
	(pc) =	sbr.rel @p0 .LBB2_10-.Ltmp4, $4  }
0x520: {  	v32 =	vunpack.i.u.bf16.f32 v25;
	v19 =	vmul.f32 v29, v21;
	v20 =	vmul.f32 v22, v28  }
0x521: {  	v24 =	vunpack.i.u.bf16.f32 v33;
	v27 =	vunpack.i.l.bf16.f32 v33;
	v21 =	vunpack.i.l.bf16.f32 v25;
	(xrf2) =	vadd.scan.msk.f32 $0xffff, v23  }
0x522: {  	v26 =	vunpack.i.u.bf16.f32 v34;
	v25 =	vunpack.i.l.bf16.f32 v37;
	v23 =	vunpack.i.u.bf16.f32 v37  }
0x523: {  	s11 =	sadd.s32 $0x80, s11;
	v22 =	vmul.f32 v32, v31;
	v28 =	vunpack.i.l.bf16.f32 v34;
	v21 =	vmul.f32 v21, v30  }
0x524: {  	v19 =	vmul.f32 v27, v19;
	v20 =	vmul.f32 v24, v20  }
0x525: {  	v46 =	vunpack.i.u.bf16.f32 v15;
	v47 =	vunpack.i.l.bf16.f32 v15;
	v25 =	vmul.f32 v28, v25  }
0x526: {  	v23 =	vmul.f32 v26, v23;
	v48 =	vunpack.i.u.bf16.f32 v17;
	v49 =	vunpack.i.l.bf16.f32 v17  }
0x527: {  	v50 =	vunpack.i.u.bf16.f32 v18;
	v51 =	vunpack.i.l.bf16.f32 v18;
	v55 =	vunpack.i.l.bf16.f32 v16  }
0x528: {  	v21 =	vadd.f32 v21, v22;
	v17 =	vmul.f32 v51, v49;
	v54 =	vmul.f32 v50, v48  }
0x529: {  	v19 =	vadd.f32 v19, v20;
	v15 =	vmul.f32 v47, v25;
	v52 =	vmul.f32 v46, v23  }
0x52a: {  	v53 =	vunpack.i.u.bf16.f32 v16;
	v16 =	vmul.f32 v55, v17  }
0x52b: {  	v56 =	vmul.f32 v53, v54;
	v19 =	vadd.f32 v19, v21;
	v15 =	vadd.f32 v15, v52  }
0x52c: {  	v12 =	vadd.f32 v13, v12;
	v10 =	vadd.f32 v14, v10  }
0x52d: {  	v58 =	vadd.f32 v16, v56;
	v57 =	vadd.f32 v15, v19  }
0x52e: {  	v11 =	vadd.f32 v12, v11  }
0x52f: {  	(xrf2) =	vadd.scan.msk.f32 $0xffff, v10;
	v59 =	vadd.f32 v58, v57  }
0x530: {  	(xrf2) =	vadd.scan.msk.f32 $0xffff, v11  }
0x531: {  	(xrf2) =	vadd.scan.msk.f32 $0xffff, v59;
	_ =	sdelay $0x6  }
0x532: {  	s6 =	sadd.s32 $0x20, s9;
	v60, _, _ =	vpop (xrf2)  }
0x533: {  	[tilespmem:s6+$0x0] =	vst v60;
	v61, _, _ =	vpop (xrf2)  }
0x534: {  	[tilespmem:s3+$0xFFFFFFF0] =	vst v61;
	v62, _, _ =	vpop (xrf2)  }
0x535: {  	[tilespmem:s10+$0xFFFFFFF0] =	vst v62;
	v63, _, _ =	vpop (xrf2)  }
0x536: {  	[tilespmem:s6+$0xFFFFFFF0] =	vst v63  }
0x537: {  	v5 =	vld.idx.msk [tilespmem:v5+s26+$0x0], $0xffff;
	_ =	sdelay $0x4  }
0x538: {  	v5 =	vsub.f32 $0.0e+00, v5;
	_ =	sdelay $0x1  }
0x539: {  	v5 =	vmul.f32 $1.442695020e+00, v5;
	_ =	sdelay $0x1  }
0x53a: {  	(erf) = vpow2.f32 v5;
	_ =	sdelay $0x8  }
0x53b: {  	v5 =	vpop (erf)  }
0x53c: {  	v5 =	vadd.f32 $1.000000000e+00, v5;
	_ =	sdelay $0x1  }
0x53d: {  	(erf) = vrcp.f32 v5;
	_ =	sdelay $0x8  }
0x53e: {  	v5 =	vpop (erf)  }
0x53f: {  	[tilespmem:$0x16BA0] =	vst v5  }
0x540: {  	v5 =	vld.idx.msk [tilespmem:v6+s26+$0x0], $0xffff;
	_ =	sdelay $0x4  }
0x541: {  	v5 =	vsub.f32 $0.0e+00, v5;
	_ =	sdelay $0x1  }
0x542: {  	v5 =	vmul.f32 $1.442695020e+00, v5;
	_ =	sdelay $0x1  }
0x543: {  	(erf) = vpow2.f32 v5;
	_ =	sdelay $0x8  }
0x544: {  	v5 =	vpop (erf)  }
0x545: {  	v5 =	vadd.f32 $1.000000000e+00, v5;
	_ =	sdelay $0x1  }
0x546: {  	(erf) = vrcp.f32 v5;
	_ =	sdelay $0x8  }
0x547: {  	v5 =	vpop (erf)  }
0x548: {  	[tilespmem:$0x16BB0] =	vst v5  }
0x549: {  	v5 =	vld.idx.msk [tilespmem:v7+s26+$0x0], $0xffff;
	_ =	sdelay $0x4  }
0x54a: {  	v5 =	vsub.f32 $0.0e+00, v5;
	_ =	sdelay $0x1  }
0x54b: {  	v5 =	vmul.f32 $1.442695020e+00, v5;
	_ =	sdelay $0x1  }
0x54c: {  	(erf) = vpow2.f32 v5;
	_ =	sdelay $0x8  }
0x54d: {  	v5 =	vpop (erf)  }
0x54e: {  	v5 =	vadd.f32 $1.000000000e+00, v5;
	_ =	sdelay $0x1  }
0x54f: {  	(erf) = vrcp.f32 v5;
	_ =	sdelay $0x8  }
0x550: {  	v5 =	vpop (erf)  }
0x551: {  	[tilespmem:$0x16BC0] =	vst v5  }
0x552: {  	v5 =	vld.idx.msk [tilespmem:v8+s26+$0x0], $0xffff;
	_ =	sdelay $0x4  }
0x553: {  	v5 =	vsub.f32 $0.0e+00, v5;
	_ =	sdelay $0x1  }
0x554: {  	v5 =	vmul.f32 $1.442695020e+00, v5;
	_ =	sdelay $0x1  }
0x555: {  	(erf) = vpow2.f32 v5;
	_ =	sdelay $0x8  }
0x556: {  	v5 =	vpop (erf)  }
0x557: {  	v5 =	vadd.f32 $1.000000000e+00, v5;
	_ =	sdelay $0x1  }
0x558: {  	(erf) = vrcp.f32 v5;
	_ =	sdelay $0x8  }
0x559: {  	v5 =	vpop (erf)  }
0x55a: {  	[tilespmem:$0x16BD0] =	vst v5  }
0x55b: {  	v5 =	vld.idx.msk [tilespmem:v9+s26+$0x0], $0xffff;
	_ =	sdelay $0x4  }
0x55c: {  	v5 =	vsub.f32 $0.0e+00, v5;
	_ =	sdelay $0x1  }
0x55d: {  	v5 =	vmul.f32 $1.442695020e+00, v5;
	_ =	sdelay $0x1  }
0x55e: {  	(erf) = vpow2.f32 v5;
	_ =	sdelay $0x8  }
0x55f: {  	v5 =	vpop (erf)  }
0x560: {  	v5 =	vadd.f32 $1.000000000e+00, v5;
	_ =	sdelay $0x1  }
0x561: {  	(erf) = vrcp.f32 v5;
	_ =	sdelay $0x8  }
0x562: {  	v5 =	vpop (erf)  }
0x563: {  	[tilespmem:$0x16BE0] =	vst v5  }
0x564: {  	[hbm4b:s2+s15] =	stream.indirect.scatter [tilespmem:s29], [sflag:$0x7], $0x1, s28, s15, $0xb8;
	[tilespmem:$0x17170] =	vst v63  }
0x565: {  	_ =	swait.ge [sflag:s13], $0x50  }
0x566: {  	v5 =	vld [tilespmem:$0x1FF00];
	_ =	sdelay $0x4  }
0x567: {  	vm14 =	vnez.u8 v5;
	v5 =	vld [tilespmem:$0x1FF10];
	_ =	sdelay $0x4  }
0x568: {  	vm15 =	vnez.u8 v5;
	v5 =	vld [tilespmem:$0x1FF20];
	_ =	sdelay $0x4  }
0x569: {  	vm13 =	vnez.u8 v5;
	v5 =	vld [tilespmem:$0x1FF30];
	_ =	sdelay $0x4  }
0x56a: {  	vm9 =	vnez.u8 v5;
	v5 =	vld [tilespmem:$0x1FF40];
	_ =	sdelay $0x4  }
0x56b: {  	vm1 =	vnez.u8 v5;
	v5 =	vld [tilespmem:$0x1FF50];
	_ =	sdelay $0x4  }
0x56c: {  	vm0 =	vnez.u8 v5;
	v5 =	vld [tilespmem:$0x1FF60];
	_ =	sdelay $0x4  }
0x56d: {  	vm11 =	vnez.u8 v5;
	v5 =	vld [tilespmem:$0x1FF70];
	_ =	sdelay $0x4  }
0x56e: {  	vm12 =	vnez.u8 v5;
	v5 =	vld [tilespmem:$0x1FF80];
	_ =	sdelay $0x4  }
0x56f: {  	vm5 =	vnez.u8 v5;
	v5 =	vld [tilespmem:$0x1FF90];
	_ =	sdelay $0x4  }
0x570: {  	vm6 =	vnez.u8 v5;
	v5 =	vld [tilespmem:$0x1FFA0];
	_ =	sdelay $0x4  }
0x571: {  	vm7 =	vnez.u8 v5;
	v5 =	vld [tilespmem:$0x1FFB0];
	_ =	sdelay $0x4  }
0x572: {  	vm8 =	vnez.u8 v5;
	v5 =	vld [tilespmem:$0x1FFC0];
	_ =	sdelay $0x4  }
0x573: {  	vm2 =	vnez.u8 v5;
	v5 =	vld [tilespmem:$0x1FFD0];
	_ =	sdelay $0x4  }
0x574: {  	vm3 =	vnez.u8 v5;
	v5 =	vld [tilespmem:$0x1FFE0];
	_ =	sdelay $0x2  }
0x575: {  	s14 =	rddreg [dreg:$0x9]  }
0x576: {  	s19 =	rddreg [dreg:$0x8];
	s6 =	sadd.s32 $0x1, s14  }
0x577: {  	p0 =	sne.s32 s6, s19;
	vm10 =	vnez.u8 v5;
	v5 =	vld [tilespmem:$0x1FFF0]  }
.Ltmp5:
0x578: {  	_ = 	snop;
	(pc) =	sbr.rel @p0 .LBB2_1-.Ltmp5, $3  }
0x579: {  	_ =	sdelay $0x1  }
0x57a: {  	s11 =	simm.s32 $0x7DD0;
	[sflag:s13] =	ssyncset.done $0x0  }
0x57b: {  	[sflag:s13] =	ssyncadd.s32 $0xFFFFFFB0;
	s13 =	simm.s32 $0xA4E0;
	s14 =	simm.s32 $0xCBF0;
	vm4 =	vnez.u8 v5  }
0x57c: {  	_ =	sfence.sel $0x180000  }
0x57d: {  	[bflag:$0x0] =	sbarrier.arrive $0xFFFF  }
0x57e: {  	_ =	strace $0x9000004A  }
0x57f: {  	s0 =	stileid.u32;
	[bflag:$0x2] =	sbarrier.arrive $0xFFFF  }
0x580: {  	p0 =	sne.s32 s0, $0x0;
	s0 =	rddreg [dreg:$0x3]  }
0x581: {  	s0 =	sadd.s32 @!p0 $0x100000, s0  }
0x582: {  	[sflag:s0] =	ssyncadd.tile.s32 @!p0 $0x1;
	_ =	shalt  }
.Lfunc_end2:
_tile_overlayer_lowered:
.L_overlay_start_2:
0x583: {  	(tag) =	ssettag $0x2  }
0x584: {  	s0 =	rddreg [dreg:$0x0];
	s2 =	stileid.u32  }
0x585: {  	s1 =	rddreg [dreg:$0x1];
	p0 =	sne.s32 s2, $0x0  }
0x586: {  	s3 =	rddreg [dreg:$0x2];
	[bflag:$0x3] =	sbarrier.arrive $0xFFFF;
	s2 =	simm.s32 @!p0 $0x1C09  }
0x587: {  	[timem:s3], [sflag:s2] =	dma.local @!p0 [hbm:s0], s1  }
0x588: {  	s0 =	simm.s32 @!p0 $0x9  }
0x589: {  	_ =	swait.ge @!p0 [sflag:s0], s1  }
0x58a: {  	s1 =	ssub.s32 @!p0 $0x0, s1;
	[sflag:s0] =	ssyncset.done @!p0 $0x0  }
0x58b: {  	[sflag:s0] =	ssyncadd.s32 @!p0 s1  }
0x58c: {  	[bflag:$0x3] =	sbarrier.arrive $0xFFFF  }
0x58d: {  	_ =	shalt  }

</sc_bundles>
